<compile_context>
chip_gen: v7x
topology: tpu7x:2x2x1
jax: 0.10.2.dev20260603
libtpu: 0.0.44.dev20260713+nightly
codegen_flags: <defaults>
</compile_context>

<pallas_src>
import jax
import jax.numpy as jnp
from jax import lax
from jax.experimental import pallas as pl
from jax.experimental.pallas import tpu as pltpu
from jax.experimental.pallas import tpu_sc as plsc

EMBED = 32
BATCH = 16384

NUM_CORES = 2
NUM_SUBCORES = 16
LANES = 16
NUM_WORKERS = NUM_CORES * NUM_SUBCORES
B_PER_W = BATCH // NUM_WORKERS
CHUNK = 128
NCHUNKS = B_PER_W // CHUNK
NBUF = 2


def _mf_body(u_hbm, i_hbm, user_hbm, item_hbm, out_hbm,
             u_idx, i_idx, u_rows, i_rows, out_v, sem_u, sem_i):
    wid = lax.axis_index("s") * NUM_CORES + lax.axis_index("c")
    base = wid * B_PER_W

    pltpu.sync_copy(u_hbm.at[pl.ds(base, B_PER_W)], u_idx)
    pltpu.sync_copy(i_hbm.at[pl.ds(base, B_PER_W)], i_idx)

    def issue_chunk(c, buf):
        def issue_group(g, carry):
            uvec = u_idx[pl.ds(c * CHUNK + g * LANES, LANES)]
            ivec = i_idx[pl.ds(c * CHUNK + g * LANES, LANES)]
            for l in range(LANES):
                ru = uvec[l]
                ri = ivec[l]
                b = g * LANES + l
                pltpu.async_copy(user_hbm.at[pl.ds(ru, 1), :],
                                 u_rows.at[buf, pl.ds(b, 1), :], sem_u)
                pltpu.async_copy(item_hbm.at[pl.ds(ri, 1), :],
                                 i_rows.at[buf, pl.ds(b, 1), :], sem_i)
            return carry

        lax.fori_loop(0, CHUNK // LANES, issue_group, 0)

    def drain_chunk(buf):
        pltpu.make_async_copy(user_hbm.at[pl.ds(0, CHUNK), :],
                              u_rows.at[buf], sem_u).wait()
        pltpu.make_async_copy(item_hbm.at[pl.ds(0, CHUNK), :],
                              i_rows.at[buf], sem_i).wait()

    last_lane = lax.iota(jnp.int32, LANES) == (LANES - 1)

    def compute_chunk(c, buf):
        def dot_row(b, carry):
            u0 = u_rows[buf, b, pl.ds(0, LANES)]
            u1 = u_rows[buf, b, pl.ds(LANES, LANES)]
            v0 = i_rows[buf, b, pl.ds(0, LANES)]
            v1 = i_rows[buf, b, pl.ds(LANES, LANES)]
            p = u0 * v0 + u1 * v1
            cum = plsc.cumsum(p)
            plsc.store_compressed(out_v.at[pl.ds(c * CHUNK + b, LANES)],
                                  cum, mask=last_lane)
            return carry

        lax.fori_loop(0, CHUNK, dot_row, 0, unroll=4)

    issue_chunk(0, 0)
    for c in range(NCHUNKS):
        buf = c % NBUF
        drain_chunk(buf)
        if c + 1 < NCHUNKS:
            issue_chunk(c + 1, (c + 1) % NBUF)
        compute_chunk(c, buf)

    def sigmoid_chunk(c, carry):
        s = out_v[pl.ds(c * LANES, LANES)]
        out_v[pl.ds(c * LANES, LANES)] = 1.0 / (1.0 + jnp.exp(-s))
        return carry

    lax.fori_loop(0, B_PER_W // LANES, sigmoid_chunk, 0, unroll=4)

    pltpu.sync_copy(out_v.at[pl.ds(0, B_PER_W)],
                    out_hbm.at[pl.ds(base, B_PER_W)])


def kernel(u, i, user_table, item_table):
    u = u.astype(jnp.int32)
    i = i.astype(jnp.int32)
    mesh = plsc.VectorSubcoreMesh(core_axis_name="c", subcore_axis_name="s")
    k = pl.kernel(
        _mf_body,
        out_type=jax.ShapeDtypeStruct((BATCH,), jnp.float32),
        mesh=mesh,
        compiler_params=pltpu.CompilerParams(needs_layout_passes=False),
        scratch_types=[
            pltpu.VMEM((B_PER_W,), jnp.int32),
            pltpu.VMEM((B_PER_W,), jnp.int32),
            pltpu.VMEM((NBUF, CHUNK, EMBED), jnp.float32),
            pltpu.VMEM((NBUF, CHUNK, EMBED), jnp.float32),
            pltpu.VMEM((B_PER_W + LANES,), jnp.float32),
            pltpu.SemaphoreType.DMA,
            pltpu.SemaphoreType.DMA,
        ],
    )
    return k(u, i, user_table, item_table)

# --- scband reference (transcript-rebuilt; emitter-appended) ---
"""Pipeline reference for scband-mf-35527969473048 (READ-ONLY COPY).

The authoritative reference and input builder live on the scoring server;
editing this copy changes nothing except your own understanding.
"""

import jax, jax.numpy as jnp
import numpy as np

USER_NUM = 1000000
ITEM_NUM = 1000000
EMBED = 32
BATCH = 16384

def setup_inputs(seed: int = 0) -> dict:
    key = jax.random.key(seed)
    k1, k2, k3, k4 = jax.random.split(key, 4)
    u = jax.random.randint(k1, (BATCH,), 0, USER_NUM, dtype=jnp.int64) if jax.config.jax_enable_x64 else jax.random.randint(k1, (BATCH,), 0, USER_NUM, dtype=jnp.int32)
    i = jax.random.randint(k2, (BATCH,), 0, ITEM_NUM, dtype=jnp.int32)
    user_table = jax.random.normal(k3, (USER_NUM, EMBED), dtype=jnp.float32)
    item_table = jax.random.normal(k4, (ITEM_NUM, EMBED), dtype=jnp.float32)
    return {"u": u, "i": i, "user_table": user_table, "item_table": item_table}

def reference(u, i, user_table, item_table):
    u_embed = jnp.take(user_table, u, axis=0)
    i_embed = jnp.take(item_table, i, axis=0)
    pred = jnp.sum(u_embed * i_embed, axis=1)
    return jax.nn.sigmoid(pred)

if __name__ == "__main__":
    import jax
    _d = setup_inputs()
    print(jax.jit(kernel)(*tuple(_d.values())))

</pallas_src>

<mosaic_0001>
#map = affine_map<(d0, d1) -> (0)>
#map1 = affine_map<(d0, d1) -> (0, 0)>
module attributes {stable_mosaic.version = 14 : i64} {
  func.func @_mf_body(%arg0: i32, %arg1: i32, %arg2: memref<16384xi32, #tpu.memory_space<hbm>>, %arg3: memref<16384xi32, #tpu.memory_space<hbm>>, %arg4: memref<1000000x32xf32, #tpu.memory_space<hbm>>, %arg5: memref<1000000x32xf32, #tpu.memory_space<hbm>>, %arg6: memref<16384xf32, #tpu.memory_space<hbm>>, %arg7: memref<512xi32, #tpu.memory_space<vmem>>, %arg8: memref<512xi32, #tpu.memory_space<vmem>>, %arg9: memref<2x128x32xf32, #tpu.memory_space<vmem>>, %arg10: memref<2x128x32xf32, #tpu.memory_space<vmem>>, %arg11: memref<528xf32, #tpu.memory_space<vmem>>, %arg12: memref<!tpu.dma_semaphore, #tpu.memory_space<semaphore_mem>>, %arg13: memref<!tpu.dma_semaphore, #tpu.memory_space<semaphore_mem>>) attributes {dimension_semantics = [#tpu.dimension_semantics<core_parallel>, #tpu.dimension_semantics<subcore_parallel>], iteration_bounds = array<i64: 2, 16>, scalar_prefetch = 0 : i64, scratch_operands = 7 : i64, tpu.core_type = #tpu.core_type<sc_vector_subcore>, window_params = [{transform_indices = #map}, {transform_indices = #map}, {transform_indices = #map1}, {transform_indices = #map1}, {transform_indices = #map}]} {
    %mul3A = arith.constant 2 : i32
    %mul3A_0 = arith.muli %arg1, %mul3A : i32
    %add3A = arith.addi %mul3A_0, %arg0 : i32
    %mul3A_1 = arith.constant 512 : i32
    %mul3A_2 = arith.muli %add3A, %mul3A_1 : i32
    "tpu.region"() ({
      %run_scoped3A = tpu.sem_alloc : memref<!tpu.dma_semaphore, #tpu.memory_space<semaphore_mem>>
      %dma_start3A = tpu.memref_slice %arg2[%mul3A_2] : memref<16384xi32, #tpu.memory_space<hbm>> -> memref<512xi32, #tpu.memory_space<hbm>>
      %dma_start3A_177 = tpu.memref_slice %arg2[%mul3A_2] : memref<16384xi32, #tpu.memory_space<hbm>> -> memref<512xi32, #tpu.memory_space<hbm>>
      tpu.enqueue_dma source(%dma_start3A_177 : memref<512xi32, #tpu.memory_space<hbm>>) target(%arg7 : memref<512xi32, #tpu.memory_space<vmem>>) target_semaphore(%run_scoped3A : memref<!tpu.dma_semaphore, #tpu.memory_space<semaphore_mem>>)
      %dma_wait3A_178 = tpu.memref_slice %arg2[%mul3A_2] : memref<16384xi32, #tpu.memory_space<hbm>> -> memref<512xi32, #tpu.memory_space<hbm>>
      %dma_wait3A_179 = tpu.memref_slice %arg2[%mul3A_2] : memref<16384xi32, #tpu.memory_space<hbm>> -> memref<512xi32, #tpu.memory_space<hbm>>
      tpu.wait_dma2 semaphore(%run_scoped3A : memref<!tpu.dma_semaphore, #tpu.memory_space<semaphore_mem>>) src(%dma_wait3A_179 : memref<512xi32, #tpu.memory_space<hbm>>) dst(%arg7 : memref<512xi32, #tpu.memory_space<vmem>>)
      tpu.yield
    }) : () -> ()
    "tpu.region"() ({
      %run_scoped3A = tpu.sem_alloc : memref<!tpu.dma_semaphore, #tpu.memory_space<semaphore_mem>>
      %dma_start3A = tpu.memref_slice %arg3[%mul3A_2] : memref<16384xi32, #tpu.memory_space<hbm>> -> memref<512xi32, #tpu.memory_space<hbm>>
      %dma_start3A_177 = tpu.memref_slice %arg3[%mul3A_2] : memref<16384xi32, #tpu.memory_space<hbm>> -> memref<512xi32, #tpu.memory_space<hbm>>
      tpu.enqueue_dma source(%dma_start3A_177 : memref<512xi32, #tpu.memory_space<hbm>>) target(%arg8 : memref<512xi32, #tpu.memory_space<vmem>>) target_semaphore(%run_scoped3A : memref<!tpu.dma_semaphore, #tpu.memory_space<semaphore_mem>>)
      %dma_wait3A_178 = tpu.memref_slice %arg3[%mul3A_2] : memref<16384xi32, #tpu.memory_space<hbm>> -> memref<512xi32, #tpu.memory_space<hbm>>
      %dma_wait3A_179 = tpu.memref_slice %arg3[%mul3A_2] : memref<16384xi32, #tpu.memory_space<hbm>> -> memref<512xi32, #tpu.memory_space<hbm>>
      tpu.wait_dma2 semaphore(%run_scoped3A : memref<!tpu.dma_semaphore, #tpu.memory_space<semaphore_mem>>) src(%dma_wait3A_179 : memref<512xi32, #tpu.memory_space<hbm>>) dst(%arg8 : memref<512xi32, #tpu.memory_space<vmem>>)
      tpu.yield
    }) : () -> ()
    %iota3A = tpu.iota {dimensions = array<i32: 0>} : vector<16xi32>
    %eq3A = arith.constant 15 : i32
    %eq3A_3 = vector.broadcast %eq3A : i32 to vector<16xi32>
    %eq3A_4 = arith.cmpi eq, %iota3A, %eq3A_3 : vector<16xi32>
    %scan3A = arith.constant 0 : i32
    %scan3A_5 = arith.constant 0 : i32
    %scan3A_6 = arith.constant 8 : i32
    %scan3A_7 = arith.addi %scan3A_5, %scan3A_6 : i32
    %scan3A_8 = arith.constant 1 : i32
    scf.for %scan3A_177 = %scan3A_5 to %scan3A_7 step %scan3A_8  : i32 {
      %mul3A_178 = arith.constant 16 : i32
      %mul3A_179 = arith.muli %scan3A_177, %mul3A_178 : i32
      %add3A_180 = arith.constant 0 : i32
      %add3A_181 = arith.addi %add3A_180, %mul3A_179 : i32
      %get3A = arith.index_cast %add3A_181 : i32 to index
      %get3A_182 = tpu.vector_load %arg7[%get3A] {strides = array<i32>} : memref<512xi32, #tpu.memory_space<vmem>>, vector<16xi32>,
      %mul3A_183 = arith.constant 16 : i32
      %mul3A_184 = arith.muli %scan3A_177, %mul3A_183 : i32
      %add3A_185 = arith.constant 0 : i32
      %add3A_186 = arith.addi %add3A_185, %mul3A_184 : i32
      %get3A_187 = arith.index_cast %add3A_186 : i32 to index
      %get3A_188 = tpu.vector_load %arg8[%get3A_187] {strides = array<i32>} : memref<512xi32, #tpu.memory_space<vmem>>, vector<16xi32>,
      %slice3A = vector.extract_strided_slice %get3A_182 {offsets = [0], sizes = [1], strides = [1]} : vector<16xi32> to vector<1xi32>
      %squeeze3A = vector.extract %slice3A[0] : i32 from vector<1xi32>
      %slice3A_189 = vector.extract_strided_slice %get3A_188 {offsets = [0], sizes = [1], strides = [1]} : vector<16xi32> to vector<1xi32>
      %squeeze3A_190 = vector.extract %slice3A_189[0] : i32 from vector<1xi32>
      %mul3A_191 = arith.constant 16 : i32
      %mul3A_192 = arith.muli %scan3A_177, %mul3A_191 : i32
      %add3A_193 = arith.constant 0 : i32
      %add3A_194 = arith.addi %mul3A_192, %add3A_193 : i32
      %dma_start3A = arith.constant 0 : i32
      %dma_start3A_195 = arith.constant 0 : i32
      %dma_start3A_196 = tpu.memref_slice %arg9[%dma_start3A, %add3A_194, %dma_start3A_195] : memref<2x128x32xf32, #tpu.memory_space<vmem>> -> memref<1x1x32xf32, #tpu.memory_space<vmem>>
      %dma_start3A_197 = tpu.memref_squeeze %dma_start3A_196 : memref<1x1x32xf32, #tpu.memory_space<vmem>> -> memref<1x32xf32, #tpu.memory_space<vmem>>
      %dma_start3A_198 = arith.constant 0 : i32
      %dma_start3A_199 = tpu.memref_slice %arg4[%squeeze3A, %dma_start3A_198] : memref<1000000x32xf32, #tpu.memory_space<hbm>> -> memref<1x32xf32, #tpu.memory_space<hbm>>
      %dma_start3A_200 = arith.constant 0 : i32
      %dma_start3A_201 = tpu.memref_slice %arg9[%dma_start3A, %add3A_194, %dma_start3A_200] : memref<2x128x32xf32, #tpu.memory_space<vmem>> -> memref<1x1x32xf32, #tpu.memory_space<vmem>>
      %dma_start3A_202 = tpu.memref_squeeze %dma_start3A_201 : memref<1x1x32xf32, #tpu.memory_space<vmem>> -> memref<1x32xf32, #tpu.memory_space<vmem>>
      %dma_start3A_203 = arith.constant 0 : i32
      %dma_start3A_204 = tpu.memref_slice %arg4[%squeeze3A, %dma_start3A_203] : memref<1000000x32xf32, #tpu.memory_space<hbm>> -> memref<1x32xf32, #tpu.memory_space<hbm>>
      tpu.enqueue_dma source(%dma_start3A_204 : memref<1x32xf32, #tpu.memory_space<hbm>>) target(%dma_start3A_202 : memref<1x32xf32, #tpu.memory_space<vmem>>) target_semaphore(%arg12 : memref<!tpu.dma_semaphore, #tpu.memory_space<semaphore_mem>>)
      %dma_start3A_205 = arith.constant 0 : i32
      %dma_start3A_206 = arith.constant 0 : i32
      %dma_start3A_207 = tpu.memref_slice %arg10[%dma_start3A_205, %add3A_194, %dma_start3A_206] : memref<2x128x32xf32, #tpu.memory_space<vmem>> -> memref<1x1x32xf32, #tpu.memory_space<vmem>>
      %dma_start3A_208 = tpu.memref_squeeze %dma_start3A_207 : memref<1x1x32xf32, #tpu.memory_space<vmem>> -> memref<1x32xf32, #tpu.memory_space<vmem>>
      %dma_start3A_209 = arith.constant 0 : i32
      %dma_start3A_210 = tpu.memref_slice %arg5[%squeeze3A_190, %dma_start3A_209] : memref<1000000x32xf32, #tpu.memory_space<hbm>> -> memref<1x32xf32, #tpu.memory_space<hbm>>
      %dma_start3A_211 = arith.constant 0 : i32
      %dma_start3A_212 = tpu.memref_slice %arg10[%dma_start3A_205, %add3A_194, %dma_start3A_211] : memref<2x128x32xf32, #tpu.memory_space<vmem>> -> memref<1x1x32xf32, #tpu.memory_space<vmem>>
      %dma_start3A_213 = tpu.memref_squeeze %dma_start3A_212 : memref<1x1x32xf32, #tpu.memory_space<vmem>> -> memref<1x32xf32, #tpu.memory_space<vmem>>
      %dma_start3A_214 = arith.constant 0 : i32
      %dma_start3A_215 = tpu.memref_slice %arg5[%squeeze3A_190, %dma_start3A_214] : memref<1000000x32xf32, #tpu.memory_space<hbm>> -> memref<1x32xf32, #tpu.memory_space<hbm>>
      tpu.enqueue_dma source(%dma_start3A_215 : memref<1x32xf32, #tpu.memory_space<hbm>>) target(%dma_start3A_213 : memref<1x32xf32, #tpu.memory_space<vmem>>) target_semaphore(%arg13 : memref<!tpu.dma_semaphore, #tpu.memory_space<semaphore_mem>>)
      %slice3A_216 = vector.extract_strided_slice %get3A_182 {offsets = [1], sizes = [1], strides = [1]} : vector<16xi32> to vector<1xi32>
      %squeeze3A_217 = vector.extract %slice3A_216[0] : i32 from vector<1xi32>
      %slice3A_218 = vector.extract_strided_slice %get3A_188 {offsets = [1], sizes = [1], strides = [1]} : vector<16xi32> to vector<1xi32>
      %squeeze3A_219 = vector.extract %slice3A_218[0] : i32 from vector<1xi32>
      %mul3A_220 = arith.constant 16 : i32
      %mul3A_221 = arith.muli %scan3A_177, %mul3A_220 : i32
      %add3A_222 = arith.constant 1 : i32
      %add3A_223 = arith.addi %mul3A_221, %add3A_222 : i32
      %dma_start3A_224 = arith.constant 0 : i32
      %dma_start3A_225 = arith.constant 0 : i32
      %dma_start3A_226 = tpu.memref_slice %arg9[%dma_start3A_224, %add3A_223, %dma_start3A_225] : memref<2x128x32xf32, #tpu.memory_space<vmem>> -> memref<1x1x32xf32, #tpu.memory_space<vmem>>
      %dma_start3A_227 = tpu.memref_squeeze %dma_start3A_226 : memref<1x1x32xf32, #tpu.memory_space<vmem>> -> memref<1x32xf32, #tpu.memory_space<vmem>>
      %dma_start3A_228 = arith.constant 0 : i32
      %dma_start3A_229 = tpu.memref_slice %arg4[%squeeze3A_217, %dma_start3A_228] : memref<1000000x32xf32, #tpu.memory_space<hbm>> -> memref<1x32xf32, #tpu.memory_space<hbm>>
      %dma_start3A_230 = arith.constant 0 : i32
      %dma_start3A_231 = tpu.memref_slice %arg9[%dma_start3A_224, %add3A_223, %dma_start3A_230] : memref<2x128x32xf32, #tpu.memory_space<vmem>> -> memref<1x1x32xf32, #tpu.memory_space<vmem>>
      %dma_start3A_232 = tpu.memref_squeeze %dma_start3A_231 : memref<1x1x32xf32, #tpu.memory_space<vmem>> -> memref<1x32xf32, #tpu.memory_space<vmem>>
      %dma_start3A_233 = arith.constant 0 : i32
      %dma_start3A_234 = tpu.memref_slice %arg4[%squeeze3A_217, %dma_start3A_233] : memref<1000000x32xf32, #tpu.memory_space<hbm>> -> memref<1x32xf32, #tpu.memory_space<hbm>>
      tpu.enqueue_dma source(%dma_start3A_234 : memref<1x32xf32, #tpu.memory_space<hbm>>) target(%dma_start3A_232 : memref<1x32xf32, #tpu.memory_space<vmem>>) target_semaphore(%arg12 : memref<!tpu.dma_semaphore, #tpu.memory_space<semaphore_mem>>)
      %dma_start3A_235 = arith.constant 0 : i32
      %dma_start3A_236 = arith.constant 0 : i32
      %dma_start3A_237 = tpu.memref_slice %arg10[%dma_start3A_235, %add3A_223, %dma_start3A_236] : memref<2x128x32xf32, #tpu.memory_space<vmem>> -> memref<1x1x32xf32, #tpu.memory_space<vmem>>
      %dma_start3A_238 = tpu.memref_squeeze %dma_start3A_237 : memref<1x1x32xf32, #tpu.memory_space<vmem>> -> memref<1x32xf32, #tpu.memory_space<vmem>>
      %dma_start3A_239 = arith.constant 0 : i32
      %dma_start3A_240 = tpu.memref_slice %arg5[%squeeze3A_219, %dma_start3A_239] : memref<1000000x32xf32, #tpu.memory_space<hbm>> -> memref<1x32xf32, #tpu.memory_space<hbm>>
      %dma_start3A_241 = arith.constant 0 : i32
      %dma_start3A_242 = tpu.memref_slice %arg10[%dma_start3A_235, %add3A_223, %dma_start3A_241] : memref<2x128x32xf32, #tpu.memory_space<vmem>> -> memref<1x1x32xf32, #tpu.memory_space<vmem>>
      %dma_start3A_243 = tpu.memref_squeeze %dma_start3A_242 : memref<1x1x32xf32, #tpu.memory_space<vmem>> -> memref<1x32xf32, #tpu.memory_space<vmem>>
      %dma_start3A_244 = arith.constant 0 : i32
      %dma_start3A_245 = tpu.memref_slice %arg5[%squeeze3A_219, %dma_start3A_244] : memref<1000000x32xf32, #tpu.memory_space<hbm>> -> memref<1x32xf32, #tpu.memory_space<hbm>>
      tpu.enqueue_dma source(%dma_start3A_245 : memref<1x32xf32, #tpu.memory_space<hbm>>) target(%dma_start3A_243 : memref<1x32xf32, #tpu.memory_space<vmem>>) target_semaphore(%arg13 : memref<!tpu.dma_semaphore, #tpu.memory_space<semaphore_mem>>)
      %slice3A_246 = vector.extract_strided_slice %get3A_182 {offsets = [2], sizes = [1], strides = [1]} : vector<16xi32> to vector<1xi32>
      %squeeze3A_247 = vector.extract %slice3A_246[0] : i32 from vector<1xi32>
      %slice3A_248 = vector.extract_strided_slice %get3A_188 {offsets = [2], sizes = [1], strides = [1]} : vector<16xi32> to vector<1xi32>
      %squeeze3A_249 = vector.extract %slice3A_248[0] : i32 from vector<1xi32>
      %mul3A_250 = arith.constant 16 : i32
      %mul3A_251 = arith.muli %scan3A_177, %mul3A_250 : i32
      %add3A_252 = arith.constant 2 : i32
      %add3A_253 = arith.addi %mul3A_251, %add3A_252 : i32
      %dma_start3A_254 = arith.constant 0 : i32
      %dma_start3A_255 = arith.constant 0 : i32
      %dma_start3A_256 = tpu.memref_slice %arg9[%dma_start3A_254, %add3A_253, %dma_start3A_255] : memref<2x128x32xf32, #tpu.memory_space<vmem>> -> memref<1x1x32xf32, #tpu.memory_space<vmem>>
      %dma_start3A_257 = tpu.memref_squeeze %dma_start3A_256 : memref<1x1x32xf32, #tpu.memory_space<vmem>> -> memref<1x32xf32, #tpu.memory_space<vmem>>
      %dma_start3A_258 = arith.constant 0 : i32
      %dma_start3A_259 = tpu.memref_slice %arg4[%squeeze3A_247, %dma_start3A_258] : memref<1000000x32xf32, #tpu.memory_space<hbm>> -> memref<1x32xf32, #tpu.memory_space<hbm>>
      %dma_start3A_260 = arith.constant 0 : i32
      %dma_start3A_261 = tpu.memref_slice %arg9[%dma_start3A_254, %add3A_253, %dma_start3A_260] : memref<2x128x32xf32, #tpu.memory_space<vmem>> -> memref<1x1x32xf32, #tpu.memory_space<vmem>>
      %dma_start3A_262 = tpu.memref_squeeze %dma_start3A_261 : memref<1x1x32xf32, #tpu.memory_space<vmem>> -> memref<1x32xf32, #tpu.memory_space<vmem>>
      %dma_start3A_263 = arith.constant 0 : i32
      %dma_start3A_264 = tpu.memref_slice %arg4[%squeeze3A_247, %dma_start3A_263] : memref<1000000x32xf32, #tpu.memory_space<hbm>> -> memref<1x32xf32, #tpu.memory_space<hbm>>
      tpu.enqueue_dma source(%dma_start3A_264 : memref<1x32xf32, #tpu.memory_space<hbm>>) target(%dma_start3A_262 : memref<1x32xf32, #tpu.memory_space<vmem>>) target_semaphore(%arg12 : memref<!tpu.dma_semaphore, #tpu.memory_space<semaphore_mem>>)
      %dma_start3A_265 = arith.constant 0 : i32
      %dma_start3A_266 = arith.constant 0 : i32
      %dma_start3A_267 = tpu.memref_slice %arg10[%dma_start3A_265, %add3A_253, %dma_start3A_266] : memref<2x128x32xf32, #tpu.memory_space<vmem>> -> memref<1x1x32xf32, #tpu.memory_space<vmem>>
      %dma_start3A_268 = tpu.memref_squeeze %dma_start3A_267 : memref<1x1x32xf32, #tpu.memory_space<vmem>> -> memref<1x32xf32, #tpu.memory_space<vmem>>
      %dma_start3A_269 = arith.constant 0 : i32
      %dma_start3A_270 = tpu.memref_slice %arg5[%squeeze3A_249, %dma_start3A_269] : memref<1000000x32xf32, #tpu.memory_space<hbm>> -> memref<1x32xf32, #tpu.memory_space<hbm>>
      %dma_start3A_271 = arith.constant 0 : i32
      %dma_start3A_272 = tpu.memref_slice %arg10[%dma_start3A_265, %add3A_253, %dma_start3A_271] : memref<2x128x32xf32, #tpu.memory_space<vmem>> -> memref<1x1x32xf32, #tpu.memory_space<vmem>>
      %dma_start3A_273 = tpu.memref_squeeze %dma_start3A_272 : memref<1x1x32xf32, #tpu.memory_space<vmem>> -> memref<1x32xf32, #tpu.memory_space<vmem>>
      %dma_start3A_274 = arith.constant 0 : i32
      %dma_start3A_275 = tpu.memref_slice %arg5[%squeeze3A_249, %dma_start3A_274] : memref<1000000x32xf32, #tpu.memory_space<hbm>> -> memref<1x32xf32, #tpu.memory_space<hbm>>
      tpu.enqueue_dma source(%dma_start3A_275 : memref<1x32xf32, #tpu.memory_space<hbm>>) target(%dma_start3A_273 : memref<1x32xf32, #tpu.memory_space<vmem>>) target_semaphore(%arg13 : memref<!tpu.dma_semaphore, #tpu.memory_space<semaphore_mem>>)
      %slice3A_276 = vector.extract_strided_slice %get3A_182 {offsets = [3], sizes = [1], strides = [1]} : vector<16xi32> to vector<1xi32>
      %squeeze3A_277 = vector.extract %slice3A_276[0] : i32 from vector<1xi32>
      %slice3A_278 = vector.extract_strided_slice %get3A_188 {offsets = [3], sizes = [1], strides = [1]} : vector<16xi32> to vector<1xi32>
      %squeeze3A_279 = vector.extract %slice3A_278[0] : i32 from vector<1xi32>
      %mul3A_280 = arith.constant 16 : i32
      %mul3A_281 = arith.muli %scan3A_177, %mul3A_280 : i32
      %add3A_282 = arith.constant 3 : i32
      %add3A_283 = arith.addi %mul3A_281, %add3A_282 : i32
      %dma_start3A_284 = arith.constant 0 : i32
      %dma_start3A_285 = arith.constant 0 : i32
      %dma_start3A_286 = tpu.memref_slice %arg9[%dma_start3A_284, %add3A_283, %dma_start3A_285] : memref<2x128x32xf32, #tpu.memory_space<vmem>> -> memref<1x1x32xf32, #tpu.memory_space<vmem>>
      %dma_start3A_287 = tpu.memref_squeeze %dma_start3A_286 : memref<1x1x32xf32, #tpu.memory_space<vmem>> -> memref<1x32xf32, #tpu.memory_space<vmem>>
      %dma_start3A_288 = arith.constant 0 : i32
      %dma_start3A_289 = tpu.memref_slice %arg4[%squeeze3A_277, %dma_start3A_288] : memref<1000000x32xf32, #tpu.memory_space<hbm>> -> memref<1x32xf32, #tpu.memory_space<hbm>>
      %dma_start3A_290 = arith.constant 0 : i32
      %dma_start3A_291 = tpu.memref_slice %arg9[%dma_start3A_284, %add3A_283, %dma_start3A_290] : memref<2x128x32xf32, #tpu.memory_space<vmem>> -> memref<1x1x32xf32, #tpu.memory_space<vmem>>
      %dma_start3A_292 = tpu.memref_squeeze %dma_start3A_291 : memref<1x1x32xf32, #tpu.memory_space<vmem>> -> memref<1x32xf32, #tpu.memory_space<vmem>>
      %dma_start3A_293 = arith.constant 0 : i32
      %dma_start3A_294 = tpu.memref_slice %arg4[%squeeze3A_277, %dma_start3A_293] : memref<1000000x32xf32, #tpu.memory_space<hbm>> -> memref<1x32xf32, #tpu.memory_space<hbm>>
      tpu.enqueue_dma source(%dma_start3A_294 : memref<1x32xf32, #tpu.memory_space<hbm>>) target(%dma_start3A_292 : memref<1x32xf32, #tpu.memory_space<vmem>>) target_semaphore(%arg12 : memref<!tpu.dma_semaphore, #tpu.memory_space<semaphore_mem>>)
      %dma_start3A_295 = arith.constant 0 : i32
      %dma_start3A_296 = arith.constant 0 : i32
      %dma_start3A_297 = tpu.memref_slice %arg10[%dma_start3A_295, %add3A_283, %dma_start3A_296] : memref<2x128x32xf32, #tpu.memory_space<vmem>> -> memref<1x1x32xf32, #tpu.memory_space<vmem>>
      %dma_start3A_298 = tpu.memref_squeeze %dma_start3A_297 : memref<1x1x32xf32, #tpu.memory_space<vmem>> -> memref<1x32xf32, #tpu.memory_space<vmem>>
      %dma_start3A_299 = arith.constant 0 : i32
      %dma_start3A_300 = tpu.memref_slice %arg5[%squeeze3A_279, %dma_start3A_299] : memref<1000000x32xf32, #tpu.memory_space<hbm>> -> memref<1x32xf32, #tpu.memory_space<hbm>>
      %dma_start3A_301 = arith.constant 0 : i32
      %dma_start3A_302 = tpu.memref_slice %arg10[%dma_start3A_295, %add3A_283, %dma_start3A_301] : memref<2x128x32xf32, #tpu.memory_space<vmem>> -> memref<1x1x32xf32, #tpu.memory_space<vmem>>
      %dma_start3A_303 = tpu.memref_squeeze %dma_start3A_302 : memref<1x1x32xf32, #tpu.memory_space<vmem>> -> memref<1x32xf32, #tpu.memory_space<vmem>>
      %dma_start3A_304 = arith.constant 0 : i32
      %dma_start3A_305 = tpu.memref_slice %arg5[%squeeze3A_279, %dma_start3A_304] : memref<1000000x32xf32, #tpu.memory_space<hbm>> -> memref<1x32xf32, #tpu.memory_space<hbm>>
      tpu.enqueue_dma source(%dma_start3A_305 : memref<1x32xf32, #tpu.memory_space<hbm>>) target(%dma_start3A_303 : memref<1x32xf32, #tpu.memory_space<vmem>>) target_semaphore(%arg13 : memref<!tpu.dma_semaphore, #tpu.memory_space<semaphore_mem>>)
      %slice3A_306 = vector.extract_strided_slice %get3A_182 {offsets = [4], sizes = [1], strides = [1]} : vector<16xi32> to vector<1xi32>
      %squeeze3A_307 = vector.extract %slice3A_306[0] : i32 from vector<1xi32>
      %slice3A_308 = vector.extract_strided_slice %get3A_188 {offsets = [4], sizes = [1], strides = [1]} : vector<16xi32> to vector<1xi32>
      %squeeze3A_309 = vector.extract %slice3A_308[0] : i32 from vector<1xi32>
      %mul3A_310 = arith.constant 16 : i32
      %mul3A_311 = arith.muli %scan3A_177, %mul3A_310 : i32
      %add3A_312 = arith.constant 4 : i32
      %add3A_313 = arith.addi %mul3A_311, %add3A_312 : i32
      %dma_start3A_314 = arith.constant 0 : i32
      %dma_start3A_315 = arith.constant 0 : i32
      %dma_start3A_316 = tpu.memref_slice %arg9[%dma_start3A_314, %add3A_313, %dma_start3A_315] : memref<2x128x32xf32, #tpu.memory_space<vmem>> -> memref<1x1x32xf32, #tpu.memory_space<vmem>>
      %dma_start3A_317 = tpu.memref_squeeze %dma_start3A_316 : memref<1x1x32xf32, #tpu.memory_space<vmem>> -> memref<1x32xf32, #tpu.memory_space<vmem>>
      %dma_start3A_318 = arith.constant 0 : i32
      %dma_start3A_319 = tpu.memref_slice %arg4[%squeeze3A_307, %dma_start3A_318] : memref<1000000x32xf32, #tpu.memory_space<hbm>> -> memref<1x32xf32, #tpu.memory_space<hbm>>
      %dma_start3A_320 = arith.constant 0 : i32
      %dma_start3A_321 = tpu.memref_slice %arg9[%dma_start3A_314, %add3A_313, %dma_start3A_320] : memref<2x128x32xf32, #tpu.memory_space<vmem>> -> memref<1x1x32xf32, #tpu.memory_space<vmem>>
      %dma_start3A_322 = tpu.memref_squeeze %dma_start3A_321 : memref<1x1x32xf32, #tpu.memory_space<vmem>> -> memref<1x32xf32, #tpu.memory_space<vmem>>
      %dma_start3A_323 = arith.constant 0 : i32
      %dma_start3A_324 = tpu.memref_slice %arg4[%squeeze3A_307, %dma_start3A_323] : memref<1000000x32xf32, #tpu.memory_space<hbm>> -> memref<1x32xf32, #tpu.memory_space<hbm>>
      tpu.enqueue_dma source(%dma_start3A_324 : memref<1x32xf32, #tpu.memory_space<hbm>>) target(%dma_start3A_322 : memref<1x32xf32, #tpu.memory_space<vmem>>) target_semaphore(%arg12 : memref<!tpu.dma_semaphore, #tpu.memory_space<semaphore_mem>>)
      %dma_start3A_325 = arith.constant 0 : i32
      %dma_start3A_326 = arith.constant 0 : i32
      %dma_start3A_327 = tpu.memref_slice %arg10[%dma_start3A_325, %add3A_313, %dma_start3A_326] : memref<2x128x32xf32, #tpu.memory_space<vmem>> -> memref<1x1x32xf32, #tpu.memory_space<vmem>>
      %dma_start3A_328 = tpu.memref_squeeze %dma_start3A_327 : memref<1x1x32xf32, #tpu.memory_space<vmem>> -> memref<1x32xf32, #tpu.memory_space<vmem>>
      %dma_start3A_329 = arith.constant 0 : i32
      %dma_start3A_330 = tpu.memref_slice %arg5[%squeeze3A_309, %dma_start3A_329] : memref<1000000x32xf32, #tpu.memory_space<hbm>> -> memref<1x32xf32, #tpu.memory_space<hbm>>
      %dma_start3A_331 = arith.constant 0 : i32
      %dma_start3A_332 = tpu.memref_slice %arg10[%dma_start3A_325, %add3A_313, %dma_start3A_331] : memref<2x128x32xf32, #tpu.memory_space<vmem>> -> memref<1x1x32xf32, #tpu.memory_space<vmem>>
      %dma_start3A_333 = tpu.memref_squeeze %dma_start3A_332 : memref<1x1x32xf32, #tpu.memory_space<vmem>> -> memref<1x32xf32, #tpu.memory_space<vmem>>
      %dma_start3A_334 = arith.constant 0 : i32
      %dma_start3A_335 = tpu.memref_slice %arg5[%squeeze3A_309, %dma_start3A_334] : memref<1000000x32xf32, #tpu.memory_space<hbm>> -> memref<1x32xf32, #tpu.memory_space<hbm>>
      tpu.enqueue_dma source(%dma_start3A_335 : memref<1x32xf32, #tpu.memory_space<hbm>>) target(%dma_start3A_333 : memref<1x32xf32, #tpu.memory_space<vmem>>) target_semaphore(%arg13 : memref<!tpu.dma_semaphore, #tpu.memory_space<semaphore_mem>>)
      %slice3A_336 = vector.extract_strided_slice %get3A_182 {offsets = [5], sizes = [1], strides = [1]} : vector<16xi32> to vector<1xi32>
      %squeeze3A_337 = vector.extract %slice3A_336[0] : i32 from vector<1xi32>
      %slice3A_338 = vector.extract_strided_slice %get3A_188 {offsets = [5], sizes = [1], strides = [1]} : vector<16xi32> to vector<1xi32>
      %squeeze3A_339 = vector.extract %slice3A_338[0] : i32 from vector<1xi32>
      %mul3A_340 = arith.constant 16 : i32
      %mul3A_341 = arith.muli %scan3A_177, %mul3A_340 : i32
      %add3A_342 = arith.constant 5 : i32
      %add3A_343 = arith.addi %mul3A_341, %add3A_342 : i32
      %dma_start3A_344 = arith.constant 0 : i32
      %dma_start3A_345 = arith.constant 0 : i32
      %dma_start3A_346 = tpu.memref_slice %arg9[%dma_start3A_344, %add3A_343, %dma_start3A_345] : memref<2x128x32xf32, #tpu.memory_space<vmem>> -> memref<1x1x32xf32, #tpu.memory_space<vmem>>
      %dma_start3A_347 = tpu.memref_squeeze %dma_start3A_346 : memref<1x1x32xf32, #tpu.memory_space<vmem>> -> memref<1x32xf32, #tpu.memory_space<vmem>>
      %dma_start3A_348 = arith.constant 0 : i32
      %dma_start3A_349 = tpu.memref_slice %arg4[%squeeze3A_337, %dma_start3A_348] : memref<1000000x32xf32, #tpu.memory_space<hbm>> -> memref<1x32xf32, #tpu.memory_space<hbm>>
      %dma_start3A_350 = arith.constant 0 : i32
      %dma_start3A_351 = tpu.memref_slice %arg9[%dma_start3A_344, %add3A_343, %dma_start3A_350] : memref<2x128x32xf32, #tpu.memory_space<vmem>> -> memref<1x1x32xf32, #tpu.memory_space<vmem>>
      %dma_start3A_352 = tpu.memref_squeeze %dma_start3A_351 : memref<1x1x32xf32, #tpu.memory_space<vmem>> -> memref<1x32xf32, #tpu.memory_space<vmem>>
      %dma_start3A_353 = arith.constant 0 : i32
      %dma_start3A_354 = tpu.memref_slice %arg4[%squeeze3A_337, %dma_start3A_353] : memref<1000000x32xf32, #tpu.memory_space<hbm>> -> memref<1x32xf32, #tpu.memory_space<hbm>>
      tpu.enqueue_dma source(%dma_start3A_354 : memref<1x32xf32, #tpu.memory_space<hbm>>) target(%dma_start3A_352 : memref<1x32xf32, #tpu.memory_space<vmem>>) target_semaphore(%arg12 : memref<!tpu.dma_semaphore, #tpu.memory_space<semaphore_mem>>)
      %dma_start3A_355 = arith.constant 0 : i32
      %dma_start3A_356 = arith.constant 0 : i32
      %dma_start3A_357 = tpu.memref_slice %arg10[%dma_start3A_355, %add3A_343, %dma_start3A_356] : memref<2x128x32xf32, #tpu.memory_space<vmem>> -> memref<1x1x32xf32, #tpu.memory_space<vmem>>
      %dma_start3A_358 = tpu.memref_squeeze %dma_start3A_357 : memref<1x1x32xf32, #tpu.memory_space<vmem>> -> memref<1x32xf32, #tpu.memory_space<vmem>>
      %dma_start3A_359 = arith.constant 0 : i32
      %dma_start3A_360 = tpu.memref_slice %arg5[%squeeze3A_339, %dma_start3A_359] : memref<1000000x32xf32, #tpu.memory_space<hbm>> -> memref<1x32xf32, #tpu.memory_space<hbm>>
      %dma_start3A_361 = arith.constant 0 : i32
      %dma_start3A_362 = tpu.memref_slice %arg10[%dma_start3A_355, %add3A_343, %dma_start3A_361] : memref<2x128x32xf32, #tpu.memory_space<vmem>> -> memref<1x1x32xf32, #tpu.memory_space<vmem>>
      %dma_start3A_363 = tpu.memref_squeeze %dma_start3A_362 : memref<1x1x32xf32, #tpu.memory_space<vmem>> -> memref<1x32xf32, #tpu.memory_space<vmem>>
      %dma_start3A_364 = arith.constant 0 : i32
      %dma_start3A_365 = tpu.memref_slice %arg5[%squeeze3A_339, %dma_start3A_364] : memref<1000000x32xf32, #tpu.memory_space<hbm>> -> memref<1x32xf32, #tpu.memory_space<hbm>>
      tpu.enqueue_dma source(%dma_start3A_365 : memref<1x32xf32, #tpu.memory_space<hbm>>) target(%dma_start3A_363 : memref<1x32xf32, #tpu.memory_space<vmem>>) target_semaphore(%arg13 : memref<!tpu.dma_semaphore, #tpu.memory_space<semaphore_mem>>)
      %slice3A_366 = vector.extract_strided_slice %get3A_182 {offsets = [6], sizes = [1], strides = [1]} : vector<16xi32> to vector<1xi32>
      %squeeze3A_367 = vector.extract %slice3A_366[0] : i32 from vector<1xi32>
      %slice3A_368 = vector.extract_strided_slice %get3A_188 {offsets = [6], sizes = [1], strides = [1]} : vector<16xi32> to vector<1xi32>
      %squeeze3A_369 = vector.extract %slice3A_368[0] : i32 from vector<1xi32>
      %mul3A_370 = arith.constant 16 : i32
      %mul3A_371 = arith.muli %scan3A_177, %mul3A_370 : i32
      %add3A_372 = arith.constant 6 : i32
      %add3A_373 = arith.addi %mul3A_371, %add3A_372 : i32
      %dma_start3A_374 = arith.constant 0 : i32
      %dma_start3A_375 = arith.constant 0 : i32
      %dma_start3A_376 = tpu.memref_slice %arg9[%dma_start3A_374, %add3A_373, %dma_start3A_375] : memref<2x128x32xf32, #tpu.memory_space<vmem>> -> memref<1x1x32xf32, #tpu.memory_space<vmem>>
      %dma_start3A_377 = tpu.memref_squeeze %dma_start3A_376 : memref<1x1x32xf32, #tpu.memory_space<vmem>> -> memref<1x32xf32, #tpu.memory_space<vmem>>
      %dma_start3A_378 = arith.constant 0 : i32
      %dma_start3A_379 = tpu.memref_slice %arg4[%squeeze3A_367, %dma_start3A_378] : memref<1000000x32xf32, #tpu.memory_space<hbm>> -> memref<1x32xf32, #tpu.memory_space<hbm>>
      %dma_start3A_380 = arith.constant 0 : i32
      %dma_start3A_381 = tpu.memref_slice %arg9[%dma_start3A_374, %add3A_373, %dma_start3A_380] : memref<2x128x32xf32, #tpu.memory_space<vmem>> -> memref<1x1x32xf32, #tpu.memory_space<vmem>>
      %dma_start3A_382 = tpu.memref_squeeze %dma_start3A_381 : memref<1x1x32xf32, #tpu.memory_space<vmem>> -> memref<1x32xf32, #tpu.memory_space<vmem>>
      %dma_start3A_383 = arith.constant 0 : i32
      %dma_start3A_384 = tpu.memref_slice %arg4[%squeeze3A_367, %dma_start3A_383] : memref<1000000x32xf32, #tpu.memory_space<hbm>> -> memref<1x32xf32, #tpu.memory_space<hbm>>
      tpu.enqueue_dma source(%dma_start3A_384 : memref<1x32xf32, #tpu.memory_space<hbm>>) target(%dma_start3A_382 : memref<1x32xf32, #tpu.memory_space<vmem>>) target_semaphore(%arg12 : memref<!tpu.dma_semaphore, #tpu.memory_space<semaphore_mem>>)
      %dma_start3A_385 = arith.constant 0 : i32
      %dma_start3A_386 = arith.constant 0 : i32
      %dma_start3A_387 = tpu.memref_slice %arg10[%dma_start3A_385, %add3A_373, %dma_start3A_386] : memref<2x128x32xf32, #tpu.memory_space<vmem>> -> memref<1x1x32xf32, #tpu.memory_space<vmem>>
      %dma_start3A_388 = tpu.memref_squeeze %dma_start3A_387 : memref<1x1x32xf32, #tpu.memory_space<vmem>> -> memref<1x32xf32, #tpu.memory_space<vmem>>
      %dma_start3A_389 = arith.constant 0 : i32
      %dma_start3A_390 = tpu.memref_slice %arg5[%squeeze3A_369, %dma_start3A_389] : memref<1000000x32xf32, #tpu.memory_space<hbm>> -> memref<1x32xf32, #tpu.memory_space<hbm>>
      %dma_start3A_391 = arith.constant 0 : i32
      %dma_start3A_392 = tpu.memref_slice %arg10[%dma_start3A_385, %add3A_373, %dma_start3A_391] : memref<2x128x32xf32, #tpu.memory_space<vmem>> -> memref<1x1x32xf32, #tpu.memory_space<vmem>>
      %dma_start3A_393 = tpu.memref_squeeze %dma_start3A_392 : memref<1x1x32xf32, #tpu.memory_space<vmem>> -> memref<1x32xf32, #tpu.memory_space<vmem>>
      %dma_start3A_394 = arith.constant 0 : i32
      %dma_start3A_395 = tpu.memref_slice %arg5[%squeeze3A_369, %dma_start3A_394] : memref<1000000x32xf32, #tpu.memory_space<hbm>> -> memref<1x32xf32, #tpu.memory_space<hbm>>
      tpu.enqueue_dma source(%dma_start3A_395 : memref<1x32xf32, #tpu.memory_space<hbm>>) target(%dma_start3A_393 : memref<1x32xf32, #tpu.memory_space<vmem>>) target_semaphore(%arg13 : memref<!tpu.dma_semaphore, #tpu.memory_space<semaphore_mem>>)
      %slice3A_396 = vector.extract_strided_slice %get3A_182 {offsets = [7], sizes = [1], strides = [1]} : vector<16xi32> to vector<1xi32>
      %squeeze3A_397 = vector.extract %slice3A_396[0] : i32 from vector<1xi32>
      %slice3A_398 = vector.extract_strided_slice %get3A_188 {offsets = [7], sizes = [1], strides = [1]} : vector<16xi32> to vector<1xi32>
      %squeeze3A_399 = vector.extract %slice3A_398[0] : i32 from vector<1xi32>
      %mul3A_400 = arith.constant 16 : i32
      %mul3A_401 = arith.muli %scan3A_177, %mul3A_400 : i32
      %add3A_402 = arith.constant 7 : i32
      %add3A_403 = arith.addi %mul3A_401, %add3A_402 : i32
      %dma_start3A_404 = arith.constant 0 : i32
      %dma_start3A_405 = arith.constant 0 : i32
      %dma_start3A_406 = tpu.memref_slice %arg9[%dma_start3A_404, %add3A_403, %dma_start3A_405] : memref<2x128x32xf32, #tpu.memory_space<vmem>> -> memref<1x1x32xf32, #tpu.memory_space<vmem>>
      %dma_start3A_407 = tpu.memref_squeeze %dma_start3A_406 : memref<1x1x32xf32, #tpu.memory_space<vmem>> -> memref<1x32xf32, #tpu.memory_space<vmem>>
      %dma_start3A_408 = arith.constant 0 : i32
      %dma_start3A_409 = tpu.memref_slice %arg4[%squeeze3A_397, %dma_start3A_408] : memref<1000000x32xf32, #tpu.memory_space<hbm>> -> memref<1x32xf32, #tpu.memory_space<hbm>>
      %dma_start3A_410 = arith.constant 0 : i32
      %dma_start3A_411 = tpu.memref_slice %arg9[%dma_start3A_404, %add3A_403, %dma_start3A_410] : memref<2x128x32xf32, #tpu.memory_space<vmem>> -> memref<1x1x32xf32, #tpu.memory_space<vmem>>
      %dma_start3A_412 = tpu.memref_squeeze %dma_start3A_411 : memref<1x1x32xf32, #tpu.memory_space<vmem>> -> memref<1x32xf32, #tpu.memory_space<vmem>>
      %dma_start3A_413 = arith.constant 0 : i32
      %dma_start3A_414 = tpu.memref_slice %arg4[%squeeze3A_397, %dma_start3A_413] : memref<1000000x32xf32, #tpu.memory_space<hbm>> -> memref<1x32xf32, #tpu.memory_space<hbm>>
      tpu.enqueue_dma source(%dma_start3A_414 : memref<1x32xf32, #tpu.memory_space<hbm>>) target(%dma_start3A_412 : memref<1x32xf32, #tpu.memory_space<vmem>>) target_semaphore(%arg12 : memref<!tpu.dma_semaphore, #tpu.memory_space<semaphore_mem>>)
      %dma_start3A_415 = arith.constant 0 : i32
      %dma_start3A_416 = arith.constant 0 : i32
      %dma_start3A_417 = tpu.memref_slice %arg10[%dma_start3A_415, %add3A_403, %dma_start3A_416] : memref<2x128x32xf32, #tpu.memory_space<vmem>> -> memref<1x1x32xf32, #tpu.memory_space<vmem>>
      %dma_start3A_418 = tpu.memref_squeeze %dma_start3A_417 : memref<1x1x32xf32, #tpu.memory_space<vmem>> -> memref<1x32xf32, #tpu.memory_space<vmem>>
      %dma_start3A_419 = arith.constant 0 : i32
      %dma_start3A_420 = tpu.memref_slice %arg5[%squeeze3A_399, %dma_start3A_419] : memref<1000000x32xf32, #tpu.memory_space<hbm>> -> memref<1x32xf32, #tpu.memory_space<hbm>>
      %dma_start3A_421 = arith.constant 0 : i32
      %dma_start3A_422 = tpu.memref_slice %arg10[%dma_start3A_415, %add3A_403, %dma_start3A_421] : memref<2x128x32xf32, #tpu.memory_space<vmem>> -> memref<1x1x32xf32, #tpu.memory_space<vmem>>
      %dma_start3A_423 = tpu.memref_squeeze %dma_start3A_422 : memref<1x1x32xf32, #tpu.memory_space<vmem>> -> memref<1x32xf32, #tpu.memory_space<vmem>>
      %dma_start3A_424 = arith.constant 0 : i32
      %dma_start3A_425 = tpu.memref_slice %arg5[%squeeze3A_399, %dma_start3A_424] : memref<1000000x32xf32, #tpu.memory_space<hbm>> -> memref<1x32xf32, #tpu.memory_space<hbm>>
      tpu.enqueue_dma source(%dma_start3A_425 : memref<1x32xf32, #tpu.memory_space<hbm>>) target(%dma_start3A_423 : memref<1x32xf32, #tpu.memory_space<vmem>>) target_semaphore(%arg13 : memref<!tpu.dma_semaphore, #tpu.memory_space<semaphore_mem>>)
      %slice3A_426 = vector.extract_strided_slice %get3A_182 {offsets = [8], sizes = [1], strides = [1]} : vector<16xi32> to vector<1xi32>
      %squeeze3A_427 = vector.extract %slice3A_426[0] : i32 from vector<1xi32>
      %slice3A_428 = vector.extract_strided_slice %get3A_188 {offsets = [8], sizes = [1], strides = [1]} : vector<16xi32> to vector<1xi32>
      %squeeze3A_429 = vector.extract %slice3A_428[0] : i32 from vector<1xi32>
      %mul3A_430 = arith.constant 16 : i32
      %mul3A_431 = arith.muli %scan3A_177, %mul3A_430 : i32
      %add3A_432 = arith.constant 8 : i32
      %add3A_433 = arith.addi %mul3A_431, %add3A_432 : i32
      %dma_start3A_434 = arith.constant 0 : i32
      %dma_start3A_435 = arith.constant 0 : i32
      %dma_start3A_436 = tpu.memref_slice %arg9[%dma_start3A_434, %add3A_433, %dma_start3A_435] : memref<2x128x32xf32, #tpu.memory_space<vmem>> -> memref<1x1x32xf32, #tpu.memory_space<vmem>>
      %dma_start3A_437 = tpu.memref_squeeze %dma_start3A_436 : memref<1x1x32xf32, #tpu.memory_space<vmem>> -> memref<1x32xf32, #tpu.memory_space<vmem>>
      %dma_start3A_438 = arith.constant 0 : i32
      %dma_start3A_439 = tpu.memref_slice %arg4[%squeeze3A_427, %dma_start3A_438] : memref<1000000x32xf32, #tpu.memory_space<hbm>> -> memref<1x32xf32, #tpu.memory_space<hbm>>
      %dma_start3A_440 = arith.constant 0 : i32
      %dma_start3A_441 = tpu.memref_slice %arg9[%dma_start3A_434, %add3A_433, %dma_start3A_440] : memref<2x128x32xf32, #tpu.memory_space<vmem>> -> memref<1x1x32xf32, #tpu.memory_space<vmem>>
      %dma_start3A_442 = tpu.memref_squeeze %dma_start3A_441 : memref<1x1x32xf32, #tpu.memory_space<vmem>> -> memref<1x32xf32, #tpu.memory_space<vmem>>
      %dma_start3A_443 = arith.constant 0 : i32
      %dma_start3A_444 = tpu.memref_slice %arg4[%squeeze3A_427, %dma_start3A_443] : memref<1000000x32xf32, #tpu.memory_space<hbm>> -> memref<1x32xf32, #tpu.memory_space<hbm>>
      tpu.enqueue_dma source(%dma_start3A_444 : memref<1x32xf32, #tpu.memory_space<hbm>>) target(%dma_start3A_442 : memref<1x32xf32, #tpu.memory_space<vmem>>) target_semaphore(%arg12 : memref<!tpu.dma_semaphore, #tpu.memory_space<semaphore_mem>>)
      %dma_start3A_445 = arith.constant 0 : i32
      %dma_start3A_446 = arith.constant 0 : i32
      %dma_start3A_447 = tpu.memref_slice %arg10[%dma_start3A_445, %add3A_433, %dma_start3A_446] : memref<2x128x32xf32, #tpu.memory_space<vmem>> -> memref<1x1x32xf32, #tpu.memory_space<vmem>>
      %dma_start3A_448 = tpu.memref_squeeze %dma_start3A_447 : memref<1x1x32xf32, #tpu.memory_space<vmem>> -> memref<1x32xf32, #tpu.memory_space<vmem>>
      %dma_start3A_449 = arith.constant 0 : i32
      %dma_start3A_450 = tpu.memref_slice %arg5[%squeeze3A_429, %dma_start3A_449] : memref<1000000x32xf32, #tpu.memory_space<hbm>> -> memref<1x32xf32, #tpu.memory_space<hbm>>
      %dma_start3A_451 = arith.constant 0 : i32
      %dma_start3A_452 = tpu.memref_slice %arg10[%dma_start3A_445, %add3A_433, %dma_start3A_451] : memref<2x128x32xf32, #tpu.memory_space<vmem>> -> memref<1x1x32xf32, #tpu.memory_space<vmem>>
      %dma_start3A_453 = tpu.memref_squeeze %dma_start3A_452 : memref<1x1x32xf32, #tpu.memory_space<vmem>> -> memref<1x32xf32, #tpu.memory_space<vmem>>
      %dma_start3A_454 = arith.constant 0 : i32
      %dma_start3A_455 = tpu.memref_slice %arg5[%squeeze3A_429, %dma_start3A_454] : memref<1000000x32xf32, #tpu.memory_space<hbm>> -> memref<1x32xf32, #tpu.memory_space<hbm>>
      tpu.enqueue_dma source(%dma_start3A_455 : memref<1x32xf32, #tpu.memory_space<hbm>>) target(%dma_start3A_453 : memref<1x32xf32, #tpu.memory_space<vmem>>) target_semaphore(%arg13 : memref<!tpu.dma_semaphore, #tpu.memory_space<semaphore_mem>>)
      %slice3A_456 = vector.extract_strided_slice %get3A_182 {offsets = [9], sizes = [1], strides = [1]} : vector<16xi32> to vector<1xi32>
      %squeeze3A_457 = vector.extract %slice3A_456[0] : i32 from vector<1xi32>
      %slice3A_458 = vector.extract_strided_slice %get3A_188 {offsets = [9], sizes = [1], strides = [1]} : vector<16xi32> to vector<1xi32>
      %squeeze3A_459 = vector.extract %slice3A_458[0] : i32 from vector<1xi32>
      %mul3A_460 = arith.constant 16 : i32
      %mul3A_461 = arith.muli %scan3A_177, %mul3A_460 : i32
      %add3A_462 = arith.constant 9 : i32
      %add3A_463 = arith.addi %mul3A_461, %add3A_462 : i32
      %dma_start3A_464 = arith.constant 0 : i32
      %dma_start3A_465 = arith.constant 0 : i32
      %dma_start3A_466 = tpu.memref_slice %arg9[%dma_start3A_464, %add3A_463, %dma_start3A_465] : memref<2x128x32xf32, #tpu.memory_space<vmem>> -> memref<1x1x32xf32, #tpu.memory_space<vmem>>
      %dma_start3A_467 = tpu.memref_squeeze %dma_start3A_466 : memref<1x1x32xf32, #tpu.memory_space<vmem>> -> memref<1x32xf32, #tpu.memory_space<vmem>>
      %dma_start3A_468 = arith.constant 0 : i32
      %dma_start3A_469 = tpu.memref_slice %arg4[%squeeze3A_457, %dma_start3A_468] : memref<1000000x32xf32, #tpu.memory_space<hbm>> -> memref<1x32xf32, #tpu.memory_space<hbm>>
      %dma_start3A_470 = arith.constant 0 : i32
      %dma_start3A_471 = tpu.memref_slice %arg9[%dma_start3A_464, %add3A_463, %dma_start3A_470] : memref<2x128x32xf32, #tpu.memory_space<vmem>> -> memref<1x1x32xf32, #tpu.memory_space<vmem>>
      %dma_start3A_472 = tpu.memref_squeeze %dma_start3A_471 : memref<1x1x32xf32, #tpu.memory_space<vmem>> -> memref<1x32xf32, #tpu.memory_space<vmem>>
      %dma_start3A_473 = arith.constant 0 : i32
      %dma_start3A_474 = tpu.memref_slice %arg4[%squeeze3A_457, %dma_start3A_473] : memref<1000000x32xf32, #tpu.memory_space<hbm>> -> memref<1x32xf32, #tpu.memory_space<hbm>>
      tpu.enqueue_dma source(%dma_start3A_474 : memref<1x32xf32, #tpu.memory_space<hbm>>) target(%dma_start3A_472 : memref<1x32xf32, #tpu.memory_space<vmem>>) target_semaphore(%arg12 : memref<!tpu.dma_semaphore, #tpu.memory_space<semaphore_mem>>)
      %dma_start3A_475 = arith.constant 0 : i32
      %dma_start3A_476 = arith.constant 0 : i32
      %dma_start3A_477 = tpu.memref_slice %arg10[%dma_start3A_475, %add3A_463, %dma_start3A_476] : memref<2x128x32xf32, #tpu.memory_space<vmem>> -> memref<1x1x32xf32, #tpu.memory_space<vmem>>
      %dma_start3A_478 = tpu.memref_squeeze %dma_start3A_477 : memref<1x1x32xf32, #tpu.memory_space<vmem>> -> memref<1x32xf32, #tpu.memory_space<vmem>>
      %dma_start3A_479 = arith.constant 0 : i32
      %dma_start3A_480 = tpu.memref_slice %arg5[%squeeze3A_459, %dma_start3A_479] : memref<1000000x32xf32, #tpu.memory_space<hbm>> -> memref<1x32xf32, #tpu.memory_space<hbm>>
      %dma_start3A_481 = arith.constant 0 : i32
      %dma_start3A_482 = tpu.memref_slice %arg10[%dma_start3A_475, %add3A_463, %dma_start3A_481] : memref<2x128x32xf32, #tpu.memory_space<vmem>> -> memref<1x1x32xf32, #tpu.memory_space<vmem>>
      %dma_start3A_483 = tpu.memref_squeeze %dma_start3A_482 : memref<1x1x32xf32, #tpu.memory_space<vmem>> -> memref<1x32xf32, #tpu.memory_space<vmem>>
      %dma_start3A_484 = arith.constant 0 : i32
      %dma_start3A_485 = tpu.memref_slice %arg5[%squeeze3A_459, %dma_start3A_484] : memref<1000000x32xf32, #tpu.memory_space<hbm>> -> memref<1x32xf32, #tpu.memory_space<hbm>>
      tpu.enqueue_dma source(%dma_start3A_485 : memref<1x32xf32, #tpu.memory_space<hbm>>) target(%dma_start3A_483 : memref<1x32xf32, #tpu.memory_space<vmem>>) target_semaphore(%arg13 : memref<!tpu.dma_semaphore, #tpu.memory_space<semaphore_mem>>)
      %slice3A_486 = vector.extract_strided_slice %get3A_182 {offsets = [10], sizes = [1], strides = [1]} : vector<16xi32> to vector<1xi32>
      %squeeze3A_487 = vector.extract %slice3A_486[0] : i32 from vector<1xi32>
      %slice3A_488 = vector.extract_strided_slice %get3A_188 {offsets = [10], sizes = [1], strides = [1]} : vector<16xi32> to vector<1xi32>
      %squeeze3A_489 = vector.extract %slice3A_488[0] : i32 from vector<1xi32>
      %mul3A_490 = arith.constant 16 : i32
      %mul3A_491 = arith.muli %scan3A_177, %mul3A_490 : i32
      %add3A_492 = arith.constant 10 : i32
      %add3A_493 = arith.addi %mul3A_491, %add3A_492 : i32
      %dma_start3A_494 = arith.constant 0 : i32
      %dma_start3A_495 = arith.constant 0 : i32
      %dma_start3A_496 = tpu.memref_slice %arg9[%dma_start3A_494, %add3A_493, %dma_start3A_495] : memref<2x128x32xf32, #tpu.memory_space<vmem>> -> memref<1x1x32xf32, #tpu.memory_space<vmem>>
      %dma_start3A_497 = tpu.memref_squeeze %dma_start3A_496 : memref<1x1x32xf32, #tpu.memory_space<vmem>> -> memref<1x32xf32, #tpu.memory_space<vmem>>
      %dma_start3A_498 = arith.constant 0 : i32
      %dma_start3A_499 = tpu.memref_slice %arg4[%squeeze3A_487, %dma_start3A_498] : memref<1000000x32xf32, #tpu.memory_space<hbm>> -> memref<1x32xf32, #tpu.memory_space<hbm>>
      %dma_start3A_500 = arith.constant 0 : i32
      %dma_start3A_501 = tpu.memref_slice %arg9[%dma_start3A_494, %add3A_493, %dma_start3A_500] : memref<2x128x32xf32, #tpu.memory_space<vmem>> -> memref<1x1x32xf32, #tpu.memory_space<vmem>>
      %dma_start3A_502 = tpu.memref_squeeze %dma_start3A_501 : memref<1x1x32xf32, #tpu.memory_space<vmem>> -> memref<1x32xf32, #tpu.memory_space<vmem>>
      %dma_start3A_503 = arith.constant 0 : i32
      %dma_start3A_504 = tpu.memref_slice %arg4[%squeeze3A_487, %dma_start3A_503] : memref<1000000x32xf32, #tpu.memory_space<hbm>> -> memref<1x32xf32, #tpu.memory_space<hbm>>
      tpu.enqueue_dma source(%dma_start3A_504 : memref<1x32xf32, #tpu.memory_space<hbm>>) target(%dma_start3A_502 : memref<1x32xf32, #tpu.memory_space<vmem>>) target_semaphore(%arg12 : memref<!tpu.dma_semaphore, #tpu.memory_space<semaphore_mem>>)
      %dma_start3A_505 = arith.constant 0 : i32
      %dma_start3A_506 = arith.constant 0 : i32
      %dma_start3A_507 = tpu.memref_slice %arg10[%dma_start3A_505, %add3A_493, %dma_start3A_506] : memref<2x128x32xf32, #tpu.memory_space<vmem>> -> memref<1x1x32xf32, #tpu.memory_space<vmem>>
      %dma_start3A_508 = tpu.memref_squeeze %dma_start3A_507 : memref<1x1x32xf32, #tpu.memory_space<vmem>> -> memref<1x32xf32, #tpu.memory_space<vmem>>
      %dma_start3A_509 = arith.constant 0 : i32
      %dma_start3A_510 = tpu.memref_slice %arg5[%squeeze3A_489, %dma_start3A_509] : memref<1000000x32xf32, #tpu.memory_space<hbm>> -> memref<1x32xf32, #tpu.memory_space<hbm>>
      %dma_start3A_511 = arith.constant 0 : i32
      %dma_start3A_512 = tpu.memref_slice %arg10[%dma_start3A_505, %add3A_493, %dma_start3A_511] : memref<2x128x32xf32, #tpu.memory_space<vmem>> -> memref<1x1x32xf32, #tpu.memory_space<vmem>>
      %dma_start3A_513 = tpu.memref_squeeze %dma_start3A_512 : memref<1x1x32xf32, #tpu.memory_space<vmem>> -> memref<1x32xf32, #tpu.memory_space<vmem>>
      %dma_start3A_514 = arith.constant 0 : i32
      %dma_start3A_515 = tpu.memref_slice %arg5[%squeeze3A_489, %dma_start3A_514] : memref<1000000x32xf32, #tpu.memory_space<hbm>> -> memref<1x32xf32, #tpu.memory_space<hbm>>
      tpu.enqueue_dma source(%dma_start3A_515 : memref<1x32xf32, #tpu.memory_space<hbm>>) target(%dma_start3A_513 : memref<1x32xf32, #tpu.memory_space<vmem>>) target_semaphore(%arg13 : memref<!tpu.dma_semaphore, #tpu.memory_space<semaphore_mem>>)
      %slice3A_516 = vector.extract_strided_slice %get3A_182 {offsets = [11], sizes = [1], strides = [1]} : vector<16xi32> to vector<1xi32>
      %squeeze3A_517 = vector.extract %slice3A_516[0] : i32 from vector<1xi32>
      %slice3A_518 = vector.extract_strided_slice %get3A_188 {offsets = [11], sizes = [1], strides = [1]} : vector<16xi32> to vector<1xi32>
      %squeeze3A_519 = vector.extract %slice3A_518[0] : i32 from vector<1xi32>
      %mul3A_520 = arith.constant 16 : i32
      %mul3A_521 = arith.muli %scan3A_177, %mul3A_520 : i32
      %add3A_522 = arith.constant 11 : i32
      %add3A_523 = arith.addi %mul3A_521, %add3A_522 : i32
      %dma_start3A_524 = arith.constant 0 : i32
      %dma_start3A_525 = arith.constant 0 : i32
      %dma_start3A_526 = tpu.memref_slice %arg9[%dma_start3A_524, %add3A_523, %dma_start3A_525] : memref<2x128x32xf32, #tpu.memory_space<vmem>> -> memref<1x1x32xf32, #tpu.memory_space<vmem>>
      %dma_start3A_527 = tpu.memref_squeeze %dma_start3A_526 : memref<1x1x32xf32, #tpu.memory_space<vmem>> -> memref<1x32xf32, #tpu.memory_space<vmem>>
      %dma_start3A_528 = arith.constant 0 : i32
      %dma_start3A_529 = tpu.memref_slice %arg4[%squeeze3A_517, %dma_start3A_528] : memref<1000000x32xf32, #tpu.memory_space<hbm>> -> memref<1x32xf32, #tpu.memory_space<hbm>>
      %dma_start3A_530 = arith.constant 0 : i32
      %dma_start3A_531 = tpu.memref_slice %arg9[%dma_start3A_524, %add3A_523, %dma_start3A_530] : memref<2x128x32xf32, #tpu.memory_space<vmem>> -> memref<1x1x32xf32, #tpu.memory_space<vmem>>
      %dma_start3A_532 = tpu.memref_squeeze %dma_start3A_531 : memref<1x1x32xf32, #tpu.memory_space<vmem>> -> memref<1x32xf32, #tpu.memory_space<vmem>>
      %dma_start3A_533 = arith.constant 0 : i32
      %dma_start3A_534 = tpu.memref_slice %arg4[%squeeze3A_517, %dma_start3A_533] : memref<1000000x32xf32, #tpu.memory_space<hbm>> -> memref<1x32xf32, #tpu.memory_space<hbm>>
      tpu.enqueue_dma source(%dma_start3A_534 : memref<1x32xf32, #tpu.memory_space<hbm>>) target(%dma_start3A_532 : memref<1x32xf32, #tpu.memory_space<vmem>>) target_semaphore(%arg12 : memref<!tpu.dma_semaphore, #tpu.memory_space<semaphore_mem>>)
      %dma_start3A_535 = arith.constant 0 : i32
      %dma_start3A_536 = arith.constant 0 : i32
      %dma_start3A_537 = tpu.memref_slice %arg10[%dma_start3A_535, %add3A_523, %dma_start3A_536] : memref<2x128x32xf32, #tpu.memory_space<vmem>> -> memref<1x1x32xf32, #tpu.memory_space<vmem>>
      %dma_start3A_538 = tpu.memref_squeeze %dma_start3A_537 : memref<1x1x32xf32, #tpu.memory_space<vmem>> -> memref<1x32xf32, #tpu.memory_space<vmem>>
      %dma_start3A_539 = arith.constant 0 : i32
      %dma_start3A_540 = tpu.memref_slice %arg5[%squeeze3A_519, %dma_start3A_539] : memref<1000000x32xf32, #tpu.memory_space<hbm>> -> memref<1x32xf32, #tpu.memory_space<hbm>>
      %dma_start3A_541 = arith.constant 0 : i32
      %dma_start3A_542 = tpu.memref_slice %arg10[%dma_start3A_535, %add3A_523, %dma_start3A_541] : memref<2x128x32xf32, #tpu.memory_space<vmem>> -> memref<1x1x32xf32, #tpu.memory_space<vmem>>
      %dma_start3A_543 = tpu.memref_squeeze %dma_start3A_542 : memref<1x1x32xf32, #tpu.memory_space<vmem>> -> memref<1x32xf32, #tpu.memory_space<vmem>>
      %dma_start3A_544 = arith.constant 0 : i32
      %dma_start3A_545 = tpu.memref_slice %arg5[%squeeze3A_519, %dma_start3A_544] : memref<1000000x32xf32, #tpu.memory_space<hbm>> -> memref<1x32xf32, #tpu.memory_space<hbm>>
      tpu.enqueue_dma source(%dma_start3A_545 : memref<1x32xf32, #tpu.memory_space<hbm>>) target(%dma_start3A_543 : memref<1x32xf32, #tpu.memory_space<vmem>>) target_semaphore(%arg13 : memref<!tpu.dma_semaphore, #tpu.memory_space<semaphore_mem>>)
      %slice3A_546 = vector.extract_strided_slice %get3A_182 {offsets = [12], sizes = [1], strides = [1]} : vector<16xi32> to vector<1xi32>
      %squeeze3A_547 = vector.extract %slice3A_546[0] : i32 from vector<1xi32>
      %slice3A_548 = vector.extract_strided_slice %get3A_188 {offsets = [12], sizes = [1], strides = [1]} : vector<16xi32> to vector<1xi32>
      %squeeze3A_549 = vector.extract %slice3A_548[0] : i32 from vector<1xi32>
      %mul3A_550 = arith.constant 16 : i32
      %mul3A_551 = arith.muli %scan3A_177, %mul3A_550 : i32
      %add3A_552 = arith.constant 12 : i32
      %add3A_553 = arith.addi %mul3A_551, %add3A_552 : i32
      %dma_start3A_554 = arith.constant 0 : i32
      %dma_start3A_555 = arith.constant 0 : i32
      %dma_start3A_556 = tpu.memref_slice %arg9[%dma_start3A_554, %add3A_553, %dma_start3A_555] : memref<2x128x32xf32, #tpu.memory_space<vmem>> -> memref<1x1x32xf32, #tpu.memory_space<vmem>>
      %dma_start3A_557 = tpu.memref_squeeze %dma_start3A_556 : memref<1x1x32xf32, #tpu.memory_space<vmem>> -> memref<1x32xf32, #tpu.memory_space<vmem>>
      %dma_start3A_558 = arith.constant 0 : i32
      %dma_start3A_559 = tpu.memref_slice %arg4[%squeeze3A_547, %dma_start3A_558] : memref<1000000x32xf32, #tpu.memory_space<hbm>> -> memref<1x32xf32, #tpu.memory_space<hbm>>
      %dma_start3A_560 = arith.constant 0 : i32
      %dma_start3A_561 = tpu.memref_slice %arg9[%dma_start3A_554, %add3A_553, %dma_start3A_560] : memref<2x128x32xf32, #tpu.memory_space<vmem>> -> memref<1x1x32xf32, #tpu.memory_space<vmem>>
      %dma_start3A_562 = tpu.memref_squeeze %dma_start3A_561 : memref<1x1x32xf32, #tpu.memory_space<vmem>> -> memref<1x32xf32, #tpu.memory_space<vmem>>
      %dma_start3A_563 = arith.constant 0 : i32
      %dma_start3A_564 = tpu.memref_slice %arg4[%squeeze3A_547, %dma_start3A_563] : memref<1000000x32xf32, #tpu.memory_space<hbm>> -> memref<1x32xf32, #tpu.memory_space<hbm>>
      tpu.enqueue_dma source(%dma_start3A_564 : memref<1x32xf32, #tpu.memory_space<hbm>>) target(%dma_start3A_562 : memref<1x32xf32, #tpu.memory_space<vmem>>) target_semaphore(%arg12 : memref<!tpu.dma_semaphore, #tpu.memory_space<semaphore_mem>>)
      %dma_start3A_565 = arith.constant 0 : i32
      %dma_start3A_566 = arith.constant 0 : i32
      %dma_start3A_567 = tpu.memref_slice %arg10[%dma_start3A_565, %add3A_553, %dma_start3A_566] : memref<2x128x32xf32, #tpu.memory_space<vmem>> -> memref<1x1x32xf32, #tpu.memory_space<vmem>>
      %dma_start3A_568 = tpu.memref_squeeze %dma_start3A_567 : memref<1x1x32xf32, #tpu.memory_space<vmem>> -> memref<1x32xf32, #tpu.memory_space<vmem>>
      %dma_start3A_569 = arith.constant 0 : i32
      %dma_start3A_570 = tpu.memref_slice %arg5[%squeeze3A_549, %dma_start3A_569] : memref<1000000x32xf32, #tpu.memory_space<hbm>> -> memref<1x32xf32, #tpu.memory_space<hbm>>
      %dma_start3A_571 = arith.constant 0 : i32
      %dma_start3A_572 = tpu.memref_slice %arg10[%dma_start3A_565, %add3A_553, %dma_start3A_571] : memref<2x128x32xf32, #tpu.memory_space<vmem>> -> memref<1x1x32xf32, #tpu.memory_space<vmem>>
      %dma_start3A_573 = tpu.memref_squeeze %dma_start3A_572 : memref<1x1x32xf32, #tpu.memory_space<vmem>> -> memref<1x32xf32, #tpu.memory_space<vmem>>
      %dma_start3A_574 = arith.constant 0 : i32
      %dma_start3A_575 = tpu.memref_slice %arg5[%squeeze3A_549, %dma_start3A_574] : memref<1000000x32xf32, #tpu.memory_space<hbm>> -> memref<1x32xf32, #tpu.memory_space<hbm>>
      tpu.enqueue_dma source(%dma_start3A_575 : memref<1x32xf32, #tpu.memory_space<hbm>>) target(%dma_start3A_573 : memref<1x32xf32, #tpu.memory_space<vmem>>) target_semaphore(%arg13 : memref<!tpu.dma_semaphore, #tpu.memory_space<semaphore_mem>>)
      %slice3A_576 = vector.extract_strided_slice %get3A_182 {offsets = [13], sizes = [1], strides = [1]} : vector<16xi32> to vector<1xi32>
      %squeeze3A_577 = vector.extract %slice3A_576[0] : i32 from vector<1xi32>
      %slice3A_578 = vector.extract_strided_slice %get3A_188 {offsets = [13], sizes = [1], strides = [1]} : vector<16xi32> to vector<1xi32>
      %squeeze3A_579 = vector.extract %slice3A_578[0] : i32 from vector<1xi32>
      %mul3A_580 = arith.constant 16 : i32
      %mul3A_581 = arith.muli %scan3A_177, %mul3A_580 : i32
      %add3A_582 = arith.constant 13 : i32
      %add3A_583 = arith.addi %mul3A_581, %add3A_582 : i32
      %dma_start3A_584 = arith.constant 0 : i32
      %dma_start3A_585 = arith.constant 0 : i32
      %dma_start3A_586 = tpu.memref_slice %arg9[%dma_start3A_584, %add3A_583, %dma_start3A_585] : memref<2x128x32xf32, #tpu.memory_space<vmem>> -> memref<1x1x32xf32, #tpu.memory_space<vmem>>
      %dma_start3A_587 = tpu.memref_squeeze %dma_start3A_586 : memref<1x1x32xf32, #tpu.memory_space<vmem>> -> memref<1x32xf32, #tpu.memory_space<vmem>>
      %dma_start3A_588 = arith.constant 0 : i32
      %dma_start3A_589 = tpu.memref_slice %arg4[%squeeze3A_577, %dma_start3A_588] : memref<1000000x32xf32, #tpu.memory_space<hbm>> -> memref<1x32xf32, #tpu.memory_space<hbm>>
      %dma_start3A_590 = arith.constant 0 : i32
      %dma_start3A_591 = tpu.memref_slice %arg9[%dma_start3A_584, %add3A_583, %dma_start3A_590] : memref<2x128x32xf32, #tpu.memory_space<vmem>> -> memref<1x1x32xf32, #tpu.memory_space<vmem>>
      %dma_start3A_592 = tpu.memref_squeeze %dma_start3A_591 : memref<1x1x32xf32, #tpu.memory_space<vmem>> -> memref<1x32xf32, #tpu.memory_space<vmem>>
      %dma_start3A_593 = arith.constant 0 : i32
      %dma_start3A_594 = tpu.memref_slice %arg4[%squeeze3A_577, %dma_start3A_593] : memref<1000000x32xf32, #tpu.memory_space<hbm>> -> memref<1x32xf32, #tpu.memory_space<hbm>>
      tpu.enqueue_dma source(%dma_start3A_594 : memref<1x32xf32, #tpu.memory_space<hbm>>) target(%dma_start3A_592 : memref<1x32xf32, #tpu.memory_space<vmem>>) target_semaphore(%arg12 : memref<!tpu.dma_semaphore, #tpu.memory_space<semaphore_mem>>)
      %dma_start3A_595 = arith.constant 0 : i32
      %dma_start3A_596 = arith.constant 0 : i32
      %dma_start3A_597 = tpu.memref_slice %arg10[%dma_start3A_595, %add3A_583, %dma_start3A_596] : memref<2x128x32xf32, #tpu.memory_space<vmem>> -> memref<1x1x32xf32, #tpu.memory_space<vmem>>
      %dma_start3A_598 = tpu.memref_squeeze %dma_start3A_597 : memref<1x1x32xf32, #tpu.memory_space<vmem>> -> memref<1x32xf32, #tpu.memory_space<vmem>>
      %dma_start3A_599 = arith.constant 0 : i32
      %dma_start3A_600 = tpu.memref_slice %arg5[%squeeze3A_579, %dma_start3A_599] : memref<1000000x32xf32, #tpu.memory_space<hbm>> -> memref<1x32xf32, #tpu.memory_space<hbm>>
      %dma_start3A_601 = arith.constant 0 : i32
      %dma_start3A_602 = tpu.memref_slice %arg10[%dma_start3A_595, %add3A_583, %dma_start3A_601] : memref<2x128x32xf32, #tpu.memory_space<vmem>> -> memref<1x1x32xf32, #tpu.memory_space<vmem>>
      %dma_start3A_603 = tpu.memref_squeeze %dma_start3A_602 : memref<1x1x32xf32, #tpu.memory_space<vmem>> -> memref<1x32xf32, #tpu.memory_space<vmem>>
      %dma_start3A_604 = arith.constant 0 : i32
      %dma_start3A_605 = tpu.memref_slice %arg5[%squeeze3A_579, %dma_start3A_604] : memref<1000000x32xf32, #tpu.memory_space<hbm>> -> memref<1x32xf32, #tpu.memory_space<hbm>>
      tpu.enqueue_dma source(%dma_start3A_605 : memref<1x32xf32, #tpu.memory_space<hbm>>) target(%dma_start3A_603 : memref<1x32xf32, #tpu.memory_space<vmem>>) target_semaphore(%arg13 : memref<!tpu.dma_semaphore, #tpu.memory_space<semaphore_mem>>)
      %slice3A_606 = vector.extract_strided_slice %get3A_182 {offsets = [14], sizes = [1], strides = [1]} : vector<16xi32> to vector<1xi32>
      %squeeze3A_607 = vector.extract %slice3A_606[0] : i32 from vector<1xi32>
      %slice3A_608 = vector.extract_strided_slice %get3A_188 {offsets = [14], sizes = [1], strides = [1]} : vector<16xi32> to vector<1xi32>
      %squeeze3A_609 = vector.extract %slice3A_608[0] : i32 from vector<1xi32>
      %mul3A_610 = arith.constant 16 : i32
      %mul3A_611 = arith.muli %scan3A_177, %mul3A_610 : i32
      %add3A_612 = arith.constant 14 : i32
      %add3A_613 = arith.addi %mul3A_611, %add3A_612 : i32
      %dma_start3A_614 = arith.constant 0 : i32
      %dma_start3A_615 = arith.constant 0 : i32
      %dma_start3A_616 = tpu.memref_slice %arg9[%dma_start3A_614, %add3A_613, %dma_start3A_615] : memref<2x128x32xf32, #tpu.memory_space<vmem>> -> memref<1x1x32xf32, #tpu.memory_space<vmem>>
      %dma_start3A_617 = tpu.memref_squeeze %dma_start3A_616 : memref<1x1x32xf32, #tpu.memory_space<vmem>> -> memref<1x32xf32, #tpu.memory_space<vmem>>
      %dma_start3A_618 = arith.constant 0 : i32
      %dma_start3A_619 = tpu.memref_slice %arg4[%squeeze3A_607, %dma_start3A_618] : memref<1000000x32xf32, #tpu.memory_space<hbm>> -> memref<1x32xf32, #tpu.memory_space<hbm>>
      %dma_start3A_620 = arith.constant 0 : i32
      %dma_start3A_621 = tpu.memref_slice %arg9[%dma_start3A_614, %add3A_613, %dma_start3A_620] : memref<2x128x32xf32, #tpu.memory_space<vmem>> -> memref<1x1x32xf32, #tpu.memory_space<vmem>>
      %dma_start3A_622 = tpu.memref_squeeze %dma_start3A_621 : memref<1x1x32xf32, #tpu.memory_space<vmem>> -> memref<1x32xf32, #tpu.memory_space<vmem>>
      %dma_start3A_623 = arith.constant 0 : i32
      %dma_start3A_624 = tpu.memref_slice %arg4[%squeeze3A_607, %dma_start3A_623] : memref<1000000x32xf32, #tpu.memory_space<hbm>> -> memref<1x32xf32, #tpu.memory_space<hbm>>
      tpu.enqueue_dma source(%dma_start3A_624 : memref<1x32xf32, #tpu.memory_space<hbm>>) target(%dma_start3A_622 : memref<1x32xf32, #tpu.memory_space<vmem>>) target_semaphore(%arg12 : memref<!tpu.dma_semaphore, #tpu.memory_space<semaphore_mem>>)
      %dma_start3A_625 = arith.constant 0 : i32
      %dma_start3A_626 = arith.constant 0 : i32
      %dma_start3A_627 = tpu.memref_slice %arg10[%dma_start3A_625, %add3A_613, %dma_start3A_626] : memref<2x128x32xf32, #tpu.memory_space<vmem>> -> memref<1x1x32xf32, #tpu.memory_space<vmem>>
      %dma_start3A_628 = tpu.memref_squeeze %dma_start3A_627 : memref<1x1x32xf32, #tpu.memory_space<vmem>> -> memref<1x32xf32, #tpu.memory_space<vmem>>
      %dma_start3A_629 = arith.constant 0 : i32
      %dma_start3A_630 = tpu.memref_slice %arg5[%squeeze3A_609, %dma_start3A_629] : memref<1000000x32xf32, #tpu.memory_space<hbm>> -> memref<1x32xf32, #tpu.memory_space<hbm>>
      %dma_start3A_631 = arith.constant 0 : i32
      %dma_start3A_632 = tpu.memref_slice %arg10[%dma_start3A_625, %add3A_613, %dma_start3A_631] : memref<2x128x32xf32, #tpu.memory_space<vmem>> -> memref<1x1x32xf32, #tpu.memory_space<vmem>>
      %dma_start3A_633 = tpu.memref_squeeze %dma_start3A_632 : memref<1x1x32xf32, #tpu.memory_space<vmem>> -> memref<1x32xf32, #tpu.memory_space<vmem>>
      %dma_start3A_634 = arith.constant 0 : i32
      %dma_start3A_635 = tpu.memref_slice %arg5[%squeeze3A_609, %dma_start3A_634] : memref<1000000x32xf32, #tpu.memory_space<hbm>> -> memref<1x32xf32, #tpu.memory_space<hbm>>
      tpu.enqueue_dma source(%dma_start3A_635 : memref<1x32xf32, #tpu.memory_space<hbm>>) target(%dma_start3A_633 : memref<1x32xf32, #tpu.memory_space<vmem>>) target_semaphore(%arg13 : memref<!tpu.dma_semaphore, #tpu.memory_space<semaphore_mem>>)
      %slice3A_636 = vector.extract_strided_slice %get3A_182 {offsets = [15], sizes = [1], strides = [1]} : vector<16xi32> to vector<1xi32>
      %squeeze3A_637 = vector.extract %slice3A_636[0] : i32 from vector<1xi32>
      %slice3A_638 = vector.extract_strided_slice %get3A_188 {offsets = [15], sizes = [1], strides = [1]} : vector<16xi32> to vector<1xi32>
      %squeeze3A_639 = vector.extract %slice3A_638[0] : i32 from vector<1xi32>
      %mul3A_640 = arith.constant 16 : i32
      %mul3A_641 = arith.muli %scan3A_177, %mul3A_640 : i32
      %add3A_642 = arith.constant 15 : i32
      %add3A_643 = arith.addi %mul3A_641, %add3A_642 : i32
      %dma_start3A_644 = arith.constant 0 : i32
      %dma_start3A_645 = arith.constant 0 : i32
      %dma_start3A_646 = tpu.memref_slice %arg9[%dma_start3A_644, %add3A_643, %dma_start3A_645] : memref<2x128x32xf32, #tpu.memory_space<vmem>> -> memref<1x1x32xf32, #tpu.memory_space<vmem>>
      %dma_start3A_647 = tpu.memref_squeeze %dma_start3A_646 : memref<1x1x32xf32, #tpu.memory_space<vmem>> -> memref<1x32xf32, #tpu.memory_space<vmem>>
      %dma_start3A_648 = arith.constant 0 : i32
      %dma_start3A_649 = tpu.memref_slice %arg4[%squeeze3A_637, %dma_start3A_648] : memref<1000000x32xf32, #tpu.memory_space<hbm>> -> memref<1x32xf32, #tpu.memory_space<hbm>>
      %dma_start3A_650 = arith.constant 0 : i32
      %dma_start3A_651 = tpu.memref_slice %arg9[%dma_start3A_644, %add3A_643, %dma_start3A_650] : memref<2x128x32xf32, #tpu.memory_space<vmem>> -> memref<1x1x32xf32, #tpu.memory_space<vmem>>
      %dma_start3A_652 = tpu.memref_squeeze %dma_start3A_651 : memref<1x1x32xf32, #tpu.memory_space<vmem>> -> memref<1x32xf32, #tpu.memory_space<vmem>>
      %dma_start3A_653 = arith.constant 0 : i32
      %dma_start3A_654 = tpu.memref_slice %arg4[%squeeze3A_637, %dma_start3A_653] : memref<1000000x32xf32, #tpu.memory_space<hbm>> -> memref<1x32xf32, #tpu.memory_space<hbm>>
      tpu.enqueue_dma source(%dma_start3A_654 : memref<1x32xf32, #tpu.memory_space<hbm>>) target(%dma_start3A_652 : memref<1x32xf32, #tpu.memory_space<vmem>>) target_semaphore(%arg12 : memref<!tpu.dma_semaphore, #tpu.memory_space<semaphore_mem>>)
      %dma_start3A_655 = arith.constant 0 : i32
      %dma_start3A_656 = arith.constant 0 : i32
      %dma_start3A_657 = tpu.memref_slice %arg10[%dma_start3A_655, %add3A_643, %dma_start3A_656] : memref<2x128x32xf32, #tpu.memory_space<vmem>> -> memref<1x1x32xf32, #tpu.memory_space<vmem>>
      %dma_start3A_658 = tpu.memref_squeeze %dma_start3A_657 : memref<1x1x32xf32, #tpu.memory_space<vmem>> -> memref<1x32xf32, #tpu.memory_space<vmem>>
      %dma_start3A_659 = arith.constant 0 : i32
      %dma_start3A_660 = tpu.memref_slice %arg5[%squeeze3A_639, %dma_start3A_659] : memref<1000000x32xf32, #tpu.memory_space<hbm>> -> memref<1x32xf32, #tpu.memory_space<hbm>>
      %dma_start3A_661 = arith.constant 0 : i32
      %dma_start3A_662 = tpu.memref_slice %arg10[%dma_start3A_655, %add3A_643, %dma_start3A_661] : memref<2x128x32xf32, #tpu.memory_space<vmem>> -> memref<1x1x32xf32, #tpu.memory_space<vmem>>
      %dma_start3A_663 = tpu.memref_squeeze %dma_start3A_662 : memref<1x1x32xf32, #tpu.memory_space<vmem>> -> memref<1x32xf32, #tpu.memory_space<vmem>>
      %dma_start3A_664 = arith.constant 0 : i32
      %dma_start3A_665 = tpu.memref_slice %arg5[%squeeze3A_639, %dma_start3A_664] : memref<1000000x32xf32, #tpu.memory_space<hbm>> -> memref<1x32xf32, #tpu.memory_space<hbm>>
      tpu.enqueue_dma source(%dma_start3A_665 : memref<1x32xf32, #tpu.memory_space<hbm>>) target(%dma_start3A_663 : memref<1x32xf32, #tpu.memory_space<vmem>>) target_semaphore(%arg13 : memref<!tpu.dma_semaphore, #tpu.memory_space<semaphore_mem>>)
    }
    %scan3A_9 = arith.constant 8 : i32
    %dma_wait3A = arith.constant 0 : i32
    %dma_wait3A_10 = arith.constant 0 : i32
    %dma_wait3A_11 = arith.constant 0 : i32
    %dma_wait3A_12 = tpu.memref_slice %arg9[%dma_wait3A, %dma_wait3A_10, %dma_wait3A_11] : memref<2x128x32xf32, #tpu.memory_space<vmem>> -> memref<1x128x32xf32, #tpu.memory_space<vmem>>
    %dma_wait3A_13 = tpu.memref_squeeze %dma_wait3A_12 : memref<1x128x32xf32, #tpu.memory_space<vmem>> -> memref<128x32xf32, #tpu.memory_space<vmem>>
    %dma_wait3A_14 = arith.constant 0 : i32
    %dma_wait3A_15 = arith.constant 0 : i32
    %dma_wait3A_16 = tpu.memref_slice %arg4[%dma_wait3A_14, %dma_wait3A_15] : memref<1000000x32xf32, #tpu.memory_space<hbm>> -> memref<128x32xf32, #tpu.memory_space<hbm>>
    %dma_wait3A_17 = arith.constant 0 : i32
    %dma_wait3A_18 = arith.constant 0 : i32
    %dma_wait3A_19 = tpu.memref_slice %arg9[%dma_wait3A, %dma_wait3A_17, %dma_wait3A_18] : memref<2x128x32xf32, #tpu.memory_space<vmem>> -> memref<1x128x32xf32, #tpu.memory_space<vmem>>
    %dma_wait3A_20 = tpu.memref_squeeze %dma_wait3A_19 : memref<1x128x32xf32, #tpu.memory_space<vmem>> -> memref<128x32xf32, #tpu.memory_space<vmem>>
    %dma_wait3A_21 = arith.constant 0 : i32
    %dma_wait3A_22 = arith.constant 0 : i32
    %dma_wait3A_23 = tpu.memref_slice %arg4[%dma_wait3A_21, %dma_wait3A_22] : memref<1000000x32xf32, #tpu.memory_space<hbm>> -> memref<128x32xf32, #tpu.memory_space<hbm>>
    tpu.wait_dma2 semaphore(%arg12 : memref<!tpu.dma_semaphore, #tpu.memory_space<semaphore_mem>>) src(%dma_wait3A_23 : memref<128x32xf32, #tpu.memory_space<hbm>>) dst(%dma_wait3A_20 : memref<128x32xf32, #tpu.memory_space<vmem>>)
    %dma_wait3A_24 = arith.constant 0 : i32
    %dma_wait3A_25 = arith.constant 0 : i32
    %dma_wait3A_26 = arith.constant 0 : i32
    %dma_wait3A_27 = tpu.memref_slice %arg10[%dma_wait3A_24, %dma_wait3A_25, %dma_wait3A_26] : memref<2x128x32xf32, #tpu.memory_space<vmem>> -> memref<1x128x32xf32, #tpu.memory_space<vmem>>
    %dma_wait3A_28 = tpu.memref_squeeze %dma_wait3A_27 : memref<1x128x32xf32, #tpu.memory_space<vmem>> -> memref<128x32xf32, #tpu.memory_space<vmem>>
    %dma_wait3A_29 = arith.constant 0 : i32
    %dma_wait3A_30 = arith.constant 0 : i32
    %dma_wait3A_31 = tpu.memref_slice %arg5[%dma_wait3A_29, %dma_wait3A_30] : memref<1000000x32xf32, #tpu.memory_space<hbm>> -> memref<128x32xf32, #tpu.memory_space<hbm>>
    %dma_wait3A_32 = arith.constant 0 : i32
    %dma_wait3A_33 = arith.constant 0 : i32
    %dma_wait3A_34 = tpu.memref_slice %arg10[%dma_wait3A_24, %dma_wait3A_32, %dma_wait3A_33] : memref<2x128x32xf32, #tpu.memory_space<vmem>> -> memref<1x128x32xf32, #tpu.memory_space<vmem>>
    %dma_wait3A_35 = tpu.memref_squeeze %dma_wait3A_34 : memref<1x128x32xf32, #tpu.memory_space<vmem>> -> memref<128x32xf32, #tpu.memory_space<vmem>>
    %dma_wait3A_36 = arith.constant 0 : i32
    %dma_wait3A_37 = arith.constant 0 : i32
    %dma_wait3A_38 = tpu.memref_slice %arg5[%dma_wait3A_36, %dma_wait3A_37] : memref<1000000x32xf32, #tpu.memory_space<hbm>> -> memref<128x32xf32, #tpu.memory_space<hbm>>
    tpu.wait_dma2 semaphore(%arg13 : memref<!tpu.dma_semaphore, #tpu.memory_space<semaphore_mem>>) src(%dma_wait3A_38 : memref<128x32xf32, #tpu.memory_space<hbm>>) dst(%dma_wait3A_35 : memref<128x32xf32, #tpu.memory_space<vmem>>)
    %scan3A_39 = arith.constant 0 : i32
    %scan3A_40 = arith.constant 0 : i32
    %scan3A_41 = arith.constant 8 : i32
    %scan3A_42 = arith.addi %scan3A_40, %scan3A_41 : i32
    %scan3A_43 = arith.constant 1 : i32
    scf.for %scan3A_177 = %scan3A_40 to %scan3A_42 step %scan3A_43  : i32 {
      %mul3A_178 = arith.constant 16 : i32
      %mul3A_179 = arith.muli %scan3A_177, %mul3A_178 : i32
      %add3A_180 = arith.constant 128 : i32
      %add3A_181 = arith.addi %add3A_180, %mul3A_179 : i32
      %get3A = arith.index_cast %add3A_181 : i32 to index
      %get3A_182 = tpu.vector_load %arg7[%get3A] {strides = array<i32>} : memref<512xi32, #tpu.memory_space<vmem>>, vector<16xi32>,
      %mul3A_183 = arith.constant 16 : i32
      %mul3A_184 = arith.muli %scan3A_177, %mul3A_183 : i32
      %add3A_185 = arith.constant 128 : i32
      %add3A_186 = arith.addi %add3A_185, %mul3A_184 : i32
      %get3A_187 = arith.index_cast %add3A_186 : i32 to index
      %get3A_188 = tpu.vector_load %arg8[%get3A_187] {strides = array<i32>} : memref<512xi32, #tpu.memory_space<vmem>>, vector<16xi32>,
      %slice3A = vector.extract_strided_slice %get3A_182 {offsets = [0], sizes = [1], strides = [1]} : vector<16xi32> to vector<1xi32>
      %squeeze3A = vector.extract %slice3A[0] : i32 from vector<1xi32>
      %slice3A_189 = vector.extract_strided_slice %get3A_188 {offsets = [0], sizes = [1], strides = [1]} : vector<16xi32> to vector<1xi32>
      %squeeze3A_190 = vector.extract %slice3A_189[0] : i32 from vector<1xi32>
      %mul3A_191 = arith.constant 16 : i32
      %mul3A_192 = arith.muli %scan3A_177, %mul3A_191 : i32
      %add3A_193 = arith.constant 0 : i32
      %add3A_194 = arith.addi %mul3A_192, %add3A_193 : i32
      %dma_start3A = arith.constant 1 : i32
      %dma_start3A_195 = arith.constant 0 : i32
      %dma_start3A_196 = tpu.memref_slice %arg9[%dma_start3A, %add3A_194, %dma_start3A_195] : memref<2x128x32xf32, #tpu.memory_space<vmem>> -> memref<1x1x32xf32, #tpu.memory_space<vmem>>
      %dma_start3A_197 = tpu.memref_squeeze %dma_start3A_196 : memref<1x1x32xf32, #tpu.memory_space<vmem>> -> memref<1x32xf32, #tpu.memory_space<vmem>>
      %dma_start3A_198 = arith.constant 0 : i32
      %dma_start3A_199 = tpu.memref_slice %arg4[%squeeze3A, %dma_start3A_198] : memref<1000000x32xf32, #tpu.memory_space<hbm>> -> memref<1x32xf32, #tpu.memory_space<hbm>>
      %dma_start3A_200 = arith.constant 0 : i32
      %dma_start3A_201 = tpu.memref_slice %arg9[%dma_start3A, %add3A_194, %dma_start3A_200] : memref<2x128x32xf32, #tpu.memory_space<vmem>> -> memref<1x1x32xf32, #tpu.memory_space<vmem>>
      %dma_start3A_202 = tpu.memref_squeeze %dma_start3A_201 : memref<1x1x32xf32, #tpu.memory_space<vmem>> -> memref<1x32xf32, #tpu.memory_space<vmem>>
      %dma_start3A_203 = arith.constant 0 : i32
      %dma_start3A_204 = tpu.memref_slice %arg4[%squeeze3A, %dma_start3A_203] : memref<1000000x32xf32, #tpu.memory_space<hbm>> -> memref<1x32xf32, #tpu.memory_space<hbm>>
      tpu.enqueue_dma source(%dma_start3A_204 : memref<1x32xf32, #tpu.memory_space<hbm>>) target(%dma_start3A_202 : memref<1x32xf32, #tpu.memory_space<vmem>>) target_semaphore(%arg12 : memref<!tpu.dma_semaphore, #tpu.memory_space<semaphore_mem>>)
      %dma_start3A_205 = arith.constant 1 : i32
      %dma_start3A_206 = arith.constant 0 : i32
      %dma_start3A_207 = tpu.memref_slice %arg10[%dma_start3A_205, %add3A_194, %dma_start3A_206] : memref<2x128x32xf32, #tpu.memory_space<vmem>> -> memref<1x1x32xf32, #tpu.memory_space<vmem>>
      %dma_start3A_208 = tpu.memref_squeeze %dma_start3A_207 : memref<1x1x32xf32, #tpu.memory_space<vmem>> -> memref<1x32xf32, #tpu.memory_space<vmem>>
      %dma_start3A_209 = arith.constant 0 : i32
      %dma_start3A_210 = tpu.memref_slice %arg5[%squeeze3A_190, %dma_start3A_209] : memref<1000000x32xf32, #tpu.memory_space<hbm>> -> memref<1x32xf32, #tpu.memory_space<hbm>>
      %dma_start3A_211 = arith.constant 0 : i32
      %dma_start3A_212 = tpu.memref_slice %arg10[%dma_start3A_205, %add3A_194, %dma_start3A_211] : memref<2x128x32xf32, #tpu.memory_space<vmem>> -> memref<1x1x32xf32, #tpu.memory_space<vmem>>
      %dma_start3A_213 = tpu.memref_squeeze %dma_start3A_212 : memref<1x1x32xf32, #tpu.memory_space<vmem>> -> memref<1x32xf32, #tpu.memory_space<vmem>>
      %dma_start3A_214 = arith.constant 0 : i32
      %dma_start3A_215 = tpu.memref_slice %arg5[%squeeze3A_190, %dma_start3A_214] : memref<1000000x32xf32, #tpu.memory_space<hbm>> -> memref<1x32xf32, #tpu.memory_space<hbm>>
      tpu.enqueue_dma source(%dma_start3A_215 : memref<1x32xf32, #tpu.memory_space<hbm>>) target(%dma_start3A_213 : memref<1x32xf32, #tpu.memory_space<vmem>>) target_semaphore(%arg13 : memref<!tpu.dma_semaphore, #tpu.memory_space<semaphore_mem>>)
      %slice3A_216 = vector.extract_strided_slice %get3A_182 {offsets = [1], sizes = [1], strides = [1]} : vector<16xi32> to vector<1xi32>
      %squeeze3A_217 = vector.extract %slice3A_216[0] : i32 from vector<1xi32>
      %slice3A_218 = vector.extract_strided_slice %get3A_188 {offsets = [1], sizes = [1], strides = [1]} : vector<16xi32> to vector<1xi32>
      %squeeze3A_219 = vector.extract %slice3A_218[0] : i32 from vector<1xi32>
      %mul3A_220 = arith.constant 16 : i32
      %mul3A_221 = arith.muli %scan3A_177, %mul3A_220 : i32
      %add3A_222 = arith.constant 1 : i32
      %add3A_223 = arith.addi %mul3A_221, %add3A_222 : i32
      %dma_start3A_224 = arith.constant 1 : i32
      %dma_start3A_225 = arith.constant 0 : i32
      %dma_start3A_226 = tpu.memref_slice %arg9[%dma_start3A_224, %add3A_223, %dma_start3A_225] : memref<2x128x32xf32, #tpu.memory_space<vmem>> -> memref<1x1x32xf32, #tpu.memory_space<vmem>>
      %dma_start3A_227 = tpu.memref_squeeze %dma_start3A_226 : memref<1x1x32xf32, #tpu.memory_space<vmem>> -> memref<1x32xf32, #tpu.memory_space<vmem>>
      %dma_start3A_228 = arith.constant 0 : i32
      %dma_start3A_229 = tpu.memref_slice %arg4[%squeeze3A_217, %dma_start3A_228] : memref<1000000x32xf32, #tpu.memory_space<hbm>> -> memref<1x32xf32, #tpu.memory_space<hbm>>
      %dma_start3A_230 = arith.constant 0 : i32
      %dma_start3A_231 = tpu.memref_slice %arg9[%dma_start3A_224, %add3A_223, %dma_start3A_230] : memref<2x128x32xf32, #tpu.memory_space<vmem>> -> memref<1x1x32xf32, #tpu.memory_space<vmem>>
      %dma_start3A_232 = tpu.memref_squeeze %dma_start3A_231 : memref<1x1x32xf32, #tpu.memory_space<vmem>> -> memref<1x32xf32, #tpu.memory_space<vmem>>
      %dma_start3A_233 = arith.constant 0 : i32
      %dma_start3A_234 = tpu.memref_slice %arg4[%squeeze3A_217, %dma_start3A_233] : memref<1000000x32xf32, #tpu.memory_space<hbm>> -> memref<1x32xf32, #tpu.memory_space<hbm>>
      tpu.enqueue_dma source(%dma_start3A_234 : memref<1x32xf32, #tpu.memory_space<hbm>>) target(%dma_start3A_232 : memref<1x32xf32, #tpu.memory_space<vmem>>) target_semaphore(%arg12 : memref<!tpu.dma_semaphore, #tpu.memory_space<semaphore_mem>>)
      %dma_start3A_235 = arith.constant 1 : i32
      %dma_start3A_236 = arith.constant 0 : i32
      %dma_start3A_237 = tpu.memref_slice %arg10[%dma_start3A_235, %add3A_223, %dma_start3A_236] : memref<2x128x32xf32, #tpu.memory_space<vmem>> -> memref<1x1x32xf32, #tpu.memory_space<vmem>>
      %dma_start3A_238 = tpu.memref_squeeze %dma_start3A_237 : memref<1x1x32xf32, #tpu.memory_space<vmem>> -> memref<1x32xf32, #tpu.memory_space<vmem>>
      %dma_start3A_239 = arith.constant 0 : i32
      %dma_start3A_240 = tpu.memref_slice %arg5[%squeeze3A_219, %dma_start3A_239] : memref<1000000x32xf32, #tpu.memory_space<hbm>> -> memref<1x32xf32, #tpu.memory_space<hbm>>
      %dma_start3A_241 = arith.constant 0 : i32
      %dma_start3A_242 = tpu.memref_slice %arg10[%dma_start3A_235, %add3A_223, %dma_start3A_241] : memref<2x128x32xf32, #tpu.memory_space<vmem>> -> memref<1x1x32xf32, #tpu.memory_space<vmem>>
      %dma_start3A_243 = tpu.memref_squeeze %dma_start3A_242 : memref<1x1x32xf32, #tpu.memory_space<vmem>> -> memref<1x32xf32, #tpu.memory_space<vmem>>
      %dma_start3A_244 = arith.constant 0 : i32
      %dma_start3A_245 = tpu.memref_slice %arg5[%squeeze3A_219, %dma_start3A_244] : memref<1000000x32xf32, #tpu.memory_space<hbm>> -> memref<1x32xf32, #tpu.memory_space<hbm>>
      tpu.enqueue_dma source(%dma_start3A_245 : memref<1x32xf32, #tpu.memory_space<hbm>>) target(%dma_start3A_243 : memref<1x32xf32, #tpu.memory_space<vmem>>) target_semaphore(%arg13 : memref<!tpu.dma_semaphore, #tpu.memory_space<semaphore_mem>>)
      %slice3A_246 = vector.extract_strided_slice %get3A_182 {offsets = [2], sizes = [1], strides = [1]} : vector<16xi32> to vector<1xi32>
      %squeeze3A_247 = vector.extract %slice3A_246[0] : i32 from vector<1xi32>
      %slice3A_248 = vector.extract_strided_slice %get3A_188 {offsets = [2], sizes = [1], strides = [1]} : vector<16xi32> to vector<1xi32>
      %squeeze3A_249 = vector.extract %slice3A_248[0] : i32 from vector<1xi32>
      %mul3A_250 = arith.constant 16 : i32
      %mul3A_251 = arith.muli %scan3A_177, %mul3A_250 : i32
      %add3A_252 = arith.constant 2 : i32
      %add3A_253 = arith.addi %mul3A_251, %add3A_252 : i32
      %dma_start3A_254 = arith.constant 1 : i32
      %dma_start3A_255 = arith.constant 0 : i32
      %dma_start3A_256 = tpu.memref_slice %arg9[%dma_start3A_254, %add3A_253, %dma_start3A_255] : memref<2x128x32xf32, #tpu.memory_space<vmem>> -> memref<1x1x32xf32, #tpu.memory_space<vmem>>
      %dma_start3A_257 = tpu.memref_squeeze %dma_start3A_256 : memref<1x1x32xf32, #tpu.memory_space<vmem>> -> memref<1x32xf32, #tpu.memory_space<vmem>>
      %dma_start3A_258 = arith.constant 0 : i32
      %dma_start3A_259 = tpu.memref_slice %arg4[%squeeze3A_247, %dma_start3A_258] : memref<1000000x32xf32, #tpu.memory_space<hbm>> -> memref<1x32xf32, #tpu.memory_space<hbm>>
      %dma_start3A_260 = arith.constant 0 : i32
      %dma_start3A_261 = tpu.memref_slice %arg9[%dma_start3A_254, %add3A_253, %dma_start3A_260] : memref<2x128x32xf32, #tpu.memory_space<vmem>> -> memref<1x1x32xf32, #tpu.memory_space<vmem>>
      %dma_start3A_262 = tpu.memref_squeeze %dma_start3A_261 : memref<1x1x32xf32, #tpu.memory_space<vmem>> -> memref<1x32xf32, #tpu.memory_space<vmem>>
      %dma_start3A_263 = arith.constant 0 : i32
      %dma_start3A_264 = tpu.memref_slice %arg4[%squeeze3A_247, %dma_start3A_263] : memref<1000000x32xf32, #tpu.memory_space<hbm>> -> memref<1x32xf32, #tpu.memory_space<hbm>>
      tpu.enqueue_dma source(%dma_start3A_264 : memref<1x32xf32, #tpu.memory_space<hbm>>) target(%dma_start3A_262 : memref<1x32xf32, #tpu.memory_space<vmem>>) target_semaphore(%arg12 : memref<!tpu.dma_semaphore, #tpu.memory_space<semaphore_mem>>)
      %dma_start3A_265 = arith.constant 1 : i32
      %dma_start3A_266 = arith.constant 0 : i32
      %dma_start3A_267 = tpu.memref_slice %arg10[%dma_start3A_265, %add3A_253, %dma_start3A_266] : memref<2x128x32xf32, #tpu.memory_space<vmem>> -> memref<1x1x32xf32, #tpu.memory_space<vmem>>
      %dma_start3A_268 = tpu.memref_squeeze %dma_start3A_267 : memref<1x1x32xf32, #tpu.memory_space<vmem>> -> memref<1x32xf32, #tpu.memory_space<vmem>>
      %dma_start3A_269 = arith.constant 0 : i32
      %dma_start3A_270 = tpu.memref_slice %arg5[%squeeze3A_249, %dma_start3A_269] : memref<1000000x32xf32, #tpu.memory_space<hbm>> -> memref<1x32xf32, #tpu.memory_space<hbm>>
      %dma_start3A_271 = arith.constant 0 : i32
      %dma_start3A_272 = tpu.memref_slice %arg10[%dma_start3A_265, %add3A_253, %dma_start3A_271] : memref<2x128x32xf32, #tpu.memory_space<vmem>> -> memref<1x1x32xf32, #tpu.memory_space<vmem>>
      %dma_start3A_273 = tpu.memref_squeeze %dma_start3A_272 : memref<1x1x32xf32, #tpu.memory_space<vmem>> -> memref<1x32xf32, #tpu.memory_space<vmem>>
      %dma_start3A_274 = arith.constant 0 : i32
      %dma_start3A_275 = tpu.memref_slice %arg5[%squeeze3A_249, %dma_start3A_274] : memref<1000000x32xf32, #tpu.memory_space<hbm>> -> memref<1x32xf32, #tpu.memory_space<hbm>>
      tpu.enqueue_dma source(%dma_start3A_275 : memref<1x32xf32, #tpu.memory_space<hbm>>) target(%dma_start3A_273 : memref<1x32xf32, #tpu.memory_space<vmem>>) target_semaphore(%arg13 : memref<!tpu.dma_semaphore, #tpu.memory_space<semaphore_mem>>)
      %slice3A_276 = vector.extract_strided_slice %get3A_182 {offsets = [3], sizes = [1], strides = [1]} : vector<16xi32> to vector<1xi32>
      %squeeze3A_277 = vector.extract %slice3A_276[0] : i32 from vector<1xi32>
      %slice3A_278 = vector.extract_strided_slice %get3A_188 {offsets = [3], sizes = [1], strides = [1]} : vector<16xi32> to vector<1xi32>
      %squeeze3A_279 = vector.extract %slice3A_278[0] : i32 from vector<1xi32>
      %mul3A_280 = arith.constant 16 : i32
      %mul3A_281 = arith.muli %scan3A_177, %mul3A_280 : i32
      %add3A_282 = arith.constant 3 : i32
      %add3A_283 = arith.addi %mul3A_281, %add3A_282 : i32
      %dma_start3A_284 = arith.constant 1 : i32
      %dma_start3A_285 = arith.constant 0 : i32
      %dma_start3A_286 = tpu.memref_slice %arg9[%dma_start3A_284, %add3A_283, %dma_start3A_285] : memref<2x128x32xf32, #tpu.memory_space<vmem>> -> memref<1x1x32xf32, #tpu.memory_space<vmem>>
      %dma_start3A_287 = tpu.memref_squeeze %dma_start3A_286 : memref<1x1x32xf32, #tpu.memory_space<vmem>> -> memref<1x32xf32, #tpu.memory_space<vmem>>
      %dma_start3A_288 = arith.constant 0 : i32
      %dma_start3A_289 = tpu.memref_slice %arg4[%squeeze3A_277, %dma_start3A_288] : memref<1000000x32xf32, #tpu.memory_space<hbm>> -> memref<1x32xf32, #tpu.memory_space<hbm>>
      %dma_start3A_290 = arith.constant 0 : i32
      %dma_start3A_291 = tpu.memref_slice %arg9[%dma_start3A_284, %add3A_283, %dma_start3A_290] : memref<2x128x32xf32, #tpu.memory_space<vmem>> -> memref<1x1x32xf32, #tpu.memory_space<vmem>>
      %dma_start3A_292 = tpu.memref_squeeze %dma_start3A_291 : memref<1x1x32xf32, #tpu.memory_space<vmem>> -> memref<1x32xf32, #tpu.memory_space<vmem>>
      %dma_start3A_293 = arith.constant 0 : i32
      %dma_start3A_294 = tpu.memref_slice %arg4[%squeeze3A_277, %dma_start3A_293] : memref<1000000x32xf32, #tpu.memory_space<hbm>> -> memref<1x32xf32, #tpu.memory_space<hbm>>
      tpu.enqueue_dma source(%dma_start3A_294 : memref<1x32xf32, #tpu.memory_space<hbm>>) target(%dma_start3A_292 : memref<1x32xf32, #tpu.memory_space<vmem>>) target_semaphore(%arg12 : memref<!tpu.dma_semaphore, #tpu.memory_space<semaphore_mem>>)
      %dma_start3A_295 = arith.constant 1 : i32
      %dma_start3A_296 = arith.constant 0 : i32
      %dma_start3A_297 = tpu.memref_slice %arg10[%dma_start3A_295, %add3A_283, %dma_start3A_296] : memref<2x128x32xf32, #tpu.memory_space<vmem>> -> memref<1x1x32xf32, #tpu.memory_space<vmem>>
      %dma_start3A_298 = tpu.memref_squeeze %dma_start3A_297 : memref<1x1x32xf32, #tpu.memory_space<vmem>> -> memref<1x32xf32, #tpu.memory_space<vmem>>
      %dma_start3A_299 = arith.constant 0 : i32
      %dma_start3A_300 = tpu.memref_slice %arg5[%squeeze3A_279, %dma_start3A_299] : memref<1000000x32xf32, #tpu.memory_space<hbm>> -> memref<1x32xf32, #tpu.memory_space<hbm>>
      %dma_start3A_301 = arith.constant 0 : i32
      %dma_start3A_302 = tpu.memref_slice %arg10[%dma_start3A_295, %add3A_283, %dma_start3A_301] : memref<2x128x32xf32, #tpu.memory_space<vmem>> -> memref<1x1x32xf32, #tpu.memory_space<vmem>>
      %dma_start3A_303 = tpu.memref_squeeze %dma_start3A_302 : memref<1x1x32xf32, #tpu.memory_space<vmem>> -> memref<1x32xf32, #tpu.memory_space<vmem>>
      %dma_start3A_304 = arith.constant 0 : i32
      %dma_start3A_305 = tpu.memref_slice %arg5[%squeeze3A_279, %dma_start3A_304] : memref<1000000x32xf32, #tpu.memory_space<hbm>> -> memref<1x32xf32, #tpu.memory_space<hbm>>
      tpu.enqueue_dma source(%dma_start3A_305 : memref<1x32xf32, #tpu.memory_space<hbm>>) target(%dma_start3A_303 : memref<1x32xf32, #tpu.memory_space<vmem>>) target_semaphore(%arg13 : memref<!tpu.dma_semaphore, #tpu.memory_space<semaphore_mem>>)
      %slice3A_306 = vector.extract_strided_slice %get3A_182 {offsets = [4], sizes = [1], strides = [1]} : vector<16xi32> to vector<1xi32>
      %squeeze3A_307 = vector.extract %slice3A_306[0] : i32 from vector<1xi32>
      %slice3A_308 = vector.extract_strided_slice %get3A_188 {offsets = [4], sizes = [1], strides = [1]} : vector<16xi32> to vector<1xi32>
      %squeeze3A_309 = vector.extract %slice3A_308[0] : i32 from vector<1xi32>
      %mul3A_310 = arith.constant 16 : i32
      %mul3A_311 = arith.muli %scan3A_177, %mul3A_310 : i32
      %add3A_312 = arith.constant 4 : i32
      %add3A_313 = arith.addi %mul3A_311, %add3A_312 : i32
      %dma_start3A_314 = arith.constant 1 : i32
      %dma_start3A_315 = arith.constant 0 : i32
      %dma_start3A_316 = tpu.memref_slice %arg9[%dma_start3A_314, %add3A_313, %dma_start3A_315] : memref<2x128x32xf32, #tpu.memory_space<vmem>> -> memref<1x1x32xf32, #tpu.memory_space<vmem>>
      %dma_start3A_317 = tpu.memref_squeeze %dma_start3A_316 : memref<1x1x32xf32, #tpu.memory_space<vmem>> -> memref<1x32xf32, #tpu.memory_space<vmem>>
      %dma_start3A_318 = arith.constant 0 : i32
      %dma_start3A_319 = tpu.memref_slice %arg4[%squeeze3A_307, %dma_start3A_318] : memref<1000000x32xf32, #tpu.memory_space<hbm>> -> memref<1x32xf32, #tpu.memory_space<hbm>>
      %dma_start3A_320 = arith.constant 0 : i32
      %dma_start3A_321 = tpu.memref_slice %arg9[%dma_start3A_314, %add3A_313, %dma_start3A_320] : memref<2x128x32xf32, #tpu.memory_space<vmem>> -> memref<1x1x32xf32, #tpu.memory_space<vmem>>
      %dma_start3A_322 = tpu.memref_squeeze %dma_start3A_321 : memref<1x1x32xf32, #tpu.memory_space<vmem>> -> memref<1x32xf32, #tpu.memory_space<vmem>>
      %dma_start3A_323 = arith.constant 0 : i32
      %dma_start3A_324 = tpu.memref_slice %arg4[%squeeze3A_307, %dma_start3A_323] : memref<1000000x32xf32, #tpu.memory_space<hbm>> -> memref<1x32xf32, #tpu.memory_space<hbm>>
      tpu.enqueue_dma source(%dma_start3A_324 : memref<1x32xf32, #tpu.memory_space<hbm>>) target(%dma_start3A_322 : memref<1x32xf32, #tpu.memory_space<vmem>>) target_semaphore(%arg12 : memref<!tpu.dma_semaphore, #tpu.memory_space<semaphore_mem>>)
      %dma_start3A_325 = arith.constant 1 : i32
      %dma_start3A_326 = arith.constant 0 : i32
      %dma_start3A_327 = tpu.memref_slice %arg10[%dma_start3A_325, %add3A_313, %dma_start3A_326] : memref<2x128x32xf32, #tpu.memory_space<vmem>> -> memref<1x1x32xf32, #tpu.memory_space<vmem>>
      %dma_start3A_328 = tpu.memref_squeeze %dma_start3A_327 : memref<1x1x32xf32, #tpu.memory_space<vmem>> -> memref<1x32xf32, #tpu.memory_space<vmem>>
      %dma_start3A_329 = arith.constant 0 : i32
      %dma_start3A_330 = tpu.memref_slice %arg5[%squeeze3A_309, %dma_start3A_329] : memref<1000000x32xf32, #tpu.memory_space<hbm>> -> memref<1x32xf32, #tpu.memory_space<hbm>>
      %dma_start3A_331 = arith.constant 0 : i32
      %dma_start3A_332 = tpu.memref_slice %arg10[%dma_start3A_325, %add3A_313, %dma_start3A_331] : memref<2x128x32xf32, #tpu.memory_space<vmem>> -> memref<1x1x32xf32, #tpu.memory_space<vmem>>
      %dma_start3A_333 = tpu.memref_squeeze %dma_start3A_332 : memref<1x1x32xf32, #tpu.memory_space<vmem>> -> memref<1x32xf32, #tpu.memory_space<vmem>>
      %dma_start3A_334 = arith.constant 0 : i32
      %dma_start3A_335 = tpu.memref_slice %arg5[%squeeze3A_309, %dma_start3A_334] : memref<1000000x32xf32, #tpu.memory_space<hbm>> -> memref<1x32xf32, #tpu.memory_space<hbm>>
      tpu.enqueue_dma source(%dma_start3A_335 : memref<1x32xf32, #tpu.memory_space<hbm>>) target(%dma_start3A_333 : memref<1x32xf32, #tpu.memory_space<vmem>>) target_semaphore(%arg13 : memref<!tpu.dma_semaphore, #tpu.memory_space<semaphore_mem>>)
      %slice3A_336 = vector.extract_strided_slice %get3A_182 {offsets = [5], sizes = [1], strides = [1]} : vector<16xi32> to vector<1xi32>
      %squeeze3A_337 = vector.extract %slice3A_336[0] : i32 from vector<1xi32>
      %slice3A_338 = vector.extract_strided_slice %get3A_188 {offsets = [5], sizes = [1], strides = [1]} : vector<16xi32> to vector<1xi32>
      %squeeze3A_339 = vector.extract %slice3A_338[0] : i32 from vector<1xi32>
      %mul3A_340 = arith.constant 16 : i32
      %mul3A_341 = arith.muli %scan3A_177, %mul3A_340 : i32
      %add3A_342 = arith.constant 5 : i32
      %add3A_343 = arith.addi %mul3A_341, %add3A_342 : i32
      %dma_start3A_344 = arith.constant 1 : i32
      %dma_start3A_345 = arith.constant 0 : i32
      %dma_start3A_346 = tpu.memref_slice %arg9[%dma_start3A_344, %add3A_343, %dma_start3A_345] : memref<2x128x32xf32, #tpu.memory_space<vmem>> -> memref<1x1x32xf32, #tpu.memory_space<vmem>>
      %dma_start3A_347 = tpu.memref_squeeze %dma_start3A_346 : memref<1x1x32xf32, #tpu.memory_space<vmem>> -> memref<1x32xf32, #tpu.memory_space<vmem>>
      %dma_start3A_348 = arith.constant 0 : i32
      %dma_start3A_349 = tpu.memref_slice %arg4[%squeeze3A_337, %dma_start3A_348] : memref<1000000x32xf32, #tpu.memory_space<hbm>> -> memref<1x32xf32, #tpu.memory_space<hbm>>
      %dma_start3A_350 = arith.constant 0 : i32
      %dma_start3A_351 = tpu.memref_slice %arg9[%dma_start3A_344, %add3A_343, %dma_start3A_350] : memref<2x128x32xf32, #tpu.memory_space<vmem>> -> memref<1x1x32xf32, #tpu.memory_space<vmem>>
      %dma_start3A_352 = tpu.memref_squeeze %dma_start3A_351 : memref<1x1x32xf32, #tpu.memory_space<vmem>> -> memref<1x32xf32, #tpu.memory_space<vmem>>
      %dma_start3A_353 = arith.constant 0 : i32
      %dma_start3A_354 = tpu.memref_slice %arg4[%squeeze3A_337, %dma_start3A_353] : memref<1000000x32xf32, #tpu.memory_space<hbm>> -> memref<1x32xf32, #tpu.memory_space<hbm>>
      tpu.enqueue_dma source(%dma_start3A_354 : memref<1x32xf32, #tpu.memory_space<hbm>>) target(%dma_start3A_352 : memref<1x32xf32, #tpu.memory_space<vmem>>) target_semaphore(%arg12 : memref<!tpu.dma_semaphore, #tpu.memory_space<semaphore_mem>>)
      %dma_start3A_355 = arith.constant 1 : i32
      %dma_start3A_356 = arith.constant 0 : i32
      %dma_start3A_357 = tpu.memref_slice %arg10[%dma_start3A_355, %add3A_343, %dma_start3A_356] : memref<2x128x32xf32, #tpu.memory_space<vmem>> -> memref<1x1x32xf32, #tpu.memory_space<vmem>>
      %dma_start3A_358 = tpu.memref_squeeze %dma_start3A_357 : memref<1x1x32xf32, #tpu.memory_space<vmem>> -> memref<1x32xf32, #tpu.memory_space<vmem>>
      %dma_start3A_359 = arith.constant 0 : i32
      %dma_start3A_360 = tpu.memref_slice %arg5[%squeeze3A_339, %dma_start3A_359] : memref<1000000x32xf32, #tpu.memory_space<hbm>> -> memref<1x32xf32, #tpu.memory_space<hbm>>
      %dma_start3A_361 = arith.constant 0 : i32
      %dma_start3A_362 = tpu.memref_slice %arg10[%dma_start3A_355, %add3A_343, %dma_start3A_361] : memref<2x128x32xf32, #tpu.memory_space<vmem>> -> memref<1x1x32xf32, #tpu.memory_space<vmem>>
      %dma_start3A_363 = tpu.memref_squeeze %dma_start3A_362 : memref<1x1x32xf32, #tpu.memory_space<vmem>> -> memref<1x32xf32, #tpu.memory_space<vmem>>
      %dma_start3A_364 = arith.constant 0 : i32
      %dma_start3A_365 = tpu.memref_slice %arg5[%squeeze3A_339, %dma_start3A_364] : memref<1000000x32xf32, #tpu.memory_space<hbm>> -> memref<1x32xf32, #tpu.memory_space<hbm>>
      tpu.enqueue_dma source(%dma_start3A_365 : memref<1x32xf32, #tpu.memory_space<hbm>>) target(%dma_start3A_363 : memref<1x32xf32, #tpu.memory_space<vmem>>) target_semaphore(%arg13 : memref<!tpu.dma_semaphore, #tpu.memory_space<semaphore_mem>>)
      %slice3A_366 = vector.extract_strided_slice %get3A_182 {offsets = [6], sizes = [1], strides = [1]} : vector<16xi32> to vector<1xi32>
      %squeeze3A_367 = vector.extract %slice3A_366[0] : i32 from vector<1xi32>
      %slice3A_368 = vector.extract_strided_slice %get3A_188 {offsets = [6], sizes = [1], strides = [1]} : vector<16xi32> to vector<1xi32>
      %squeeze3A_369 = vector.extract %slice3A_368[0] : i32 from vector<1xi32>
      %mul3A_370 = arith.constant 16 : i32
      %mul3A_371 = arith.muli %scan3A_177, %mul3A_370 : i32
      %add3A_372 = arith.constant 6 : i32
      %add3A_373 = arith.addi %mul3A_371, %add3A_372 : i32
      %dma_start3A_374 = arith.constant 1 : i32
      %dma_start3A_375 = arith.constant 0 : i32
      %dma_start3A_376 = tpu.memref_slice %arg9[%dma_start3A_374, %add3A_373, %dma_start3A_375] : memref<2x128x32xf32, #tpu.memory_space<vmem>> -> memref<1x1x32xf32, #tpu.memory_space<vmem>>
      %dma_start3A_377 = tpu.memref_squeeze %dma_start3A_376 : memref<1x1x32xf32, #tpu.memory_space<vmem>> -> memref<1x32xf32, #tpu.memory_space<vmem>>
      %dma_start3A_378 = arith.constant 0 : i32
      %dma_start3A_379 = tpu.memref_slice %arg4[%squeeze3A_367, %dma_start3A_378] : memref<1000000x32xf32, #tpu.memory_space<hbm>> -> memref<1x32xf32, #tpu.memory_space<hbm>>
      %dma_start3A_380 = arith.constant 0 : i32
      %dma_start3A_381 = tpu.memref_slice %arg9[%dma_start3A_374, %add3A_373, %dma_start3A_380] : memref<2x128x32xf32, #tpu.memory_space<vmem>> -> memref<1x1x32xf32, #tpu.memory_space<vmem>>
      %dma_start3A_382 = tpu.memref_squeeze %dma_start3A_381 : memref<1x1x32xf32, #tpu.memory_space<vmem>> -> memref<1x32xf32, #tpu.memory_space<vmem>>
      %dma_start3A_383 = arith.constant 0 : i32
      %dma_start3A_384 = tpu.memref_slice %arg4[%squeeze3A_367, %dma_start3A_383] : memref<1000000x32xf32, #tpu.memory_space<hbm>> -> memref<1x32xf32, #tpu.memory_space<hbm>>
      tpu.enqueue_dma source(%dma_start3A_384 : memref<1x32xf32, #tpu.memory_space<hbm>>) target(%dma_start3A_382 : memref<1x32xf32, #tpu.memory_space<vmem>>) target_semaphore(%arg12 : memref<!tpu.dma_semaphore, #tpu.memory_space<semaphore_mem>>)
      %dma_start3A_385 = arith.constant 1 : i32
      %dma_start3A_386 = arith.constant 0 : i32
      %dma_start3A_387 = tpu.memref_slice %arg10[%dma_start3A_385, %add3A_373, %dma_start3A_386] : memref<2x128x32xf32, #tpu.memory_space<vmem>> -> memref<1x1x32xf32, #tpu.memory_space<vmem>>
      %dma_start3A_388 = tpu.memref_squeeze %dma_start3A_387 : memref<1x1x32xf32, #tpu.memory_space<vmem>> -> memref<1x32xf32, #tpu.memory_space<vmem>>
      %dma_start3A_389 = arith.constant 0 : i32
      %dma_start3A_390 = tpu.memref_slice %arg5[%squeeze3A_369, %dma_start3A_389] : memref<1000000x32xf32, #tpu.memory_space<hbm>> -> memref<1x32xf32, #tpu.memory_space<hbm>>
      %dma_start3A_391 = arith.constant 0 : i32
      %dma_start3A_392 = tpu.memref_slice %arg10[%dma_start3A_385, %add3A_373, %dma_start3A_391] : memref<2x128x32xf32, #tpu.memory_space<vmem>> -> memref<1x1x32xf32, #tpu.memory_space<vmem>>
      %dma_start3A_393 = tpu.memref_squeeze %dma_start3A_392 : memref<1x1x32xf32, #tpu.memory_space<vmem>> -> memref<1x32xf32, #tpu.memory_space<vmem>>
      %dma_start3A_394 = arith.constant 0 : i32
      %dma_start3A_395 = tpu.memref_slice %arg5[%squeeze3A_369, %dma_start3A_394] : memref<1000000x32xf32, #tpu.memory_space<hbm>> -> memref<1x32xf32, #tpu.memory_space<hbm>>
      tpu.enqueue_dma source(%dma_start3A_395 : memref<1x32xf32, #tpu.memory_space<hbm>>) target(%dma_start3A_393 : memref<1x32xf32, #tpu.memory_space<vmem>>) target_semaphore(%arg13 : memref<!tpu.dma_semaphore, #tpu.memory_space<semaphore_mem>>)
      %slice3A_396 = vector.extract_strided_slice %get3A_182 {offsets = [7], sizes = [1], strides = [1]} : vector<16xi32> to vector<1xi32>
      %squeeze3A_397 = vector.extract %slice3A_396[0] : i32 from vector<1xi32>
      %slice3A_398 = vector.extract_strided_slice %get3A_188 {offsets = [7], sizes = [1], strides = [1]} : vector<16xi32> to vector<1xi32>
      %squeeze3A_399 = vector.extract %slice3A_398[0] : i32 from vector<1xi32>
      %mul3A_400 = arith.constant 16 : i32
      %mul3A_401 = arith.muli %scan3A_177, %mul3A_400 : i32
      %add3A_402 = arith.constant 7 : i32
      %add3A_403 = arith.addi %mul3A_401, %add3A_402 : i32
      %dma_start3A_404 = arith.constant 1 : i32
      %dma_start3A_405 = arith.constant 0 : i32
      %dma_start3A_406 = tpu.memref_slice %arg9[%dma_start3A_404, %add3A_403, %dma_start3A_405] : memref<2x128x32xf32, #tpu.memory_space<vmem>> -> memref<1x1x32xf32, #tpu.memory_space<vmem>>
      %dma_start3A_407 = tpu.memref_squeeze %dma_start3A_406 : memref<1x1x32xf32, #tpu.memory_space<vmem>> -> memref<1x32xf32, #tpu.memory_space<vmem>>
      %dma_start3A_408 = arith.constant 0 : i32
      %dma_start3A_409 = tpu.memref_slice %arg4[%squeeze3A_397, %dma_start3A_408] : memref<1000000x32xf32, #tpu.memory_space<hbm>> -> memref<1x32xf32, #tpu.memory_space<hbm>>
      %dma_start3A_410 = arith.constant 0 : i32
      %dma_start3A_411 = tpu.memref_slice %arg9[%dma_start3A_404, %add3A_403, %dma_start3A_410] : memref<2x128x32xf32, #tpu.memory_space<vmem>> -> memref<1x1x32xf32, #tpu.memory_space<vmem>>
      %dma_start3A_412 = tpu.memref_squeeze %dma_start3A_411 : memref<1x1x32xf32, #tpu.memory_space<vmem>> -> memref<1x32xf32, #tpu.memory_space<vmem>>
      %dma_start3A_413 = arith.constant 0 : i32
      %dma_start3A_414 = tpu.memref_slice %arg4[%squeeze3A_397, %dma_start3A_413] : memref<1000000x32xf32, #tpu.memory_space<hbm>> -> memref<1x32xf32, #tpu.memory_space<hbm>>
      tpu.enqueue_dma source(%dma_start3A_414 : memref<1x32xf32, #tpu.memory_space<hbm>>) target(%dma_start3A_412 : memref<1x32xf32, #tpu.memory_space<vmem>>) target_semaphore(%arg12 : memref<!tpu.dma_semaphore, #tpu.memory_space<semaphore_mem>>)
      %dma_start3A_415 = arith.constant 1 : i32
      %dma_start3A_416 = arith.constant 0 : i32
      %dma_start3A_417 = tpu.memref_slice %arg10[%dma_start3A_415, %add3A_403, %dma_start3A_416] : memref<2x128x32xf32, #tpu.memory_space<vmem>> -> memref<1x1x32xf32, #tpu.memory_space<vmem>>
      %dma_start3A_418 = tpu.memref_squeeze %dma_start3A_417 : memref<1x1x32xf32, #tpu.memory_space<vmem>> -> memref<1x32xf32, #tpu.memory_space<vmem>>
      %dma_start3A_419 = arith.constant 0 : i32
      %dma_start3A_420 = tpu.memref_slice %arg5[%squeeze3A_399, %dma_start3A_419] : memref<1000000x32xf32, #tpu.memory_space<hbm>> -> memref<1x32xf32, #tpu.memory_space<hbm>>
      %dma_start3A_421 = arith.constant 0 : i32
      %dma_start3A_422 = tpu.memref_slice %arg10[%dma_start3A_415, %add3A_403, %dma_start3A_421] : memref<2x128x32xf32, #tpu.memory_space<vmem>> -> memref<1x1x32xf32, #tpu.memory_space<vmem>>
      %dma_start3A_423 = tpu.memref_squeeze %dma_start3A_422 : memref<1x1x32xf32, #tpu.memory_space<vmem>> -> memref<1x32xf32, #tpu.memory_space<vmem>>
      %dma_start3A_424 = arith.constant 0 : i32
      %dma_start3A_425 = tpu.memref_slice %arg5[%squeeze3A_399, %dma_start3A_424] : memref<1000000x32xf32, #tpu.memory_space<hbm>> -> memref<1x32xf32, #tpu.memory_space<hbm>>
      tpu.enqueue_dma source(%dma_start3A_425 : memref<1x32xf32, #tpu.memory_space<hbm>>) target(%dma_start3A_423 : memref<1x32xf32, #tpu.memory_space<vmem>>) target_semaphore(%arg13 : memref<!tpu.dma_semaphore, #tpu.memory_space<semaphore_mem>>)
      %slice3A_426 = vector.extract_strided_slice %get3A_182 {offsets = [8], sizes = [1], strides = [1]} : vector<16xi32> to vector<1xi32>
      %squeeze3A_427 = vector.extract %slice3A_426[0] : i32 from vector<1xi32>
      %slice3A_428 = vector.extract_strided_slice %get3A_188 {offsets = [8], sizes = [1], strides = [1]} : vector<16xi32> to vector<1xi32>
      %squeeze3A_429 = vector.extract %slice3A_428[0] : i32 from vector<1xi32>
      %mul3A_430 = arith.constant 16 : i32
      %mul3A_431 = arith.muli %scan3A_177, %mul3A_430 : i32
      %add3A_432 = arith.constant 8 : i32
      %add3A_433 = arith.addi %mul3A_431, %add3A_432 : i32
      %dma_start3A_434 = arith.constant 1 : i32
      %dma_start3A_435 = arith.constant 0 : i32
      %dma_start3A_436 = tpu.memref_slice %arg9[%dma_start3A_434, %add3A_433, %dma_start3A_435] : memref<2x128x32xf32, #tpu.memory_space<vmem>> -> memref<1x1x32xf32, #tpu.memory_space<vmem>>
      %dma_start3A_437 = tpu.memref_squeeze %dma_start3A_436 : memref<1x1x32xf32, #tpu.memory_space<vmem>> -> memref<1x32xf32, #tpu.memory_space<vmem>>
      %dma_start3A_438 = arith.constant 0 : i32
      %dma_start3A_439 = tpu.memref_slice %arg4[%squeeze3A_427, %dma_start3A_438] : memref<1000000x32xf32, #tpu.memory_space<hbm>> -> memref<1x32xf32, #tpu.memory_space<hbm>>
      %dma_start3A_440 = arith.constant 0 : i32
      %dma_start3A_441 = tpu.memref_slice %arg9[%dma_start3A_434, %add3A_433, %dma_start3A_440] : memref<2x128x32xf32, #tpu.memory_space<vmem>> -> memref<1x1x32xf32, #tpu.memory_space<vmem>>
      %dma_start3A_442 = tpu.memref_squeeze %dma_start3A_441 : memref<1x1x32xf32, #tpu.memory_space<vmem>> -> memref<1x32xf32, #tpu.memory_space<vmem>>
      %dma_start3A_443 = arith.constant 0 : i32
      %dma_start3A_444 = tpu.memref_slice %arg4[%squeeze3A_427, %dma_start3A_443] : memref<1000000x32xf32, #tpu.memory_space<hbm>> -> memref<1x32xf32, #tpu.memory_space<hbm>>
      tpu.enqueue_dma source(%dma_start3A_444 : memref<1x32xf32, #tpu.memory_space<hbm>>) target(%dma_start3A_442 : memref<1x32xf32, #tpu.memory_space<vmem>>) target_semaphore(%arg12 : memref<!tpu.dma_semaphore, #tpu.memory_space<semaphore_mem>>)
      %dma_start3A_445 = arith.constant 1 : i32
      %dma_start3A_446 = arith.constant 0 : i32
      %dma_start3A_447 = tpu.memref_slice %arg10[%dma_start3A_445, %add3A_433, %dma_start3A_446] : memref<2x128x32xf32, #tpu.memory_space<vmem>> -> memref<1x1x32xf32, #tpu.memory_space<vmem>>
      %dma_start3A_448 = tpu.memref_squeeze %dma_start3A_447 : memref<1x1x32xf32, #tpu.memory_space<vmem>> -> memref<1x32xf32, #tpu.memory_space<vmem>>
      %dma_start3A_449 = arith.constant 0 : i32
      %dma_start3A_450 = tpu.memref_slice %arg5[%squeeze3A_429, %dma_start3A_449] : memref<1000000x32xf32, #tpu.memory_space<hbm>> -> memref<1x32xf32, #tpu.memory_space<hbm>>
      %dma_start3A_451 = arith.constant 0 : i32
      %dma_start3A_452 = tpu.memref_slice %arg10[%dma_start3A_445, %add3A_433, %dma_start3A_451] : memref<2x128x32xf32, #tpu.memory_space<vmem>> -> memref<1x1x32xf32, #tpu.memory_space<vmem>>
      %dma_start3A_453 = tpu.memref_squeeze %dma_start3A_452 : memref<1x1x32xf32, #tpu.memory_space<vmem>> -> memref<1x32xf32, #tpu.memory_space<vmem>>
      %dma_start3A_454 = arith.constant 0 : i32
      %dma_start3A_455 = tpu.memref_slice %arg5[%squeeze3A_429, %dma_start3A_454] : memref<1000000x32xf32, #tpu.memory_space<hbm>> -> memref<1x32xf32, #tpu.memory_space<hbm>>
      tpu.enqueue_dma source(%dma_start3A_455 : memref<1x32xf32, #tpu.memory_space<hbm>>) target(%dma_start3A_453 : memref<1x32xf32, #tpu.memory_space<vmem>>) target_semaphore(%arg13 : memref<!tpu.dma_semaphore, #tpu.memory_space<semaphore_mem>>)
      %slice3A_456 = vector.extract_strided_slice %get3A_182 {offsets = [9], sizes = [1], strides = [1]} : vector<16xi32> to vector<1xi32>
      %squeeze3A_457 = vector.extract %slice3A_456[0] : i32 from vector<1xi32>
      %slice3A_458 = vector.extract_strided_slice %get3A_188 {offsets = [9], sizes = [1], strides = [1]} : vector<16xi32> to vector<1xi32>
      %squeeze3A_459 = vector.extract %slice3A_458[0] : i32 from vector<1xi32>
      %mul3A_460 = arith.constant 16 : i32
      %mul3A_461 = arith.muli %scan3A_177, %mul3A_460 : i32
      %add3A_462 = arith.constant 9 : i32
      %add3A_463 = arith.addi %mul3A_461, %add3A_462 : i32
      %dma_start3A_464 = arith.constant 1 : i32
      %dma_start3A_465 = arith.constant 0 : i32
      %dma_start3A_466 = tpu.memref_slice %arg9[%dma_start3A_464, %add3A_463, %dma_start3A_465] : memref<2x128x32xf32, #tpu.memory_space<vmem>> -> memref<1x1x32xf32, #tpu.memory_space<vmem>>
      %dma_start3A_467 = tpu.memref_squeeze %dma_start3A_466 : memref<1x1x32xf32, #tpu.memory_space<vmem>> -> memref<1x32xf32, #tpu.memory_space<vmem>>
      %dma_start3A_468 = arith.constant 0 : i32
      %dma_start3A_469 = tpu.memref_slice %arg4[%squeeze3A_457, %dma_start3A_468] : memref<1000000x32xf32, #tpu.memory_space<hbm>> -> memref<1x32xf32, #tpu.memory_space<hbm>>
      %dma_start3A_470 = arith.constant 0 : i32
      %dma_start3A_471 = tpu.memref_slice %arg9[%dma_start3A_464, %add3A_463, %dma_start3A_470] : memref<2x128x32xf32, #tpu.memory_space<vmem>> -> memref<1x1x32xf32, #tpu.memory_space<vmem>>
      %dma_start3A_472 = tpu.memref_squeeze %dma_start3A_471 : memref<1x1x32xf32, #tpu.memory_space<vmem>> -> memref<1x32xf32, #tpu.memory_space<vmem>>
      %dma_start3A_473 = arith.constant 0 : i32
      %dma_start3A_474 = tpu.memref_slice %arg4[%squeeze3A_457, %dma_start3A_473] : memref<1000000x32xf32, #tpu.memory_space<hbm>> -> memref<1x32xf32, #tpu.memory_space<hbm>>
      tpu.enqueue_dma source(%dma_start3A_474 : memref<1x32xf32, #tpu.memory_space<hbm>>) target(%dma_start3A_472 : memref<1x32xf32, #tpu.memory_space<vmem>>) target_semaphore(%arg12 : memref<!tpu.dma_semaphore, #tpu.memory_space<semaphore_mem>>)
      %dma_start3A_475 = arith.constant 1 : i32
      %dma_start3A_476 = arith.constant 0 : i32
      %dma_start3A_477 = tpu.memref_slice %arg10[%dma_start3A_475, %add3A_463, %dma_start3A_476] : memref<2x128x32xf32, #tpu.memory_space<vmem>> -> memref<1x1x32xf32, #tpu.memory_space<vmem>>
      %dma_start3A_478 = tpu.memref_squeeze %dma_start3A_477 : memref<1x1x32xf32, #tpu.memory_space<vmem>> -> memref<1x32xf32, #tpu.memory_space<vmem>>
      %dma_start3A_479 = arith.constant 0 : i32
      %dma_start3A_480 = tpu.memref_slice %arg5[%squeeze3A_459, %dma_start3A_479] : memref<1000000x32xf32, #tpu.memory_space<hbm>> -> memref<1x32xf32, #tpu.memory_space<hbm>>
      %dma_start3A_481 = arith.constant 0 : i32
      %dma_start3A_482 = tpu.memref_slice %arg10[%dma_start3A_475, %add3A_463, %dma_start3A_481] : memref<2x128x32xf32, #tpu.memory_space<vmem>> -> memref<1x1x32xf32, #tpu.memory_space<vmem>>
      %dma_start3A_483 = tpu.memref_squeeze %dma_start3A_482 : memref<1x1x32xf32, #tpu.memory_space<vmem>> -> memref<1x32xf32, #tpu.memory_space<vmem>>
      %dma_start3A_484 = arith.constant 0 : i32
      %dma_start3A_485 = tpu.memref_slice %arg5[%squeeze3A_459, %dma_start3A_484] : memref<1000000x32xf32, #tpu.memory_space<hbm>> -> memref<1x32xf32, #tpu.memory_space<hbm>>
      tpu.enqueue_dma source(%dma_start3A_485 : memref<1x32xf32, #tpu.memory_space<hbm>>) target(%dma_start3A_483 : memref<1x32xf32, #tpu.memory_space<vmem>>) target_semaphore(%arg13 : memref<!tpu.dma_semaphore, #tpu.memory_space<semaphore_mem>>)
      %slice3A_486 = vector.extract_strided_slice %get3A_182 {offsets = [10], sizes = [1], strides = [1]} : vector<16xi32> to vector<1xi32>
      %squeeze3A_487 = vector.extract %slice3A_486[0] : i32 from vector<1xi32>
      %slice3A_488 = vector.extract_strided_slice %get3A_188 {offsets = [10], sizes = [1], strides = [1]} : vector<16xi32> to vector<1xi32>
      %squeeze3A_489 = vector.extract %slice3A_488[0] : i32 from vector<1xi32>
      %mul3A_490 = arith.constant 16 : i32
      %mul3A_491 = arith.muli %scan3A_177, %mul3A_490 : i32
      %add3A_492 = arith.constant 10 : i32
      %add3A_493 = arith.addi %mul3A_491, %add3A_492 : i32
      %dma_start3A_494 = arith.constant 1 : i32
      %dma_start3A_495 = arith.constant 0 : i32
      %dma_start3A_496 = tpu.memref_slice %arg9[%dma_start3A_494, %add3A_493, %dma_start3A_495] : memref<2x128x32xf32, #tpu.memory_space<vmem>> -> memref<1x1x32xf32, #tpu.memory_space<vmem>>
      %dma_start3A_497 = tpu.memref_squeeze %dma_start3A_496 : memref<1x1x32xf32, #tpu.memory_space<vmem>> -> memref<1x32xf32, #tpu.memory_space<vmem>>
      %dma_start3A_498 = arith.constant 0 : i32
      %dma_start3A_499 = tpu.memref_slice %arg4[%squeeze3A_487, %dma_start3A_498] : memref<1000000x32xf32, #tpu.memory_space<hbm>> -> memref<1x32xf32, #tpu.memory_space<hbm>>
      %dma_start3A_500 = arith.constant 0 : i32
      %dma_start3A_501 = tpu.memref_slice %arg9[%dma_start3A_494, %add3A_493, %dma_start3A_500] : memref<2x128x32xf32, #tpu.memory_space<vmem>> -> memref<1x1x32xf32, #tpu.memory_space<vmem>>
      %dma_start3A_502 = tpu.memref_squeeze %dma_start3A_501 : memref<1x1x32xf32, #tpu.memory_space<vmem>> -> memref<1x32xf32, #tpu.memory_space<vmem>>
      %dma_start3A_503 = arith.constant 0 : i32
      %dma_start3A_504 = tpu.memref_slice %arg4[%squeeze3A_487, %dma_start3A_503] : memref<1000000x32xf32, #tpu.memory_space<hbm>> -> memref<1x32xf32, #tpu.memory_space<hbm>>
      tpu.enqueue_dma source(%dma_start3A_504 : memref<1x32xf32, #tpu.memory_space<hbm>>) target(%dma_start3A_502 : memref<1x32xf32, #tpu.memory_space<vmem>>) target_semaphore(%arg12 : memref<!tpu.dma_semaphore, #tpu.memory_space<semaphore_mem>>)
      %dma_start3A_505 = arith.constant 1 : i32
      %dma_start3A_506 = arith.constant 0 : i32
      %dma_start3A_507 = tpu.memref_slice %arg10[%dma_start3A_505, %add3A_493, %dma_start3A_506] : memref<2x128x32xf32, #tpu.memory_space<vmem>> -> memref<1x1x32xf32, #tpu.memory_space<vmem>>
      %dma_start3A_508 = tpu.memref_squeeze %dma_start3A_507 : memref<1x1x32xf32, #tpu.memory_space<vmem>> -> memref<1x32xf32, #tpu.memory_space<vmem>>
      %dma_start3A_509 = arith.constant 0 : i32
      %dma_start3A_510 = tpu.memref_slice %arg5[%squeeze3A_489, %dma_start3A_509] : memref<1000000x32xf32, #tpu.memory_space<hbm>> -> memref<1x32xf32, #tpu.memory_space<hbm>>
      %dma_start3A_511 = arith.constant 0 : i32
      %dma_start3A_512 = tpu.memref_slice %arg10[%dma_start3A_505, %add3A_493, %dma_start3A_511] : memref<2x128x32xf32, #tpu.memory_space<vmem>> -> memref<1x1x32xf32, #tpu.memory_space<vmem>>
      %dma_start3A_513 = tpu.memref_squeeze %dma_start3A_512 : memref<1x1x32xf32, #tpu.memory_space<vmem>> -> memref<1x32xf32, #tpu.memory_space<vmem>>
      %dma_start3A_514 = arith.constant 0 : i32
      %dma_start3A_515 = tpu.memref_slice %arg5[%squeeze3A_489, %dma_start3A_514] : memref<1000000x32xf32, #tpu.memory_space<hbm>> -> memref<1x32xf32, #tpu.memory_space<hbm>>
      tpu.enqueue_dma source(%dma_start3A_515 : memref<1x32xf32, #tpu.memory_space<hbm>>) target(%dma_start3A_513 : memref<1x32xf32, #tpu.memory_space<vmem>>) target_semaphore(%arg13 : memref<!tpu.dma_semaphore, #tpu.memory_space<semaphore_mem>>)
      %slice3A_516 = vector.extract_strided_slice %get3A_182 {offsets = [11], sizes = [1], strides = [1]} : vector<16xi32> to vector<1xi32>
      %squeeze3A_517 = vector.extract %slice3A_516[0] : i32 from vector<1xi32>
      %slice3A_518 = vector.extract_strided_slice %get3A_188 {offsets = [11], sizes = [1], strides = [1]} : vector<16xi32> to vector<1xi32>
      %squeeze3A_519 = vector.extract %slice3A_518[0] : i32 from vector<1xi32>
      %mul3A_520 = arith.constant 16 : i32
      %mul3A_521 = arith.muli %scan3A_177, %mul3A_520 : i32
      %add3A_522 = arith.constant 11 : i32
      %add3A_523 = arith.addi %mul3A_521, %add3A_522 : i32
      %dma_start3A_524 = arith.constant 1 : i32
      %dma_start3A_525 = arith.constant 0 : i32
      %dma_start3A_526 = tpu.memref_slice %arg9[%dma_start3A_524, %add3A_523, %dma_start3A_525] : memref<2x128x32xf32, #tpu.memory_space<vmem>> -> memref<1x1x32xf32, #tpu.memory_space<vmem>>
      %dma_start3A_527 = tpu.memref_squeeze %dma_start3A_526 : memref<1x1x32xf32, #tpu.memory_space<vmem>> -> memref<1x32xf32, #tpu.memory_space<vmem>>
      %dma_start3A_528 = arith.constant 0 : i32
      %dma_start3A_529 = tpu.memref_slice %arg4[%squeeze3A_517, %dma_start3A_528] : memref<1000000x32xf32, #tpu.memory_space<hbm>> -> memref<1x32xf32, #tpu.memory_space<hbm>>
      %dma_start3A_530 = arith.constant 0 : i32
      %dma_start3A_531 = tpu.memref_slice %arg9[%dma_start3A_524, %add3A_523, %dma_start3A_530] : memref<2x128x32xf32, #tpu.memory_space<vmem>> -> memref<1x1x32xf32, #tpu.memory_space<vmem>>
      %dma_start3A_532 = tpu.memref_squeeze %dma_start3A_531 : memref<1x1x32xf32, #tpu.memory_space<vmem>> -> memref<1x32xf32, #tpu.memory_space<vmem>>
      %dma_start3A_533 = arith.constant 0 : i32
      %dma_start3A_534 = tpu.memref_slice %arg4[%squeeze3A_517, %dma_start3A_533] : memref<1000000x32xf32, #tpu.memory_space<hbm>> -> memref<1x32xf32, #tpu.memory_space<hbm>>
      tpu.enqueue_dma source(%dma_start3A_534 : memref<1x32xf32, #tpu.memory_space<hbm>>) target(%dma_start3A_532 : memref<1x32xf32, #tpu.memory_space<vmem>>) target_semaphore(%arg12 : memref<!tpu.dma_semaphore, #tpu.memory_space<semaphore_mem>>)
      %dma_start3A_535 = arith.constant 1 : i32
      %dma_start3A_536 = arith.constant 0 : i32
      %dma_start3A_537 = tpu.memref_slice %arg10[%dma_start3A_535, %add3A_523, %dma_start3A_536] : memref<2x128x32xf32, #tpu.memory_space<vmem>> -> memref<1x1x32xf32, #tpu.memory_space<vmem>>
      %dma_start3A_538 = tpu.memref_squeeze %dma_start3A_537 : memref<1x1x32xf32, #tpu.memory_space<vmem>> -> memref<1x32xf32, #tpu.memory_space<vmem>>
      %dma_start3A_539 = arith.constant 0 : i32
      %dma_start3A_540 = tpu.memref_slice %arg5[%squeeze3A_519, %dma_start3A_539] : memref<1000000x32xf32, #tpu.memory_space<hbm>> -> memref<1x32xf32, #tpu.memory_space<hbm>>
      %dma_start3A_541 = arith.constant 0 : i32
      %dma_start3A_542 = tpu.memref_slice %arg10[%dma_start3A_535, %add3A_523, %dma_start3A_541] : memref<2x128x32xf32, #tpu.memory_space<vmem>> -> memref<1x1x32xf32, #tpu.memory_space<vmem>>
      %dma_start3A_543 = tpu.memref_squeeze %dma_start3A_542 : memref<1x1x32xf32, #tpu.memory_space<vmem>> -> memref<1x32xf32, #tpu.memory_space<vmem>>
      %dma_start3A_544 = arith.constant 0 : i32
      %dma_start3A_545 = tpu.memref_slice %arg5[%squeeze3A_519, %dma_start3A_544] : memref<1000000x32xf32, #tpu.memory_space<hbm>> -> memref<1x32xf32, #tpu.memory_space<hbm>>
      tpu.enqueue_dma source(%dma_start3A_545 : memref<1x32xf32, #tpu.memory_space<hbm>>) target(%dma_start3A_543 : memref<1x32xf32, #tpu.memory_space<vmem>>) target_semaphore(%arg13 : memref<!tpu.dma_semaphore, #tpu.memory_space<semaphore_mem>>)
      %slice3A_546 = vector.extract_strided_slice %get3A_182 {offsets = [12], sizes = [1], strides = [1]} : vector<16xi32> to vector<1xi32>
      %squeeze3A_547 = vector.extract %slice3A_546[0] : i32 from vector<1xi32>
      %slice3A_548 = vector.extract_strided_slice %get3A_188 {offsets = [12], sizes = [1], strides = [1]} : vector<16xi32> to vector<1xi32>
      %squeeze3A_549 = vector.extract %slice3A_548[0] : i32 from vector<1xi32>
      %mul3A_550 = arith.constant 16 : i32
      %mul3A_551 = arith.muli %scan3A_177, %mul3A_550 : i32
      %add3A_552 = arith.constant 12 : i32
      %add3A_553 = arith.addi %mul3A_551, %add3A_552 : i32
      %dma_start3A_554 = arith.constant 1 : i32
      %dma_start3A_555 = arith.constant 0 : i32
      %dma_start3A_556 = tpu.memref_slice %arg9[%dma_start3A_554, %add3A_553, %dma_start3A_555] : memref<2x128x32xf32, #tpu.memory_space<vmem>> -> memref<1x1x32xf32, #tpu.memory_space<vmem>>
      %dma_start3A_557 = tpu.memref_squeeze %dma_start3A_556 : memref<1x1x32xf32, #tpu.memory_space<vmem>> -> memref<1x32xf32, #tpu.memory_space<vmem>>
      %dma_start3A_558 = arith.constant 0 : i32
      %dma_start3A_559 = tpu.memref_slice %arg4[%squeeze3A_547, %dma_start3A_558] : memref<1000000x32xf32, #tpu.memory_space<hbm>> -> memref<1x32xf32, #tpu.memory_space<hbm>>
      %dma_start3A_560 = arith.constant 0 : i32
      %dma_start3A_561 = tpu.memref_slice %arg9[%dma_start3A_554, %add3A_553, %dma_start3A_560] : memref<2x128x32xf32, #tpu.memory_space<vmem>> -> memref<1x1x32xf32, #tpu.memory_space<vmem>>
      %dma_start3A_562 = tpu.memref_squeeze %dma_start3A_561 : memref<1x1x32xf32, #tpu.memory_space<vmem>> -> memref<1x32xf32, #tpu.memory_space<vmem>>
      %dma_start3A_563 = arith.constant 0 : i32
      %dma_start3A_564 = tpu.memref_slice %arg4[%squeeze3A_547, %dma_start3A_563] : memref<1000000x32xf32, #tpu.memory_space<hbm>> -> memref<1x32xf32, #tpu.memory_space<hbm>>
      tpu.enqueue_dma source(%dma_start3A_564 : memref<1x32xf32, #tpu.memory_space<hbm>>) target(%dma_start3A_562 : memref<1x32xf32, #tpu.memory_space<vmem>>) target_semaphore(%arg12 : memref<!tpu.dma_semaphore, #tpu.memory_space<semaphore_mem>>)
      %dma_start3A_565 = arith.constant 1 : i32
      %dma_start3A_566 = arith.constant 0 : i32
      %dma_start3A_567 = tpu.memref_slice %arg10[%dma_start3A_565, %add3A_553, %dma_start3A_566] : memref<2x128x32xf32, #tpu.memory_space<vmem>> -> memref<1x1x32xf32, #tpu.memory_space<vmem>>
      %dma_start3A_568 = tpu.memref_squeeze %dma_start3A_567 : memref<1x1x32xf32, #tpu.memory_space<vmem>> -> memref<1x32xf32, #tpu.memory_space<vmem>>
      %dma_start3A_569 = arith.constant 0 : i32
      %dma_start3A_570 = tpu.memref_slice %arg5[%squeeze3A_549, %dma_start3A_569] : memref<1000000x32xf32, #tpu.memory_space<hbm>> -> memref<1x32xf32, #tpu.memory_space<hbm>>
      %dma_start3A_571 = arith.constant 0 : i32
      %dma_start3A_572 = tpu.memref_slice %arg10[%dma_start3A_565, %add3A_553, %dma_start3A_571] : memref<2x128x32xf32, #tpu.memory_space<vmem>> -> memref<1x1x32xf32, #tpu.memory_space<vmem>>
      %dma_start3A_573 = tpu.memref_squeeze %dma_start3A_572 : memref<1x1x32xf32, #tpu.memory_space<vmem>> -> memref<1x32xf32, #tpu.memory_space<vmem>>
      %dma_start3A_574 = arith.constant 0 : i32
      %dma_start3A_575 = tpu.memref_slice %arg5[%squeeze3A_549, %dma_start3A_574] : memref<1000000x32xf32, #tpu.memory_space<hbm>> -> memref<1x32xf32, #tpu.memory_space<hbm>>
      tpu.enqueue_dma source(%dma_start3A_575 : memref<1x32xf32, #tpu.memory_space<hbm>>) target(%dma_start3A_573 : memref<1x32xf32, #tpu.memory_space<vmem>>) target_semaphore(%arg13 : memref<!tpu.dma_semaphore, #tpu.memory_space<semaphore_mem>>)
      %slice3A_576 = vector.extract_strided_slice %get3A_182 {offsets = [13], sizes = [1], strides = [1]} : vector<16xi32> to vector<1xi32>
      %squeeze3A_577 = vector.extract %slice3A_576[0] : i32 from vector<1xi32>
      %slice3A_578 = vector.extract_strided_slice %get3A_188 {offsets = [13], sizes = [1], strides = [1]} : vector<16xi32> to vector<1xi32>
      %squeeze3A_579 = vector.extract %slice3A_578[0] : i32 from vector<1xi32>
      %mul3A_580 = arith.constant 16 : i32
      %mul3A_581 = arith.muli %scan3A_177, %mul3A_580 : i32
      %add3A_582 = arith.constant 13 : i32
      %add3A_583 = arith.addi %mul3A_581, %add3A_582 : i32
      %dma_start3A_584 = arith.constant 1 : i32
      %dma_start3A_585 = arith.constant 0 : i32
      %dma_start3A_586 = tpu.memref_slice %arg9[%dma_start3A_584, %add3A_583, %dma_start3A_585] : memref<2x128x32xf32, #tpu.memory_space<vmem>> -> memref<1x1x32xf32, #tpu.memory_space<vmem>>
      %dma_start3A_587 = tpu.memref_squeeze %dma_start3A_586 : memref<1x1x32xf32, #tpu.memory_space<vmem>> -> memref<1x32xf32, #tpu.memory_space<vmem>>
      %dma_start3A_588 = arith.constant 0 : i32
      %dma_start3A_589 = tpu.memref_slice %arg4[%squeeze3A_577, %dma_start3A_588] : memref<1000000x32xf32, #tpu.memory_space<hbm>> -> memref<1x32xf32, #tpu.memory_space<hbm>>
      %dma_start3A_590 = arith.constant 0 : i32
      %dma_start3A_591 = tpu.memref_slice %arg9[%dma_start3A_584, %add3A_583, %dma_start3A_590] : memref<2x128x32xf32, #tpu.memory_space<vmem>> -> memref<1x1x32xf32, #tpu.memory_space<vmem>>
      %dma_start3A_592 = tpu.memref_squeeze %dma_start3A_591 : memref<1x1x32xf32, #tpu.memory_space<vmem>> -> memref<1x32xf32, #tpu.memory_space<vmem>>
      %dma_start3A_593 = arith.constant 0 : i32
      %dma_start3A_594 = tpu.memref_slice %arg4[%squeeze3A_577, %dma_start3A_593] : memref<1000000x32xf32, #tpu.memory_space<hbm>> -> memref<1x32xf32, #tpu.memory_space<hbm>>
      tpu.enqueue_dma source(%dma_start3A_594 : memref<1x32xf32, #tpu.memory_space<hbm>>) target(%dma_start3A_592 : memref<1x32xf32, #tpu.memory_space<vmem>>) target_semaphore(%arg12 : memref<!tpu.dma_semaphore, #tpu.memory_space<semaphore_mem>>)
      %dma_start3A_595 = arith.constant 1 : i32
      %dma_start3A_596 = arith.constant 0 : i32
      %dma_start3A_597 = tpu.memref_slice %arg10[%dma_start3A_595, %add3A_583, %dma_start3A_596] : memref<2x128x32xf32, #tpu.memory_space<vmem>> -> memref<1x1x32xf32, #tpu.memory_space<vmem>>
      %dma_start3A_598 = tpu.memref_squeeze %dma_start3A_597 : memref<1x1x32xf32, #tpu.memory_space<vmem>> -> memref<1x32xf32, #tpu.memory_space<vmem>>
      %dma_start3A_599 = arith.constant 0 : i32
      %dma_start3A_600 = tpu.memref_slice %arg5[%squeeze3A_579, %dma_start3A_599] : memref<1000000x32xf32, #tpu.memory_space<hbm>> -> memref<1x32xf32, #tpu.memory_space<hbm>>
      %dma_start3A_601 = arith.constant 0 : i32
      %dma_start3A_602 = tpu.memref_slice %arg10[%dma_start3A_595, %add3A_583, %dma_start3A_601] : memref<2x128x32xf32, #tpu.memory_space<vmem>> -> memref<1x1x32xf32, #tpu.memory_space<vmem>>
      %dma_start3A_603 = tpu.memref_squeeze %dma_start3A_602 : memref<1x1x32xf32, #tpu.memory_space<vmem>> -> memref<1x32xf32, #tpu.memory_space<vmem>>
      %dma_start3A_604 = arith.constant 0 : i32
      %dma_start3A_605 = tpu.memref_slice %arg5[%squeeze3A_579, %dma_start3A_604] : memref<1000000x32xf32, #tpu.memory_space<hbm>> -> memref<1x32xf32, #tpu.memory_space<hbm>>
      tpu.enqueue_dma source(%dma_start3A_605 : memref<1x32xf32, #tpu.memory_space<hbm>>) target(%dma_start3A_603 : memref<1x32xf32, #tpu.memory_space<vmem>>) target_semaphore(%arg13 : memref<!tpu.dma_semaphore, #tpu.memory_space<semaphore_mem>>)
      %slice3A_606 = vector.extract_strided_slice %get3A_182 {offsets = [14], sizes = [1], strides = [1]} : vector<16xi32> to vector<1xi32>
      %squeeze3A_607 = vector.extract %slice3A_606[0] : i32 from vector<1xi32>
      %slice3A_608 = vector.extract_strided_slice %get3A_188 {offsets = [14], sizes = [1], strides = [1]} : vector<16xi32> to vector<1xi32>
      %squeeze3A_609 = vector.extract %slice3A_608[0] : i32 from vector<1xi32>
      %mul3A_610 = arith.constant 16 : i32
      %mul3A_611 = arith.muli %scan3A_177, %mul3A_610 : i32
      %add3A_612 = arith.constant 14 : i32
      %add3A_613 = arith.addi %mul3A_611, %add3A_612 : i32
      %dma_start3A_614 = arith.constant 1 : i32
      %dma_start3A_615 = arith.constant 0 : i32
      %dma_start3A_616 = tpu.memref_slice %arg9[%dma_start3A_614, %add3A_613, %dma_start3A_615] : memref<2x128x32xf32, #tpu.memory_space<vmem>> -> memref<1x1x32xf32, #tpu.memory_space<vmem>>
      %dma_start3A_617 = tpu.memref_squeeze %dma_start3A_616 : memref<1x1x32xf32, #tpu.memory_space<vmem>> -> memref<1x32xf32, #tpu.memory_space<vmem>>
      %dma_start3A_618 = arith.constant 0 : i32
      %dma_start3A_619 = tpu.memref_slice %arg4[%squeeze3A_607, %dma_start3A_618] : memref<1000000x32xf32, #tpu.memory_space<hbm>> -> memref<1x32xf32, #tpu.memory_space<hbm>>
      %dma_start3A_620 = arith.constant 0 : i32
      %dma_start3A_621 = tpu.memref_slice %arg9[%dma_start3A_614, %add3A_613, %dma_start3A_620] : memref<2x128x32xf32, #tpu.memory_space<vmem>> -> memref<1x1x32xf32, #tpu.memory_space<vmem>>
      %dma_start3A_622 = tpu.memref_squeeze %dma_start3A_621 : memref<1x1x32xf32, #tpu.memory_space<vmem>> -> memref<1x32xf32, #tpu.memory_space<vmem>>
      %dma_start3A_623 = arith.constant 0 : i32
      %dma_start3A_624 = tpu.memref_slice %arg4[%squeeze3A_607, %dma_start3A_623] : memref<1000000x32xf32, #tpu.memory_space<hbm>> -> memref<1x32xf32, #tpu.memory_space<hbm>>
      tpu.enqueue_dma source(%dma_start3A_624 : memref<1x32xf32, #tpu.memory_space<hbm>>) target(%dma_start3A_622 : memref<1x32xf32, #tpu.memory_space<vmem>>) target_semaphore(%arg12 : memref<!tpu.dma_semaphore, #tpu.memory_space<semaphore_mem>>)
      %dma_start3A_625 = arith.constant 1 : i32
      %dma_start3A_626 = arith.constant 0 : i32
      %dma_start3A_627 = tpu.memref_slice %arg10[%dma_start3A_625, %add3A_613, %dma_start3A_626] : memref<2x128x32xf32, #tpu.memory_space<vmem>> -> memref<1x1x32xf32, #tpu.memory_space<vmem>>
      %dma_start3A_628 = tpu.memref_squeeze %dma_start3A_627 : memref<1x1x32xf32, #tpu.memory_space<vmem>> -> memref<1x32xf32, #tpu.memory_space<vmem>>
      %dma_start3A_629 = arith.constant 0 : i32
      %dma_start3A_630 = tpu.memref_slice %arg5[%squeeze3A_609, %dma_start3A_629] : memref<1000000x32xf32, #tpu.memory_space<hbm>> -> memref<1x32xf32, #tpu.memory_space<hbm>>
      %dma_start3A_631 = arith.constant 0 : i32
      %dma_start3A_632 = tpu.memref_slice %arg10[%dma_start3A_625, %add3A_613, %dma_start3A_631] : memref<2x128x32xf32, #tpu.memory_space<vmem>> -> memref<1x1x32xf32, #tpu.memory_space<vmem>>
      %dma_start3A_633 = tpu.memref_squeeze %dma_start3A_632 : memref<1x1x32xf32, #tpu.memory_space<vmem>> -> memref<1x32xf32, #tpu.memory_space<vmem>>
      %dma_start3A_634 = arith.constant 0 : i32
      %dma_start3A_635 = tpu.memref_slice %arg5[%squeeze3A_609, %dma_start3A_634] : memref<1000000x32xf32, #tpu.memory_space<hbm>> -> memref<1x32xf32, #tpu.memory_space<hbm>>
      tpu.enqueue_dma source(%dma_start3A_635 : memref<1x32xf32, #tpu.memory_space<hbm>>) target(%dma_start3A_633 : memref<1x32xf32, #tpu.memory_space<vmem>>) target_semaphore(%arg13 : memref<!tpu.dma_semaphore, #tpu.memory_space<semaphore_mem>>)
      %slice3A_636 = vector.extract_strided_slice %get3A_182 {offsets = [15], sizes = [1], strides = [1]} : vector<16xi32> to vector<1xi32>
      %squeeze3A_637 = vector.extract %slice3A_636[0] : i32 from vector<1xi32>
      %slice3A_638 = vector.extract_strided_slice %get3A_188 {offsets = [15], sizes = [1], strides = [1]} : vector<16xi32> to vector<1xi32>
      %squeeze3A_639 = vector.extract %slice3A_638[0] : i32 from vector<1xi32>
      %mul3A_640 = arith.constant 16 : i32
      %mul3A_641 = arith.muli %scan3A_177, %mul3A_640 : i32
      %add3A_642 = arith.constant 15 : i32
      %add3A_643 = arith.addi %mul3A_641, %add3A_642 : i32
      %dma_start3A_644 = arith.constant 1 : i32
      %dma_start3A_645 = arith.constant 0 : i32
      %dma_start3A_646 = tpu.memref_slice %arg9[%dma_start3A_644, %add3A_643, %dma_start3A_645] : memref<2x128x32xf32, #tpu.memory_space<vmem>> -> memref<1x1x32xf32, #tpu.memory_space<vmem>>
      %dma_start3A_647 = tpu.memref_squeeze %dma_start3A_646 : memref<1x1x32xf32, #tpu.memory_space<vmem>> -> memref<1x32xf32, #tpu.memory_space<vmem>>
      %dma_start3A_648 = arith.constant 0 : i32
      %dma_start3A_649 = tpu.memref_slice %arg4[%squeeze3A_637, %dma_start3A_648] : memref<1000000x32xf32, #tpu.memory_space<hbm>> -> memref<1x32xf32, #tpu.memory_space<hbm>>
      %dma_start3A_650 = arith.constant 0 : i32
      %dma_start3A_651 = tpu.memref_slice %arg9[%dma_start3A_644, %add3A_643, %dma_start3A_650] : memref<2x128x32xf32, #tpu.memory_space<vmem>> -> memref<1x1x32xf32, #tpu.memory_space<vmem>>
      %dma_start3A_652 = tpu.memref_squeeze %dma_start3A_651 : memref<1x1x32xf32, #tpu.memory_space<vmem>> -> memref<1x32xf32, #tpu.memory_space<vmem>>
      %dma_start3A_653 = arith.constant 0 : i32
      %dma_start3A_654 = tpu.memref_slice %arg4[%squeeze3A_637, %dma_start3A_653] : memref<1000000x32xf32, #tpu.memory_space<hbm>> -> memref<1x32xf32, #tpu.memory_space<hbm>>
      tpu.enqueue_dma source(%dma_start3A_654 : memref<1x32xf32, #tpu.memory_space<hbm>>) target(%dma_start3A_652 : memref<1x32xf32, #tpu.memory_space<vmem>>) target_semaphore(%arg12 : memref<!tpu.dma_semaphore, #tpu.memory_space<semaphore_mem>>)
      %dma_start3A_655 = arith.constant 1 : i32
      %dma_start3A_656 = arith.constant 0 : i32
      %dma_start3A_657 = tpu.memref_slice %arg10[%dma_start3A_655, %add3A_643, %dma_start3A_656] : memref<2x128x32xf32, #tpu.memory_space<vmem>> -> memref<1x1x32xf32, #tpu.memory_space<vmem>>
      %dma_start3A_658 = tpu.memref_squeeze %dma_start3A_657 : memref<1x1x32xf32, #tpu.memory_space<vmem>> -> memref<1x32xf32, #tpu.memory_space<vmem>>
      %dma_start3A_659 = arith.constant 0 : i32
      %dma_start3A_660 = tpu.memref_slice %arg5[%squeeze3A_639, %dma_start3A_659] : memref<1000000x32xf32, #tpu.memory_space<hbm>> -> memref<1x32xf32, #tpu.memory_space<hbm>>
      %dma_start3A_661 = arith.constant 0 : i32
      %dma_start3A_662 = tpu.memref_slice %arg10[%dma_start3A_655, %add3A_643, %dma_start3A_661] : memref<2x128x32xf32, #tpu.memory_space<vmem>> -> memref<1x1x32xf32, #tpu.memory_space<vmem>>
      %dma_start3A_663 = tpu.memref_squeeze %dma_start3A_662 : memref<1x1x32xf32, #tpu.memory_space<vmem>> -> memref<1x32xf32, #tpu.memory_space<vmem>>
      %dma_start3A_664 = arith.constant 0 : i32
      %dma_start3A_665 = tpu.memref_slice %arg5[%squeeze3A_639, %dma_start3A_664] : memref<1000000x32xf32, #tpu.memory_space<hbm>> -> memref<1x32xf32, #tpu.memory_space<hbm>>
      tpu.enqueue_dma source(%dma_start3A_665 : memref<1x32xf32, #tpu.memory_space<hbm>>) target(%dma_start3A_663 : memref<1x32xf32, #tpu.memory_space<vmem>>) target_semaphore(%arg13 : memref<!tpu.dma_semaphore, #tpu.memory_space<semaphore_mem>>)
    }
    %scan3A_44 = arith.constant 8 : i32
    %scan3A_45 = arith.constant 0 : i32
    %scan3A_46 = arith.constant 0 : i32
    %scan3A_47 = arith.constant 128 : i32
    %scan3A_48 = arith.addi %scan3A_46, %scan3A_47 : i32
    %scan3A_49 = arith.constant 4 : i32
    scf.for %scan3A_177 = %scan3A_46 to %scan3A_48 step %scan3A_49  : i32 {
      %get3A = arith.constant 0 : i32
      %get3A_178 = arith.index_cast %get3A : i32 to index
      %get3A_179 = arith.index_cast %scan3A_177 : i32 to index
      %get3A_180 = arith.constant 0 : index
      %get3A_181 = tpu.vector_load %arg9[%get3A_178, %get3A_179, %get3A_180] {strides = array<i32>} : memref<2x128x32xf32, #tpu.memory_space<vmem>>, vector<16xf32>,
      %get3A_182 = arith.constant 0 : i32
      %get3A_183 = arith.index_cast %get3A_182 : i32 to index
      %get3A_184 = arith.index_cast %scan3A_177 : i32 to index
      %get3A_185 = arith.constant 16 : index
      %get3A_186 = tpu.vector_load %arg9[%get3A_183, %get3A_184, %get3A_185] {strides = array<i32>} : memref<2x128x32xf32, #tpu.memory_space<vmem>>, vector<16xf32>,
      %get3A_187 = arith.constant 0 : i32
      %get3A_188 = arith.index_cast %get3A_187 : i32 to index
      %get3A_189 = arith.index_cast %scan3A_177 : i32 to index
      %get3A_190 = arith.constant 0 : index
      %get3A_191 = tpu.vector_load %arg10[%get3A_188, %get3A_189, %get3A_190] {strides = array<i32>} : memref<2x128x32xf32, #tpu.memory_space<vmem>>, vector<16xf32>,
      %get3A_192 = arith.constant 0 : i32
      %get3A_193 = arith.index_cast %get3A_192 : i32 to index
      %get3A_194 = arith.index_cast %scan3A_177 : i32 to index
      %get3A_195 = arith.constant 16 : index
      %get3A_196 = tpu.vector_load %arg10[%get3A_193, %get3A_194, %get3A_195] {strides = array<i32>} : memref<2x128x32xf32, #tpu.memory_space<vmem>>, vector<16xf32>,
      %mul3A_197 = arith.mulf %get3A_181, %get3A_191 : vector<16xf32>
      %mul3A_198 = arith.mulf %get3A_186, %get3A_196 : vector<16xf32>
      %add3A_199 = arith.addf %mul3A_197, %mul3A_198 : vector<16xf32>
      %broadcast_in_dim3A = arith.constant true
      %broadcast_in_dim3A_200 = vector.broadcast %broadcast_in_dim3A : i1 to vector<16xi1>
      %masked_cumsum3A = tpu.scan <sum>, %add3A_199 masked %broadcast_in_dim3A_200 : vector<16xf32>, vector<16xi1> -> vector<16xf32>
      %add3A_201 = arith.constant 0 : i32
      %add3A_202 = arith.addi %add3A_201, %scan3A_177 : i32
      %swap3A = arith.index_cast %add3A_202 : i32 to index
      %swap3A_203 = tpu.vector_load %arg11[%swap3A] masked %eq3A_4 {strides = array<i32>} : memref<528xf32, #tpu.memory_space<vmem>>, vector<16xf32>, vector<16xi1>
      tpu.vector_store %arg11[%swap3A], %masked_cumsum3A masked %eq3A_4 {strides = array<i32>} : memref<528xf32, #tpu.memory_space<vmem>>, vector<16xf32>, vector<16xi1>
      %scan3A_204 = arith.constant 1 : i32
      %scan3A_205 = arith.addi %scan3A_177, %scan3A_204 : i32
      %get3A_206 = arith.constant 0 : i32
      %get3A_207 = arith.index_cast %get3A_206 : i32 to index
      %get3A_208 = arith.index_cast %scan3A_205 : i32 to index
      %get3A_209 = arith.constant 0 : index
      %get3A_210 = tpu.vector_load %arg9[%get3A_207, %get3A_208, %get3A_209] {strides = array<i32>} : memref<2x128x32xf32, #tpu.memory_space<vmem>>, vector<16xf32>,
      %get3A_211 = arith.constant 0 : i32
      %get3A_212 = arith.index_cast %get3A_211 : i32 to index
      %get3A_213 = arith.index_cast %scan3A_205 : i32 to index
      %get3A_214 = arith.constant 16 : index
      %get3A_215 = tpu.vector_load %arg9[%get3A_212, %get3A_213, %get3A_214] {strides = array<i32>} : memref<2x128x32xf32, #tpu.memory_space<vmem>>, vector<16xf32>,
      %get3A_216 = arith.constant 0 : i32
      %get3A_217 = arith.index_cast %get3A_216 : i32 to index
      %get3A_218 = arith.index_cast %scan3A_205 : i32 to index
      %get3A_219 = arith.constant 0 : index
      %get3A_220 = tpu.vector_load %arg10[%get3A_217, %get3A_218, %get3A_219] {strides = array<i32>} : memref<2x128x32xf32, #tpu.memory_space<vmem>>, vector<16xf32>,
      %get3A_221 = arith.constant 0 : i32
      %get3A_222 = arith.index_cast %get3A_221 : i32 to index
      %get3A_223 = arith.index_cast %scan3A_205 : i32 to index
      %get3A_224 = arith.constant 16 : index
      %get3A_225 = tpu.vector_load %arg10[%get3A_222, %get3A_223, %get3A_224] {strides = array<i32>} : memref<2x128x32xf32, #tpu.memory_space<vmem>>, vector<16xf32>,
      %mul3A_226 = arith.mulf %get3A_210, %get3A_220 : vector<16xf32>
      %mul3A_227 = arith.mulf %get3A_215, %get3A_225 : vector<16xf32>
      %add3A_228 = arith.addf %mul3A_226, %mul3A_227 : vector<16xf32>
      %broadcast_in_dim3A_229 = arith.constant true
      %broadcast_in_dim3A_230 = vector.broadcast %broadcast_in_dim3A_229 : i1 to vector<16xi1>
      %masked_cumsum3A_231 = tpu.scan <sum>, %add3A_228 masked %broadcast_in_dim3A_230 : vector<16xf32>, vector<16xi1> -> vector<16xf32>
      %add3A_232 = arith.constant 0 : i32
      %add3A_233 = arith.addi %add3A_232, %scan3A_205 : i32
      %swap3A_234 = arith.index_cast %add3A_233 : i32 to index
      %swap3A_235 = tpu.vector_load %arg11[%swap3A_234] masked %eq3A_4 {strides = array<i32>} : memref<528xf32, #tpu.memory_space<vmem>>, vector<16xf32>, vector<16xi1>
      tpu.vector_store %arg11[%swap3A_234], %masked_cumsum3A_231 masked %eq3A_4 {strides = array<i32>} : memref<528xf32, #tpu.memory_space<vmem>>, vector<16xf32>, vector<16xi1>
      %scan3A_236 = arith.constant 2 : i32
      %scan3A_237 = arith.addi %scan3A_177, %scan3A_236 : i32
      %get3A_238 = arith.constant 0 : i32
      %get3A_239 = arith.index_cast %get3A_238 : i32 to index
      %get3A_240 = arith.index_cast %scan3A_237 : i32 to index
      %get3A_241 = arith.constant 0 : index
      %get3A_242 = tpu.vector_load %arg9[%get3A_239, %get3A_240, %get3A_241] {strides = array<i32>} : memref<2x128x32xf32, #tpu.memory_space<vmem>>, vector<16xf32>,
      %get3A_243 = arith.constant 0 : i32
      %get3A_244 = arith.index_cast %get3A_243 : i32 to index
      %get3A_245 = arith.index_cast %scan3A_237 : i32 to index
      %get3A_246 = arith.constant 16 : index
      %get3A_247 = tpu.vector_load %arg9[%get3A_244, %get3A_245, %get3A_246] {strides = array<i32>} : memref<2x128x32xf32, #tpu.memory_space<vmem>>, vector<16xf32>,
      %get3A_248 = arith.constant 0 : i32
      %get3A_249 = arith.index_cast %get3A_248 : i32 to index
      %get3A_250 = arith.index_cast %scan3A_237 : i32 to index
      %get3A_251 = arith.constant 0 : index
      %get3A_252 = tpu.vector_load %arg10[%get3A_249, %get3A_250, %get3A_251] {strides = array<i32>} : memref<2x128x32xf32, #tpu.memory_space<vmem>>, vector<16xf32>,
      %get3A_253 = arith.constant 0 : i32
      %get3A_254 = arith.index_cast %get3A_253 : i32 to index
      %get3A_255 = arith.index_cast %scan3A_237 : i32 to index
      %get3A_256 = arith.constant 16 : index
      %get3A_257 = tpu.vector_load %arg10[%get3A_254, %get3A_255, %get3A_256] {strides = array<i32>} : memref<2x128x32xf32, #tpu.memory_space<vmem>>, vector<16xf32>,
      %mul3A_258 = arith.mulf %get3A_242, %get3A_252 : vector<16xf32>
      %mul3A_259 = arith.mulf %get3A_247, %get3A_257 : vector<16xf32>
      %add3A_260 = arith.addf %mul3A_258, %mul3A_259 : vector<16xf32>
      %broadcast_in_dim3A_261 = arith.constant true
      %broadcast_in_dim3A_262 = vector.broadcast %broadcast_in_dim3A_261 : i1 to vector<16xi1>
      %masked_cumsum3A_263 = tpu.scan <sum>, %add3A_260 masked %broadcast_in_dim3A_262 : vector<16xf32>, vector<16xi1> -> vector<16xf32>
      %add3A_264 = arith.constant 0 : i32
      %add3A_265 = arith.addi %add3A_264, %scan3A_237 : i32
      %swap3A_266 = arith.index_cast %add3A_265 : i32 to index
      %swap3A_267 = tpu.vector_load %arg11[%swap3A_266] masked %eq3A_4 {strides = array<i32>} : memref<528xf32, #tpu.memory_space<vmem>>, vector<16xf32>, vector<16xi1>
      tpu.vector_store %arg11[%swap3A_266], %masked_cumsum3A_263 masked %eq3A_4 {strides = array<i32>} : memref<528xf32, #tpu.memory_space<vmem>>, vector<16xf32>, vector<16xi1>
      %scan3A_268 = arith.constant 3 : i32
      %scan3A_269 = arith.addi %scan3A_177, %scan3A_268 : i32
      %get3A_270 = arith.constant 0 : i32
      %get3A_271 = arith.index_cast %get3A_270 : i32 to index
      %get3A_272 = arith.index_cast %scan3A_269 : i32 to index
      %get3A_273 = arith.constant 0 : index
      %get3A_274 = tpu.vector_load %arg9[%get3A_271, %get3A_272, %get3A_273] {strides = array<i32>} : memref<2x128x32xf32, #tpu.memory_space<vmem>>, vector<16xf32>,
      %get3A_275 = arith.constant 0 : i32
      %get3A_276 = arith.index_cast %get3A_275 : i32 to index
      %get3A_277 = arith.index_cast %scan3A_269 : i32 to index
      %get3A_278 = arith.constant 16 : index
      %get3A_279 = tpu.vector_load %arg9[%get3A_276, %get3A_277, %get3A_278] {strides = array<i32>} : memref<2x128x32xf32, #tpu.memory_space<vmem>>, vector<16xf32>,
      %get3A_280 = arith.constant 0 : i32
      %get3A_281 = arith.index_cast %get3A_280 : i32 to index
      %get3A_282 = arith.index_cast %scan3A_269 : i32 to index
      %get3A_283 = arith.constant 0 : index
      %get3A_284 = tpu.vector_load %arg10[%get3A_281, %get3A_282, %get3A_283] {strides = array<i32>} : memref<2x128x32xf32, #tpu.memory_space<vmem>>, vector<16xf32>,
      %get3A_285 = arith.constant 0 : i32
      %get3A_286 = arith.index_cast %get3A_285 : i32 to index
      %get3A_287 = arith.index_cast %scan3A_269 : i32 to index
      %get3A_288 = arith.constant 16 : index
      %get3A_289 = tpu.vector_load %arg10[%get3A_286, %get3A_287, %get3A_288] {strides = array<i32>} : memref<2x128x32xf32, #tpu.memory_space<vmem>>, vector<16xf32>,
      %mul3A_290 = arith.mulf %get3A_274, %get3A_284 : vector<16xf32>
      %mul3A_291 = arith.mulf %get3A_279, %get3A_289 : vector<16xf32>
      %add3A_292 = arith.addf %mul3A_290, %mul3A_291 : vector<16xf32>
      %broadcast_in_dim3A_293 = arith.constant true
      %broadcast_in_dim3A_294 = vector.broadcast %broadcast_in_dim3A_293 : i1 to vector<16xi1>
      %masked_cumsum3A_295 = tpu.scan <sum>, %add3A_292 masked %broadcast_in_dim3A_294 : vector<16xf32>, vector<16xi1> -> vector<16xf32>
      %add3A_296 = arith.constant 0 : i32
      %add3A_297 = arith.addi %add3A_296, %scan3A_269 : i32
      %swap3A_298 = arith.index_cast %add3A_297 : i32 to index
      %swap3A_299 = tpu.vector_load %arg11[%swap3A_298] masked %eq3A_4 {strides = array<i32>} : memref<528xf32, #tpu.memory_space<vmem>>, vector<16xf32>, vector<16xi1>
      tpu.vector_store %arg11[%swap3A_298], %masked_cumsum3A_295 masked %eq3A_4 {strides = array<i32>} : memref<528xf32, #tpu.memory_space<vmem>>, vector<16xf32>, vector<16xi1>
    }
    %scan3A_50 = arith.constant 128 : i32
    %dma_wait3A_51 = arith.constant 1 : i32
    %dma_wait3A_52 = arith.constant 0 : i32
    %dma_wait3A_53 = arith.constant 0 : i32
    %dma_wait3A_54 = tpu.memref_slice %arg9[%dma_wait3A_51, %dma_wait3A_52, %dma_wait3A_53] : memref<2x128x32xf32, #tpu.memory_space<vmem>> -> memref<1x128x32xf32, #tpu.memory_space<vmem>>
    %dma_wait3A_55 = tpu.memref_squeeze %dma_wait3A_54 : memref<1x128x32xf32, #tpu.memory_space<vmem>> -> memref<128x32xf32, #tpu.memory_space<vmem>>
    %dma_wait3A_56 = arith.constant 0 : i32
    %dma_wait3A_57 = arith.constant 0 : i32
    %dma_wait3A_58 = tpu.memref_slice %arg4[%dma_wait3A_56, %dma_wait3A_57] : memref<1000000x32xf32, #tpu.memory_space<hbm>> -> memref<128x32xf32, #tpu.memory_space<hbm>>
    %dma_wait3A_59 = arith.constant 0 : i32
    %dma_wait3A_60 = arith.constant 0 : i32
    %dma_wait3A_61 = tpu.memref_slice %arg9[%dma_wait3A_51, %dma_wait3A_59, %dma_wait3A_60] : memref<2x128x32xf32, #tpu.memory_space<vmem>> -> memref<1x128x32xf32, #tpu.memory_space<vmem>>
    %dma_wait3A_62 = tpu.memref_squeeze %dma_wait3A_61 : memref<1x128x32xf32, #tpu.memory_space<vmem>> -> memref<128x32xf32, #tpu.memory_space<vmem>>
    %dma_wait3A_63 = arith.constant 0 : i32
    %dma_wait3A_64 = arith.constant 0 : i32
    %dma_wait3A_65 = tpu.memref_slice %arg4[%dma_wait3A_63, %dma_wait3A_64] : memref<1000000x32xf32, #tpu.memory_space<hbm>> -> memref<128x32xf32, #tpu.memory_space<hbm>>
    tpu.wait_dma2 semaphore(%arg12 : memref<!tpu.dma_semaphore, #tpu.memory_space<semaphore_mem>>) src(%dma_wait3A_65 : memref<128x32xf32, #tpu.memory_space<hbm>>) dst(%dma_wait3A_62 : memref<128x32xf32, #tpu.memory_space<vmem>>)
    %dma_wait3A_66 = arith.constant 1 : i32
    %dma_wait3A_67 = arith.constant 0 : i32
    %dma_wait3A_68 = arith.constant 0 : i32
    %dma_wait3A_69 = tpu.memref_slice %arg10[%dma_wait3A_66, %dma_wait3A_67, %dma_wait3A_68] : memref<2x128x32xf32, #tpu.memory_space<vmem>> -> memref<1x128x32xf32, #tpu.memory_space<vmem>>
    %dma_wait3A_70 = tpu.memref_squeeze %dma_wait3A_69 : memref<1x128x32xf32, #tpu.memory_space<vmem>> -> memref<128x32xf32, #tpu.memory_space<vmem>>
    %dma_wait3A_71 = arith.constant 0 : i32
    %dma_wait3A_72 = arith.constant 0 : i32
    %dma_wait3A_73 = tpu.memref_slice %arg5[%dma_wait3A_71, %dma_wait3A_72] : memref<1000000x32xf32, #tpu.memory_space<hbm>> -> memref<128x32xf32, #tpu.memory_space<hbm>>
    %dma_wait3A_74 = arith.constant 0 : i32
    %dma_wait3A_75 = arith.constant 0 : i32
    %dma_wait3A_76 = tpu.memref_slice %arg10[%dma_wait3A_66, %dma_wait3A_74, %dma_wait3A_75] : memref<2x128x32xf32, #tpu.memory_space<vmem>> -> memref<1x128x32xf32, #tpu.memory_space<vmem>>
    %dma_wait3A_77 = tpu.memref_squeeze %dma_wait3A_76 : memref<1x128x32xf32, #tpu.memory_space<vmem>> -> memref<128x32xf32, #tpu.memory_space<vmem>>
    %dma_wait3A_78 = arith.constant 0 : i32
    %dma_wait3A_79 = arith.constant 0 : i32
    %dma_wait3A_80 = tpu.memref_slice %arg5[%dma_wait3A_78, %dma_wait3A_79] : memref<1000000x32xf32, #tpu.memory_space<hbm>> -> memref<128x32xf32, #tpu.memory_space<hbm>>
    tpu.wait_dma2 semaphore(%arg13 : memref<!tpu.dma_semaphore, #tpu.memory_space<semaphore_mem>>) src(%dma_wait3A_80 : memref<128x32xf32, #tpu.memory_space<hbm>>) dst(%dma_wait3A_77 : memref<128x32xf32, #tpu.memory_space<vmem>>)
    %scan3A_81 = arith.constant 0 : i32
    %scan3A_82 = arith.constant 0 : i32
    %scan3A_83 = arith.constant 8 : i32
    %scan3A_84 = arith.addi %scan3A_82, %scan3A_83 : i32
    %scan3A_85 = arith.constant 1 : i32
    scf.for %scan3A_177 = %scan3A_82 to %scan3A_84 step %scan3A_85  : i32 {
      %mul3A_178 = arith.constant 16 : i32
      %mul3A_179 = arith.muli %scan3A_177, %mul3A_178 : i32
      %add3A_180 = arith.constant 256 : i32
      %add3A_181 = arith.addi %add3A_180, %mul3A_179 : i32
      %get3A = arith.index_cast %add3A_181 : i32 to index
      %get3A_182 = tpu.vector_load %arg7[%get3A] {strides = array<i32>} : memref<512xi32, #tpu.memory_space<vmem>>, vector<16xi32>,
      %mul3A_183 = arith.constant 16 : i32
      %mul3A_184 = arith.muli %scan3A_177, %mul3A_183 : i32
      %add3A_185 = arith.constant 256 : i32
      %add3A_186 = arith.addi %add3A_185, %mul3A_184 : i32
      %get3A_187 = arith.index_cast %add3A_186 : i32 to index
      %get3A_188 = tpu.vector_load %arg8[%get3A_187] {strides = array<i32>} : memref<512xi32, #tpu.memory_space<vmem>>, vector<16xi32>,
      %slice3A = vector.extract_strided_slice %get3A_182 {offsets = [0], sizes = [1], strides = [1]} : vector<16xi32> to vector<1xi32>
      %squeeze3A = vector.extract %slice3A[0] : i32 from vector<1xi32>
      %slice3A_189 = vector.extract_strided_slice %get3A_188 {offsets = [0], sizes = [1], strides = [1]} : vector<16xi32> to vector<1xi32>
      %squeeze3A_190 = vector.extract %slice3A_189[0] : i32 from vector<1xi32>
      %mul3A_191 = arith.constant 16 : i32
      %mul3A_192 = arith.muli %scan3A_177, %mul3A_191 : i32
      %add3A_193 = arith.constant 0 : i32
      %add3A_194 = arith.addi %mul3A_192, %add3A_193 : i32
      %dma_start3A = arith.constant 0 : i32
      %dma_start3A_195 = arith.constant 0 : i32
      %dma_start3A_196 = tpu.memref_slice %arg9[%dma_start3A, %add3A_194, %dma_start3A_195] : memref<2x128x32xf32, #tpu.memory_space<vmem>> -> memref<1x1x32xf32, #tpu.memory_space<vmem>>
      %dma_start3A_197 = tpu.memref_squeeze %dma_start3A_196 : memref<1x1x32xf32, #tpu.memory_space<vmem>> -> memref<1x32xf32, #tpu.memory_space<vmem>>
      %dma_start3A_198 = arith.constant 0 : i32
      %dma_start3A_199 = tpu.memref_slice %arg4[%squeeze3A, %dma_start3A_198] : memref<1000000x32xf32, #tpu.memory_space<hbm>> -> memref<1x32xf32, #tpu.memory_space<hbm>>
      %dma_start3A_200 = arith.constant 0 : i32
      %dma_start3A_201 = tpu.memref_slice %arg9[%dma_start3A, %add3A_194, %dma_start3A_200] : memref<2x128x32xf32, #tpu.memory_space<vmem>> -> memref<1x1x32xf32, #tpu.memory_space<vmem>>
      %dma_start3A_202 = tpu.memref_squeeze %dma_start3A_201 : memref<1x1x32xf32, #tpu.memory_space<vmem>> -> memref<1x32xf32, #tpu.memory_space<vmem>>
      %dma_start3A_203 = arith.constant 0 : i32
      %dma_start3A_204 = tpu.memref_slice %arg4[%squeeze3A, %dma_start3A_203] : memref<1000000x32xf32, #tpu.memory_space<hbm>> -> memref<1x32xf32, #tpu.memory_space<hbm>>
      tpu.enqueue_dma source(%dma_start3A_204 : memref<1x32xf32, #tpu.memory_space<hbm>>) target(%dma_start3A_202 : memref<1x32xf32, #tpu.memory_space<vmem>>) target_semaphore(%arg12 : memref<!tpu.dma_semaphore, #tpu.memory_space<semaphore_mem>>)
      %dma_start3A_205 = arith.constant 0 : i32
      %dma_start3A_206 = arith.constant 0 : i32
      %dma_start3A_207 = tpu.memref_slice %arg10[%dma_start3A_205, %add3A_194, %dma_start3A_206] : memref<2x128x32xf32, #tpu.memory_space<vmem>> -> memref<1x1x32xf32, #tpu.memory_space<vmem>>
      %dma_start3A_208 = tpu.memref_squeeze %dma_start3A_207 : memref<1x1x32xf32, #tpu.memory_space<vmem>> -> memref<1x32xf32, #tpu.memory_space<vmem>>
      %dma_start3A_209 = arith.constant 0 : i32
      %dma_start3A_210 = tpu.memref_slice %arg5[%squeeze3A_190, %dma_start3A_209] : memref<1000000x32xf32, #tpu.memory_space<hbm>> -> memref<1x32xf32, #tpu.memory_space<hbm>>
      %dma_start3A_211 = arith.constant 0 : i32
      %dma_start3A_212 = tpu.memref_slice %arg10[%dma_start3A_205, %add3A_194, %dma_start3A_211] : memref<2x128x32xf32, #tpu.memory_space<vmem>> -> memref<1x1x32xf32, #tpu.memory_space<vmem>>
      %dma_start3A_213 = tpu.memref_squeeze %dma_start3A_212 : memref<1x1x32xf32, #tpu.memory_space<vmem>> -> memref<1x32xf32, #tpu.memory_space<vmem>>
      %dma_start3A_214 = arith.constant 0 : i32
      %dma_start3A_215 = tpu.memref_slice %arg5[%squeeze3A_190, %dma_start3A_214] : memref<1000000x32xf32, #tpu.memory_space<hbm>> -> memref<1x32xf32, #tpu.memory_space<hbm>>
      tpu.enqueue_dma source(%dma_start3A_215 : memref<1x32xf32, #tpu.memory_space<hbm>>) target(%dma_start3A_213 : memref<1x32xf32, #tpu.memory_space<vmem>>) target_semaphore(%arg13 : memref<!tpu.dma_semaphore, #tpu.memory_space<semaphore_mem>>)
      %slice3A_216 = vector.extract_strided_slice %get3A_182 {offsets = [1], sizes = [1], strides = [1]} : vector<16xi32> to vector<1xi32>
      %squeeze3A_217 = vector.extract %slice3A_216[0] : i32 from vector<1xi32>
      %slice3A_218 = vector.extract_strided_slice %get3A_188 {offsets = [1], sizes = [1], strides = [1]} : vector<16xi32> to vector<1xi32>
      %squeeze3A_219 = vector.extract %slice3A_218[0] : i32 from vector<1xi32>
      %mul3A_220 = arith.constant 16 : i32
      %mul3A_221 = arith.muli %scan3A_177, %mul3A_220 : i32
      %add3A_222 = arith.constant 1 : i32
      %add3A_223 = arith.addi %mul3A_221, %add3A_222 : i32
      %dma_start3A_224 = arith.constant 0 : i32
      %dma_start3A_225 = arith.constant 0 : i32
      %dma_start3A_226 = tpu.memref_slice %arg9[%dma_start3A_224, %add3A_223, %dma_start3A_225] : memref<2x128x32xf32, #tpu.memory_space<vmem>> -> memref<1x1x32xf32, #tpu.memory_space<vmem>>
      %dma_start3A_227 = tpu.memref_squeeze %dma_start3A_226 : memref<1x1x32xf32, #tpu.memory_space<vmem>> -> memref<1x32xf32, #tpu.memory_space<vmem>>
      %dma_start3A_228 = arith.constant 0 : i32
      %dma_start3A_229 = tpu.memref_slice %arg4[%squeeze3A_217, %dma_start3A_228] : memref<1000000x32xf32, #tpu.memory_space<hbm>> -> memref<1x32xf32, #tpu.memory_space<hbm>>
      %dma_start3A_230 = arith.constant 0 : i32
      %dma_start3A_231 = tpu.memref_slice %arg9[%dma_start3A_224, %add3A_223, %dma_start3A_230] : memref<2x128x32xf32, #tpu.memory_space<vmem>> -> memref<1x1x32xf32, #tpu.memory_space<vmem>>
      %dma_start3A_232 = tpu.memref_squeeze %dma_start3A_231 : memref<1x1x32xf32, #tpu.memory_space<vmem>> -> memref<1x32xf32, #tpu.memory_space<vmem>>
      %dma_start3A_233 = arith.constant 0 : i32
      %dma_start3A_234 = tpu.memref_slice %arg4[%squeeze3A_217, %dma_start3A_233] : memref<1000000x32xf32, #tpu.memory_space<hbm>> -> memref<1x32xf32, #tpu.memory_space<hbm>>
      tpu.enqueue_dma source(%dma_start3A_234 : memref<1x32xf32, #tpu.memory_space<hbm>>) target(%dma_start3A_232 : memref<1x32xf32, #tpu.memory_space<vmem>>) target_semaphore(%arg12 : memref<!tpu.dma_semaphore, #tpu.memory_space<semaphore_mem>>)
      %dma_start3A_235 = arith.constant 0 : i32
      %dma_start3A_236 = arith.constant 0 : i32
      %dma_start3A_237 = tpu.memref_slice %arg10[%dma_start3A_235, %add3A_223, %dma_start3A_236] : memref<2x128x32xf32, #tpu.memory_space<vmem>> -> memref<1x1x32xf32, #tpu.memory_space<vmem>>
      %dma_start3A_238 = tpu.memref_squeeze %dma_start3A_237 : memref<1x1x32xf32, #tpu.memory_space<vmem>> -> memref<1x32xf32, #tpu.memory_space<vmem>>
      %dma_start3A_239 = arith.constant 0 : i32
      %dma_start3A_240 = tpu.memref_slice %arg5[%squeeze3A_219, %dma_start3A_239] : memref<1000000x32xf32, #tpu.memory_space<hbm>> -> memref<1x32xf32, #tpu.memory_space<hbm>>
      %dma_start3A_241 = arith.constant 0 : i32
      %dma_start3A_242 = tpu.memref_slice %arg10[%dma_start3A_235, %add3A_223, %dma_start3A_241] : memref<2x128x32xf32, #tpu.memory_space<vmem>> -> memref<1x1x32xf32, #tpu.memory_space<vmem>>
      %dma_start3A_243 = tpu.memref_squeeze %dma_start3A_242 : memref<1x1x32xf32, #tpu.memory_space<vmem>> -> memref<1x32xf32, #tpu.memory_space<vmem>>
      %dma_start3A_244 = arith.constant 0 : i32
      %dma_start3A_245 = tpu.memref_slice %arg5[%squeeze3A_219, %dma_start3A_244] : memref<1000000x32xf32, #tpu.memory_space<hbm>> -> memref<1x32xf32, #tpu.memory_space<hbm>>
      tpu.enqueue_dma source(%dma_start3A_245 : memref<1x32xf32, #tpu.memory_space<hbm>>) target(%dma_start3A_243 : memref<1x32xf32, #tpu.memory_space<vmem>>) target_semaphore(%arg13 : memref<!tpu.dma_semaphore, #tpu.memory_space<semaphore_mem>>)
      %slice3A_246 = vector.extract_strided_slice %get3A_182 {offsets = [2], sizes = [1], strides = [1]} : vector<16xi32> to vector<1xi32>
      %squeeze3A_247 = vector.extract %slice3A_246[0] : i32 from vector<1xi32>
      %slice3A_248 = vector.extract_strided_slice %get3A_188 {offsets = [2], sizes = [1], strides = [1]} : vector<16xi32> to vector<1xi32>
      %squeeze3A_249 = vector.extract %slice3A_248[0] : i32 from vector<1xi32>
      %mul3A_250 = arith.constant 16 : i32
      %mul3A_251 = arith.muli %scan3A_177, %mul3A_250 : i32
      %add3A_252 = arith.constant 2 : i32
      %add3A_253 = arith.addi %mul3A_251, %add3A_252 : i32
      %dma_start3A_254 = arith.constant 0 : i32
      %dma_start3A_255 = arith.constant 0 : i32
      %dma_start3A_256 = tpu.memref_slice %arg9[%dma_start3A_254, %add3A_253, %dma_start3A_255] : memref<2x128x32xf32, #tpu.memory_space<vmem>> -> memref<1x1x32xf32, #tpu.memory_space<vmem>>
      %dma_start3A_257 = tpu.memref_squeeze %dma_start3A_256 : memref<1x1x32xf32, #tpu.memory_space<vmem>> -> memref<1x32xf32, #tpu.memory_space<vmem>>
      %dma_start3A_258 = arith.constant 0 : i32
      %dma_start3A_259 = tpu.memref_slice %arg4[%squeeze3A_247, %dma_start3A_258] : memref<1000000x32xf32, #tpu.memory_space<hbm>> -> memref<1x32xf32, #tpu.memory_space<hbm>>
      %dma_start3A_260 = arith.constant 0 : i32
      %dma_start3A_261 = tpu.memref_slice %arg9[%dma_start3A_254, %add3A_253, %dma_start3A_260] : memref<2x128x32xf32, #tpu.memory_space<vmem>> -> memref<1x1x32xf32, #tpu.memory_space<vmem>>
      %dma_start3A_262 = tpu.memref_squeeze %dma_start3A_261 : memref<1x1x32xf32, #tpu.memory_space<vmem>> -> memref<1x32xf32, #tpu.memory_space<vmem>>
      %dma_start3A_263 = arith.constant 0 : i32
      %dma_start3A_264 = tpu.memref_slice %arg4[%squeeze3A_247, %dma_start3A_263] : memref<1000000x32xf32, #tpu.memory_space<hbm>> -> memref<1x32xf32, #tpu.memory_space<hbm>>
      tpu.enqueue_dma source(%dma_start3A_264 : memref<1x32xf32, #tpu.memory_space<hbm>>) target(%dma_start3A_262 : memref<1x32xf32, #tpu.memory_space<vmem>>) target_semaphore(%arg12 : memref<!tpu.dma_semaphore, #tpu.memory_space<semaphore_mem>>)
      %dma_start3A_265 = arith.constant 0 : i32
      %dma_start3A_266 = arith.constant 0 : i32
      %dma_start3A_267 = tpu.memref_slice %arg10[%dma_start3A_265, %add3A_253, %dma_start3A_266] : memref<2x128x32xf32, #tpu.memory_space<vmem>> -> memref<1x1x32xf32, #tpu.memory_space<vmem>>
      %dma_start3A_268 = tpu.memref_squeeze %dma_start3A_267 : memref<1x1x32xf32, #tpu.memory_space<vmem>> -> memref<1x32xf32, #tpu.memory_space<vmem>>
      %dma_start3A_269 = arith.constant 0 : i32
      %dma_start3A_270 = tpu.memref_slice %arg5[%squeeze3A_249, %dma_start3A_269] : memref<1000000x32xf32, #tpu.memory_space<hbm>> -> memref<1x32xf32, #tpu.memory_space<hbm>>
      %dma_start3A_271 = arith.constant 0 : i32
      %dma_start3A_272 = tpu.memref_slice %arg10[%dma_start3A_265, %add3A_253, %dma_start3A_271] : memref<2x128x32xf32, #tpu.memory_space<vmem>> -> memref<1x1x32xf32, #tpu.memory_space<vmem>>
      %dma_start3A_273 = tpu.memref_squeeze %dma_start3A_272 : memref<1x1x32xf32, #tpu.memory_space<vmem>> -> memref<1x32xf32, #tpu.memory_space<vmem>>
      %dma_start3A_274 = arith.constant 0 : i32
      %dma_start3A_275 = tpu.memref_slice %arg5[%squeeze3A_249, %dma_start3A_274] : memref<1000000x32xf32, #tpu.memory_space<hbm>> -> memref<1x32xf32, #tpu.memory_space<hbm>>
      tpu.enqueue_dma source(%dma_start3A_275 : memref<1x32xf32, #tpu.memory_space<hbm>>) target(%dma_start3A_273 : memref<1x32xf32, #tpu.memory_space<vmem>>) target_semaphore(%arg13 : memref<!tpu.dma_semaphore, #tpu.memory_space<semaphore_mem>>)
      %slice3A_276 = vector.extract_strided_slice %get3A_182 {offsets = [3], sizes = [1], strides = [1]} : vector<16xi32> to vector<1xi32>
      %squeeze3A_277 = vector.extract %slice3A_276[0] : i32 from vector<1xi32>
      %slice3A_278 = vector.extract_strided_slice %get3A_188 {offsets = [3], sizes = [1], strides = [1]} : vector<16xi32> to vector<1xi32>
      %squeeze3A_279 = vector.extract %slice3A_278[0] : i32 from vector<1xi32>
      %mul3A_280 = arith.constant 16 : i32
      %mul3A_281 = arith.muli %scan3A_177, %mul3A_280 : i32
      %add3A_282 = arith.constant 3 : i32
      %add3A_283 = arith.addi %mul3A_281, %add3A_282 : i32
      %dma_start3A_284 = arith.constant 0 : i32
      %dma_start3A_285 = arith.constant 0 : i32
      %dma_start3A_286 = tpu.memref_slice %arg9[%dma_start3A_284, %add3A_283, %dma_start3A_285] : memref<2x128x32xf32, #tpu.memory_space<vmem>> -> memref<1x1x32xf32, #tpu.memory_space<vmem>>
      %dma_start3A_287 = tpu.memref_squeeze %dma_start3A_286 : memref<1x1x32xf32, #tpu.memory_space<vmem>> -> memref<1x32xf32, #tpu.memory_space<vmem>>
      %dma_start3A_288 = arith.constant 0 : i32
      %dma_start3A_289 = tpu.memref_slice %arg4[%squeeze3A_277, %dma_start3A_288] : memref<1000000x32xf32, #tpu.memory_space<hbm>> -> memref<1x32xf32, #tpu.memory_space<hbm>>
      %dma_start3A_290 = arith.constant 0 : i32
      %dma_start3A_291 = tpu.memref_slice %arg9[%dma_start3A_284, %add3A_283, %dma_start3A_290] : memref<2x128x32xf32, #tpu.memory_space<vmem>> -> memref<1x1x32xf32, #tpu.memory_space<vmem>>
      %dma_start3A_292 = tpu.memref_squeeze %dma_start3A_291 : memref<1x1x32xf32, #tpu.memory_space<vmem>> -> memref<1x32xf32, #tpu.memory_space<vmem>>
      %dma_start3A_293 = arith.constant 0 : i32
      %dma_start3A_294 = tpu.memref_slice %arg4[%squeeze3A_277, %dma_start3A_293] : memref<1000000x32xf32, #tpu.memory_space<hbm>> -> memref<1x32xf32, #tpu.memory_space<hbm>>
      tpu.enqueue_dma source(%dma_start3A_294 : memref<1x32xf32, #tpu.memory_space<hbm>>) target(%dma_start3A_292 : memref<1x32xf32, #tpu.memory_space<vmem>>) target_semaphore(%arg12 : memref<!tpu.dma_semaphore, #tpu.memory_space<semaphore_mem>>)
      %dma_start3A_295 = arith.constant 0 : i32
      %dma_start3A_296 = arith.constant 0 : i32
      %dma_start3A_297 = tpu.memref_slice %arg10[%dma_start3A_295, %add3A_283, %dma_start3A_296] : memref<2x128x32xf32, #tpu.memory_space<vmem>> -> memref<1x1x32xf32, #tpu.memory_space<vmem>>
      %dma_start3A_298 = tpu.memref_squeeze %dma_start3A_297 : memref<1x1x32xf32, #tpu.memory_space<vmem>> -> memref<1x32xf32, #tpu.memory_space<vmem>>
      %dma_start3A_299 = arith.constant 0 : i32
      %dma_start3A_300 = tpu.memref_slice %arg5[%squeeze3A_279, %dma_start3A_299] : memref<1000000x32xf32, #tpu.memory_space<hbm>> -> memref<1x32xf32, #tpu.memory_space<hbm>>
      %dma_start3A_301 = arith.constant 0 : i32
      %dma_start3A_302 = tpu.memref_slice %arg10[%dma_start3A_295, %add3A_283, %dma_start3A_301] : memref<2x128x32xf32, #tpu.memory_space<vmem>> -> memref<1x1x32xf32, #tpu.memory_space<vmem>>
      %dma_start3A_303 = tpu.memref_squeeze %dma_start3A_302 : memref<1x1x32xf32, #tpu.memory_space<vmem>> -> memref<1x32xf32, #tpu.memory_space<vmem>>
      %dma_start3A_304 = arith.constant 0 : i32
      %dma_start3A_305 = tpu.memref_slice %arg5[%squeeze3A_279, %dma_start3A_304] : memref<1000000x32xf32, #tpu.memory_space<hbm>> -> memref<1x32xf32, #tpu.memory_space<hbm>>
      tpu.enqueue_dma source(%dma_start3A_305 : memref<1x32xf32, #tpu.memory_space<hbm>>) target(%dma_start3A_303 : memref<1x32xf32, #tpu.memory_space<vmem>>) target_semaphore(%arg13 : memref<!tpu.dma_semaphore, #tpu.memory_space<semaphore_mem>>)
      %slice3A_306 = vector.extract_strided_slice %get3A_182 {offsets = [4], sizes = [1], strides = [1]} : vector<16xi32> to vector<1xi32>
      %squeeze3A_307 = vector.extract %slice3A_306[0] : i32 from vector<1xi32>
      %slice3A_308 = vector.extract_strided_slice %get3A_188 {offsets = [4], sizes = [1], strides = [1]} : vector<16xi32> to vector<1xi32>
      %squeeze3A_309 = vector.extract %slice3A_308[0] : i32 from vector<1xi32>
      %mul3A_310 = arith.constant 16 : i32
      %mul3A_311 = arith.muli %scan3A_177, %mul3A_310 : i32
      %add3A_312 = arith.constant 4 : i32
      %add3A_313 = arith.addi %mul3A_311, %add3A_312 : i32
      %dma_start3A_314 = arith.constant 0 : i32
      %dma_start3A_315 = arith.constant 0 : i32
      %dma_start3A_316 = tpu.memref_slice %arg9[%dma_start3A_314, %add3A_313, %dma_start3A_315] : memref<2x128x32xf32, #tpu.memory_space<vmem>> -> memref<1x1x32xf32, #tpu.memory_space<vmem>>
      %dma_start3A_317 = tpu.memref_squeeze %dma_start3A_316 : memref<1x1x32xf32, #tpu.memory_space<vmem>> -> memref<1x32xf32, #tpu.memory_space<vmem>>
      %dma_start3A_318 = arith.constant 0 : i32
      %dma_start3A_319 = tpu.memref_slice %arg4[%squeeze3A_307, %dma_start3A_318] : memref<1000000x32xf32, #tpu.memory_space<hbm>> -> memref<1x32xf32, #tpu.memory_space<hbm>>
      %dma_start3A_320 = arith.constant 0 : i32
      %dma_start3A_321 = tpu.memref_slice %arg9[%dma_start3A_314, %add3A_313, %dma_start3A_320] : memref<2x128x32xf32, #tpu.memory_space<vmem>> -> memref<1x1x32xf32, #tpu.memory_space<vmem>>
      %dma_start3A_322 = tpu.memref_squeeze %dma_start3A_321 : memref<1x1x32xf32, #tpu.memory_space<vmem>> -> memref<1x32xf32, #tpu.memory_space<vmem>>
      %dma_start3A_323 = arith.constant 0 : i32
      %dma_start3A_324 = tpu.memref_slice %arg4[%squeeze3A_307, %dma_start3A_323] : memref<1000000x32xf32, #tpu.memory_space<hbm>> -> memref<1x32xf32, #tpu.memory_space<hbm>>
      tpu.enqueue_dma source(%dma_start3A_324 : memref<1x32xf32, #tpu.memory_space<hbm>>) target(%dma_start3A_322 : memref<1x32xf32, #tpu.memory_space<vmem>>) target_semaphore(%arg12 : memref<!tpu.dma_semaphore, #tpu.memory_space<semaphore_mem>>)
      %dma_start3A_325 = arith.constant 0 : i32
      %dma_start3A_326 = arith.constant 0 : i32
      %dma_start3A_327 = tpu.memref_slice %arg10[%dma_start3A_325, %add3A_313, %dma_start3A_326] : memref<2x128x32xf32, #tpu.memory_space<vmem>> -> memref<1x1x32xf32, #tpu.memory_space<vmem>>
      %dma_start3A_328 = tpu.memref_squeeze %dma_start3A_327 : memref<1x1x32xf32, #tpu.memory_space<vmem>> -> memref<1x32xf32, #tpu.memory_space<vmem>>
      %dma_start3A_329 = arith.constant 0 : i32
      %dma_start3A_330 = tpu.memref_slice %arg5[%squeeze3A_309, %dma_start3A_329] : memref<1000000x32xf32, #tpu.memory_space<hbm>> -> memref<1x32xf32, #tpu.memory_space<hbm>>
      %dma_start3A_331 = arith.constant 0 : i32
      %dma_start3A_332 = tpu.memref_slice %arg10[%dma_start3A_325, %add3A_313, %dma_start3A_331] : memref<2x128x32xf32, #tpu.memory_space<vmem>> -> memref<1x1x32xf32, #tpu.memory_space<vmem>>
      %dma_start3A_333 = tpu.memref_squeeze %dma_start3A_332 : memref<1x1x32xf32, #tpu.memory_space<vmem>> -> memref<1x32xf32, #tpu.memory_space<vmem>>
      %dma_start3A_334 = arith.constant 0 : i32
      %dma_start3A_335 = tpu.memref_slice %arg5[%squeeze3A_309, %dma_start3A_334] : memref<1000000x32xf32, #tpu.memory_space<hbm>> -> memref<1x32xf32, #tpu.memory_space<hbm>>
      tpu.enqueue_dma source(%dma_start3A_335 : memref<1x32xf32, #tpu.memory_space<hbm>>) target(%dma_start3A_333 : memref<1x32xf32, #tpu.memory_space<vmem>>) target_semaphore(%arg13 : memref<!tpu.dma_semaphore, #tpu.memory_space<semaphore_mem>>)
      %slice3A_336 = vector.extract_strided_slice %get3A_182 {offsets = [5], sizes = [1], strides = [1]} : vector<16xi32> to vector<1xi32>
      %squeeze3A_337 = vector.extract %slice3A_336[0] : i32 from vector<1xi32>
      %slice3A_338 = vector.extract_strided_slice %get3A_188 {offsets = [5], sizes = [1], strides = [1]} : vector<16xi32> to vector<1xi32>
      %squeeze3A_339 = vector.extract %slice3A_338[0] : i32 from vector<1xi32>
      %mul3A_340 = arith.constant 16 : i32
      %mul3A_341 = arith.muli %scan3A_177, %mul3A_340 : i32
      %add3A_342 = arith.constant 5 : i32
      %add3A_343 = arith.addi %mul3A_341, %add3A_342 : i32
      %dma_start3A_344 = arith.constant 0 : i32
      %dma_start3A_345 = arith.constant 0 : i32
      %dma_start3A_346 = tpu.memref_slice %arg9[%dma_start3A_344, %add3A_343, %dma_start3A_345] : memref<2x128x32xf32, #tpu.memory_space<vmem>> -> memref<1x1x32xf32, #tpu.memory_space<vmem>>
      %dma_start3A_347 = tpu.memref_squeeze %dma_start3A_346 : memref<1x1x32xf32, #tpu.memory_space<vmem>> -> memref<1x32xf32, #tpu.memory_space<vmem>>
      %dma_start3A_348 = arith.constant 0 : i32
      %dma_start3A_349 = tpu.memref_slice %arg4[%squeeze3A_337, %dma_start3A_348] : memref<1000000x32xf32, #tpu.memory_space<hbm>> -> memref<1x32xf32, #tpu.memory_space<hbm>>
      %dma_start3A_350 = arith.constant 0 : i32
      %dma_start3A_351 = tpu.memref_slice %arg9[%dma_start3A_344, %add3A_343, %dma_start3A_350] : memref<2x128x32xf32, #tpu.memory_space<vmem>> -> memref<1x1x32xf32, #tpu.memory_space<vmem>>
      %dma_start3A_352 = tpu.memref_squeeze %dma_start3A_351 : memref<1x1x32xf32, #tpu.memory_space<vmem>> -> memref<1x32xf32, #tpu.memory_space<vmem>>
      %dma_start3A_353 = arith.constant 0 : i32
      %dma_start3A_354 = tpu.memref_slice %arg4[%squeeze3A_337, %dma_start3A_353] : memref<1000000x32xf32, #tpu.memory_space<hbm>> -> memref<1x32xf32, #tpu.memory_space<hbm>>
      tpu.enqueue_dma source(%dma_start3A_354 : memref<1x32xf32, #tpu.memory_space<hbm>>) target(%dma_start3A_352 : memref<1x32xf32, #tpu.memory_space<vmem>>) target_semaphore(%arg12 : memref<!tpu.dma_semaphore, #tpu.memory_space<semaphore_mem>>)
      %dma_start3A_355 = arith.constant 0 : i32
      %dma_start3A_356 = arith.constant 0 : i32
      %dma_start3A_357 = tpu.memref_slice %arg10[%dma_start3A_355, %add3A_343, %dma_start3A_356] : memref<2x128x32xf32, #tpu.memory_space<vmem>> -> memref<1x1x32xf32, #tpu.memory_space<vmem>>
      %dma_start3A_358 = tpu.memref_squeeze %dma_start3A_357 : memref<1x1x32xf32, #tpu.memory_space<vmem>> -> memref<1x32xf32, #tpu.memory_space<vmem>>
      %dma_start3A_359 = arith.constant 0 : i32
      %dma_start3A_360 = tpu.memref_slice %arg5[%squeeze3A_339, %dma_start3A_359] : memref<1000000x32xf32, #tpu.memory_space<hbm>> -> memref<1x32xf32, #tpu.memory_space<hbm>>
      %dma_start3A_361 = arith.constant 0 : i32
      %dma_start3A_362 = tpu.memref_slice %arg10[%dma_start3A_355, %add3A_343, %dma_start3A_361] : memref<2x128x32xf32, #tpu.memory_space<vmem>> -> memref<1x1x32xf32, #tpu.memory_space<vmem>>
      %dma_start3A_363 = tpu.memref_squeeze %dma_start3A_362 : memref<1x1x32xf32, #tpu.memory_space<vmem>> -> memref<1x32xf32, #tpu.memory_space<vmem>>
      %dma_start3A_364 = arith.constant 0 : i32
      %dma_start3A_365 = tpu.memref_slice %arg5[%squeeze3A_339, %dma_start3A_364] : memref<1000000x32xf32, #tpu.memory_space<hbm>> -> memref<1x32xf32, #tpu.memory_space<hbm>>
      tpu.enqueue_dma source(%dma_start3A_365 : memref<1x32xf32, #tpu.memory_space<hbm>>) target(%dma_start3A_363 : memref<1x32xf32, #tpu.memory_space<vmem>>) target_semaphore(%arg13 : memref<!tpu.dma_semaphore, #tpu.memory_space<semaphore_mem>>)
      %slice3A_366 = vector.extract_strided_slice %get3A_182 {offsets = [6], sizes = [1], strides = [1]} : vector<16xi32> to vector<1xi32>
      %squeeze3A_367 = vector.extract %slice3A_366[0] : i32 from vector<1xi32>
      %slice3A_368 = vector.extract_strided_slice %get3A_188 {offsets = [6], sizes = [1], strides = [1]} : vector<16xi32> to vector<1xi32>
      %squeeze3A_369 = vector.extract %slice3A_368[0] : i32 from vector<1xi32>
      %mul3A_370 = arith.constant 16 : i32
      %mul3A_371 = arith.muli %scan3A_177, %mul3A_370 : i32
      %add3A_372 = arith.constant 6 : i32
      %add3A_373 = arith.addi %mul3A_371, %add3A_372 : i32
      %dma_start3A_374 = arith.constant 0 : i32
      %dma_start3A_375 = arith.constant 0 : i32
      %dma_start3A_376 = tpu.memref_slice %arg9[%dma_start3A_374, %add3A_373, %dma_start3A_375] : memref<2x128x32xf32, #tpu.memory_space<vmem>> -> memref<1x1x32xf32, #tpu.memory_space<vmem>>
      %dma_start3A_377 = tpu.memref_squeeze %dma_start3A_376 : memref<1x1x32xf32, #tpu.memory_space<vmem>> -> memref<1x32xf32, #tpu.memory_space<vmem>>
      %dma_start3A_378 = arith.constant 0 : i32
      %dma_start3A_379 = tpu.memref_slice %arg4[%squeeze3A_367, %dma_start3A_378] : memref<1000000x32xf32, #tpu.memory_space<hbm>> -> memref<1x32xf32, #tpu.memory_space<hbm>>
      %dma_start3A_380 = arith.constant 0 : i32
      %dma_start3A_381 = tpu.memref_slice %arg9[%dma_start3A_374, %add3A_373, %dma_start3A_380] : memref<2x128x32xf32, #tpu.memory_space<vmem>> -> memref<1x1x32xf32, #tpu.memory_space<vmem>>
      %dma_start3A_382 = tpu.memref_squeeze %dma_start3A_381 : memref<1x1x32xf32, #tpu.memory_space<vmem>> -> memref<1x32xf32, #tpu.memory_space<vmem>>
      %dma_start3A_383 = arith.constant 0 : i32
      %dma_start3A_384 = tpu.memref_slice %arg4[%squeeze3A_367, %dma_start3A_383] : memref<1000000x32xf32, #tpu.memory_space<hbm>> -> memref<1x32xf32, #tpu.memory_space<hbm>>
      tpu.enqueue_dma source(%dma_start3A_384 : memref<1x32xf32, #tpu.memory_space<hbm>>) target(%dma_start3A_382 : memref<1x32xf32, #tpu.memory_space<vmem>>) target_semaphore(%arg12 : memref<!tpu.dma_semaphore, #tpu.memory_space<semaphore_mem>>)
      %dma_start3A_385 = arith.constant 0 : i32
      %dma_start3A_386 = arith.constant 0 : i32
      %dma_start3A_387 = tpu.memref_slice %arg10[%dma_start3A_385, %add3A_373, %dma_start3A_386] : memref<2x128x32xf32, #tpu.memory_space<vmem>> -> memref<1x1x32xf32, #tpu.memory_space<vmem>>
      %dma_start3A_388 = tpu.memref_squeeze %dma_start3A_387 : memref<1x1x32xf32, #tpu.memory_space<vmem>> -> memref<1x32xf32, #tpu.memory_space<vmem>>
      %dma_start3A_389 = arith.constant 0 : i32
      %dma_start3A_390 = tpu.memref_slice %arg5[%squeeze3A_369, %dma_start3A_389] : memref<1000000x32xf32, #tpu.memory_space<hbm>> -> memref<1x32xf32, #tpu.memory_space<hbm>>
      %dma_start3A_391 = arith.constant 0 : i32
      %dma_start3A_392 = tpu.memref_slice %arg10[%dma_start3A_385, %add3A_373, %dma_start3A_391] : memref<2x128x32xf32, #tpu.memory_space<vmem>> -> memref<1x1x32xf32, #tpu.memory_space<vmem>>
      %dma_start3A_393 = tpu.memref_squeeze %dma_start3A_392 : memref<1x1x32xf32, #tpu.memory_space<vmem>> -> memref<1x32xf32, #tpu.memory_space<vmem>>
      %dma_start3A_394 = arith.constant 0 : i32
      %dma_start3A_395 = tpu.memref_slice %arg5[%squeeze3A_369, %dma_start3A_394] : memref<1000000x32xf32, #tpu.memory_space<hbm>> -> memref<1x32xf32, #tpu.memory_space<hbm>>
      tpu.enqueue_dma source(%dma_start3A_395 : memref<1x32xf32, #tpu.memory_space<hbm>>) target(%dma_start3A_393 : memref<1x32xf32, #tpu.memory_space<vmem>>) target_semaphore(%arg13 : memref<!tpu.dma_semaphore, #tpu.memory_space<semaphore_mem>>)
      %slice3A_396 = vector.extract_strided_slice %get3A_182 {offsets = [7], sizes = [1], strides = [1]} : vector<16xi32> to vector<1xi32>
      %squeeze3A_397 = vector.extract %slice3A_396[0] : i32 from vector<1xi32>
      %slice3A_398 = vector.extract_strided_slice %get3A_188 {offsets = [7], sizes = [1], strides = [1]} : vector<16xi32> to vector<1xi32>
      %squeeze3A_399 = vector.extract %slice3A_398[0] : i32 from vector<1xi32>
      %mul3A_400 = arith.constant 16 : i32
      %mul3A_401 = arith.muli %scan3A_177, %mul3A_400 : i32
      %add3A_402 = arith.constant 7 : i32
      %add3A_403 = arith.addi %mul3A_401, %add3A_402 : i32
      %dma_start3A_404 = arith.constant 0 : i32
      %dma_start3A_405 = arith.constant 0 : i32
      %dma_start3A_406 = tpu.memref_slice %arg9[%dma_start3A_404, %add3A_403, %dma_start3A_405] : memref<2x128x32xf32, #tpu.memory_space<vmem>> -> memref<1x1x32xf32, #tpu.memory_space<vmem>>
      %dma_start3A_407 = tpu.memref_squeeze %dma_start3A_406 : memref<1x1x32xf32, #tpu.memory_space<vmem>> -> memref<1x32xf32, #tpu.memory_space<vmem>>
      %dma_start3A_408 = arith.constant 0 : i32
      %dma_start3A_409 = tpu.memref_slice %arg4[%squeeze3A_397, %dma_start3A_408] : memref<1000000x32xf32, #tpu.memory_space<hbm>> -> memref<1x32xf32, #tpu.memory_space<hbm>>
      %dma_start3A_410 = arith.constant 0 : i32
      %dma_start3A_411 = tpu.memref_slice %arg9[%dma_start3A_404, %add3A_403, %dma_start3A_410] : memref<2x128x32xf32, #tpu.memory_space<vmem>> -> memref<1x1x32xf32, #tpu.memory_space<vmem>>
      %dma_start3A_412 = tpu.memref_squeeze %dma_start3A_411 : memref<1x1x32xf32, #tpu.memory_space<vmem>> -> memref<1x32xf32, #tpu.memory_space<vmem>>
      %dma_start3A_413 = arith.constant 0 : i32
      %dma_start3A_414 = tpu.memref_slice %arg4[%squeeze3A_397, %dma_start3A_413] : memref<1000000x32xf32, #tpu.memory_space<hbm>> -> memref<1x32xf32, #tpu.memory_space<hbm>>
      tpu.enqueue_dma source(%dma_start3A_414 : memref<1x32xf32, #tpu.memory_space<hbm>>) target(%dma_start3A_412 : memref<1x32xf32, #tpu.memory_space<vmem>>) target_semaphore(%arg12 : memref<!tpu.dma_semaphore, #tpu.memory_space<semaphore_mem>>)
      %dma_start3A_415 = arith.constant 0 : i32
      %dma_start3A_416 = arith.constant 0 : i32
      %dma_start3A_417 = tpu.memref_slice %arg10[%dma_start3A_415, %add3A_403, %dma_start3A_416] : memref<2x128x32xf32, #tpu.memory_space<vmem>> -> memref<1x1x32xf32, #tpu.memory_space<vmem>>
      %dma_start3A_418 = tpu.memref_squeeze %dma_start3A_417 : memref<1x1x32xf32, #tpu.memory_space<vmem>> -> memref<1x32xf32, #tpu.memory_space<vmem>>
      %dma_start3A_419 = arith.constant 0 : i32
      %dma_start3A_420 = tpu.memref_slice %arg5[%squeeze3A_399, %dma_start3A_419] : memref<1000000x32xf32, #tpu.memory_space<hbm>> -> memref<1x32xf32, #tpu.memory_space<hbm>>
      %dma_start3A_421 = arith.constant 0 : i32
      %dma_start3A_422 = tpu.memref_slice %arg10[%dma_start3A_415, %add3A_403, %dma_start3A_421] : memref<2x128x32xf32, #tpu.memory_space<vmem>> -> memref<1x1x32xf32, #tpu.memory_space<vmem>>
      %dma_start3A_423 = tpu.memref_squeeze %dma_start3A_422 : memref<1x1x32xf32, #tpu.memory_space<vmem>> -> memref<1x32xf32, #tpu.memory_space<vmem>>
      %dma_start3A_424 = arith.constant 0 : i32
      %dma_start3A_425 = tpu.memref_slice %arg5[%squeeze3A_399, %dma_start3A_424] : memref<1000000x32xf32, #tpu.memory_space<hbm>> -> memref<1x32xf32, #tpu.memory_space<hbm>>
      tpu.enqueue_dma source(%dma_start3A_425 : memref<1x32xf32, #tpu.memory_space<hbm>>) target(%dma_start3A_423 : memref<1x32xf32, #tpu.memory_space<vmem>>) target_semaphore(%arg13 : memref<!tpu.dma_semaphore, #tpu.memory_space<semaphore_mem>>)
      %slice3A_426 = vector.extract_strided_slice %get3A_182 {offsets = [8], sizes = [1], strides = [1]} : vector<16xi32> to vector<1xi32>
      %squeeze3A_427 = vector.extract %slice3A_426[0] : i32 from vector<1xi32>
      %slice3A_428 = vector.extract_strided_slice %get3A_188 {offsets = [8], sizes = [1], strides = [1]} : vector<16xi32> to vector<1xi32>
      %squeeze3A_429 = vector.extract %slice3A_428[0] : i32 from vector<1xi32>
      %mul3A_430 = arith.constant 16 : i32
      %mul3A_431 = arith.muli %scan3A_177, %mul3A_430 : i32
      %add3A_432 = arith.constant 8 : i32
      %add3A_433 = arith.addi %mul3A_431, %add3A_432 : i32
      %dma_start3A_434 = arith.constant 0 : i32
      %dma_start3A_435 = arith.constant 0 : i32
      %dma_start3A_436 = tpu.memref_slice %arg9[%dma_start3A_434, %add3A_433, %dma_start3A_435] : memref<2x128x32xf32, #tpu.memory_space<vmem>> -> memref<1x1x32xf32, #tpu.memory_space<vmem>>
      %dma_start3A_437 = tpu.memref_squeeze %dma_start3A_436 : memref<1x1x32xf32, #tpu.memory_space<vmem>> -> memref<1x32xf32, #tpu.memory_space<vmem>>
      %dma_start3A_438 = arith.constant 0 : i32
      %dma_start3A_439 = tpu.memref_slice %arg4[%squeeze3A_427, %dma_start3A_438] : memref<1000000x32xf32, #tpu.memory_space<hbm>> -> memref<1x32xf32, #tpu.memory_space<hbm>>
      %dma_start3A_440 = arith.constant 0 : i32
      %dma_start3A_441 = tpu.memref_slice %arg9[%dma_start3A_434, %add3A_433, %dma_start3A_440] : memref<2x128x32xf32, #tpu.memory_space<vmem>> -> memref<1x1x32xf32, #tpu.memory_space<vmem>>
      %dma_start3A_442 = tpu.memref_squeeze %dma_start3A_441 : memref<1x1x32xf32, #tpu.memory_space<vmem>> -> memref<1x32xf32, #tpu.memory_space<vmem>>
      %dma_start3A_443 = arith.constant 0 : i32
      %dma_start3A_444 = tpu.memref_slice %arg4[%squeeze3A_427, %dma_start3A_443] : memref<1000000x32xf32, #tpu.memory_space<hbm>> -> memref<1x32xf32, #tpu.memory_space<hbm>>
      tpu.enqueue_dma source(%dma_start3A_444 : memref<1x32xf32, #tpu.memory_space<hbm>>) target(%dma_start3A_442 : memref<1x32xf32, #tpu.memory_space<vmem>>) target_semaphore(%arg12 : memref<!tpu.dma_semaphore, #tpu.memory_space<semaphore_mem>>)
      %dma_start3A_445 = arith.constant 0 : i32
      %dma_start3A_446 = arith.constant 0 : i32
      %dma_start3A_447 = tpu.memref_slice %arg10[%dma_start3A_445, %add3A_433, %dma_start3A_446] : memref<2x128x32xf32, #tpu.memory_space<vmem>> -> memref<1x1x32xf32, #tpu.memory_space<vmem>>
      %dma_start3A_448 = tpu.memref_squeeze %dma_start3A_447 : memref<1x1x32xf32, #tpu.memory_space<vmem>> -> memref<1x32xf32, #tpu.memory_space<vmem>>
      %dma_start3A_449 = arith.constant 0 : i32
      %dma_start3A_450 = tpu.memref_slice %arg5[%squeeze3A_429, %dma_start3A_449] : memref<1000000x32xf32, #tpu.memory_space<hbm>> -> memref<1x32xf32, #tpu.memory_space<hbm>>
      %dma_start3A_451 = arith.constant 0 : i32
      %dma_start3A_452 = tpu.memref_slice %arg10[%dma_start3A_445, %add3A_433, %dma_start3A_451] : memref<2x128x32xf32, #tpu.memory_space<vmem>> -> memref<1x1x32xf32, #tpu.memory_space<vmem>>
      %dma_start3A_453 = tpu.memref_squeeze %dma_start3A_452 : memref<1x1x32xf32, #tpu.memory_space<vmem>> -> memref<1x32xf32, #tpu.memory_space<vmem>>
      %dma_start3A_454 = arith.constant 0 : i32
      %dma_start3A_455 = tpu.memref_slice %arg5[%squeeze3A_429, %dma_start3A_454] : memref<1000000x32xf32, #tpu.memory_space<hbm>> -> memref<1x32xf32, #tpu.memory_space<hbm>>
      tpu.enqueue_dma source(%dma_start3A_455 : memref<1x32xf32, #tpu.memory_space<hbm>>) target(%dma_start3A_453 : memref<1x32xf32, #tpu.memory_space<vmem>>) target_semaphore(%arg13 : memref<!tpu.dma_semaphore, #tpu.memory_space<semaphore_mem>>)
      %slice3A_456 = vector.extract_strided_slice %get3A_182 {offsets = [9], sizes = [1], strides = [1]} : vector<16xi32> to vector<1xi32>
      %squeeze3A_457 = vector.extract %slice3A_456[0] : i32 from vector<1xi32>
      %slice3A_458 = vector.extract_strided_slice %get3A_188 {offsets = [9], sizes = [1], strides = [1]} : vector<16xi32> to vector<1xi32>
      %squeeze3A_459 = vector.extract %slice3A_458[0] : i32 from vector<1xi32>
      %mul3A_460 = arith.constant 16 : i32
      %mul3A_461 = arith.muli %scan3A_177, %mul3A_460 : i32
      %add3A_462 = arith.constant 9 : i32
      %add3A_463 = arith.addi %mul3A_461, %add3A_462 : i32
      %dma_start3A_464 = arith.constant 0 : i32
      %dma_start3A_465 = arith.constant 0 : i32
      %dma_start3A_466 = tpu.memref_slice %arg9[%dma_start3A_464, %add3A_463, %dma_start3A_465] : memref<2x128x32xf32, #tpu.memory_space<vmem>> -> memref<1x1x32xf32, #tpu.memory_space<vmem>>
      %dma_start3A_467 = tpu.memref_squeeze %dma_start3A_466 : memref<1x1x32xf32, #tpu.memory_space<vmem>> -> memref<1x32xf32, #tpu.memory_space<vmem>>
      %dma_start3A_468 = arith.constant 0 : i32
      %dma_start3A_469 = tpu.memref_slice %arg4[%squeeze3A_457, %dma_start3A_468] : memref<1000000x32xf32, #tpu.memory_space<hbm>> -> memref<1x32xf32, #tpu.memory_space<hbm>>
      %dma_start3A_470 = arith.constant 0 : i32
      %dma_start3A_471 = tpu.memref_slice %arg9[%dma_start3A_464, %add3A_463, %dma_start3A_470] : memref<2x128x32xf32, #tpu.memory_space<vmem>> -> memref<1x1x32xf32, #tpu.memory_space<vmem>>
      %dma_start3A_472 = tpu.memref_squeeze %dma_start3A_471 : memref<1x1x32xf32, #tpu.memory_space<vmem>> -> memref<1x32xf32, #tpu.memory_space<vmem>>
      %dma_start3A_473 = arith.constant 0 : i32
      %dma_start3A_474 = tpu.memref_slice %arg4[%squeeze3A_457, %dma_start3A_473] : memref<1000000x32xf32, #tpu.memory_space<hbm>> -> memref<1x32xf32, #tpu.memory_space<hbm>>
      tpu.enqueue_dma source(%dma_start3A_474 : memref<1x32xf32, #tpu.memory_space<hbm>>) target(%dma_start3A_472 : memref<1x32xf32, #tpu.memory_space<vmem>>) target_semaphore(%arg12 : memref<!tpu.dma_semaphore, #tpu.memory_space<semaphore_mem>>)
      %dma_start3A_475 = arith.constant 0 : i32
      %dma_start3A_476 = arith.constant 0 : i32
      %dma_start3A_477 = tpu.memref_slice %arg10[%dma_start3A_475, %add3A_463, %dma_start3A_476] : memref<2x128x32xf32, #tpu.memory_space<vmem>> -> memref<1x1x32xf32, #tpu.memory_space<vmem>>
      %dma_start3A_478 = tpu.memref_squeeze %dma_start3A_477 : memref<1x1x32xf32, #tpu.memory_space<vmem>> -> memref<1x32xf32, #tpu.memory_space<vmem>>
      %dma_start3A_479 = arith.constant 0 : i32
      %dma_start3A_480 = tpu.memref_slice %arg5[%squeeze3A_459, %dma_start3A_479] : memref<1000000x32xf32, #tpu.memory_space<hbm>> -> memref<1x32xf32, #tpu.memory_space<hbm>>
      %dma_start3A_481 = arith.constant 0 : i32
      %dma_start3A_482 = tpu.memref_slice %arg10[%dma_start3A_475, %add3A_463, %dma_start3A_481] : memref<2x128x32xf32, #tpu.memory_space<vmem>> -> memref<1x1x32xf32, #tpu.memory_space<vmem>>
      %dma_start3A_483 = tpu.memref_squeeze %dma_start3A_482 : memref<1x1x32xf32, #tpu.memory_space<vmem>> -> memref<1x32xf32, #tpu.memory_space<vmem>>
      %dma_start3A_484 = arith.constant 0 : i32
      %dma_start3A_485 = tpu.memref_slice %arg5[%squeeze3A_459, %dma_start3A_484] : memref<1000000x32xf32, #tpu.memory_space<hbm>> -> memref<1x32xf32, #tpu.memory_space<hbm>>
      tpu.enqueue_dma source(%dma_start3A_485 : memref<1x32xf32, #tpu.memory_space<hbm>>) target(%dma_start3A_483 : memref<1x32xf32, #tpu.memory_space<vmem>>) target_semaphore(%arg13 : memref<!tpu.dma_semaphore, #tpu.memory_space<semaphore_mem>>)
      %slice3A_486 = vector.extract_strided_slice %get3A_182 {offsets = [10], sizes = [1], strides = [1]} : vector<16xi32> to vector<1xi32>
      %squeeze3A_487 = vector.extract %slice3A_486[0] : i32 from vector<1xi32>
      %slice3A_488 = vector.extract_strided_slice %get3A_188 {offsets = [10], sizes = [1], strides = [1]} : vector<16xi32> to vector<1xi32>
      %squeeze3A_489 = vector.extract %slice3A_488[0] : i32 from vector<1xi32>
      %mul3A_490 = arith.constant 16 : i32
      %mul3A_491 = arith.muli %scan3A_177, %mul3A_490 : i32
      %add3A_492 = arith.constant 10 : i32
      %add3A_493 = arith.addi %mul3A_491, %add3A_492 : i32
      %dma_start3A_494 = arith.constant 0 : i32
      %dma_start3A_495 = arith.constant 0 : i32
      %dma_start3A_496 = tpu.memref_slice %arg9[%dma_start3A_494, %add3A_493, %dma_start3A_495] : memref<2x128x32xf32, #tpu.memory_space<vmem>> -> memref<1x1x32xf32, #tpu.memory_space<vmem>>
      %dma_start3A_497 = tpu.memref_squeeze %dma_start3A_496 : memref<1x1x32xf32, #tpu.memory_space<vmem>> -> memref<1x32xf32, #tpu.memory_space<vmem>>
      %dma_start3A_498 = arith.constant 0 : i32
      %dma_start3A_499 = tpu.memref_slice %arg4[%squeeze3A_487, %dma_start3A_498] : memref<1000000x32xf32, #tpu.memory_space<hbm>> -> memref<1x32xf32, #tpu.memory_space<hbm>>
      %dma_start3A_500 = arith.constant 0 : i32
      %dma_start3A_501 = tpu.memref_slice %arg9[%dma_start3A_494, %add3A_493, %dma_start3A_500] : memref<2x128x32xf32, #tpu.memory_space<vmem>> -> memref<1x1x32xf32, #tpu.memory_space<vmem>>
      %dma_start3A_502 = tpu.memref_squeeze %dma_start3A_501 : memref<1x1x32xf32, #tpu.memory_space<vmem>> -> memref<1x32xf32, #tpu.memory_space<vmem>>
      %dma_start3A_503 = arith.constant 0 : i32
      %dma_start3A_504 = tpu.memref_slice %arg4[%squeeze3A_487, %dma_start3A_503] : memref<1000000x32xf32, #tpu.memory_space<hbm>> -> memref<1x32xf32, #tpu.memory_space<hbm>>
      tpu.enqueue_dma source(%dma_start3A_504 : memref<1x32xf32, #tpu.memory_space<hbm>>) target(%dma_start3A_502 : memref<1x32xf32, #tpu.memory_space<vmem>>) target_semaphore(%arg12 : memref<!tpu.dma_semaphore, #tpu.memory_space<semaphore_mem>>)
      %dma_start3A_505 = arith.constant 0 : i32
      %dma_start3A_506 = arith.constant 0 : i32
      %dma_start3A_507 = tpu.memref_slice %arg10[%dma_start3A_505, %add3A_493, %dma_start3A_506] : memref<2x128x32xf32, #tpu.memory_space<vmem>> -> memref<1x1x32xf32, #tpu.memory_space<vmem>>
      %dma_start3A_508 = tpu.memref_squeeze %dma_start3A_507 : memref<1x1x32xf32, #tpu.memory_space<vmem>> -> memref<1x32xf32, #tpu.memory_space<vmem>>
      %dma_start3A_509 = arith.constant 0 : i32
      %dma_start3A_510 = tpu.memref_slice %arg5[%squeeze3A_489, %dma_start3A_509] : memref<1000000x32xf32, #tpu.memory_space<hbm>> -> memref<1x32xf32, #tpu.memory_space<hbm>>
      %dma_start3A_511 = arith.constant 0 : i32
      %dma_start3A_512 = tpu.memref_slice %arg10[%dma_start3A_505, %add3A_493, %dma_start3A_511] : memref<2x128x32xf32, #tpu.memory_space<vmem>> -> memref<1x1x32xf32, #tpu.memory_space<vmem>>
      %dma_start3A_513 = tpu.memref_squeeze %dma_start3A_512 : memref<1x1x32xf32, #tpu.memory_space<vmem>> -> memref<1x32xf32, #tpu.memory_space<vmem>>
      %dma_start3A_514 = arith.constant 0 : i32
      %dma_start3A_515 = tpu.memref_slice %arg5[%squeeze3A_489, %dma_start3A_514] : memref<1000000x32xf32, #tpu.memory_space<hbm>> -> memref<1x32xf32, #tpu.memory_space<hbm>>
      tpu.enqueue_dma source(%dma_start3A_515 : memref<1x32xf32, #tpu.memory_space<hbm>>) target(%dma_start3A_513 : memref<1x32xf32, #tpu.memory_space<vmem>>) target_semaphore(%arg13 : memref<!tpu.dma_semaphore, #tpu.memory_space<semaphore_mem>>)
      %slice3A_516 = vector.extract_strided_slice %get3A_182 {offsets = [11], sizes = [1], strides = [1]} : vector<16xi32> to vector<1xi32>
      %squeeze3A_517 = vector.extract %slice3A_516[0] : i32 from vector<1xi32>
      %slice3A_518 = vector.extract_strided_slice %get3A_188 {offsets = [11], sizes = [1], strides = [1]} : vector<16xi32> to vector<1xi32>
      %squeeze3A_519 = vector.extract %slice3A_518[0] : i32 from vector<1xi32>
      %mul3A_520 = arith.constant 16 : i32
      %mul3A_521 = arith.muli %scan3A_177, %mul3A_520 : i32
      %add3A_522 = arith.constant 11 : i32
      %add3A_523 = arith.addi %mul3A_521, %add3A_522 : i32
      %dma_start3A_524 = arith.constant 0 : i32
      %dma_start3A_525 = arith.constant 0 : i32
      %dma_start3A_526 = tpu.memref_slice %arg9[%dma_start3A_524, %add3A_523, %dma_start3A_525] : memref<2x128x32xf32, #tpu.memory_space<vmem>> -> memref<1x1x32xf32, #tpu.memory_space<vmem>>
      %dma_start3A_527 = tpu.memref_squeeze %dma_start3A_526 : memref<1x1x32xf32, #tpu.memory_space<vmem>> -> memref<1x32xf32, #tpu.memory_space<vmem>>
      %dma_start3A_528 = arith.constant 0 : i32
      %dma_start3A_529 = tpu.memref_slice %arg4[%squeeze3A_517, %dma_start3A_528] : memref<1000000x32xf32, #tpu.memory_space<hbm>> -> memref<1x32xf32, #tpu.memory_space<hbm>>
      %dma_start3A_530 = arith.constant 0 : i32
      %dma_start3A_531 = tpu.memref_slice %arg9[%dma_start3A_524, %add3A_523, %dma_start3A_530] : memref<2x128x32xf32, #tpu.memory_space<vmem>> -> memref<1x1x32xf32, #tpu.memory_space<vmem>>
      %dma_start3A_532 = tpu.memref_squeeze %dma_start3A_531 : memref<1x1x32xf32, #tpu.memory_space<vmem>> -> memref<1x32xf32, #tpu.memory_space<vmem>>
      %dma_start3A_533 = arith.constant 0 : i32
      %dma_start3A_534 = tpu.memref_slice %arg4[%squeeze3A_517, %dma_start3A_533] : memref<1000000x32xf32, #tpu.memory_space<hbm>> -> memref<1x32xf32, #tpu.memory_space<hbm>>
      tpu.enqueue_dma source(%dma_start3A_534 : memref<1x32xf32, #tpu.memory_space<hbm>>) target(%dma_start3A_532 : memref<1x32xf32, #tpu.memory_space<vmem>>) target_semaphore(%arg12 : memref<!tpu.dma_semaphore, #tpu.memory_space<semaphore_mem>>)
      %dma_start3A_535 = arith.constant 0 : i32
      %dma_start3A_536 = arith.constant 0 : i32
      %dma_start3A_537 = tpu.memref_slice %arg10[%dma_start3A_535, %add3A_523, %dma_start3A_536] : memref<2x128x32xf32, #tpu.memory_space<vmem>> -> memref<1x1x32xf32, #tpu.memory_space<vmem>>
      %dma_start3A_538 = tpu.memref_squeeze %dma_start3A_537 : memref<1x1x32xf32, #tpu.memory_space<vmem>> -> memref<1x32xf32, #tpu.memory_space<vmem>>
      %dma_start3A_539 = arith.constant 0 : i32
      %dma_start3A_540 = tpu.memref_slice %arg5[%squeeze3A_519, %dma_start3A_539] : memref<1000000x32xf32, #tpu.memory_space<hbm>> -> memref<1x32xf32, #tpu.memory_space<hbm>>
      %dma_start3A_541 = arith.constant 0 : i32
      %dma_start3A_542 = tpu.memref_slice %arg10[%dma_start3A_535, %add3A_523, %dma_start3A_541] : memref<2x128x32xf32, #tpu.memory_space<vmem>> -> memref<1x1x32xf32, #tpu.memory_space<vmem>>
      %dma_start3A_543 = tpu.memref_squeeze %dma_start3A_542 : memref<1x1x32xf32, #tpu.memory_space<vmem>> -> memref<1x32xf32, #tpu.memory_space<vmem>>
      %dma_start3A_544 = arith.constant 0 : i32
      %dma_start3A_545 = tpu.memref_slice %arg5[%squeeze3A_519, %dma_start3A_544] : memref<1000000x32xf32, #tpu.memory_space<hbm>> -> memref<1x32xf32, #tpu.memory_space<hbm>>
      tpu.enqueue_dma source(%dma_start3A_545 : memref<1x32xf32, #tpu.memory_space<hbm>>) target(%dma_start3A_543 : memref<1x32xf32, #tpu.memory_space<vmem>>) target_semaphore(%arg13 : memref<!tpu.dma_semaphore, #tpu.memory_space<semaphore_mem>>)
      %slice3A_546 = vector.extract_strided_slice %get3A_182 {offsets = [12], sizes = [1], strides = [1]} : vector<16xi32> to vector<1xi32>
      %squeeze3A_547 = vector.extract %slice3A_546[0] : i32 from vector<1xi32>
      %slice3A_548 = vector.extract_strided_slice %get3A_188 {offsets = [12], sizes = [1], strides = [1]} : vector<16xi32> to vector<1xi32>
      %squeeze3A_549 = vector.extract %slice3A_548[0] : i32 from vector<1xi32>
      %mul3A_550 = arith.constant 16 : i32
      %mul3A_551 = arith.muli %scan3A_177, %mul3A_550 : i32
      %add3A_552 = arith.constant 12 : i32
      %add3A_553 = arith.addi %mul3A_551, %add3A_552 : i32
      %dma_start3A_554 = arith.constant 0 : i32
      %dma_start3A_555 = arith.constant 0 : i32
      %dma_start3A_556 = tpu.memref_slice %arg9[%dma_start3A_554, %add3A_553, %dma_start3A_555] : memref<2x128x32xf32, #tpu.memory_space<vmem>> -> memref<1x1x32xf32, #tpu.memory_space<vmem>>
      %dma_start3A_557 = tpu.memref_squeeze %dma_start3A_556 : memref<1x1x32xf32, #tpu.memory_space<vmem>> -> memref<1x32xf32, #tpu.memory_space<vmem>>
      %dma_start3A_558 = arith.constant 0 : i32
      %dma_start3A_559 = tpu.memref_slice %arg4[%squeeze3A_547, %dma_start3A_558] : memref<1000000x32xf32, #tpu.memory_space<hbm>> -> memref<1x32xf32, #tpu.memory_space<hbm>>
      %dma_start3A_560 = arith.constant 0 : i32
      %dma_start3A_561 = tpu.memref_slice %arg9[%dma_start3A_554, %add3A_553, %dma_start3A_560] : memref<2x128x32xf32, #tpu.memory_space<vmem>> -> memref<1x1x32xf32, #tpu.memory_space<vmem>>
      %dma_start3A_562 = tpu.memref_squeeze %dma_start3A_561 : memref<1x1x32xf32, #tpu.memory_space<vmem>> -> memref<1x32xf32, #tpu.memory_space<vmem>>
      %dma_start3A_563 = arith.constant 0 : i32
      %dma_start3A_564 = tpu.memref_slice %arg4[%squeeze3A_547, %dma_start3A_563] : memref<1000000x32xf32, #tpu.memory_space<hbm>> -> memref<1x32xf32, #tpu.memory_space<hbm>>
      tpu.enqueue_dma source(%dma_start3A_564 : memref<1x32xf32, #tpu.memory_space<hbm>>) target(%dma_start3A_562 : memref<1x32xf32, #tpu.memory_space<vmem>>) target_semaphore(%arg12 : memref<!tpu.dma_semaphore, #tpu.memory_space<semaphore_mem>>)
      %dma_start3A_565 = arith.constant 0 : i32
      %dma_start3A_566 = arith.constant 0 : i32
      %dma_start3A_567 = tpu.memref_slice %arg10[%dma_start3A_565, %add3A_553, %dma_start3A_566] : memref<2x128x32xf32, #tpu.memory_space<vmem>> -> memref<1x1x32xf32, #tpu.memory_space<vmem>>
      %dma_start3A_568 = tpu.memref_squeeze %dma_start3A_567 : memref<1x1x32xf32, #tpu.memory_space<vmem>> -> memref<1x32xf32, #tpu.memory_space<vmem>>
      %dma_start3A_569 = arith.constant 0 : i32
      %dma_start3A_570 = tpu.memref_slice %arg5[%squeeze3A_549, %dma_start3A_569] : memref<1000000x32xf32, #tpu.memory_space<hbm>> -> memref<1x32xf32, #tpu.memory_space<hbm>>
      %dma_start3A_571 = arith.constant 0 : i32
      %dma_start3A_572 = tpu.memref_slice %arg10[%dma_start3A_565, %add3A_553, %dma_start3A_571] : memref<2x128x32xf32, #tpu.memory_space<vmem>> -> memref<1x1x32xf32, #tpu.memory_space<vmem>>
      %dma_start3A_573 = tpu.memref_squeeze %dma_start3A_572 : memref<1x1x32xf32, #tpu.memory_space<vmem>> -> memref<1x32xf32, #tpu.memory_space<vmem>>
      %dma_start3A_574 = arith.constant 0 : i32
      %dma_start3A_575 = tpu.memref_slice %arg5[%squeeze3A_549, %dma_start3A_574] : memref<1000000x32xf32, #tpu.memory_space<hbm>> -> memref<1x32xf32, #tpu.memory_space<hbm>>
      tpu.enqueue_dma source(%dma_start3A_575 : memref<1x32xf32, #tpu.memory_space<hbm>>) target(%dma_start3A_573 : memref<1x32xf32, #tpu.memory_space<vmem>>) target_semaphore(%arg13 : memref<!tpu.dma_semaphore, #tpu.memory_space<semaphore_mem>>)
      %slice3A_576 = vector.extract_strided_slice %get3A_182 {offsets = [13], sizes = [1], strides = [1]} : vector<16xi32> to vector<1xi32>
      %squeeze3A_577 = vector.extract %slice3A_576[0] : i32 from vector<1xi32>
      %slice3A_578 = vector.extract_strided_slice %get3A_188 {offsets = [13], sizes = [1], strides = [1]} : vector<16xi32> to vector<1xi32>
      %squeeze3A_579 = vector.extract %slice3A_578[0] : i32 from vector<1xi32>
      %mul3A_580 = arith.constant 16 : i32
      %mul3A_581 = arith.muli %scan3A_177, %mul3A_580 : i32
      %add3A_582 = arith.constant 13 : i32
      %add3A_583 = arith.addi %mul3A_581, %add3A_582 : i32
      %dma_start3A_584 = arith.constant 0 : i32
      %dma_start3A_585 = arith.constant 0 : i32
      %dma_start3A_586 = tpu.memref_slice %arg9[%dma_start3A_584, %add3A_583, %dma_start3A_585] : memref<2x128x32xf32, #tpu.memory_space<vmem>> -> memref<1x1x32xf32, #tpu.memory_space<vmem>>
      %dma_start3A_587 = tpu.memref_squeeze %dma_start3A_586 : memref<1x1x32xf32, #tpu.memory_space<vmem>> -> memref<1x32xf32, #tpu.memory_space<vmem>>
      %dma_start3A_588 = arith.constant 0 : i32
      %dma_start3A_589 = tpu.memref_slice %arg4[%squeeze3A_577, %dma_start3A_588] : memref<1000000x32xf32, #tpu.memory_space<hbm>> -> memref<1x32xf32, #tpu.memory_space<hbm>>
      %dma_start3A_590 = arith.constant 0 : i32
      %dma_start3A_591 = tpu.memref_slice %arg9[%dma_start3A_584, %add3A_583, %dma_start3A_590] : memref<2x128x32xf32, #tpu.memory_space<vmem>> -> memref<1x1x32xf32, #tpu.memory_space<vmem>>
      %dma_start3A_592 = tpu.memref_squeeze %dma_start3A_591 : memref<1x1x32xf32, #tpu.memory_space<vmem>> -> memref<1x32xf32, #tpu.memory_space<vmem>>
      %dma_start3A_593 = arith.constant 0 : i32
      %dma_start3A_594 = tpu.memref_slice %arg4[%squeeze3A_577, %dma_start3A_593] : memref<1000000x32xf32, #tpu.memory_space<hbm>> -> memref<1x32xf32, #tpu.memory_space<hbm>>
      tpu.enqueue_dma source(%dma_start3A_594 : memref<1x32xf32, #tpu.memory_space<hbm>>) target(%dma_start3A_592 : memref<1x32xf32, #tpu.memory_space<vmem>>) target_semaphore(%arg12 : memref<!tpu.dma_semaphore, #tpu.memory_space<semaphore_mem>>)
      %dma_start3A_595 = arith.constant 0 : i32
      %dma_start3A_596 = arith.constant 0 : i32
      %dma_start3A_597 = tpu.memref_slice %arg10[%dma_start3A_595, %add3A_583, %dma_start3A_596] : memref<2x128x32xf32, #tpu.memory_space<vmem>> -> memref<1x1x32xf32, #tpu.memory_space<vmem>>
      %dma_start3A_598 = tpu.memref_squeeze %dma_start3A_597 : memref<1x1x32xf32, #tpu.memory_space<vmem>> -> memref<1x32xf32, #tpu.memory_space<vmem>>
      %dma_start3A_599 = arith.constant 0 : i32
      %dma_start3A_600 = tpu.memref_slice %arg5[%squeeze3A_579, %dma_start3A_599] : memref<1000000x32xf32, #tpu.memory_space<hbm>> -> memref<1x32xf32, #tpu.memory_space<hbm>>
      %dma_start3A_601 = arith.constant 0 : i32
      %dma_start3A_602 = tpu.memref_slice %arg10[%dma_start3A_595, %add3A_583, %dma_start3A_601] : memref<2x128x32xf32, #tpu.memory_space<vmem>> -> memref<1x1x32xf32, #tpu.memory_space<vmem>>
      %dma_start3A_603 = tpu.memref_squeeze %dma_start3A_602 : memref<1x1x32xf32, #tpu.memory_space<vmem>> -> memref<1x32xf32, #tpu.memory_space<vmem>>
      %dma_start3A_604 = arith.constant 0 : i32
      %dma_start3A_605 = tpu.memref_slice %arg5[%squeeze3A_579, %dma_start3A_604] : memref<1000000x32xf32, #tpu.memory_space<hbm>> -> memref<1x32xf32, #tpu.memory_space<hbm>>
      tpu.enqueue_dma source(%dma_start3A_605 : memref<1x32xf32, #tpu.memory_space<hbm>>) target(%dma_start3A_603 : memref<1x32xf32, #tpu.memory_space<vmem>>) target_semaphore(%arg13 : memref<!tpu.dma_semaphore, #tpu.memory_space<semaphore_mem>>)
      %slice3A_606 = vector.extract_strided_slice %get3A_182 {offsets = [14], sizes = [1], strides = [1]} : vector<16xi32> to vector<1xi32>
      %squeeze3A_607 = vector.extract %slice3A_606[0] : i32 from vector<1xi32>
      %slice3A_608 = vector.extract_strided_slice %get3A_188 {offsets = [14], sizes = [1], strides = [1]} : vector<16xi32> to vector<1xi32>
      %squeeze3A_609 = vector.extract %slice3A_608[0] : i32 from vector<1xi32>
      %mul3A_610 = arith.constant 16 : i32
      %mul3A_611 = arith.muli %scan3A_177, %mul3A_610 : i32
      %add3A_612 = arith.constant 14 : i32
      %add3A_613 = arith.addi %mul3A_611, %add3A_612 : i32
      %dma_start3A_614 = arith.constant 0 : i32
      %dma_start3A_615 = arith.constant 0 : i32
      %dma_start3A_616 = tpu.memref_slice %arg9[%dma_start3A_614, %add3A_613, %dma_start3A_615] : memref<2x128x32xf32, #tpu.memory_space<vmem>> -> memref<1x1x32xf32, #tpu.memory_space<vmem>>
      %dma_start3A_617 = tpu.memref_squeeze %dma_start3A_616 : memref<1x1x32xf32, #tpu.memory_space<vmem>> -> memref<1x32xf32, #tpu.memory_space<vmem>>
      %dma_start3A_618 = arith.constant 0 : i32
      %dma_start3A_619 = tpu.memref_slice %arg4[%squeeze3A_607, %dma_start3A_618] : memref<1000000x32xf32, #tpu.memory_space<hbm>> -> memref<1x32xf32, #tpu.memory_space<hbm>>
      %dma_start3A_620 = arith.constant 0 : i32
      %dma_start3A_621 = tpu.memref_slice %arg9[%dma_start3A_614, %add3A_613, %dma_start3A_620] : memref<2x128x32xf32, #tpu.memory_space<vmem>> -> memref<1x1x32xf32, #tpu.memory_space<vmem>>
      %dma_start3A_622 = tpu.memref_squeeze %dma_start3A_621 : memref<1x1x32xf32, #tpu.memory_space<vmem>> -> memref<1x32xf32, #tpu.memory_space<vmem>>
      %dma_start3A_623 = arith.constant 0 : i32
      %dma_start3A_624 = tpu.memref_slice %arg4[%squeeze3A_607, %dma_start3A_623] : memref<1000000x32xf32, #tpu.memory_space<hbm>> -> memref<1x32xf32, #tpu.memory_space<hbm>>
      tpu.enqueue_dma source(%dma_start3A_624 : memref<1x32xf32, #tpu.memory_space<hbm>>) target(%dma_start3A_622 : memref<1x32xf32, #tpu.memory_space<vmem>>) target_semaphore(%arg12 : memref<!tpu.dma_semaphore, #tpu.memory_space<semaphore_mem>>)
      %dma_start3A_625 = arith.constant 0 : i32
      %dma_start3A_626 = arith.constant 0 : i32
      %dma_start3A_627 = tpu.memref_slice %arg10[%dma_start3A_625, %add3A_613, %dma_start3A_626] : memref<2x128x32xf32, #tpu.memory_space<vmem>> -> memref<1x1x32xf32, #tpu.memory_space<vmem>>
      %dma_start3A_628 = tpu.memref_squeeze %dma_start3A_627 : memref<1x1x32xf32, #tpu.memory_space<vmem>> -> memref<1x32xf32, #tpu.memory_space<vmem>>
      %dma_start3A_629 = arith.constant 0 : i32
      %dma_start3A_630 = tpu.memref_slice %arg5[%squeeze3A_609, %dma_start3A_629] : memref<1000000x32xf32, #tpu.memory_space<hbm>> -> memref<1x32xf32, #tpu.memory_space<hbm>>
      %dma_start3A_631 = arith.constant 0 : i32
      %dma_start3A_632 = tpu.memref_slice %arg10[%dma_start3A_625, %add3A_613, %dma_start3A_631] : memref<2x128x32xf32, #tpu.memory_space<vmem>> -> memref<1x1x32xf32, #tpu.memory_space<vmem>>
      %dma_start3A_633 = tpu.memref_squeeze %dma_start3A_632 : memref<1x1x32xf32, #tpu.memory_space<vmem>> -> memref<1x32xf32, #tpu.memory_space<vmem>>
      %dma_start3A_634 = arith.constant 0 : i32
      %dma_start3A_635 = tpu.memref_slice %arg5[%squeeze3A_609, %dma_start3A_634] : memref<1000000x32xf32, #tpu.memory_space<hbm>> -> memref<1x32xf32, #tpu.memory_space<hbm>>
      tpu.enqueue_dma source(%dma_start3A_635 : memref<1x32xf32, #tpu.memory_space<hbm>>) target(%dma_start3A_633 : memref<1x32xf32, #tpu.memory_space<vmem>>) target_semaphore(%arg13 : memref<!tpu.dma_semaphore, #tpu.memory_space<semaphore_mem>>)
      %slice3A_636 = vector.extract_strided_slice %get3A_182 {offsets = [15], sizes = [1], strides = [1]} : vector<16xi32> to vector<1xi32>
      %squeeze3A_637 = vector.extract %slice3A_636[0] : i32 from vector<1xi32>
      %slice3A_638 = vector.extract_strided_slice %get3A_188 {offsets = [15], sizes = [1], strides = [1]} : vector<16xi32> to vector<1xi32>
      %squeeze3A_639 = vector.extract %slice3A_638[0] : i32 from vector<1xi32>
      %mul3A_640 = arith.constant 16 : i32
      %mul3A_641 = arith.muli %scan3A_177, %mul3A_640 : i32
      %add3A_642 = arith.constant 15 : i32
      %add3A_643 = arith.addi %mul3A_641, %add3A_642 : i32
      %dma_start3A_644 = arith.constant 0 : i32
      %dma_start3A_645 = arith.constant 0 : i32
      %dma_start3A_646 = tpu.memref_slice %arg9[%dma_start3A_644, %add3A_643, %dma_start3A_645] : memref<2x128x32xf32, #tpu.memory_space<vmem>> -> memref<1x1x32xf32, #tpu.memory_space<vmem>>
      %dma_start3A_647 = tpu.memref_squeeze %dma_start3A_646 : memref<1x1x32xf32, #tpu.memory_space<vmem>> -> memref<1x32xf32, #tpu.memory_space<vmem>>
      %dma_start3A_648 = arith.constant 0 : i32
      %dma_start3A_649 = tpu.memref_slice %arg4[%squeeze3A_637, %dma_start3A_648] : memref<1000000x32xf32, #tpu.memory_space<hbm>> -> memref<1x32xf32, #tpu.memory_space<hbm>>
      %dma_start3A_650 = arith.constant 0 : i32
      %dma_start3A_651 = tpu.memref_slice %arg9[%dma_start3A_644, %add3A_643, %dma_start3A_650] : memref<2x128x32xf32, #tpu.memory_space<vmem>> -> memref<1x1x32xf32, #tpu.memory_space<vmem>>
      %dma_start3A_652 = tpu.memref_squeeze %dma_start3A_651 : memref<1x1x32xf32, #tpu.memory_space<vmem>> -> memref<1x32xf32, #tpu.memory_space<vmem>>
      %dma_start3A_653 = arith.constant 0 : i32
      %dma_start3A_654 = tpu.memref_slice %arg4[%squeeze3A_637, %dma_start3A_653] : memref<1000000x32xf32, #tpu.memory_space<hbm>> -> memref<1x32xf32, #tpu.memory_space<hbm>>
      tpu.enqueue_dma source(%dma_start3A_654 : memref<1x32xf32, #tpu.memory_space<hbm>>) target(%dma_start3A_652 : memref<1x32xf32, #tpu.memory_space<vmem>>) target_semaphore(%arg12 : memref<!tpu.dma_semaphore, #tpu.memory_space<semaphore_mem>>)
      %dma_start3A_655 = arith.constant 0 : i32
      %dma_start3A_656 = arith.constant 0 : i32
      %dma_start3A_657 = tpu.memref_slice %arg10[%dma_start3A_655, %add3A_643, %dma_start3A_656] : memref<2x128x32xf32, #tpu.memory_space<vmem>> -> memref<1x1x32xf32, #tpu.memory_space<vmem>>
      %dma_start3A_658 = tpu.memref_squeeze %dma_start3A_657 : memref<1x1x32xf32, #tpu.memory_space<vmem>> -> memref<1x32xf32, #tpu.memory_space<vmem>>
      %dma_start3A_659 = arith.constant 0 : i32
      %dma_start3A_660 = tpu.memref_slice %arg5[%squeeze3A_639, %dma_start3A_659] : memref<1000000x32xf32, #tpu.memory_space<hbm>> -> memref<1x32xf32, #tpu.memory_space<hbm>>
      %dma_start3A_661 = arith.constant 0 : i32
      %dma_start3A_662 = tpu.memref_slice %arg10[%dma_start3A_655, %add3A_643, %dma_start3A_661] : memref<2x128x32xf32, #tpu.memory_space<vmem>> -> memref<1x1x32xf32, #tpu.memory_space<vmem>>
      %dma_start3A_663 = tpu.memref_squeeze %dma_start3A_662 : memref<1x1x32xf32, #tpu.memory_space<vmem>> -> memref<1x32xf32, #tpu.memory_space<vmem>>
      %dma_start3A_664 = arith.constant 0 : i32
      %dma_start3A_665 = tpu.memref_slice %arg5[%squeeze3A_639, %dma_start3A_664] : memref<1000000x32xf32, #tpu.memory_space<hbm>> -> memref<1x32xf32, #tpu.memory_space<hbm>>
      tpu.enqueue_dma source(%dma_start3A_665 : memref<1x32xf32, #tpu.memory_space<hbm>>) target(%dma_start3A_663 : memref<1x32xf32, #tpu.memory_space<vmem>>) target_semaphore(%arg13 : memref<!tpu.dma_semaphore, #tpu.memory_space<semaphore_mem>>)
    }
    %scan3A_86 = arith.constant 8 : i32
    %scan3A_87 = arith.constant 0 : i32
    %scan3A_88 = arith.constant 0 : i32
    %scan3A_89 = arith.constant 128 : i32
    %scan3A_90 = arith.addi %scan3A_88, %scan3A_89 : i32
    %scan3A_91 = arith.constant 4 : i32
    scf.for %scan3A_177 = %scan3A_88 to %scan3A_90 step %scan3A_91  : i32 {
      %get3A = arith.constant 1 : i32
      %get3A_178 = arith.index_cast %get3A : i32 to index
      %get3A_179 = arith.index_cast %scan3A_177 : i32 to index
      %get3A_180 = arith.constant 0 : index
      %get3A_181 = tpu.vector_load %arg9[%get3A_178, %get3A_179, %get3A_180] {strides = array<i32>} : memref<2x128x32xf32, #tpu.memory_space<vmem>>, vector<16xf32>,
      %get3A_182 = arith.constant 1 : i32
      %get3A_183 = arith.index_cast %get3A_182 : i32 to index
      %get3A_184 = arith.index_cast %scan3A_177 : i32 to index
      %get3A_185 = arith.constant 16 : index
      %get3A_186 = tpu.vector_load %arg9[%get3A_183, %get3A_184, %get3A_185] {strides = array<i32>} : memref<2x128x32xf32, #tpu.memory_space<vmem>>, vector<16xf32>,
      %get3A_187 = arith.constant 1 : i32
      %get3A_188 = arith.index_cast %get3A_187 : i32 to index
      %get3A_189 = arith.index_cast %scan3A_177 : i32 to index
      %get3A_190 = arith.constant 0 : index
      %get3A_191 = tpu.vector_load %arg10[%get3A_188, %get3A_189, %get3A_190] {strides = array<i32>} : memref<2x128x32xf32, #tpu.memory_space<vmem>>, vector<16xf32>,
      %get3A_192 = arith.constant 1 : i32
      %get3A_193 = arith.index_cast %get3A_192 : i32 to index
      %get3A_194 = arith.index_cast %scan3A_177 : i32 to index
      %get3A_195 = arith.constant 16 : index
      %get3A_196 = tpu.vector_load %arg10[%get3A_193, %get3A_194, %get3A_195] {strides = array<i32>} : memref<2x128x32xf32, #tpu.memory_space<vmem>>, vector<16xf32>,
      %mul3A_197 = arith.mulf %get3A_181, %get3A_191 : vector<16xf32>
      %mul3A_198 = arith.mulf %get3A_186, %get3A_196 : vector<16xf32>
      %add3A_199 = arith.addf %mul3A_197, %mul3A_198 : vector<16xf32>
      %broadcast_in_dim3A = arith.constant true
      %broadcast_in_dim3A_200 = vector.broadcast %broadcast_in_dim3A : i1 to vector<16xi1>
      %masked_cumsum3A = tpu.scan <sum>, %add3A_199 masked %broadcast_in_dim3A_200 : vector<16xf32>, vector<16xi1> -> vector<16xf32>
      %add3A_201 = arith.constant 128 : i32
      %add3A_202 = arith.addi %add3A_201, %scan3A_177 : i32
      %swap3A = arith.index_cast %add3A_202 : i32 to index
      %swap3A_203 = tpu.vector_load %arg11[%swap3A] masked %eq3A_4 {strides = array<i32>} : memref<528xf32, #tpu.memory_space<vmem>>, vector<16xf32>, vector<16xi1>
      tpu.vector_store %arg11[%swap3A], %masked_cumsum3A masked %eq3A_4 {strides = array<i32>} : memref<528xf32, #tpu.memory_space<vmem>>, vector<16xf32>, vector<16xi1>
      %scan3A_204 = arith.constant 1 : i32
      %scan3A_205 = arith.addi %scan3A_177, %scan3A_204 : i32
      %get3A_206 = arith.constant 1 : i32
      %get3A_207 = arith.index_cast %get3A_206 : i32 to index
      %get3A_208 = arith.index_cast %scan3A_205 : i32 to index
      %get3A_209 = arith.constant 0 : index
      %get3A_210 = tpu.vector_load %arg9[%get3A_207, %get3A_208, %get3A_209] {strides = array<i32>} : memref<2x128x32xf32, #tpu.memory_space<vmem>>, vector<16xf32>,
      %get3A_211 = arith.constant 1 : i32
      %get3A_212 = arith.index_cast %get3A_211 : i32 to index
      %get3A_213 = arith.index_cast %scan3A_205 : i32 to index
      %get3A_214 = arith.constant 16 : index
      %get3A_215 = tpu.vector_load %arg9[%get3A_212, %get3A_213, %get3A_214] {strides = array<i32>} : memref<2x128x32xf32, #tpu.memory_space<vmem>>, vector<16xf32>,
      %get3A_216 = arith.constant 1 : i32
      %get3A_217 = arith.index_cast %get3A_216 : i32 to index
      %get3A_218 = arith.index_cast %scan3A_205 : i32 to index
      %get3A_219 = arith.constant 0 : index
      %get3A_220 = tpu.vector_load %arg10[%get3A_217, %get3A_218, %get3A_219] {strides = array<i32>} : memref<2x128x32xf32, #tpu.memory_space<vmem>>, vector<16xf32>,
      %get3A_221 = arith.constant 1 : i32
      %get3A_222 = arith.index_cast %get3A_221 : i32 to index
      %get3A_223 = arith.index_cast %scan3A_205 : i32 to index
      %get3A_224 = arith.constant 16 : index
      %get3A_225 = tpu.vector_load %arg10[%get3A_222, %get3A_223, %get3A_224] {strides = array<i32>} : memref<2x128x32xf32, #tpu.memory_space<vmem>>, vector<16xf32>,
      %mul3A_226 = arith.mulf %get3A_210, %get3A_220 : vector<16xf32>
      %mul3A_227 = arith.mulf %get3A_215, %get3A_225 : vector<16xf32>
      %add3A_228 = arith.addf %mul3A_226, %mul3A_227 : vector<16xf32>
      %broadcast_in_dim3A_229 = arith.constant true
      %broadcast_in_dim3A_230 = vector.broadcast %broadcast_in_dim3A_229 : i1 to vector<16xi1>
      %masked_cumsum3A_231 = tpu.scan <sum>, %add3A_228 masked %broadcast_in_dim3A_230 : vector<16xf32>, vector<16xi1> -> vector<16xf32>
      %add3A_232 = arith.constant 128 : i32
      %add3A_233 = arith.addi %add3A_232, %scan3A_205 : i32
      %swap3A_234 = arith.index_cast %add3A_233 : i32 to index
      %swap3A_235 = tpu.vector_load %arg11[%swap3A_234] masked %eq3A_4 {strides = array<i32>} : memref<528xf32, #tpu.memory_space<vmem>>, vector<16xf32>, vector<16xi1>
      tpu.vector_store %arg11[%swap3A_234], %masked_cumsum3A_231 masked %eq3A_4 {strides = array<i32>} : memref<528xf32, #tpu.memory_space<vmem>>, vector<16xf32>, vector<16xi1>
      %scan3A_236 = arith.constant 2 : i32
      %scan3A_237 = arith.addi %scan3A_177, %scan3A_236 : i32
      %get3A_238 = arith.constant 1 : i32
      %get3A_239 = arith.index_cast %get3A_238 : i32 to index
      %get3A_240 = arith.index_cast %scan3A_237 : i32 to index
      %get3A_241 = arith.constant 0 : index
      %get3A_242 = tpu.vector_load %arg9[%get3A_239, %get3A_240, %get3A_241] {strides = array<i32>} : memref<2x128x32xf32, #tpu.memory_space<vmem>>, vector<16xf32>,
      %get3A_243 = arith.constant 1 : i32
      %get3A_244 = arith.index_cast %get3A_243 : i32 to index
      %get3A_245 = arith.index_cast %scan3A_237 : i32 to index
      %get3A_246 = arith.constant 16 : index
      %get3A_247 = tpu.vector_load %arg9[%get3A_244, %get3A_245, %get3A_246] {strides = array<i32>} : memref<2x128x32xf32, #tpu.memory_space<vmem>>, vector<16xf32>,
      %get3A_248 = arith.constant 1 : i32
      %get3A_249 = arith.index_cast %get3A_248 : i32 to index
      %get3A_250 = arith.index_cast %scan3A_237 : i32 to index
      %get3A_251 = arith.constant 0 : index
      %get3A_252 = tpu.vector_load %arg10[%get3A_249, %get3A_250, %get3A_251] {strides = array<i32>} : memref<2x128x32xf32, #tpu.memory_space<vmem>>, vector<16xf32>,
      %get3A_253 = arith.constant 1 : i32
      %get3A_254 = arith.index_cast %get3A_253 : i32 to index
      %get3A_255 = arith.index_cast %scan3A_237 : i32 to index
      %get3A_256 = arith.constant 16 : index
      %get3A_257 = tpu.vector_load %arg10[%get3A_254, %get3A_255, %get3A_256] {strides = array<i32>} : memref<2x128x32xf32, #tpu.memory_space<vmem>>, vector<16xf32>,
      %mul3A_258 = arith.mulf %get3A_242, %get3A_252 : vector<16xf32>
      %mul3A_259 = arith.mulf %get3A_247, %get3A_257 : vector<16xf32>
      %add3A_260 = arith.addf %mul3A_258, %mul3A_259 : vector<16xf32>
      %broadcast_in_dim3A_261 = arith.constant true
      %broadcast_in_dim3A_262 = vector.broadcast %broadcast_in_dim3A_261 : i1 to vector<16xi1>
      %masked_cumsum3A_263 = tpu.scan <sum>, %add3A_260 masked %broadcast_in_dim3A_262 : vector<16xf32>, vector<16xi1> -> vector<16xf32>
      %add3A_264 = arith.constant 128 : i32
      %add3A_265 = arith.addi %add3A_264, %scan3A_237 : i32
      %swap3A_266 = arith.index_cast %add3A_265 : i32 to index
      %swap3A_267 = tpu.vector_load %arg11[%swap3A_266] masked %eq3A_4 {strides = array<i32>} : memref<528xf32, #tpu.memory_space<vmem>>, vector<16xf32>, vector<16xi1>
      tpu.vector_store %arg11[%swap3A_266], %masked_cumsum3A_263 masked %eq3A_4 {strides = array<i32>} : memref<528xf32, #tpu.memory_space<vmem>>, vector<16xf32>, vector<16xi1>
      %scan3A_268 = arith.constant 3 : i32
      %scan3A_269 = arith.addi %scan3A_177, %scan3A_268 : i32
      %get3A_270 = arith.constant 1 : i32
      %get3A_271 = arith.index_cast %get3A_270 : i32 to index
      %get3A_272 = arith.index_cast %scan3A_269 : i32 to index
      %get3A_273 = arith.constant 0 : index
      %get3A_274 = tpu.vector_load %arg9[%get3A_271, %get3A_272, %get3A_273] {strides = array<i32>} : memref<2x128x32xf32, #tpu.memory_space<vmem>>, vector<16xf32>,
      %get3A_275 = arith.constant 1 : i32
      %get3A_276 = arith.index_cast %get3A_275 : i32 to index
      %get3A_277 = arith.index_cast %scan3A_269 : i32 to index
      %get3A_278 = arith.constant 16 : index
      %get3A_279 = tpu.vector_load %arg9[%get3A_276, %get3A_277, %get3A_278] {strides = array<i32>} : memref<2x128x32xf32, #tpu.memory_space<vmem>>, vector<16xf32>,
      %get3A_280 = arith.constant 1 : i32
      %get3A_281 = arith.index_cast %get3A_280 : i32 to index
      %get3A_282 = arith.index_cast %scan3A_269 : i32 to index
      %get3A_283 = arith.constant 0 : index
      %get3A_284 = tpu.vector_load %arg10[%get3A_281, %get3A_282, %get3A_283] {strides = array<i32>} : memref<2x128x32xf32, #tpu.memory_space<vmem>>, vector<16xf32>,
      %get3A_285 = arith.constant 1 : i32
      %get3A_286 = arith.index_cast %get3A_285 : i32 to index
      %get3A_287 = arith.index_cast %scan3A_269 : i32 to index
      %get3A_288 = arith.constant 16 : index
      %get3A_289 = tpu.vector_load %arg10[%get3A_286, %get3A_287, %get3A_288] {strides = array<i32>} : memref<2x128x32xf32, #tpu.memory_space<vmem>>, vector<16xf32>,
      %mul3A_290 = arith.mulf %get3A_274, %get3A_284 : vector<16xf32>
      %mul3A_291 = arith.mulf %get3A_279, %get3A_289 : vector<16xf32>
      %add3A_292 = arith.addf %mul3A_290, %mul3A_291 : vector<16xf32>
      %broadcast_in_dim3A_293 = arith.constant true
      %broadcast_in_dim3A_294 = vector.broadcast %broadcast_in_dim3A_293 : i1 to vector<16xi1>
      %masked_cumsum3A_295 = tpu.scan <sum>, %add3A_292 masked %broadcast_in_dim3A_294 : vector<16xf32>, vector<16xi1> -> vector<16xf32>
      %add3A_296 = arith.constant 128 : i32
      %add3A_297 = arith.addi %add3A_296, %scan3A_269 : i32
      %swap3A_298 = arith.index_cast %add3A_297 : i32 to index
      %swap3A_299 = tpu.vector_load %arg11[%swap3A_298] masked %eq3A_4 {strides = array<i32>} : memref<528xf32, #tpu.memory_space<vmem>>, vector<16xf32>, vector<16xi1>
      tpu.vector_store %arg11[%swap3A_298], %masked_cumsum3A_295 masked %eq3A_4 {strides = array<i32>} : memref<528xf32, #tpu.memory_space<vmem>>, vector<16xf32>, vector<16xi1>
    }
    %scan3A_92 = arith.constant 128 : i32
    %dma_wait3A_93 = arith.constant 0 : i32
    %dma_wait3A_94 = arith.constant 0 : i32
    %dma_wait3A_95 = arith.constant 0 : i32
    %dma_wait3A_96 = tpu.memref_slice %arg9[%dma_wait3A_93, %dma_wait3A_94, %dma_wait3A_95] : memref<2x128x32xf32, #tpu.memory_space<vmem>> -> memref<1x128x32xf32, #tpu.memory_space<vmem>>
    %dma_wait3A_97 = tpu.memref_squeeze %dma_wait3A_96 : memref<1x128x32xf32, #tpu.memory_space<vmem>> -> memref<128x32xf32, #tpu.memory_space<vmem>>
    %dma_wait3A_98 = arith.constant 0 : i32
    %dma_wait3A_99 = arith.constant 0 : i32
    %dma_wait3A_100 = tpu.memref_slice %arg4[%dma_wait3A_98, %dma_wait3A_99] : memref<1000000x32xf32, #tpu.memory_space<hbm>> -> memref<128x32xf32, #tpu.memory_space<hbm>>
    %dma_wait3A_101 = arith.constant 0 : i32
    %dma_wait3A_102 = arith.constant 0 : i32
    %dma_wait3A_103 = tpu.memref_slice %arg9[%dma_wait3A_93, %dma_wait3A_101, %dma_wait3A_102] : memref<2x128x32xf32, #tpu.memory_space<vmem>> -> memref<1x128x32xf32, #tpu.memory_space<vmem>>
    %dma_wait3A_104 = tpu.memref_squeeze %dma_wait3A_103 : memref<1x128x32xf32, #tpu.memory_space<vmem>> -> memref<128x32xf32, #tpu.memory_space<vmem>>
    %dma_wait3A_105 = arith.constant 0 : i32
    %dma_wait3A_106 = arith.constant 0 : i32
    %dma_wait3A_107 = tpu.memref_slice %arg4[%dma_wait3A_105, %dma_wait3A_106] : memref<1000000x32xf32, #tpu.memory_space<hbm>> -> memref<128x32xf32, #tpu.memory_space<hbm>>
    tpu.wait_dma2 semaphore(%arg12 : memref<!tpu.dma_semaphore, #tpu.memory_space<semaphore_mem>>) src(%dma_wait3A_107 : memref<128x32xf32, #tpu.memory_space<hbm>>) dst(%dma_wait3A_104 : memref<128x32xf32, #tpu.memory_space<vmem>>)
    %dma_wait3A_108 = arith.constant 0 : i32
    %dma_wait3A_109 = arith.constant 0 : i32
    %dma_wait3A_110 = arith.constant 0 : i32
    %dma_wait3A_111 = tpu.memref_slice %arg10[%dma_wait3A_108, %dma_wait3A_109, %dma_wait3A_110] : memref<2x128x32xf32, #tpu.memory_space<vmem>> -> memref<1x128x32xf32, #tpu.memory_space<vmem>>
    %dma_wait3A_112 = tpu.memref_squeeze %dma_wait3A_111 : memref<1x128x32xf32, #tpu.memory_space<vmem>> -> memref<128x32xf32, #tpu.memory_space<vmem>>
    %dma_wait3A_113 = arith.constant 0 : i32
    %dma_wait3A_114 = arith.constant 0 : i32
    %dma_wait3A_115 = tpu.memref_slice %arg5[%dma_wait3A_113, %dma_wait3A_114] : memref<1000000x32xf32, #tpu.memory_space<hbm>> -> memref<128x32xf32, #tpu.memory_space<hbm>>
    %dma_wait3A_116 = arith.constant 0 : i32
    %dma_wait3A_117 = arith.constant 0 : i32
    %dma_wait3A_118 = tpu.memref_slice %arg10[%dma_wait3A_108, %dma_wait3A_116, %dma_wait3A_117] : memref<2x128x32xf32, #tpu.memory_space<vmem>> -> memref<1x128x32xf32, #tpu.memory_space<vmem>>
    %dma_wait3A_119 = tpu.memref_squeeze %dma_wait3A_118 : memref<1x128x32xf32, #tpu.memory_space<vmem>> -> memref<128x32xf32, #tpu.memory_space<vmem>>
    %dma_wait3A_120 = arith.constant 0 : i32
    %dma_wait3A_121 = arith.constant 0 : i32
    %dma_wait3A_122 = tpu.memref_slice %arg5[%dma_wait3A_120, %dma_wait3A_121] : memref<1000000x32xf32, #tpu.memory_space<hbm>> -> memref<128x32xf32, #tpu.memory_space<hbm>>
    tpu.wait_dma2 semaphore(%arg13 : memref<!tpu.dma_semaphore, #tpu.memory_space<semaphore_mem>>) src(%dma_wait3A_122 : memref<128x32xf32, #tpu.memory_space<hbm>>) dst(%dma_wait3A_119 : memref<128x32xf32, #tpu.memory_space<vmem>>)
    %scan3A_123 = arith.constant 0 : i32
    %scan3A_124 = arith.constant 0 : i32
    %scan3A_125 = arith.constant 8 : i32
    %scan3A_126 = arith.addi %scan3A_124, %scan3A_125 : i32
    %scan3A_127 = arith.constant 1 : i32
    scf.for %scan3A_177 = %scan3A_124 to %scan3A_126 step %scan3A_127  : i32 {
      %mul3A_178 = arith.constant 16 : i32
      %mul3A_179 = arith.muli %scan3A_177, %mul3A_178 : i32
      %add3A_180 = arith.constant 384 : i32
      %add3A_181 = arith.addi %add3A_180, %mul3A_179 : i32
      %get3A = arith.index_cast %add3A_181 : i32 to index
      %get3A_182 = tpu.vector_load %arg7[%get3A] {strides = array<i32>} : memref<512xi32, #tpu.memory_space<vmem>>, vector<16xi32>,
      %mul3A_183 = arith.constant 16 : i32
      %mul3A_184 = arith.muli %scan3A_177, %mul3A_183 : i32
      %add3A_185 = arith.constant 384 : i32
      %add3A_186 = arith.addi %add3A_185, %mul3A_184 : i32
      %get3A_187 = arith.index_cast %add3A_186 : i32 to index
      %get3A_188 = tpu.vector_load %arg8[%get3A_187] {strides = array<i32>} : memref<512xi32, #tpu.memory_space<vmem>>, vector<16xi32>,
      %slice3A = vector.extract_strided_slice %get3A_182 {offsets = [0], sizes = [1], strides = [1]} : vector<16xi32> to vector<1xi32>
      %squeeze3A = vector.extract %slice3A[0] : i32 from vector<1xi32>
      %slice3A_189 = vector.extract_strided_slice %get3A_188 {offsets = [0], sizes = [1], strides = [1]} : vector<16xi32> to vector<1xi32>
      %squeeze3A_190 = vector.extract %slice3A_189[0] : i32 from vector<1xi32>
      %mul3A_191 = arith.constant 16 : i32
      %mul3A_192 = arith.muli %scan3A_177, %mul3A_191 : i32
      %add3A_193 = arith.constant 0 : i32
      %add3A_194 = arith.addi %mul3A_192, %add3A_193 : i32
      %dma_start3A = arith.constant 1 : i32
      %dma_start3A_195 = arith.constant 0 : i32
      %dma_start3A_196 = tpu.memref_slice %arg9[%dma_start3A, %add3A_194, %dma_start3A_195] : memref<2x128x32xf32, #tpu.memory_space<vmem>> -> memref<1x1x32xf32, #tpu.memory_space<vmem>>
      %dma_start3A_197 = tpu.memref_squeeze %dma_start3A_196 : memref<1x1x32xf32, #tpu.memory_space<vmem>> -> memref<1x32xf32, #tpu.memory_space<vmem>>
      %dma_start3A_198 = arith.constant 0 : i32
      %dma_start3A_199 = tpu.memref_slice %arg4[%squeeze3A, %dma_start3A_198] : memref<1000000x32xf32, #tpu.memory_space<hbm>> -> memref<1x32xf32, #tpu.memory_space<hbm>>
      %dma_start3A_200 = arith.constant 0 : i32
      %dma_start3A_201 = tpu.memref_slice %arg9[%dma_start3A, %add3A_194, %dma_start3A_200] : memref<2x128x32xf32, #tpu.memory_space<vmem>> -> memref<1x1x32xf32, #tpu.memory_space<vmem>>
      %dma_start3A_202 = tpu.memref_squeeze %dma_start3A_201 : memref<1x1x32xf32, #tpu.memory_space<vmem>> -> memref<1x32xf32, #tpu.memory_space<vmem>>
      %dma_start3A_203 = arith.constant 0 : i32
      %dma_start3A_204 = tpu.memref_slice %arg4[%squeeze3A, %dma_start3A_203] : memref<1000000x32xf32, #tpu.memory_space<hbm>> -> memref<1x32xf32, #tpu.memory_space<hbm>>
      tpu.enqueue_dma source(%dma_start3A_204 : memref<1x32xf32, #tpu.memory_space<hbm>>) target(%dma_start3A_202 : memref<1x32xf32, #tpu.memory_space<vmem>>) target_semaphore(%arg12 : memref<!tpu.dma_semaphore, #tpu.memory_space<semaphore_mem>>)
      %dma_start3A_205 = arith.constant 1 : i32
      %dma_start3A_206 = arith.constant 0 : i32
      %dma_start3A_207 = tpu.memref_slice %arg10[%dma_start3A_205, %add3A_194, %dma_start3A_206] : memref<2x128x32xf32, #tpu.memory_space<vmem>> -> memref<1x1x32xf32, #tpu.memory_space<vmem>>
      %dma_start3A_208 = tpu.memref_squeeze %dma_start3A_207 : memref<1x1x32xf32, #tpu.memory_space<vmem>> -> memref<1x32xf32, #tpu.memory_space<vmem>>
      %dma_start3A_209 = arith.constant 0 : i32
      %dma_start3A_210 = tpu.memref_slice %arg5[%squeeze3A_190, %dma_start3A_209] : memref<1000000x32xf32, #tpu.memory_space<hbm>> -> memref<1x32xf32, #tpu.memory_space<hbm>>
      %dma_start3A_211 = arith.constant 0 : i32
      %dma_start3A_212 = tpu.memref_slice %arg10[%dma_start3A_205, %add3A_194, %dma_start3A_211] : memref<2x128x32xf32, #tpu.memory_space<vmem>> -> memref<1x1x32xf32, #tpu.memory_space<vmem>>
      %dma_start3A_213 = tpu.memref_squeeze %dma_start3A_212 : memref<1x1x32xf32, #tpu.memory_space<vmem>> -> memref<1x32xf32, #tpu.memory_space<vmem>>
      %dma_start3A_214 = arith.constant 0 : i32
      %dma_start3A_215 = tpu.memref_slice %arg5[%squeeze3A_190, %dma_start3A_214] : memref<1000000x32xf32, #tpu.memory_space<hbm>> -> memref<1x32xf32, #tpu.memory_space<hbm>>
      tpu.enqueue_dma source(%dma_start3A_215 : memref<1x32xf32, #tpu.memory_space<hbm>>) target(%dma_start3A_213 : memref<1x32xf32, #tpu.memory_space<vmem>>) target_semaphore(%arg13 : memref<!tpu.dma_semaphore, #tpu.memory_space<semaphore_mem>>)
      %slice3A_216 = vector.extract_strided_slice %get3A_182 {offsets = [1], sizes = [1], strides = [1]} : vector<16xi32> to vector<1xi32>
      %squeeze3A_217 = vector.extract %slice3A_216[0] : i32 from vector<1xi32>
      %slice3A_218 = vector.extract_strided_slice %get3A_188 {offsets = [1], sizes = [1], strides = [1]} : vector<16xi32> to vector<1xi32>
      %squeeze3A_219 = vector.extract %slice3A_218[0] : i32 from vector<1xi32>
      %mul3A_220 = arith.constant 16 : i32
      %mul3A_221 = arith.muli %scan3A_177, %mul3A_220 : i32
      %add3A_222 = arith.constant 1 : i32
      %add3A_223 = arith.addi %mul3A_221, %add3A_222 : i32
      %dma_start3A_224 = arith.constant 1 : i32
      %dma_start3A_225 = arith.constant 0 : i32
      %dma_start3A_226 = tpu.memref_slice %arg9[%dma_start3A_224, %add3A_223, %dma_start3A_225] : memref<2x128x32xf32, #tpu.memory_space<vmem>> -> memref<1x1x32xf32, #tpu.memory_space<vmem>>
      %dma_start3A_227 = tpu.memref_squeeze %dma_start3A_226 : memref<1x1x32xf32, #tpu.memory_space<vmem>> -> memref<1x32xf32, #tpu.memory_space<vmem>>
      %dma_start3A_228 = arith.constant 0 : i32
      %dma_start3A_229 = tpu.memref_slice %arg4[%squeeze3A_217, %dma_start3A_228] : memref<1000000x32xf32, #tpu.memory_space<hbm>> -> memref<1x32xf32, #tpu.memory_space<hbm>>
      %dma_start3A_230 = arith.constant 0 : i32
      %dma_start3A_231 = tpu.memref_slice %arg9[%dma_start3A_224, %add3A_223, %dma_start3A_230] : memref<2x128x32xf32, #tpu.memory_space<vmem>> -> memref<1x1x32xf32, #tpu.memory_space<vmem>>
      %dma_start3A_232 = tpu.memref_squeeze %dma_start3A_231 : memref<1x1x32xf32, #tpu.memory_space<vmem>> -> memref<1x32xf32, #tpu.memory_space<vmem>>
      %dma_start3A_233 = arith.constant 0 : i32
      %dma_start3A_234 = tpu.memref_slice %arg4[%squeeze3A_217, %dma_start3A_233] : memref<1000000x32xf32, #tpu.memory_space<hbm>> -> memref<1x32xf32, #tpu.memory_space<hbm>>
      tpu.enqueue_dma source(%dma_start3A_234 : memref<1x32xf32, #tpu.memory_space<hbm>>) target(%dma_start3A_232 : memref<1x32xf32, #tpu.memory_space<vmem>>) target_semaphore(%arg12 : memref<!tpu.dma_semaphore, #tpu.memory_space<semaphore_mem>>)
      %dma_start3A_235 = arith.constant 1 : i32
      %dma_start3A_236 = arith.constant 0 : i32
      %dma_start3A_237 = tpu.memref_slice %arg10[%dma_start3A_235, %add3A_223, %dma_start3A_236] : memref<2x128x32xf32, #tpu.memory_space<vmem>> -> memref<1x1x32xf32, #tpu.memory_space<vmem>>
      %dma_start3A_238 = tpu.memref_squeeze %dma_start3A_237 : memref<1x1x32xf32, #tpu.memory_space<vmem>> -> memref<1x32xf32, #tpu.memory_space<vmem>>
      %dma_start3A_239 = arith.constant 0 : i32
      %dma_start3A_240 = tpu.memref_slice %arg5[%squeeze3A_219, %dma_start3A_239] : memref<1000000x32xf32, #tpu.memory_space<hbm>> -> memref<1x32xf32, #tpu.memory_space<hbm>>
      %dma_start3A_241 = arith.constant 0 : i32
      %dma_start3A_242 = tpu.memref_slice %arg10[%dma_start3A_235, %add3A_223, %dma_start3A_241] : memref<2x128x32xf32, #tpu.memory_space<vmem>> -> memref<1x1x32xf32, #tpu.memory_space<vmem>>
      %dma_start3A_243 = tpu.memref_squeeze %dma_start3A_242 : memref<1x1x32xf32, #tpu.memory_space<vmem>> -> memref<1x32xf32, #tpu.memory_space<vmem>>
      %dma_start3A_244 = arith.constant 0 : i32
      %dma_start3A_245 = tpu.memref_slice %arg5[%squeeze3A_219, %dma_start3A_244] : memref<1000000x32xf32, #tpu.memory_space<hbm>> -> memref<1x32xf32, #tpu.memory_space<hbm>>
      tpu.enqueue_dma source(%dma_start3A_245 : memref<1x32xf32, #tpu.memory_space<hbm>>) target(%dma_start3A_243 : memref<1x32xf32, #tpu.memory_space<vmem>>) target_semaphore(%arg13 : memref<!tpu.dma_semaphore, #tpu.memory_space<semaphore_mem>>)
      %slice3A_246 = vector.extract_strided_slice %get3A_182 {offsets = [2], sizes = [1], strides = [1]} : vector<16xi32> to vector<1xi32>
      %squeeze3A_247 = vector.extract %slice3A_246[0] : i32 from vector<1xi32>
      %slice3A_248 = vector.extract_strided_slice %get3A_188 {offsets = [2], sizes = [1], strides = [1]} : vector<16xi32> to vector<1xi32>
      %squeeze3A_249 = vector.extract %slice3A_248[0] : i32 from vector<1xi32>
      %mul3A_250 = arith.constant 16 : i32
      %mul3A_251 = arith.muli %scan3A_177, %mul3A_250 : i32
      %add3A_252 = arith.constant 2 : i32
      %add3A_253 = arith.addi %mul3A_251, %add3A_252 : i32
      %dma_start3A_254 = arith.constant 1 : i32
      %dma_start3A_255 = arith.constant 0 : i32
      %dma_start3A_256 = tpu.memref_slice %arg9[%dma_start3A_254, %add3A_253, %dma_start3A_255] : memref<2x128x32xf32, #tpu.memory_space<vmem>> -> memref<1x1x32xf32, #tpu.memory_space<vmem>>
      %dma_start3A_257 = tpu.memref_squeeze %dma_start3A_256 : memref<1x1x32xf32, #tpu.memory_space<vmem>> -> memref<1x32xf32, #tpu.memory_space<vmem>>
      %dma_start3A_258 = arith.constant 0 : i32
      %dma_start3A_259 = tpu.memref_slice %arg4[%squeeze3A_247, %dma_start3A_258] : memref<1000000x32xf32, #tpu.memory_space<hbm>> -> memref<1x32xf32, #tpu.memory_space<hbm>>
      %dma_start3A_260 = arith.constant 0 : i32
      %dma_start3A_261 = tpu.memref_slice %arg9[%dma_start3A_254, %add3A_253, %dma_start3A_260] : memref<2x128x32xf32, #tpu.memory_space<vmem>> -> memref<1x1x32xf32, #tpu.memory_space<vmem>>
      %dma_start3A_262 = tpu.memref_squeeze %dma_start3A_261 : memref<1x1x32xf32, #tpu.memory_space<vmem>> -> memref<1x32xf32, #tpu.memory_space<vmem>>
      %dma_start3A_263 = arith.constant 0 : i32
      %dma_start3A_264 = tpu.memref_slice %arg4[%squeeze3A_247, %dma_start3A_263] : memref<1000000x32xf32, #tpu.memory_space<hbm>> -> memref<1x32xf32, #tpu.memory_space<hbm>>
      tpu.enqueue_dma source(%dma_start3A_264 : memref<1x32xf32, #tpu.memory_space<hbm>>) target(%dma_start3A_262 : memref<1x32xf32, #tpu.memory_space<vmem>>) target_semaphore(%arg12 : memref<!tpu.dma_semaphore, #tpu.memory_space<semaphore_mem>>)
      %dma_start3A_265 = arith.constant 1 : i32
      %dma_start3A_266 = arith.constant 0 : i32
      %dma_start3A_267 = tpu.memref_slice %arg10[%dma_start3A_265, %add3A_253, %dma_start3A_266] : memref<2x128x32xf32, #tpu.memory_space<vmem>> -> memref<1x1x32xf32, #tpu.memory_space<vmem>>
      %dma_start3A_268 = tpu.memref_squeeze %dma_start3A_267 : memref<1x1x32xf32, #tpu.memory_space<vmem>> -> memref<1x32xf32, #tpu.memory_space<vmem>>
      %dma_start3A_269 = arith.constant 0 : i32
      %dma_start3A_270 = tpu.memref_slice %arg5[%squeeze3A_249, %dma_start3A_269] : memref<1000000x32xf32, #tpu.memory_space<hbm>> -> memref<1x32xf32, #tpu.memory_space<hbm>>
      %dma_start3A_271 = arith.constant 0 : i32
      %dma_start3A_272 = tpu.memref_slice %arg10[%dma_start3A_265, %add3A_253, %dma_start3A_271] : memref<2x128x32xf32, #tpu.memory_space<vmem>> -> memref<1x1x32xf32, #tpu.memory_space<vmem>>
      %dma_start3A_273 = tpu.memref_squeeze %dma_start3A_272 : memref<1x1x32xf32, #tpu.memory_space<vmem>> -> memref<1x32xf32, #tpu.memory_space<vmem>>
      %dma_start3A_274 = arith.constant 0 : i32
      %dma_start3A_275 = tpu.memref_slice %arg5[%squeeze3A_249, %dma_start3A_274] : memref<1000000x32xf32, #tpu.memory_space<hbm>> -> memref<1x32xf32, #tpu.memory_space<hbm>>
      tpu.enqueue_dma source(%dma_start3A_275 : memref<1x32xf32, #tpu.memory_space<hbm>>) target(%dma_start3A_273 : memref<1x32xf32, #tpu.memory_space<vmem>>) target_semaphore(%arg13 : memref<!tpu.dma_semaphore, #tpu.memory_space<semaphore_mem>>)
      %slice3A_276 = vector.extract_strided_slice %get3A_182 {offsets = [3], sizes = [1], strides = [1]} : vector<16xi32> to vector<1xi32>
      %squeeze3A_277 = vector.extract %slice3A_276[0] : i32 from vector<1xi32>
      %slice3A_278 = vector.extract_strided_slice %get3A_188 {offsets = [3], sizes = [1], strides = [1]} : vector<16xi32> to vector<1xi32>
      %squeeze3A_279 = vector.extract %slice3A_278[0] : i32 from vector<1xi32>
      %mul3A_280 = arith.constant 16 : i32
      %mul3A_281 = arith.muli %scan3A_177, %mul3A_280 : i32
      %add3A_282 = arith.constant 3 : i32
      %add3A_283 = arith.addi %mul3A_281, %add3A_282 : i32
      %dma_start3A_284 = arith.constant 1 : i32
      %dma_start3A_285 = arith.constant 0 : i32
      %dma_start3A_286 = tpu.memref_slice %arg9[%dma_start3A_284, %add3A_283, %dma_start3A_285] : memref<2x128x32xf32, #tpu.memory_space<vmem>> -> memref<1x1x32xf32, #tpu.memory_space<vmem>>
      %dma_start3A_287 = tpu.memref_squeeze %dma_start3A_286 : memref<1x1x32xf32, #tpu.memory_space<vmem>> -> memref<1x32xf32, #tpu.memory_space<vmem>>
      %dma_start3A_288 = arith.constant 0 : i32
      %dma_start3A_289 = tpu.memref_slice %arg4[%squeeze3A_277, %dma_start3A_288] : memref<1000000x32xf32, #tpu.memory_space<hbm>> -> memref<1x32xf32, #tpu.memory_space<hbm>>
      %dma_start3A_290 = arith.constant 0 : i32
      %dma_start3A_291 = tpu.memref_slice %arg9[%dma_start3A_284, %add3A_283, %dma_start3A_290] : memref<2x128x32xf32, #tpu.memory_space<vmem>> -> memref<1x1x32xf32, #tpu.memory_space<vmem>>
      %dma_start3A_292 = tpu.memref_squeeze %dma_start3A_291 : memref<1x1x32xf32, #tpu.memory_space<vmem>> -> memref<1x32xf32, #tpu.memory_space<vmem>>
      %dma_start3A_293 = arith.constant 0 : i32
      %dma_start3A_294 = tpu.memref_slice %arg4[%squeeze3A_277, %dma_start3A_293] : memref<1000000x32xf32, #tpu.memory_space<hbm>> -> memref<1x32xf32, #tpu.memory_space<hbm>>
      tpu.enqueue_dma source(%dma_start3A_294 : memref<1x32xf32, #tpu.memory_space<hbm>>) target(%dma_start3A_292 : memref<1x32xf32, #tpu.memory_space<vmem>>) target_semaphore(%arg12 : memref<!tpu.dma_semaphore, #tpu.memory_space<semaphore_mem>>)
      %dma_start3A_295 = arith.constant 1 : i32
      %dma_start3A_296 = arith.constant 0 : i32
      %dma_start3A_297 = tpu.memref_slice %arg10[%dma_start3A_295, %add3A_283, %dma_start3A_296] : memref<2x128x32xf32, #tpu.memory_space<vmem>> -> memref<1x1x32xf32, #tpu.memory_space<vmem>>
      %dma_start3A_298 = tpu.memref_squeeze %dma_start3A_297 : memref<1x1x32xf32, #tpu.memory_space<vmem>> -> memref<1x32xf32, #tpu.memory_space<vmem>>
      %dma_start3A_299 = arith.constant 0 : i32
      %dma_start3A_300 = tpu.memref_slice %arg5[%squeeze3A_279, %dma_start3A_299] : memref<1000000x32xf32, #tpu.memory_space<hbm>> -> memref<1x32xf32, #tpu.memory_space<hbm>>
      %dma_start3A_301 = arith.constant 0 : i32
      %dma_start3A_302 = tpu.memref_slice %arg10[%dma_start3A_295, %add3A_283, %dma_start3A_301] : memref<2x128x32xf32, #tpu.memory_space<vmem>> -> memref<1x1x32xf32, #tpu.memory_space<vmem>>
      %dma_start3A_303 = tpu.memref_squeeze %dma_start3A_302 : memref<1x1x32xf32, #tpu.memory_space<vmem>> -> memref<1x32xf32, #tpu.memory_space<vmem>>
      %dma_start3A_304 = arith.constant 0 : i32
      %dma_start3A_305 = tpu.memref_slice %arg5[%squeeze3A_279, %dma_start3A_304] : memref<1000000x32xf32, #tpu.memory_space<hbm>> -> memref<1x32xf32, #tpu.memory_space<hbm>>
      tpu.enqueue_dma source(%dma_start3A_305 : memref<1x32xf32, #tpu.memory_space<hbm>>) target(%dma_start3A_303 : memref<1x32xf32, #tpu.memory_space<vmem>>) target_semaphore(%arg13 : memref<!tpu.dma_semaphore, #tpu.memory_space<semaphore_mem>>)
      %slice3A_306 = vector.extract_strided_slice %get3A_182 {offsets = [4], sizes = [1], strides = [1]} : vector<16xi32> to vector<1xi32>
      %squeeze3A_307 = vector.extract %slice3A_306[0] : i32 from vector<1xi32>
      %slice3A_308 = vector.extract_strided_slice %get3A_188 {offsets = [4], sizes = [1], strides = [1]} : vector<16xi32> to vector<1xi32>
      %squeeze3A_309 = vector.extract %slice3A_308[0] : i32 from vector<1xi32>
      %mul3A_310 = arith.constant 16 : i32
      %mul3A_311 = arith.muli %scan3A_177, %mul3A_310 : i32
      %add3A_312 = arith.constant 4 : i32
      %add3A_313 = arith.addi %mul3A_311, %add3A_312 : i32
      %dma_start3A_314 = arith.constant 1 : i32
      %dma_start3A_315 = arith.constant 0 : i32
      %dma_start3A_316 = tpu.memref_slice %arg9[%dma_start3A_314, %add3A_313, %dma_start3A_315] : memref<2x128x32xf32, #tpu.memory_space<vmem>> -> memref<1x1x32xf32, #tpu.memory_space<vmem>>
      %dma_start3A_317 = tpu.memref_squeeze %dma_start3A_316 : memref<1x1x32xf32, #tpu.memory_space<vmem>> -> memref<1x32xf32, #tpu.memory_space<vmem>>
      %dma_start3A_318 = arith.constant 0 : i32
      %dma_start3A_319 = tpu.memref_slice %arg4[%squeeze3A_307, %dma_start3A_318] : memref<1000000x32xf32, #tpu.memory_space<hbm>> -> memref<1x32xf32, #tpu.memory_space<hbm>>
      %dma_start3A_320 = arith.constant 0 : i32
      %dma_start3A_321 = tpu.memref_slice %arg9[%dma_start3A_314, %add3A_313, %dma_start3A_320] : memref<2x128x32xf32, #tpu.memory_space<vmem>> -> memref<1x1x32xf32, #tpu.memory_space<vmem>>
      %dma_start3A_322 = tpu.memref_squeeze %dma_start3A_321 : memref<1x1x32xf32, #tpu.memory_space<vmem>> -> memref<1x32xf32, #tpu.memory_space<vmem>>
      %dma_start3A_323 = arith.constant 0 : i32
      %dma_start3A_324 = tpu.memref_slice %arg4[%squeeze3A_307, %dma_start3A_323] : memref<1000000x32xf32, #tpu.memory_space<hbm>> -> memref<1x32xf32, #tpu.memory_space<hbm>>
      tpu.enqueue_dma source(%dma_start3A_324 : memref<1x32xf32, #tpu.memory_space<hbm>>) target(%dma_start3A_322 : memref<1x32xf32, #tpu.memory_space<vmem>>) target_semaphore(%arg12 : memref<!tpu.dma_semaphore, #tpu.memory_space<semaphore_mem>>)
      %dma_start3A_325 = arith.constant 1 : i32
      %dma_start3A_326 = arith.constant 0 : i32
      %dma_start3A_327 = tpu.memref_slice %arg10[%dma_start3A_325, %add3A_313, %dma_start3A_326] : memref<2x128x32xf32, #tpu.memory_space<vmem>> -> memref<1x1x32xf32, #tpu.memory_space<vmem>>
      %dma_start3A_328 = tpu.memref_squeeze %dma_start3A_327 : memref<1x1x32xf32, #tpu.memory_space<vmem>> -> memref<1x32xf32, #tpu.memory_space<vmem>>
      %dma_start3A_329 = arith.constant 0 : i32
      %dma_start3A_330 = tpu.memref_slice %arg5[%squeeze3A_309, %dma_start3A_329] : memref<1000000x32xf32, #tpu.memory_space<hbm>> -> memref<1x32xf32, #tpu.memory_space<hbm>>
      %dma_start3A_331 = arith.constant 0 : i32
      %dma_start3A_332 = tpu.memref_slice %arg10[%dma_start3A_325, %add3A_313, %dma_start3A_331] : memref<2x128x32xf32, #tpu.memory_space<vmem>> -> memref<1x1x32xf32, #tpu.memory_space<vmem>>
      %dma_start3A_333 = tpu.memref_squeeze %dma_start3A_332 : memref<1x1x32xf32, #tpu.memory_space<vmem>> -> memref<1x32xf32, #tpu.memory_space<vmem>>
      %dma_start3A_334 = arith.constant 0 : i32
      %dma_start3A_335 = tpu.memref_slice %arg5[%squeeze3A_309, %dma_start3A_334] : memref<1000000x32xf32, #tpu.memory_space<hbm>> -> memref<1x32xf32, #tpu.memory_space<hbm>>
      tpu.enqueue_dma source(%dma_start3A_335 : memref<1x32xf32, #tpu.memory_space<hbm>>) target(%dma_start3A_333 : memref<1x32xf32, #tpu.memory_space<vmem>>) target_semaphore(%arg13 : memref<!tpu.dma_semaphore, #tpu.memory_space<semaphore_mem>>)
      %slice3A_336 = vector.extract_strided_slice %get3A_182 {offsets = [5], sizes = [1], strides = [1]} : vector<16xi32> to vector<1xi32>
      %squeeze3A_337 = vector.extract %slice3A_336[0] : i32 from vector<1xi32>
      %slice3A_338 = vector.extract_strided_slice %get3A_188 {offsets = [5], sizes = [1], strides = [1]} : vector<16xi32> to vector<1xi32>
      %squeeze3A_339 = vector.extract %slice3A_338[0] : i32 from vector<1xi32>
      %mul3A_340 = arith.constant 16 : i32
      %mul3A_341 = arith.muli %scan3A_177, %mul3A_340 : i32
      %add3A_342 = arith.constant 5 : i32
      %add3A_343 = arith.addi %mul3A_341, %add3A_342 : i32
      %dma_start3A_344 = arith.constant 1 : i32
      %dma_start3A_345 = arith.constant 0 : i32
      %dma_start3A_346 = tpu.memref_slice %arg9[%dma_start3A_344, %add3A_343, %dma_start3A_345] : memref<2x128x32xf32, #tpu.memory_space<vmem>> -> memref<1x1x32xf32, #tpu.memory_space<vmem>>
      %dma_start3A_347 = tpu.memref_squeeze %dma_start3A_346 : memref<1x1x32xf32, #tpu.memory_space<vmem>> -> memref<1x32xf32, #tpu.memory_space<vmem>>
      %dma_start3A_348 = arith.constant 0 : i32
      %dma_start3A_349 = tpu.memref_slice %arg4[%squeeze3A_337, %dma_start3A_348] : memref<1000000x32xf32, #tpu.memory_space<hbm>> -> memref<1x32xf32, #tpu.memory_space<hbm>>
      %dma_start3A_350 = arith.constant 0 : i32
      %dma_start3A_351 = tpu.memref_slice %arg9[%dma_start3A_344, %add3A_343, %dma_start3A_350] : memref<2x128x32xf32, #tpu.memory_space<vmem>> -> memref<1x1x32xf32, #tpu.memory_space<vmem>>
      %dma_start3A_352 = tpu.memref_squeeze %dma_start3A_351 : memref<1x1x32xf32, #tpu.memory_space<vmem>> -> memref<1x32xf32, #tpu.memory_space<vmem>>
      %dma_start3A_353 = arith.constant 0 : i32
      %dma_start3A_354 = tpu.memref_slice %arg4[%squeeze3A_337, %dma_start3A_353] : memref<1000000x32xf32, #tpu.memory_space<hbm>> -> memref<1x32xf32, #tpu.memory_space<hbm>>
      tpu.enqueue_dma source(%dma_start3A_354 : memref<1x32xf32, #tpu.memory_space<hbm>>) target(%dma_start3A_352 : memref<1x32xf32, #tpu.memory_space<vmem>>) target_semaphore(%arg12 : memref<!tpu.dma_semaphore, #tpu.memory_space<semaphore_mem>>)
      %dma_start3A_355 = arith.constant 1 : i32
      %dma_start3A_356 = arith.constant 0 : i32
      %dma_start3A_357 = tpu.memref_slice %arg10[%dma_start3A_355, %add3A_343, %dma_start3A_356] : memref<2x128x32xf32, #tpu.memory_space<vmem>> -> memref<1x1x32xf32, #tpu.memory_space<vmem>>
      %dma_start3A_358 = tpu.memref_squeeze %dma_start3A_357 : memref<1x1x32xf32, #tpu.memory_space<vmem>> -> memref<1x32xf32, #tpu.memory_space<vmem>>
      %dma_start3A_359 = arith.constant 0 : i32
      %dma_start3A_360 = tpu.memref_slice %arg5[%squeeze3A_339, %dma_start3A_359] : memref<1000000x32xf32, #tpu.memory_space<hbm>> -> memref<1x32xf32, #tpu.memory_space<hbm>>
      %dma_start3A_361 = arith.constant 0 : i32
      %dma_start3A_362 = tpu.memref_slice %arg10[%dma_start3A_355, %add3A_343, %dma_start3A_361] : memref<2x128x32xf32, #tpu.memory_space<vmem>> -> memref<1x1x32xf32, #tpu.memory_space<vmem>>
      %dma_start3A_363 = tpu.memref_squeeze %dma_start3A_362 : memref<1x1x32xf32, #tpu.memory_space<vmem>> -> memref<1x32xf32, #tpu.memory_space<vmem>>
      %dma_start3A_364 = arith.constant 0 : i32
      %dma_start3A_365 = tpu.memref_slice %arg5[%squeeze3A_339, %dma_start3A_364] : memref<1000000x32xf32, #tpu.memory_space<hbm>> -> memref<1x32xf32, #tpu.memory_space<hbm>>
      tpu.enqueue_dma source(%dma_start3A_365 : memref<1x32xf32, #tpu.memory_space<hbm>>) target(%dma_start3A_363 : memref<1x32xf32, #tpu.memory_space<vmem>>) target_semaphore(%arg13 : memref<!tpu.dma_semaphore, #tpu.memory_space<semaphore_mem>>)
      %slice3A_366 = vector.extract_strided_slice %get3A_182 {offsets = [6], sizes = [1], strides = [1]} : vector<16xi32> to vector<1xi32>
      %squeeze3A_367 = vector.extract %slice3A_366[0] : i32 from vector<1xi32>
      %slice3A_368 = vector.extract_strided_slice %get3A_188 {offsets = [6], sizes = [1], strides = [1]} : vector<16xi32> to vector<1xi32>
      %squeeze3A_369 = vector.extract %slice3A_368[0] : i32 from vector<1xi32>
      %mul3A_370 = arith.constant 16 : i32
      %mul3A_371 = arith.muli %scan3A_177, %mul3A_370 : i32
      %add3A_372 = arith.constant 6 : i32
      %add3A_373 = arith.addi %mul3A_371, %add3A_372 : i32
      %dma_start3A_374 = arith.constant 1 : i32
      %dma_start3A_375 = arith.constant 0 : i32
      %dma_start3A_376 = tpu.memref_slice %arg9[%dma_start3A_374, %add3A_373, %dma_start3A_375] : memref<2x128x32xf32, #tpu.memory_space<vmem>> -> memref<1x1x32xf32, #tpu.memory_space<vmem>>
      %dma_start3A_377 = tpu.memref_squeeze %dma_start3A_376 : memref<1x1x32xf32, #tpu.memory_space<vmem>> -> memref<1x32xf32, #tpu.memory_space<vmem>>
      %dma_start3A_378 = arith.constant 0 : i32
      %dma_start3A_379 = tpu.memref_slice %arg4[%squeeze3A_367, %dma_start3A_378] : memref<1000000x32xf32, #tpu.memory_space<hbm>> -> memref<1x32xf32, #tpu.memory_space<hbm>>
      %dma_start3A_380 = arith.constant 0 : i32
      %dma_start3A_381 = tpu.memref_slice %arg9[%dma_start3A_374, %add3A_373, %dma_start3A_380] : memref<2x128x32xf32, #tpu.memory_space<vmem>> -> memref<1x1x32xf32, #tpu.memory_space<vmem>>
      %dma_start3A_382 = tpu.memref_squeeze %dma_start3A_381 : memref<1x1x32xf32, #tpu.memory_space<vmem>> -> memref<1x32xf32, #tpu.memory_space<vmem>>
      %dma_start3A_383 = arith.constant 0 : i32
      %dma_start3A_384 = tpu.memref_slice %arg4[%squeeze3A_367, %dma_start3A_383] : memref<1000000x32xf32, #tpu.memory_space<hbm>> -> memref<1x32xf32, #tpu.memory_space<hbm>>
      tpu.enqueue_dma source(%dma_start3A_384 : memref<1x32xf32, #tpu.memory_space<hbm>>) target(%dma_start3A_382 : memref<1x32xf32, #tpu.memory_space<vmem>>) target_semaphore(%arg12 : memref<!tpu.dma_semaphore, #tpu.memory_space<semaphore_mem>>)
      %dma_start3A_385 = arith.constant 1 : i32
      %dma_start3A_386 = arith.constant 0 : i32
      %dma_start3A_387 = tpu.memref_slice %arg10[%dma_start3A_385, %add3A_373, %dma_start3A_386] : memref<2x128x32xf32, #tpu.memory_space<vmem>> -> memref<1x1x32xf32, #tpu.memory_space<vmem>>
      %dma_start3A_388 = tpu.memref_squeeze %dma_start3A_387 : memref<1x1x32xf32, #tpu.memory_space<vmem>> -> memref<1x32xf32, #tpu.memory_space<vmem>>
      %dma_start3A_389 = arith.constant 0 : i32
      %dma_start3A_390 = tpu.memref_slice %arg5[%squeeze3A_369, %dma_start3A_389] : memref<1000000x32xf32, #tpu.memory_space<hbm>> -> memref<1x32xf32, #tpu.memory_space<hbm>>
      %dma_start3A_391 = arith.constant 0 : i32
      %dma_start3A_392 = tpu.memref_slice %arg10[%dma_start3A_385, %add3A_373, %dma_start3A_391] : memref<2x128x32xf32, #tpu.memory_space<vmem>> -> memref<1x1x32xf32, #tpu.memory_space<vmem>>
      %dma_start3A_393 = tpu.memref_squeeze %dma_start3A_392 : memref<1x1x32xf32, #tpu.memory_space<vmem>> -> memref<1x32xf32, #tpu.memory_space<vmem>>
      %dma_start3A_394 = arith.constant 0 : i32
      %dma_start3A_395 = tpu.memref_slice %arg5[%squeeze3A_369, %dma_start3A_394] : memref<1000000x32xf32, #tpu.memory_space<hbm>> -> memref<1x32xf32, #tpu.memory_space<hbm>>
      tpu.enqueue_dma source(%dma_start3A_395 : memref<1x32xf32, #tpu.memory_space<hbm>>) target(%dma_start3A_393 : memref<1x32xf32, #tpu.memory_space<vmem>>) target_semaphore(%arg13 : memref<!tpu.dma_semaphore, #tpu.memory_space<semaphore_mem>>)
      %slice3A_396 = vector.extract_strided_slice %get3A_182 {offsets = [7], sizes = [1], strides = [1]} : vector<16xi32> to vector<1xi32>
      %squeeze3A_397 = vector.extract %slice3A_396[0] : i32 from vector<1xi32>
      %slice3A_398 = vector.extract_strided_slice %get3A_188 {offsets = [7], sizes = [1], strides = [1]} : vector<16xi32> to vector<1xi32>
      %squeeze3A_399 = vector.extract %slice3A_398[0] : i32 from vector<1xi32>
      %mul3A_400 = arith.constant 16 : i32
      %mul3A_401 = arith.muli %scan3A_177, %mul3A_400 : i32
      %add3A_402 = arith.constant 7 : i32
      %add3A_403 = arith.addi %mul3A_401, %add3A_402 : i32
      %dma_start3A_404 = arith.constant 1 : i32
      %dma_start3A_405 = arith.constant 0 : i32
      %dma_start3A_406 = tpu.memref_slice %arg9[%dma_start3A_404, %add3A_403, %dma_start3A_405] : memref<2x128x32xf32, #tpu.memory_space<vmem>> -> memref<1x1x32xf32, #tpu.memory_space<vmem>>
      %dma_start3A_407 = tpu.memref_squeeze %dma_start3A_406 : memref<1x1x32xf32, #tpu.memory_space<vmem>> -> memref<1x32xf32, #tpu.memory_space<vmem>>
      %dma_start3A_408 = arith.constant 0 : i32
      %dma_start3A_409 = tpu.memref_slice %arg4[%squeeze3A_397, %dma_start3A_408] : memref<1000000x32xf32, #tpu.memory_space<hbm>> -> memref<1x32xf32, #tpu.memory_space<hbm>>
      %dma_start3A_410 = arith.constant 0 : i32
      %dma_start3A_411 = tpu.memref_slice %arg9[%dma_start3A_404, %add3A_403, %dma_start3A_410] : memref<2x128x32xf32, #tpu.memory_space<vmem>> -> memref<1x1x32xf32, #tpu.memory_space<vmem>>
      %dma_start3A_412 = tpu.memref_squeeze %dma_start3A_411 : memref<1x1x32xf32, #tpu.memory_space<vmem>> -> memref<1x32xf32, #tpu.memory_space<vmem>>
      %dma_start3A_413 = arith.constant 0 : i32
      %dma_start3A_414 = tpu.memref_slice %arg4[%squeeze3A_397, %dma_start3A_413] : memref<1000000x32xf32, #tpu.memory_space<hbm>> -> memref<1x32xf32, #tpu.memory_space<hbm>>
      tpu.enqueue_dma source(%dma_start3A_414 : memref<1x32xf32, #tpu.memory_space<hbm>>) target(%dma_start3A_412 : memref<1x32xf32, #tpu.memory_space<vmem>>) target_semaphore(%arg12 : memref<!tpu.dma_semaphore, #tpu.memory_space<semaphore_mem>>)
      %dma_start3A_415 = arith.constant 1 : i32
      %dma_start3A_416 = arith.constant 0 : i32
      %dma_start3A_417 = tpu.memref_slice %arg10[%dma_start3A_415, %add3A_403, %dma_start3A_416] : memref<2x128x32xf32, #tpu.memory_space<vmem>> -> memref<1x1x32xf32, #tpu.memory_space<vmem>>
      %dma_start3A_418 = tpu.memref_squeeze %dma_start3A_417 : memref<1x1x32xf32, #tpu.memory_space<vmem>> -> memref<1x32xf32, #tpu.memory_space<vmem>>
      %dma_start3A_419 = arith.constant 0 : i32
      %dma_start3A_420 = tpu.memref_slice %arg5[%squeeze3A_399, %dma_start3A_419] : memref<1000000x32xf32, #tpu.memory_space<hbm>> -> memref<1x32xf32, #tpu.memory_space<hbm>>
      %dma_start3A_421 = arith.constant 0 : i32
      %dma_start3A_422 = tpu.memref_slice %arg10[%dma_start3A_415, %add3A_403, %dma_start3A_421] : memref<2x128x32xf32, #tpu.memory_space<vmem>> -> memref<1x1x32xf32, #tpu.memory_space<vmem>>
      %dma_start3A_423 = tpu.memref_squeeze %dma_start3A_422 : memref<1x1x32xf32, #tpu.memory_space<vmem>> -> memref<1x32xf32, #tpu.memory_space<vmem>>
      %dma_start3A_424 = arith.constant 0 : i32
      %dma_start3A_425 = tpu.memref_slice %arg5[%squeeze3A_399, %dma_start3A_424] : memref<1000000x32xf32, #tpu.memory_space<hbm>> -> memref<1x32xf32, #tpu.memory_space<hbm>>
      tpu.enqueue_dma source(%dma_start3A_425 : memref<1x32xf32, #tpu.memory_space<hbm>>) target(%dma_start3A_423 : memref<1x32xf32, #tpu.memory_space<vmem>>) target_semaphore(%arg13 : memref<!tpu.dma_semaphore, #tpu.memory_space<semaphore_mem>>)
      %slice3A_426 = vector.extract_strided_slice %get3A_182 {offsets = [8], sizes = [1], strides = [1]} : vector<16xi32> to vector<1xi32>
      %squeeze3A_427 = vector.extract %slice3A_426[0] : i32 from vector<1xi32>
      %slice3A_428 = vector.extract_strided_slice %get3A_188 {offsets = [8], sizes = [1], strides = [1]} : vector<16xi32> to vector<1xi32>
      %squeeze3A_429 = vector.extract %slice3A_428[0] : i32 from vector<1xi32>
      %mul3A_430 = arith.constant 16 : i32
      %mul3A_431 = arith.muli %scan3A_177, %mul3A_430 : i32
      %add3A_432 = arith.constant 8 : i32
      %add3A_433 = arith.addi %mul3A_431, %add3A_432 : i32
      %dma_start3A_434 = arith.constant 1 : i32
      %dma_start3A_435 = arith.constant 0 : i32
      %dma_start3A_436 = tpu.memref_slice %arg9[%dma_start3A_434, %add3A_433, %dma_start3A_435] : memref<2x128x32xf32, #tpu.memory_space<vmem>> -> memref<1x1x32xf32, #tpu.memory_space<vmem>>
      %dma_start3A_437 = tpu.memref_squeeze %dma_start3A_436 : memref<1x1x32xf32, #tpu.memory_space<vmem>> -> memref<1x32xf32, #tpu.memory_space<vmem>>
      %dma_start3A_438 = arith.constant 0 : i32
      %dma_start3A_439 = tpu.memref_slice %arg4[%squeeze3A_427, %dma_start3A_438] : memref<1000000x32xf32, #tpu.memory_space<hbm>> -> memref<1x32xf32, #tpu.memory_space<hbm>>
      %dma_start3A_440 = arith.constant 0 : i32
      %dma_start3A_441 = tpu.memref_slice %arg9[%dma_start3A_434, %add3A_433, %dma_start3A_440] : memref<2x128x32xf32, #tpu.memory_space<vmem>> -> memref<1x1x32xf32, #tpu.memory_space<vmem>>
      %dma_start3A_442 = tpu.memref_squeeze %dma_start3A_441 : memref<1x1x32xf32, #tpu.memory_space<vmem>> -> memref<1x32xf32, #tpu.memory_space<vmem>>
      %dma_start3A_443 = arith.constant 0 : i32
      %dma_start3A_444 = tpu.memref_slice %arg4[%squeeze3A_427, %dma_start3A_443] : memref<1000000x32xf32, #tpu.memory_space<hbm>> -> memref<1x32xf32, #tpu.memory_space<hbm>>
      tpu.enqueue_dma source(%dma_start3A_444 : memref<1x32xf32, #tpu.memory_space<hbm>>) target(%dma_start3A_442 : memref<1x32xf32, #tpu.memory_space<vmem>>) target_semaphore(%arg12 : memref<!tpu.dma_semaphore, #tpu.memory_space<semaphore_mem>>)
      %dma_start3A_445 = arith.constant 1 : i32
      %dma_start3A_446 = arith.constant 0 : i32
      %dma_start3A_447 = tpu.memref_slice %arg10[%dma_start3A_445, %add3A_433, %dma_start3A_446] : memref<2x128x32xf32, #tpu.memory_space<vmem>> -> memref<1x1x32xf32, #tpu.memory_space<vmem>>
      %dma_start3A_448 = tpu.memref_squeeze %dma_start3A_447 : memref<1x1x32xf32, #tpu.memory_space<vmem>> -> memref<1x32xf32, #tpu.memory_space<vmem>>
      %dma_start3A_449 = arith.constant 0 : i32
      %dma_start3A_450 = tpu.memref_slice %arg5[%squeeze3A_429, %dma_start3A_449] : memref<1000000x32xf32, #tpu.memory_space<hbm>> -> memref<1x32xf32, #tpu.memory_space<hbm>>
      %dma_start3A_451 = arith.constant 0 : i32
      %dma_start3A_452 = tpu.memref_slice %arg10[%dma_start3A_445, %add3A_433, %dma_start3A_451] : memref<2x128x32xf32, #tpu.memory_space<vmem>> -> memref<1x1x32xf32, #tpu.memory_space<vmem>>
      %dma_start3A_453 = tpu.memref_squeeze %dma_start3A_452 : memref<1x1x32xf32, #tpu.memory_space<vmem>> -> memref<1x32xf32, #tpu.memory_space<vmem>>
      %dma_start3A_454 = arith.constant 0 : i32
      %dma_start3A_455 = tpu.memref_slice %arg5[%squeeze3A_429, %dma_start3A_454] : memref<1000000x32xf32, #tpu.memory_space<hbm>> -> memref<1x32xf32, #tpu.memory_space<hbm>>
      tpu.enqueue_dma source(%dma_start3A_455 : memref<1x32xf32, #tpu.memory_space<hbm>>) target(%dma_start3A_453 : memref<1x32xf32, #tpu.memory_space<vmem>>) target_semaphore(%arg13 : memref<!tpu.dma_semaphore, #tpu.memory_space<semaphore_mem>>)
      %slice3A_456 = vector.extract_strided_slice %get3A_182 {offsets = [9], sizes = [1], strides = [1]} : vector<16xi32> to vector<1xi32>
      %squeeze3A_457 = vector.extract %slice3A_456[0] : i32 from vector<1xi32>
      %slice3A_458 = vector.extract_strided_slice %get3A_188 {offsets = [9], sizes = [1], strides = [1]} : vector<16xi32> to vector<1xi32>
      %squeeze3A_459 = vector.extract %slice3A_458[0] : i32 from vector<1xi32>
      %mul3A_460 = arith.constant 16 : i32
      %mul3A_461 = arith.muli %scan3A_177, %mul3A_460 : i32
      %add3A_462 = arith.constant 9 : i32
      %add3A_463 = arith.addi %mul3A_461, %add3A_462 : i32
      %dma_start3A_464 = arith.constant 1 : i32
      %dma_start3A_465 = arith.constant 0 : i32
      %dma_start3A_466 = tpu.memref_slice %arg9[%dma_start3A_464, %add3A_463, %dma_start3A_465] : memref<2x128x32xf32, #tpu.memory_space<vmem>> -> memref<1x1x32xf32, #tpu.memory_space<vmem>>
      %dma_start3A_467 = tpu.memref_squeeze %dma_start3A_466 : memref<1x1x32xf32, #tpu.memory_space<vmem>> -> memref<1x32xf32, #tpu.memory_space<vmem>>
      %dma_start3A_468 = arith.constant 0 : i32
      %dma_start3A_469 = tpu.memref_slice %arg4[%squeeze3A_457, %dma_start3A_468] : memref<1000000x32xf32, #tpu.memory_space<hbm>> -> memref<1x32xf32, #tpu.memory_space<hbm>>
      %dma_start3A_470 = arith.constant 0 : i32
      %dma_start3A_471 = tpu.memref_slice %arg9[%dma_start3A_464, %add3A_463, %dma_start3A_470] : memref<2x128x32xf32, #tpu.memory_space<vmem>> -> memref<1x1x32xf32, #tpu.memory_space<vmem>>
      %dma_start3A_472 = tpu.memref_squeeze %dma_start3A_471 : memref<1x1x32xf32, #tpu.memory_space<vmem>> -> memref<1x32xf32, #tpu.memory_space<vmem>>
      %dma_start3A_473 = arith.constant 0 : i32
      %dma_start3A_474 = tpu.memref_slice %arg4[%squeeze3A_457, %dma_start3A_473] : memref<1000000x32xf32, #tpu.memory_space<hbm>> -> memref<1x32xf32, #tpu.memory_space<hbm>>
      tpu.enqueue_dma source(%dma_start3A_474 : memref<1x32xf32, #tpu.memory_space<hbm>>) target(%dma_start3A_472 : memref<1x32xf32, #tpu.memory_space<vmem>>) target_semaphore(%arg12 : memref<!tpu.dma_semaphore, #tpu.memory_space<semaphore_mem>>)
      %dma_start3A_475 = arith.constant 1 : i32
      %dma_start3A_476 = arith.constant 0 : i32
      %dma_start3A_477 = tpu.memref_slice %arg10[%dma_start3A_475, %add3A_463, %dma_start3A_476] : memref<2x128x32xf32, #tpu.memory_space<vmem>> -> memref<1x1x32xf32, #tpu.memory_space<vmem>>
      %dma_start3A_478 = tpu.memref_squeeze %dma_start3A_477 : memref<1x1x32xf32, #tpu.memory_space<vmem>> -> memref<1x32xf32, #tpu.memory_space<vmem>>
      %dma_start3A_479 = arith.constant 0 : i32
      %dma_start3A_480 = tpu.memref_slice %arg5[%squeeze3A_459, %dma_start3A_479] : memref<1000000x32xf32, #tpu.memory_space<hbm>> -> memref<1x32xf32, #tpu.memory_space<hbm>>
      %dma_start3A_481 = arith.constant 0 : i32
      %dma_start3A_482 = tpu.memref_slice %arg10[%dma_start3A_475, %add3A_463, %dma_start3A_481] : memref<2x128x32xf32, #tpu.memory_space<vmem>> -> memref<1x1x32xf32, #tpu.memory_space<vmem>>
      %dma_start3A_483 = tpu.memref_squeeze %dma_start3A_482 : memref<1x1x32xf32, #tpu.memory_space<vmem>> -> memref<1x32xf32, #tpu.memory_space<vmem>>
      %dma_start3A_484 = arith.constant 0 : i32
      %dma_start3A_485 = tpu.memref_slice %arg5[%squeeze3A_459, %dma_start3A_484] : memref<1000000x32xf32, #tpu.memory_space<hbm>> -> memref<1x32xf32, #tpu.memory_space<hbm>>
      tpu.enqueue_dma source(%dma_start3A_485 : memref<1x32xf32, #tpu.memory_space<hbm>>) target(%dma_start3A_483 : memref<1x32xf32, #tpu.memory_space<vmem>>) target_semaphore(%arg13 : memref<!tpu.dma_semaphore, #tpu.memory_space<semaphore_mem>>)
      %slice3A_486 = vector.extract_strided_slice %get3A_182 {offsets = [10], sizes = [1], strides = [1]} : vector<16xi32> to vector<1xi32>
      %squeeze3A_487 = vector.extract %slice3A_486[0] : i32 from vector<1xi32>
      %slice3A_488 = vector.extract_strided_slice %get3A_188 {offsets = [10], sizes = [1], strides = [1]} : vector<16xi32> to vector<1xi32>
      %squeeze3A_489 = vector.extract %slice3A_488[0] : i32 from vector<1xi32>
      %mul3A_490 = arith.constant 16 : i32
      %mul3A_491 = arith.muli %scan3A_177, %mul3A_490 : i32
      %add3A_492 = arith.constant 10 : i32
      %add3A_493 = arith.addi %mul3A_491, %add3A_492 : i32
      %dma_start3A_494 = arith.constant 1 : i32
      %dma_start3A_495 = arith.constant 0 : i32
      %dma_start3A_496 = tpu.memref_slice %arg9[%dma_start3A_494, %add3A_493, %dma_start3A_495] : memref<2x128x32xf32, #tpu.memory_space<vmem>> -> memref<1x1x32xf32, #tpu.memory_space<vmem>>
      %dma_start3A_497 = tpu.memref_squeeze %dma_start3A_496 : memref<1x1x32xf32, #tpu.memory_space<vmem>> -> memref<1x32xf32, #tpu.memory_space<vmem>>
      %dma_start3A_498 = arith.constant 0 : i32
      %dma_start3A_499 = tpu.memref_slice %arg4[%squeeze3A_487, %dma_start3A_498] : memref<1000000x32xf32, #tpu.memory_space<hbm>> -> memref<1x32xf32, #tpu.memory_space<hbm>>
      %dma_start3A_500 = arith.constant 0 : i32
      %dma_start3A_501 = tpu.memref_slice %arg9[%dma_start3A_494, %add3A_493, %dma_start3A_500] : memref<2x128x32xf32, #tpu.memory_space<vmem>> -> memref<1x1x32xf32, #tpu.memory_space<vmem>>
      %dma_start3A_502 = tpu.memref_squeeze %dma_start3A_501 : memref<1x1x32xf32, #tpu.memory_space<vmem>> -> memref<1x32xf32, #tpu.memory_space<vmem>>
      %dma_start3A_503 = arith.constant 0 : i32
      %dma_start3A_504 = tpu.memref_slice %arg4[%squeeze3A_487, %dma_start3A_503] : memref<1000000x32xf32, #tpu.memory_space<hbm>> -> memref<1x32xf32, #tpu.memory_space<hbm>>
      tpu.enqueue_dma source(%dma_start3A_504 : memref<1x32xf32, #tpu.memory_space<hbm>>) target(%dma_start3A_502 : memref<1x32xf32, #tpu.memory_space<vmem>>) target_semaphore(%arg12 : memref<!tpu.dma_semaphore, #tpu.memory_space<semaphore_mem>>)
      %dma_start3A_505 = arith.constant 1 : i32
      %dma_start3A_506 = arith.constant 0 : i32
      %dma_start3A_507 = tpu.memref_slice %arg10[%dma_start3A_505, %add3A_493, %dma_start3A_506] : memref<2x128x32xf32, #tpu.memory_space<vmem>> -> memref<1x1x32xf32, #tpu.memory_space<vmem>>
      %dma_start3A_508 = tpu.memref_squeeze %dma_start3A_507 : memref<1x1x32xf32, #tpu.memory_space<vmem>> -> memref<1x32xf32, #tpu.memory_space<vmem>>
      %dma_start3A_509 = arith.constant 0 : i32
      %dma_start3A_510 = tpu.memref_slice %arg5[%squeeze3A_489, %dma_start3A_509] : memref<1000000x32xf32, #tpu.memory_space<hbm>> -> memref<1x32xf32, #tpu.memory_space<hbm>>
      %dma_start3A_511 = arith.constant 0 : i32
      %dma_start3A_512 = tpu.memref_slice %arg10[%dma_start3A_505, %add3A_493, %dma_start3A_511] : memref<2x128x32xf32, #tpu.memory_space<vmem>> -> memref<1x1x32xf32, #tpu.memory_space<vmem>>
      %dma_start3A_513 = tpu.memref_squeeze %dma_start3A_512 : memref<1x1x32xf32, #tpu.memory_space<vmem>> -> memref<1x32xf32, #tpu.memory_space<vmem>>
      %dma_start3A_514 = arith.constant 0 : i32
      %dma_start3A_515 = tpu.memref_slice %arg5[%squeeze3A_489, %dma_start3A_514] : memref<1000000x32xf32, #tpu.memory_space<hbm>> -> memref<1x32xf32, #tpu.memory_space<hbm>>
      tpu.enqueue_dma source(%dma_start3A_515 : memref<1x32xf32, #tpu.memory_space<hbm>>) target(%dma_start3A_513 : memref<1x32xf32, #tpu.memory_space<vmem>>) target_semaphore(%arg13 : memref<!tpu.dma_semaphore, #tpu.memory_space<semaphore_mem>>)
      %slice3A_516 = vector.extract_strided_slice %get3A_182 {offsets = [11], sizes = [1], strides = [1]} : vector<16xi32> to vector<1xi32>
      %squeeze3A_517 = vector.extract %slice3A_516[0] : i32 from vector<1xi32>
      %slice3A_518 = vector.extract_strided_slice %get3A_188 {offsets = [11], sizes = [1], strides = [1]} : vector<16xi32> to vector<1xi32>
      %squeeze3A_519 = vector.extract %slice3A_518[0] : i32 from vector<1xi32>
      %mul3A_520 = arith.constant 16 : i32
      %mul3A_521 = arith.muli %scan3A_177, %mul3A_520 : i32
      %add3A_522 = arith.constant 11 : i32
      %add3A_523 = arith.addi %mul3A_521, %add3A_522 : i32
      %dma_start3A_524 = arith.constant 1 : i32
      %dma_start3A_525 = arith.constant 0 : i32
      %dma_start3A_526 = tpu.memref_slice %arg9[%dma_start3A_524, %add3A_523, %dma_start3A_525] : memref<2x128x32xf32, #tpu.memory_space<vmem>> -> memref<1x1x32xf32, #tpu.memory_space<vmem>>
      %dma_start3A_527 = tpu.memref_squeeze %dma_start3A_526 : memref<1x1x32xf32, #tpu.memory_space<vmem>> -> memref<1x32xf32, #tpu.memory_space<vmem>>
      %dma_start3A_528 = arith.constant 0 : i32
      %dma_start3A_529 = tpu.memref_slice %arg4[%squeeze3A_517, %dma_start3A_528] : memref<1000000x32xf32, #tpu.memory_space<hbm>> -> memref<1x32xf32, #tpu.memory_space<hbm>>
      %dma_start3A_530 = arith.constant 0 : i32
      %dma_start3A_531 = tpu.memref_slice %arg9[%dma_start3A_524, %add3A_523, %dma_start3A_530] : memref<2x128x32xf32, #tpu.memory_space<vmem>> -> memref<1x1x32xf32, #tpu.memory_space<vmem>>
      %dma_start3A_532 = tpu.memref_squeeze %dma_start3A_531 : memref<1x1x32xf32, #tpu.memory_space<vmem>> -> memref<1x32xf32, #tpu.memory_space<vmem>>
      %dma_start3A_533 = arith.constant 0 : i32
      %dma_start3A_534 = tpu.memref_slice %arg4[%squeeze3A_517, %dma_start3A_533] : memref<1000000x32xf32, #tpu.memory_space<hbm>> -> memref<1x32xf32, #tpu.memory_space<hbm>>
      tpu.enqueue_dma source(%dma_start3A_534 : memref<1x32xf32, #tpu.memory_space<hbm>>) target(%dma_start3A_532 : memref<1x32xf32, #tpu.memory_space<vmem>>) target_semaphore(%arg12 : memref<!tpu.dma_semaphore, #tpu.memory_space<semaphore_mem>>)
      %dma_start3A_535 = arith.constant 1 : i32
      %dma_start3A_536 = arith.constant 0 : i32
      %dma_start3A_537 = tpu.memref_slice %arg10[%dma_start3A_535, %add3A_523, %dma_start3A_536] : memref<2x128x32xf32, #tpu.memory_space<vmem>> -> memref<1x1x32xf32, #tpu.memory_space<vmem>>
      %dma_start3A_538 = tpu.memref_squeeze %dma_start3A_537 : memref<1x1x32xf32, #tpu.memory_space<vmem>> -> memref<1x32xf32, #tpu.memory_space<vmem>>
      %dma_start3A_539 = arith.constant 0 : i32
      %dma_start3A_540 = tpu.memref_slice %arg5[%squeeze3A_519, %dma_start3A_539] : memref<1000000x32xf32, #tpu.memory_space<hbm>> -> memref<1x32xf32, #tpu.memory_space<hbm>>
      %dma_start3A_541 = arith.constant 0 : i32
      %dma_start3A_542 = tpu.memref_slice %arg10[%dma_start3A_535, %add3A_523, %dma_start3A_541] : memref<2x128x32xf32, #tpu.memory_space<vmem>> -> memref<1x1x32xf32, #tpu.memory_space<vmem>>
      %dma_start3A_543 = tpu.memref_squeeze %dma_start3A_542 : memref<1x1x32xf32, #tpu.memory_space<vmem>> -> memref<1x32xf32, #tpu.memory_space<vmem>>
      %dma_start3A_544 = arith.constant 0 : i32
      %dma_start3A_545 = tpu.memref_slice %arg5[%squeeze3A_519, %dma_start3A_544] : memref<1000000x32xf32, #tpu.memory_space<hbm>> -> memref<1x32xf32, #tpu.memory_space<hbm>>
      tpu.enqueue_dma source(%dma_start3A_545 : memref<1x32xf32, #tpu.memory_space<hbm>>) target(%dma_start3A_543 : memref<1x32xf32, #tpu.memory_space<vmem>>) target_semaphore(%arg13 : memref<!tpu.dma_semaphore, #tpu.memory_space<semaphore_mem>>)
      %slice3A_546 = vector.extract_strided_slice %get3A_182 {offsets = [12], sizes = [1], strides = [1]} : vector<16xi32> to vector<1xi32>
      %squeeze3A_547 = vector.extract %slice3A_546[0] : i32 from vector<1xi32>
      %slice3A_548 = vector.extract_strided_slice %get3A_188 {offsets = [12], sizes = [1], strides = [1]} : vector<16xi32> to vector<1xi32>
      %squeeze3A_549 = vector.extract %slice3A_548[0] : i32 from vector<1xi32>
      %mul3A_550 = arith.constant 16 : i32
      %mul3A_551 = arith.muli %scan3A_177, %mul3A_550 : i32
      %add3A_552 = arith.constant 12 : i32
      %add3A_553 = arith.addi %mul3A_551, %add3A_552 : i32
      %dma_start3A_554 = arith.constant 1 : i32
      %dma_start3A_555 = arith.constant 0 : i32
      %dma_start3A_556 = tpu.memref_slice %arg9[%dma_start3A_554, %add3A_553, %dma_start3A_555] : memref<2x128x32xf32, #tpu.memory_space<vmem>> -> memref<1x1x32xf32, #tpu.memory_space<vmem>>
      %dma_start3A_557 = tpu.memref_squeeze %dma_start3A_556 : memref<1x1x32xf32, #tpu.memory_space<vmem>> -> memref<1x32xf32, #tpu.memory_space<vmem>>
      %dma_start3A_558 = arith.constant 0 : i32
      %dma_start3A_559 = tpu.memref_slice %arg4[%squeeze3A_547, %dma_start3A_558] : memref<1000000x32xf32, #tpu.memory_space<hbm>> -> memref<1x32xf32, #tpu.memory_space<hbm>>
      %dma_start3A_560 = arith.constant 0 : i32
      %dma_start3A_561 = tpu.memref_slice %arg9[%dma_start3A_554, %add3A_553, %dma_start3A_560] : memref<2x128x32xf32, #tpu.memory_space<vmem>> -> memref<1x1x32xf32, #tpu.memory_space<vmem>>
      %dma_start3A_562 = tpu.memref_squeeze %dma_start3A_561 : memref<1x1x32xf32, #tpu.memory_space<vmem>> -> memref<1x32xf32, #tpu.memory_space<vmem>>
      %dma_start3A_563 = arith.constant 0 : i32
      %dma_start3A_564 = tpu.memref_slice %arg4[%squeeze3A_547, %dma_start3A_563] : memref<1000000x32xf32, #tpu.memory_space<hbm>> -> memref<1x32xf32, #tpu.memory_space<hbm>>
      tpu.enqueue_dma source(%dma_start3A_564 : memref<1x32xf32, #tpu.memory_space<hbm>>) target(%dma_start3A_562 : memref<1x32xf32, #tpu.memory_space<vmem>>) target_semaphore(%arg12 : memref<!tpu.dma_semaphore, #tpu.memory_space<semaphore_mem>>)
      %dma_start3A_565 = arith.constant 1 : i32
      %dma_start3A_566 = arith.constant 0 : i32
      %dma_start3A_567 = tpu.memref_slice %arg10[%dma_start3A_565, %add3A_553, %dma_start3A_566] : memref<2x128x32xf32, #tpu.memory_space<vmem>> -> memref<1x1x32xf32, #tpu.memory_space<vmem>>
      %dma_start3A_568 = tpu.memref_squeeze %dma_start3A_567 : memref<1x1x32xf32, #tpu.memory_space<vmem>> -> memref<1x32xf32, #tpu.memory_space<vmem>>
      %dma_start3A_569 = arith.constant 0 : i32
      %dma_start3A_570 = tpu.memref_slice %arg5[%squeeze3A_549, %dma_start3A_569] : memref<1000000x32xf32, #tpu.memory_space<hbm>> -> memref<1x32xf32, #tpu.memory_space<hbm>>
      %dma_start3A_571 = arith.constant 0 : i32
      %dma_start3A_572 = tpu.memref_slice %arg10[%dma_start3A_565, %add3A_553, %dma_start3A_571] : memref<2x128x32xf32, #tpu.memory_space<vmem>> -> memref<1x1x32xf32, #tpu.memory_space<vmem>>
      %dma_start3A_573 = tpu.memref_squeeze %dma_start3A_572 : memref<1x1x32xf32, #tpu.memory_space<vmem>> -> memref<1x32xf32, #tpu.memory_space<vmem>>
      %dma_start3A_574 = arith.constant 0 : i32
      %dma_start3A_575 = tpu.memref_slice %arg5[%squeeze3A_549, %dma_start3A_574] : memref<1000000x32xf32, #tpu.memory_space<hbm>> -> memref<1x32xf32, #tpu.memory_space<hbm>>
      tpu.enqueue_dma source(%dma_start3A_575 : memref<1x32xf32, #tpu.memory_space<hbm>>) target(%dma_start3A_573 : memref<1x32xf32, #tpu.memory_space<vmem>>) target_semaphore(%arg13 : memref<!tpu.dma_semaphore, #tpu.memory_space<semaphore_mem>>)
      %slice3A_576 = vector.extract_strided_slice %get3A_182 {offsets = [13], sizes = [1], strides = [1]} : vector<16xi32> to vector<1xi32>
      %squeeze3A_577 = vector.extract %slice3A_576[0] : i32 from vector<1xi32>
      %slice3A_578 = vector.extract_strided_slice %get3A_188 {offsets = [13], sizes = [1], strides = [1]} : vector<16xi32> to vector<1xi32>
      %squeeze3A_579 = vector.extract %slice3A_578[0] : i32 from vector<1xi32>
      %mul3A_580 = arith.constant 16 : i32
      %mul3A_581 = arith.muli %scan3A_177, %mul3A_580 : i32
      %add3A_582 = arith.constant 13 : i32
      %add3A_583 = arith.addi %mul3A_581, %add3A_582 : i32
      %dma_start3A_584 = arith.constant 1 : i32
      %dma_start3A_585 = arith.constant 0 : i32
      %dma_start3A_586 = tpu.memref_slice %arg9[%dma_start3A_584, %add3A_583, %dma_start3A_585] : memref<2x128x32xf32, #tpu.memory_space<vmem>> -> memref<1x1x32xf32, #tpu.memory_space<vmem>>
      %dma_start3A_587 = tpu.memref_squeeze %dma_start3A_586 : memref<1x1x32xf32, #tpu.memory_space<vmem>> -> memref<1x32xf32, #tpu.memory_space<vmem>>
      %dma_start3A_588 = arith.constant 0 : i32
      %dma_start3A_589 = tpu.memref_slice %arg4[%squeeze3A_577, %dma_start3A_588] : memref<1000000x32xf32, #tpu.memory_space<hbm>> -> memref<1x32xf32, #tpu.memory_space<hbm>>
      %dma_start3A_590 = arith.constant 0 : i32
      %dma_start3A_591 = tpu.memref_slice %arg9[%dma_start3A_584, %add3A_583, %dma_start3A_590] : memref<2x128x32xf32, #tpu.memory_space<vmem>> -> memref<1x1x32xf32, #tpu.memory_space<vmem>>
      %dma_start3A_592 = tpu.memref_squeeze %dma_start3A_591 : memref<1x1x32xf32, #tpu.memory_space<vmem>> -> memref<1x32xf32, #tpu.memory_space<vmem>>
      %dma_start3A_593 = arith.constant 0 : i32
      %dma_start3A_594 = tpu.memref_slice %arg4[%squeeze3A_577, %dma_start3A_593] : memref<1000000x32xf32, #tpu.memory_space<hbm>> -> memref<1x32xf32, #tpu.memory_space<hbm>>
      tpu.enqueue_dma source(%dma_start3A_594 : memref<1x32xf32, #tpu.memory_space<hbm>>) target(%dma_start3A_592 : memref<1x32xf32, #tpu.memory_space<vmem>>) target_semaphore(%arg12 : memref<!tpu.dma_semaphore, #tpu.memory_space<semaphore_mem>>)
      %dma_start3A_595 = arith.constant 1 : i32
      %dma_start3A_596 = arith.constant 0 : i32
      %dma_start3A_597 = tpu.memref_slice %arg10[%dma_start3A_595, %add3A_583, %dma_start3A_596] : memref<2x128x32xf32, #tpu.memory_space<vmem>> -> memref<1x1x32xf32, #tpu.memory_space<vmem>>
      %dma_start3A_598 = tpu.memref_squeeze %dma_start3A_597 : memref<1x1x32xf32, #tpu.memory_space<vmem>> -> memref<1x32xf32, #tpu.memory_space<vmem>>
      %dma_start3A_599 = arith.constant 0 : i32
      %dma_start3A_600 = tpu.memref_slice %arg5[%squeeze3A_579, %dma_start3A_599] : memref<1000000x32xf32, #tpu.memory_space<hbm>> -> memref<1x32xf32, #tpu.memory_space<hbm>>
      %dma_start3A_601 = arith.constant 0 : i32
      %dma_start3A_602 = tpu.memref_slice %arg10[%dma_start3A_595, %add3A_583, %dma_start3A_601] : memref<2x128x32xf32, #tpu.memory_space<vmem>> -> memref<1x1x32xf32, #tpu.memory_space<vmem>>
      %dma_start3A_603 = tpu.memref_squeeze %dma_start3A_602 : memref<1x1x32xf32, #tpu.memory_space<vmem>> -> memref<1x32xf32, #tpu.memory_space<vmem>>
      %dma_start3A_604 = arith.constant 0 : i32
      %dma_start3A_605 = tpu.memref_slice %arg5[%squeeze3A_579, %dma_start3A_604] : memref<1000000x32xf32, #tpu.memory_space<hbm>> -> memref<1x32xf32, #tpu.memory_space<hbm>>
      tpu.enqueue_dma source(%dma_start3A_605 : memref<1x32xf32, #tpu.memory_space<hbm>>) target(%dma_start3A_603 : memref<1x32xf32, #tpu.memory_space<vmem>>) target_semaphore(%arg13 : memref<!tpu.dma_semaphore, #tpu.memory_space<semaphore_mem>>)
      %slice3A_606 = vector.extract_strided_slice %get3A_182 {offsets = [14], sizes = [1], strides = [1]} : vector<16xi32> to vector<1xi32>
      %squeeze3A_607 = vector.extract %slice3A_606[0] : i32 from vector<1xi32>
      %slice3A_608 = vector.extract_strided_slice %get3A_188 {offsets = [14], sizes = [1], strides = [1]} : vector<16xi32> to vector<1xi32>
      %squeeze3A_609 = vector.extract %slice3A_608[0] : i32 from vector<1xi32>
      %mul3A_610 = arith.constant 16 : i32
      %mul3A_611 = arith.muli %scan3A_177, %mul3A_610 : i32
      %add3A_612 = arith.constant 14 : i32
      %add3A_613 = arith.addi %mul3A_611, %add3A_612 : i32
      %dma_start3A_614 = arith.constant 1 : i32
      %dma_start3A_615 = arith.constant 0 : i32
      %dma_start3A_616 = tpu.memref_slice %arg9[%dma_start3A_614, %add3A_613, %dma_start3A_615] : memref<2x128x32xf32, #tpu.memory_space<vmem>> -> memref<1x1x32xf32, #tpu.memory_space<vmem>>
      %dma_start3A_617 = tpu.memref_squeeze %dma_start3A_616 : memref<1x1x32xf32, #tpu.memory_space<vmem>> -> memref<1x32xf32, #tpu.memory_space<vmem>>
      %dma_start3A_618 = arith.constant 0 : i32
      %dma_start3A_619 = tpu.memref_slice %arg4[%squeeze3A_607, %dma_start3A_618] : memref<1000000x32xf32, #tpu.memory_space<hbm>> -> memref<1x32xf32, #tpu.memory_space<hbm>>
      %dma_start3A_620 = arith.constant 0 : i32
      %dma_start3A_621 = tpu.memref_slice %arg9[%dma_start3A_614, %add3A_613, %dma_start3A_620] : memref<2x128x32xf32, #tpu.memory_space<vmem>> -> memref<1x1x32xf32, #tpu.memory_space<vmem>>
      %dma_start3A_622 = tpu.memref_squeeze %dma_start3A_621 : memref<1x1x32xf32, #tpu.memory_space<vmem>> -> memref<1x32xf32, #tpu.memory_space<vmem>>
      %dma_start3A_623 = arith.constant 0 : i32
      %dma_start3A_624 = tpu.memref_slice %arg4[%squeeze3A_607, %dma_start3A_623] : memref<1000000x32xf32, #tpu.memory_space<hbm>> -> memref<1x32xf32, #tpu.memory_space<hbm>>
      tpu.enqueue_dma source(%dma_start3A_624 : memref<1x32xf32, #tpu.memory_space<hbm>>) target(%dma_start3A_622 : memref<1x32xf32, #tpu.memory_space<vmem>>) target_semaphore(%arg12 : memref<!tpu.dma_semaphore, #tpu.memory_space<semaphore_mem>>)
      %dma_start3A_625 = arith.constant 1 : i32
      %dma_start3A_626 = arith.constant 0 : i32
      %dma_start3A_627 = tpu.memref_slice %arg10[%dma_start3A_625, %add3A_613, %dma_start3A_626] : memref<2x128x32xf32, #tpu.memory_space<vmem>> -> memref<1x1x32xf32, #tpu.memory_space<vmem>>
      %dma_start3A_628 = tpu.memref_squeeze %dma_start3A_627 : memref<1x1x32xf32, #tpu.memory_space<vmem>> -> memref<1x32xf32, #tpu.memory_space<vmem>>
      %dma_start3A_629 = arith.constant 0 : i32
      %dma_start3A_630 = tpu.memref_slice %arg5[%squeeze3A_609, %dma_start3A_629] : memref<1000000x32xf32, #tpu.memory_space<hbm>> -> memref<1x32xf32, #tpu.memory_space<hbm>>
      %dma_start3A_631 = arith.constant 0 : i32
      %dma_start3A_632 = tpu.memref_slice %arg10[%dma_start3A_625, %add3A_613, %dma_start3A_631] : memref<2x128x32xf32, #tpu.memory_space<vmem>> -> memref<1x1x32xf32, #tpu.memory_space<vmem>>
      %dma_start3A_633 = tpu.memref_squeeze %dma_start3A_632 : memref<1x1x32xf32, #tpu.memory_space<vmem>> -> memref<1x32xf32, #tpu.memory_space<vmem>>
      %dma_start3A_634 = arith.constant 0 : i32
      %dma_start3A_635 = tpu.memref_slice %arg5[%squeeze3A_609, %dma_start3A_634] : memref<1000000x32xf32, #tpu.memory_space<hbm>> -> memref<1x32xf32, #tpu.memory_space<hbm>>
      tpu.enqueue_dma source(%dma_start3A_635 : memref<1x32xf32, #tpu.memory_space<hbm>>) target(%dma_start3A_633 : memref<1x32xf32, #tpu.memory_space<vmem>>) target_semaphore(%arg13 : memref<!tpu.dma_semaphore, #tpu.memory_space<semaphore_mem>>)
      %slice3A_636 = vector.extract_strided_slice %get3A_182 {offsets = [15], sizes = [1], strides = [1]} : vector<16xi32> to vector<1xi32>
      %squeeze3A_637 = vector.extract %slice3A_636[0] : i32 from vector<1xi32>
      %slice3A_638 = vector.extract_strided_slice %get3A_188 {offsets = [15], sizes = [1], strides = [1]} : vector<16xi32> to vector<1xi32>
      %squeeze3A_639 = vector.extract %slice3A_638[0] : i32 from vector<1xi32>
      %mul3A_640 = arith.constant 16 : i32
      %mul3A_641 = arith.muli %scan3A_177, %mul3A_640 : i32
      %add3A_642 = arith.constant 15 : i32
      %add3A_643 = arith.addi %mul3A_641, %add3A_642 : i32
      %dma_start3A_644 = arith.constant 1 : i32
      %dma_start3A_645 = arith.constant 0 : i32
      %dma_start3A_646 = tpu.memref_slice %arg9[%dma_start3A_644, %add3A_643, %dma_start3A_645] : memref<2x128x32xf32, #tpu.memory_space<vmem>> -> memref<1x1x32xf32, #tpu.memory_space<vmem>>
      %dma_start3A_647 = tpu.memref_squeeze %dma_start3A_646 : memref<1x1x32xf32, #tpu.memory_space<vmem>> -> memref<1x32xf32, #tpu.memory_space<vmem>>
      %dma_start3A_648 = arith.constant 0 : i32
      %dma_start3A_649 = tpu.memref_slice %arg4[%squeeze3A_637, %dma_start3A_648] : memref<1000000x32xf32, #tpu.memory_space<hbm>> -> memref<1x32xf32, #tpu.memory_space<hbm>>
      %dma_start3A_650 = arith.constant 0 : i32
      %dma_start3A_651 = tpu.memref_slice %arg9[%dma_start3A_644, %add3A_643, %dma_start3A_650] : memref<2x128x32xf32, #tpu.memory_space<vmem>> -> memref<1x1x32xf32, #tpu.memory_space<vmem>>
      %dma_start3A_652 = tpu.memref_squeeze %dma_start3A_651 : memref<1x1x32xf32, #tpu.memory_space<vmem>> -> memref<1x32xf32, #tpu.memory_space<vmem>>
      %dma_start3A_653 = arith.constant 0 : i32
      %dma_start3A_654 = tpu.memref_slice %arg4[%squeeze3A_637, %dma_start3A_653] : memref<1000000x32xf32, #tpu.memory_space<hbm>> -> memref<1x32xf32, #tpu.memory_space<hbm>>
      tpu.enqueue_dma source(%dma_start3A_654 : memref<1x32xf32, #tpu.memory_space<hbm>>) target(%dma_start3A_652 : memref<1x32xf32, #tpu.memory_space<vmem>>) target_semaphore(%arg12 : memref<!tpu.dma_semaphore, #tpu.memory_space<semaphore_mem>>)
      %dma_start3A_655 = arith.constant 1 : i32
      %dma_start3A_656 = arith.constant 0 : i32
      %dma_start3A_657 = tpu.memref_slice %arg10[%dma_start3A_655, %add3A_643, %dma_start3A_656] : memref<2x128x32xf32, #tpu.memory_space<vmem>> -> memref<1x1x32xf32, #tpu.memory_space<vmem>>
      %dma_start3A_658 = tpu.memref_squeeze %dma_start3A_657 : memref<1x1x32xf32, #tpu.memory_space<vmem>> -> memref<1x32xf32, #tpu.memory_space<vmem>>
      %dma_start3A_659 = arith.constant 0 : i32
      %dma_start3A_660 = tpu.memref_slice %arg5[%squeeze3A_639, %dma_start3A_659] : memref<1000000x32xf32, #tpu.memory_space<hbm>> -> memref<1x32xf32, #tpu.memory_space<hbm>>
      %dma_start3A_661 = arith.constant 0 : i32
      %dma_start3A_662 = tpu.memref_slice %arg10[%dma_start3A_655, %add3A_643, %dma_start3A_661] : memref<2x128x32xf32, #tpu.memory_space<vmem>> -> memref<1x1x32xf32, #tpu.memory_space<vmem>>
      %dma_start3A_663 = tpu.memref_squeeze %dma_start3A_662 : memref<1x1x32xf32, #tpu.memory_space<vmem>> -> memref<1x32xf32, #tpu.memory_space<vmem>>
      %dma_start3A_664 = arith.constant 0 : i32
      %dma_start3A_665 = tpu.memref_slice %arg5[%squeeze3A_639, %dma_start3A_664] : memref<1000000x32xf32, #tpu.memory_space<hbm>> -> memref<1x32xf32, #tpu.memory_space<hbm>>
      tpu.enqueue_dma source(%dma_start3A_665 : memref<1x32xf32, #tpu.memory_space<hbm>>) target(%dma_start3A_663 : memref<1x32xf32, #tpu.memory_space<vmem>>) target_semaphore(%arg13 : memref<!tpu.dma_semaphore, #tpu.memory_space<semaphore_mem>>)
    }
    %scan3A_128 = arith.constant 8 : i32
    %scan3A_129 = arith.constant 0 : i32
    %scan3A_130 = arith.constant 0 : i32
    %scan3A_131 = arith.constant 128 : i32
    %scan3A_132 = arith.addi %scan3A_130, %scan3A_131 : i32
    %scan3A_133 = arith.constant 4 : i32
    scf.for %scan3A_177 = %scan3A_130 to %scan3A_132 step %scan3A_133  : i32 {
      %get3A = arith.constant 0 : i32
      %get3A_178 = arith.index_cast %get3A : i32 to index
      %get3A_179 = arith.index_cast %scan3A_177 : i32 to index
      %get3A_180 = arith.constant 0 : index
      %get3A_181 = tpu.vector_load %arg9[%get3A_178, %get3A_179, %get3A_180] {strides = array<i32>} : memref<2x128x32xf32, #tpu.memory_space<vmem>>, vector<16xf32>,
      %get3A_182 = arith.constant 0 : i32
      %get3A_183 = arith.index_cast %get3A_182 : i32 to index
      %get3A_184 = arith.index_cast %scan3A_177 : i32 to index
      %get3A_185 = arith.constant 16 : index
      %get3A_186 = tpu.vector_load %arg9[%get3A_183, %get3A_184, %get3A_185] {strides = array<i32>} : memref<2x128x32xf32, #tpu.memory_space<vmem>>, vector<16xf32>,
      %get3A_187 = arith.constant 0 : i32
      %get3A_188 = arith.index_cast %get3A_187 : i32 to index
      %get3A_189 = arith.index_cast %scan3A_177 : i32 to index
      %get3A_190 = arith.constant 0 : index
      %get3A_191 = tpu.vector_load %arg10[%get3A_188, %get3A_189, %get3A_190] {strides = array<i32>} : memref<2x128x32xf32, #tpu.memory_space<vmem>>, vector<16xf32>,
      %get3A_192 = arith.constant 0 : i32
      %get3A_193 = arith.index_cast %get3A_192 : i32 to index
      %get3A_194 = arith.index_cast %scan3A_177 : i32 to index
      %get3A_195 = arith.constant 16 : index
      %get3A_196 = tpu.vector_load %arg10[%get3A_193, %get3A_194, %get3A_195] {strides = array<i32>} : memref<2x128x32xf32, #tpu.memory_space<vmem>>, vector<16xf32>,
      %mul3A_197 = arith.mulf %get3A_181, %get3A_191 : vector<16xf32>
      %mul3A_198 = arith.mulf %get3A_186, %get3A_196 : vector<16xf32>
      %add3A_199 = arith.addf %mul3A_197, %mul3A_198 : vector<16xf32>
      %broadcast_in_dim3A = arith.constant true
      %broadcast_in_dim3A_200 = vector.broadcast %broadcast_in_dim3A : i1 to vector<16xi1>
      %masked_cumsum3A = tpu.scan <sum>, %add3A_199 masked %broadcast_in_dim3A_200 : vector<16xf32>, vector<16xi1> -> vector<16xf32>
      %add3A_201 = arith.constant 256 : i32
      %add3A_202 = arith.addi %add3A_201, %scan3A_177 : i32
      %swap3A = arith.index_cast %add3A_202 : i32 to index
      %swap3A_203 = tpu.vector_load %arg11[%swap3A] masked %eq3A_4 {strides = array<i32>} : memref<528xf32, #tpu.memory_space<vmem>>, vector<16xf32>, vector<16xi1>
      tpu.vector_store %arg11[%swap3A], %masked_cumsum3A masked %eq3A_4 {strides = array<i32>} : memref<528xf32, #tpu.memory_space<vmem>>, vector<16xf32>, vector<16xi1>
      %scan3A_204 = arith.constant 1 : i32
      %scan3A_205 = arith.addi %scan3A_177, %scan3A_204 : i32
      %get3A_206 = arith.constant 0 : i32
      %get3A_207 = arith.index_cast %get3A_206 : i32 to index
      %get3A_208 = arith.index_cast %scan3A_205 : i32 to index
      %get3A_209 = arith.constant 0 : index
      %get3A_210 = tpu.vector_load %arg9[%get3A_207, %get3A_208, %get3A_209] {strides = array<i32>} : memref<2x128x32xf32, #tpu.memory_space<vmem>>, vector<16xf32>,
      %get3A_211 = arith.constant 0 : i32
      %get3A_212 = arith.index_cast %get3A_211 : i32 to index
      %get3A_213 = arith.index_cast %scan3A_205 : i32 to index
      %get3A_214 = arith.constant 16 : index
      %get3A_215 = tpu.vector_load %arg9[%get3A_212, %get3A_213, %get3A_214] {strides = array<i32>} : memref<2x128x32xf32, #tpu.memory_space<vmem>>, vector<16xf32>,
      %get3A_216 = arith.constant 0 : i32
      %get3A_217 = arith.index_cast %get3A_216 : i32 to index
      %get3A_218 = arith.index_cast %scan3A_205 : i32 to index
      %get3A_219 = arith.constant 0 : index
      %get3A_220 = tpu.vector_load %arg10[%get3A_217, %get3A_218, %get3A_219] {strides = array<i32>} : memref<2x128x32xf32, #tpu.memory_space<vmem>>, vector<16xf32>,
      %get3A_221 = arith.constant 0 : i32
      %get3A_222 = arith.index_cast %get3A_221 : i32 to index
      %get3A_223 = arith.index_cast %scan3A_205 : i32 to index
      %get3A_224 = arith.constant 16 : index
      %get3A_225 = tpu.vector_load %arg10[%get3A_222, %get3A_223, %get3A_224] {strides = array<i32>} : memref<2x128x32xf32, #tpu.memory_space<vmem>>, vector<16xf32>,
      %mul3A_226 = arith.mulf %get3A_210, %get3A_220 : vector<16xf32>
      %mul3A_227 = arith.mulf %get3A_215, %get3A_225 : vector<16xf32>
      %add3A_228 = arith.addf %mul3A_226, %mul3A_227 : vector<16xf32>
      %broadcast_in_dim3A_229 = arith.constant true
      %broadcast_in_dim3A_230 = vector.broadcast %broadcast_in_dim3A_229 : i1 to vector<16xi1>
      %masked_cumsum3A_231 = tpu.scan <sum>, %add3A_228 masked %broadcast_in_dim3A_230 : vector<16xf32>, vector<16xi1> -> vector<16xf32>
      %add3A_232 = arith.constant 256 : i32
      %add3A_233 = arith.addi %add3A_232, %scan3A_205 : i32
      %swap3A_234 = arith.index_cast %add3A_233 : i32 to index
      %swap3A_235 = tpu.vector_load %arg11[%swap3A_234] masked %eq3A_4 {strides = array<i32>} : memref<528xf32, #tpu.memory_space<vmem>>, vector<16xf32>, vector<16xi1>
      tpu.vector_store %arg11[%swap3A_234], %masked_cumsum3A_231 masked %eq3A_4 {strides = array<i32>} : memref<528xf32, #tpu.memory_space<vmem>>, vector<16xf32>, vector<16xi1>
      %scan3A_236 = arith.constant 2 : i32
      %scan3A_237 = arith.addi %scan3A_177, %scan3A_236 : i32
      %get3A_238 = arith.constant 0 : i32
      %get3A_239 = arith.index_cast %get3A_238 : i32 to index
      %get3A_240 = arith.index_cast %scan3A_237 : i32 to index
      %get3A_241 = arith.constant 0 : index
      %get3A_242 = tpu.vector_load %arg9[%get3A_239, %get3A_240, %get3A_241] {strides = array<i32>} : memref<2x128x32xf32, #tpu.memory_space<vmem>>, vector<16xf32>,
      %get3A_243 = arith.constant 0 : i32
      %get3A_244 = arith.index_cast %get3A_243 : i32 to index
      %get3A_245 = arith.index_cast %scan3A_237 : i32 to index
      %get3A_246 = arith.constant 16 : index
      %get3A_247 = tpu.vector_load %arg9[%get3A_244, %get3A_245, %get3A_246] {strides = array<i32>} : memref<2x128x32xf32, #tpu.memory_space<vmem>>, vector<16xf32>,
      %get3A_248 = arith.constant 0 : i32
      %get3A_249 = arith.index_cast %get3A_248 : i32 to index
      %get3A_250 = arith.index_cast %scan3A_237 : i32 to index
      %get3A_251 = arith.constant 0 : index
      %get3A_252 = tpu.vector_load %arg10[%get3A_249, %get3A_250, %get3A_251] {strides = array<i32>} : memref<2x128x32xf32, #tpu.memory_space<vmem>>, vector<16xf32>,
      %get3A_253 = arith.constant 0 : i32
      %get3A_254 = arith.index_cast %get3A_253 : i32 to index
      %get3A_255 = arith.index_cast %scan3A_237 : i32 to index
      %get3A_256 = arith.constant 16 : index
      %get3A_257 = tpu.vector_load %arg10[%get3A_254, %get3A_255, %get3A_256] {strides = array<i32>} : memref<2x128x32xf32, #tpu.memory_space<vmem>>, vector<16xf32>,
      %mul3A_258 = arith.mulf %get3A_242, %get3A_252 : vector<16xf32>
      %mul3A_259 = arith.mulf %get3A_247, %get3A_257 : vector<16xf32>
      %add3A_260 = arith.addf %mul3A_258, %mul3A_259 : vector<16xf32>
      %broadcast_in_dim3A_261 = arith.constant true
      %broadcast_in_dim3A_262 = vector.broadcast %broadcast_in_dim3A_261 : i1 to vector<16xi1>
      %masked_cumsum3A_263 = tpu.scan <sum>, %add3A_260 masked %broadcast_in_dim3A_262 : vector<16xf32>, vector<16xi1> -> vector<16xf32>
      %add3A_264 = arith.constant 256 : i32
      %add3A_265 = arith.addi %add3A_264, %scan3A_237 : i32
      %swap3A_266 = arith.index_cast %add3A_265 : i32 to index
      %swap3A_267 = tpu.vector_load %arg11[%swap3A_266] masked %eq3A_4 {strides = array<i32>} : memref<528xf32, #tpu.memory_space<vmem>>, vector<16xf32>, vector<16xi1>
      tpu.vector_store %arg11[%swap3A_266], %masked_cumsum3A_263 masked %eq3A_4 {strides = array<i32>} : memref<528xf32, #tpu.memory_space<vmem>>, vector<16xf32>, vector<16xi1>
      %scan3A_268 = arith.constant 3 : i32
      %scan3A_269 = arith.addi %scan3A_177, %scan3A_268 : i32
      %get3A_270 = arith.constant 0 : i32
      %get3A_271 = arith.index_cast %get3A_270 : i32 to index
      %get3A_272 = arith.index_cast %scan3A_269 : i32 to index
      %get3A_273 = arith.constant 0 : index
      %get3A_274 = tpu.vector_load %arg9[%get3A_271, %get3A_272, %get3A_273] {strides = array<i32>} : memref<2x128x32xf32, #tpu.memory_space<vmem>>, vector<16xf32>,
      %get3A_275 = arith.constant 0 : i32
      %get3A_276 = arith.index_cast %get3A_275 : i32 to index
      %get3A_277 = arith.index_cast %scan3A_269 : i32 to index
      %get3A_278 = arith.constant 16 : index
      %get3A_279 = tpu.vector_load %arg9[%get3A_276, %get3A_277, %get3A_278] {strides = array<i32>} : memref<2x128x32xf32, #tpu.memory_space<vmem>>, vector<16xf32>,
      %get3A_280 = arith.constant 0 : i32
      %get3A_281 = arith.index_cast %get3A_280 : i32 to index
      %get3A_282 = arith.index_cast %scan3A_269 : i32 to index
      %get3A_283 = arith.constant 0 : index
      %get3A_284 = tpu.vector_load %arg10[%get3A_281, %get3A_282, %get3A_283] {strides = array<i32>} : memref<2x128x32xf32, #tpu.memory_space<vmem>>, vector<16xf32>,
      %get3A_285 = arith.constant 0 : i32
      %get3A_286 = arith.index_cast %get3A_285 : i32 to index
      %get3A_287 = arith.index_cast %scan3A_269 : i32 to index
      %get3A_288 = arith.constant 16 : index
      %get3A_289 = tpu.vector_load %arg10[%get3A_286, %get3A_287, %get3A_288] {strides = array<i32>} : memref<2x128x32xf32, #tpu.memory_space<vmem>>, vector<16xf32>,
      %mul3A_290 = arith.mulf %get3A_274, %get3A_284 : vector<16xf32>
      %mul3A_291 = arith.mulf %get3A_279, %get3A_289 : vector<16xf32>
      %add3A_292 = arith.addf %mul3A_290, %mul3A_291 : vector<16xf32>
      %broadcast_in_dim3A_293 = arith.constant true
      %broadcast_in_dim3A_294 = vector.broadcast %broadcast_in_dim3A_293 : i1 to vector<16xi1>
      %masked_cumsum3A_295 = tpu.scan <sum>, %add3A_292 masked %broadcast_in_dim3A_294 : vector<16xf32>, vector<16xi1> -> vector<16xf32>
      %add3A_296 = arith.constant 256 : i32
      %add3A_297 = arith.addi %add3A_296, %scan3A_269 : i32
      %swap3A_298 = arith.index_cast %add3A_297 : i32 to index
      %swap3A_299 = tpu.vector_load %arg11[%swap3A_298] masked %eq3A_4 {strides = array<i32>} : memref<528xf32, #tpu.memory_space<vmem>>, vector<16xf32>, vector<16xi1>
      tpu.vector_store %arg11[%swap3A_298], %masked_cumsum3A_295 masked %eq3A_4 {strides = array<i32>} : memref<528xf32, #tpu.memory_space<vmem>>, vector<16xf32>, vector<16xi1>
    }
    %scan3A_134 = arith.constant 128 : i32
    %dma_wait3A_135 = arith.constant 1 : i32
    %dma_wait3A_136 = arith.constant 0 : i32
    %dma_wait3A_137 = arith.constant 0 : i32
    %dma_wait3A_138 = tpu.memref_slice %arg9[%dma_wait3A_135, %dma_wait3A_136, %dma_wait3A_137] : memref<2x128x32xf32, #tpu.memory_space<vmem>> -> memref<1x128x32xf32, #tpu.memory_space<vmem>>
    %dma_wait3A_139 = tpu.memref_squeeze %dma_wait3A_138 : memref<1x128x32xf32, #tpu.memory_space<vmem>> -> memref<128x32xf32, #tpu.memory_space<vmem>>
    %dma_wait3A_140 = arith.constant 0 : i32
    %dma_wait3A_141 = arith.constant 0 : i32
    %dma_wait3A_142 = tpu.memref_slice %arg4[%dma_wait3A_140, %dma_wait3A_141] : memref<1000000x32xf32, #tpu.memory_space<hbm>> -> memref<128x32xf32, #tpu.memory_space<hbm>>
    %dma_wait3A_143 = arith.constant 0 : i32
    %dma_wait3A_144 = arith.constant 0 : i32
    %dma_wait3A_145 = tpu.memref_slice %arg9[%dma_wait3A_135, %dma_wait3A_143, %dma_wait3A_144] : memref<2x128x32xf32, #tpu.memory_space<vmem>> -> memref<1x128x32xf32, #tpu.memory_space<vmem>>
    %dma_wait3A_146 = tpu.memref_squeeze %dma_wait3A_145 : memref<1x128x32xf32, #tpu.memory_space<vmem>> -> memref<128x32xf32, #tpu.memory_space<vmem>>
    %dma_wait3A_147 = arith.constant 0 : i32
    %dma_wait3A_148 = arith.constant 0 : i32
    %dma_wait3A_149 = tpu.memref_slice %arg4[%dma_wait3A_147, %dma_wait3A_148] : memref<1000000x32xf32, #tpu.memory_space<hbm>> -> memref<128x32xf32, #tpu.memory_space<hbm>>
    tpu.wait_dma2 semaphore(%arg12 : memref<!tpu.dma_semaphore, #tpu.memory_space<semaphore_mem>>) src(%dma_wait3A_149 : memref<128x32xf32, #tpu.memory_space<hbm>>) dst(%dma_wait3A_146 : memref<128x32xf32, #tpu.memory_space<vmem>>)
    %dma_wait3A_150 = arith.constant 1 : i32
    %dma_wait3A_151 = arith.constant 0 : i32
    %dma_wait3A_152 = arith.constant 0 : i32
    %dma_wait3A_153 = tpu.memref_slice %arg10[%dma_wait3A_150, %dma_wait3A_151, %dma_wait3A_152] : memref<2x128x32xf32, #tpu.memory_space<vmem>> -> memref<1x128x32xf32, #tpu.memory_space<vmem>>
    %dma_wait3A_154 = tpu.memref_squeeze %dma_wait3A_153 : memref<1x128x32xf32, #tpu.memory_space<vmem>> -> memref<128x32xf32, #tpu.memory_space<vmem>>
    %dma_wait3A_155 = arith.constant 0 : i32
    %dma_wait3A_156 = arith.constant 0 : i32
    %dma_wait3A_157 = tpu.memref_slice %arg5[%dma_wait3A_155, %dma_wait3A_156] : memref<1000000x32xf32, #tpu.memory_space<hbm>> -> memref<128x32xf32, #tpu.memory_space<hbm>>
    %dma_wait3A_158 = arith.constant 0 : i32
    %dma_wait3A_159 = arith.constant 0 : i32
    %dma_wait3A_160 = tpu.memref_slice %arg10[%dma_wait3A_150, %dma_wait3A_158, %dma_wait3A_159] : memref<2x128x32xf32, #tpu.memory_space<vmem>> -> memref<1x128x32xf32, #tpu.memory_space<vmem>>
    %dma_wait3A_161 = tpu.memref_squeeze %dma_wait3A_160 : memref<1x128x32xf32, #tpu.memory_space<vmem>> -> memref<128x32xf32, #tpu.memory_space<vmem>>
    %dma_wait3A_162 = arith.constant 0 : i32
    %dma_wait3A_163 = arith.constant 0 : i32
    %dma_wait3A_164 = tpu.memref_slice %arg5[%dma_wait3A_162, %dma_wait3A_163] : memref<1000000x32xf32, #tpu.memory_space<hbm>> -> memref<128x32xf32, #tpu.memory_space<hbm>>
    tpu.wait_dma2 semaphore(%arg13 : memref<!tpu.dma_semaphore, #tpu.memory_space<semaphore_mem>>) src(%dma_wait3A_164 : memref<128x32xf32, #tpu.memory_space<hbm>>) dst(%dma_wait3A_161 : memref<128x32xf32, #tpu.memory_space<vmem>>)
    %scan3A_165 = arith.constant 0 : i32
    %scan3A_166 = arith.constant 0 : i32
    %scan3A_167 = arith.constant 128 : i32
    %scan3A_168 = arith.addi %scan3A_166, %scan3A_167 : i32
    %scan3A_169 = arith.constant 4 : i32
    scf.for %scan3A_177 = %scan3A_166 to %scan3A_168 step %scan3A_169  : i32 {
      %get3A = arith.constant 1 : i32
      %get3A_178 = arith.index_cast %get3A : i32 to index
      %get3A_179 = arith.index_cast %scan3A_177 : i32 to index
      %get3A_180 = arith.constant 0 : index
      %get3A_181 = tpu.vector_load %arg9[%get3A_178, %get3A_179, %get3A_180] {strides = array<i32>} : memref<2x128x32xf32, #tpu.memory_space<vmem>>, vector<16xf32>,
      %get3A_182 = arith.constant 1 : i32
      %get3A_183 = arith.index_cast %get3A_182 : i32 to index
      %get3A_184 = arith.index_cast %scan3A_177 : i32 to index
      %get3A_185 = arith.constant 16 : index
      %get3A_186 = tpu.vector_load %arg9[%get3A_183, %get3A_184, %get3A_185] {strides = array<i32>} : memref<2x128x32xf32, #tpu.memory_space<vmem>>, vector<16xf32>,
      %get3A_187 = arith.constant 1 : i32
      %get3A_188 = arith.index_cast %get3A_187 : i32 to index
      %get3A_189 = arith.index_cast %scan3A_177 : i32 to index
      %get3A_190 = arith.constant 0 : index
      %get3A_191 = tpu.vector_load %arg10[%get3A_188, %get3A_189, %get3A_190] {strides = array<i32>} : memref<2x128x32xf32, #tpu.memory_space<vmem>>, vector<16xf32>,
      %get3A_192 = arith.constant 1 : i32
      %get3A_193 = arith.index_cast %get3A_192 : i32 to index
      %get3A_194 = arith.index_cast %scan3A_177 : i32 to index
      %get3A_195 = arith.constant 16 : index
      %get3A_196 = tpu.vector_load %arg10[%get3A_193, %get3A_194, %get3A_195] {strides = array<i32>} : memref<2x128x32xf32, #tpu.memory_space<vmem>>, vector<16xf32>,
      %mul3A_197 = arith.mulf %get3A_181, %get3A_191 : vector<16xf32>
      %mul3A_198 = arith.mulf %get3A_186, %get3A_196 : vector<16xf32>
      %add3A_199 = arith.addf %mul3A_197, %mul3A_198 : vector<16xf32>
      %broadcast_in_dim3A = arith.constant true
      %broadcast_in_dim3A_200 = vector.broadcast %broadcast_in_dim3A : i1 to vector<16xi1>
      %masked_cumsum3A = tpu.scan <sum>, %add3A_199 masked %broadcast_in_dim3A_200 : vector<16xf32>, vector<16xi1> -> vector<16xf32>
      %add3A_201 = arith.constant 384 : i32
      %add3A_202 = arith.addi %add3A_201, %scan3A_177 : i32
      %swap3A = arith.index_cast %add3A_202 : i32 to index
      %swap3A_203 = tpu.vector_load %arg11[%swap3A] masked %eq3A_4 {strides = array<i32>} : memref<528xf32, #tpu.memory_space<vmem>>, vector<16xf32>, vector<16xi1>
      tpu.vector_store %arg11[%swap3A], %masked_cumsum3A masked %eq3A_4 {strides = array<i32>} : memref<528xf32, #tpu.memory_space<vmem>>, vector<16xf32>, vector<16xi1>
      %scan3A_204 = arith.constant 1 : i32
      %scan3A_205 = arith.addi %scan3A_177, %scan3A_204 : i32
      %get3A_206 = arith.constant 1 : i32
      %get3A_207 = arith.index_cast %get3A_206 : i32 to index
      %get3A_208 = arith.index_cast %scan3A_205 : i32 to index
      %get3A_209 = arith.constant 0 : index
      %get3A_210 = tpu.vector_load %arg9[%get3A_207, %get3A_208, %get3A_209] {strides = array<i32>} : memref<2x128x32xf32, #tpu.memory_space<vmem>>, vector<16xf32>,
      %get3A_211 = arith.constant 1 : i32
      %get3A_212 = arith.index_cast %get3A_211 : i32 to index
      %get3A_213 = arith.index_cast %scan3A_205 : i32 to index
      %get3A_214 = arith.constant 16 : index
      %get3A_215 = tpu.vector_load %arg9[%get3A_212, %get3A_213, %get3A_214] {strides = array<i32>} : memref<2x128x32xf32, #tpu.memory_space<vmem>>, vector<16xf32>,
      %get3A_216 = arith.constant 1 : i32
      %get3A_217 = arith.index_cast %get3A_216 : i32 to index
      %get3A_218 = arith.index_cast %scan3A_205 : i32 to index
      %get3A_219 = arith.constant 0 : index
      %get3A_220 = tpu.vector_load %arg10[%get3A_217, %get3A_218, %get3A_219] {strides = array<i32>} : memref<2x128x32xf32, #tpu.memory_space<vmem>>, vector<16xf32>,
      %get3A_221 = arith.constant 1 : i32
      %get3A_222 = arith.index_cast %get3A_221 : i32 to index
      %get3A_223 = arith.index_cast %scan3A_205 : i32 to index
      %get3A_224 = arith.constant 16 : index
      %get3A_225 = tpu.vector_load %arg10[%get3A_222, %get3A_223, %get3A_224] {strides = array<i32>} : memref<2x128x32xf32, #tpu.memory_space<vmem>>, vector<16xf32>,
      %mul3A_226 = arith.mulf %get3A_210, %get3A_220 : vector<16xf32>
      %mul3A_227 = arith.mulf %get3A_215, %get3A_225 : vector<16xf32>
      %add3A_228 = arith.addf %mul3A_226, %mul3A_227 : vector<16xf32>
      %broadcast_in_dim3A_229 = arith.constant true
      %broadcast_in_dim3A_230 = vector.broadcast %broadcast_in_dim3A_229 : i1 to vector<16xi1>
      %masked_cumsum3A_231 = tpu.scan <sum>, %add3A_228 masked %broadcast_in_dim3A_230 : vector<16xf32>, vector<16xi1> -> vector<16xf32>
      %add3A_232 = arith.constant 384 : i32
      %add3A_233 = arith.addi %add3A_232, %scan3A_205 : i32
      %swap3A_234 = arith.index_cast %add3A_233 : i32 to index
      %swap3A_235 = tpu.vector_load %arg11[%swap3A_234] masked %eq3A_4 {strides = array<i32>} : memref<528xf32, #tpu.memory_space<vmem>>, vector<16xf32>, vector<16xi1>
      tpu.vector_store %arg11[%swap3A_234], %masked_cumsum3A_231 masked %eq3A_4 {strides = array<i32>} : memref<528xf32, #tpu.memory_space<vmem>>, vector<16xf32>, vector<16xi1>
      %scan3A_236 = arith.constant 2 : i32
      %scan3A_237 = arith.addi %scan3A_177, %scan3A_236 : i32
      %get3A_238 = arith.constant 1 : i32
      %get3A_239 = arith.index_cast %get3A_238 : i32 to index
      %get3A_240 = arith.index_cast %scan3A_237 : i32 to index
      %get3A_241 = arith.constant 0 : index
      %get3A_242 = tpu.vector_load %arg9[%get3A_239, %get3A_240, %get3A_241] {strides = array<i32>} : memref<2x128x32xf32, #tpu.memory_space<vmem>>, vector<16xf32>,
      %get3A_243 = arith.constant 1 : i32
      %get3A_244 = arith.index_cast %get3A_243 : i32 to index
      %get3A_245 = arith.index_cast %scan3A_237 : i32 to index
      %get3A_246 = arith.constant 16 : index
      %get3A_247 = tpu.vector_load %arg9[%get3A_244, %get3A_245, %get3A_246] {strides = array<i32>} : memref<2x128x32xf32, #tpu.memory_space<vmem>>, vector<16xf32>,
      %get3A_248 = arith.constant 1 : i32
      %get3A_249 = arith.index_cast %get3A_248 : i32 to index
      %get3A_250 = arith.index_cast %scan3A_237 : i32 to index
      %get3A_251 = arith.constant 0 : index
      %get3A_252 = tpu.vector_load %arg10[%get3A_249, %get3A_250, %get3A_251] {strides = array<i32>} : memref<2x128x32xf32, #tpu.memory_space<vmem>>, vector<16xf32>,
      %get3A_253 = arith.constant 1 : i32
      %get3A_254 = arith.index_cast %get3A_253 : i32 to index
      %get3A_255 = arith.index_cast %scan3A_237 : i32 to index
      %get3A_256 = arith.constant 16 : index
      %get3A_257 = tpu.vector_load %arg10[%get3A_254, %get3A_255, %get3A_256] {strides = array<i32>} : memref<2x128x32xf32, #tpu.memory_space<vmem>>, vector<16xf32>,
      %mul3A_258 = arith.mulf %get3A_242, %get3A_252 : vector<16xf32>
      %mul3A_259 = arith.mulf %get3A_247, %get3A_257 : vector<16xf32>
      %add3A_260 = arith.addf %mul3A_258, %mul3A_259 : vector<16xf32>
      %broadcast_in_dim3A_261 = arith.constant true
      %broadcast_in_dim3A_262 = vector.broadcast %broadcast_in_dim3A_261 : i1 to vector<16xi1>
      %masked_cumsum3A_263 = tpu.scan <sum>, %add3A_260 masked %broadcast_in_dim3A_262 : vector<16xf32>, vector<16xi1> -> vector<16xf32>
      %add3A_264 = arith.constant 384 : i32
      %add3A_265 = arith.addi %add3A_264, %scan3A_237 : i32
      %swap3A_266 = arith.index_cast %add3A_265 : i32 to index
      %swap3A_267 = tpu.vector_load %arg11[%swap3A_266] masked %eq3A_4 {strides = array<i32>} : memref<528xf32, #tpu.memory_space<vmem>>, vector<16xf32>, vector<16xi1>
      tpu.vector_store %arg11[%swap3A_266], %masked_cumsum3A_263 masked %eq3A_4 {strides = array<i32>} : memref<528xf32, #tpu.memory_space<vmem>>, vector<16xf32>, vector<16xi1>
      %scan3A_268 = arith.constant 3 : i32
      %scan3A_269 = arith.addi %scan3A_177, %scan3A_268 : i32
      %get3A_270 = arith.constant 1 : i32
      %get3A_271 = arith.index_cast %get3A_270 : i32 to index
      %get3A_272 = arith.index_cast %scan3A_269 : i32 to index
      %get3A_273 = arith.constant 0 : index
      %get3A_274 = tpu.vector_load %arg9[%get3A_271, %get3A_272, %get3A_273] {strides = array<i32>} : memref<2x128x32xf32, #tpu.memory_space<vmem>>, vector<16xf32>,
      %get3A_275 = arith.constant 1 : i32
      %get3A_276 = arith.index_cast %get3A_275 : i32 to index
      %get3A_277 = arith.index_cast %scan3A_269 : i32 to index
      %get3A_278 = arith.constant 16 : index
      %get3A_279 = tpu.vector_load %arg9[%get3A_276, %get3A_277, %get3A_278] {strides = array<i32>} : memref<2x128x32xf32, #tpu.memory_space<vmem>>, vector<16xf32>,
      %get3A_280 = arith.constant 1 : i32
      %get3A_281 = arith.index_cast %get3A_280 : i32 to index
      %get3A_282 = arith.index_cast %scan3A_269 : i32 to index
      %get3A_283 = arith.constant 0 : index
      %get3A_284 = tpu.vector_load %arg10[%get3A_281, %get3A_282, %get3A_283] {strides = array<i32>} : memref<2x128x32xf32, #tpu.memory_space<vmem>>, vector<16xf32>,
      %get3A_285 = arith.constant 1 : i32
      %get3A_286 = arith.index_cast %get3A_285 : i32 to index
      %get3A_287 = arith.index_cast %scan3A_269 : i32 to index
      %get3A_288 = arith.constant 16 : index
      %get3A_289 = tpu.vector_load %arg10[%get3A_286, %get3A_287, %get3A_288] {strides = array<i32>} : memref<2x128x32xf32, #tpu.memory_space<vmem>>, vector<16xf32>,
      %mul3A_290 = arith.mulf %get3A_274, %get3A_284 : vector<16xf32>
      %mul3A_291 = arith.mulf %get3A_279, %get3A_289 : vector<16xf32>
      %add3A_292 = arith.addf %mul3A_290, %mul3A_291 : vector<16xf32>
      %broadcast_in_dim3A_293 = arith.constant true
      %broadcast_in_dim3A_294 = vector.broadcast %broadcast_in_dim3A_293 : i1 to vector<16xi1>
      %masked_cumsum3A_295 = tpu.scan <sum>, %add3A_292 masked %broadcast_in_dim3A_294 : vector<16xf32>, vector<16xi1> -> vector<16xf32>
      %add3A_296 = arith.constant 384 : i32
      %add3A_297 = arith.addi %add3A_296, %scan3A_269 : i32
      %swap3A_298 = arith.index_cast %add3A_297 : i32 to index
      %swap3A_299 = tpu.vector_load %arg11[%swap3A_298] masked %eq3A_4 {strides = array<i32>} : memref<528xf32, #tpu.memory_space<vmem>>, vector<16xf32>, vector<16xi1>
      tpu.vector_store %arg11[%swap3A_298], %masked_cumsum3A_295 masked %eq3A_4 {strides = array<i32>} : memref<528xf32, #tpu.memory_space<vmem>>, vector<16xf32>, vector<16xi1>
    }
    %scan3A_170 = arith.constant 128 : i32
    %scan3A_171 = arith.constant 0 : i32
    %scan3A_172 = arith.constant 0 : i32
    %scan3A_173 = arith.constant 32 : i32
    %scan3A_174 = arith.addi %scan3A_172, %scan3A_173 : i32
    %scan3A_175 = arith.constant 4 : i32
    scf.for %scan3A_177 = %scan3A_172 to %scan3A_174 step %scan3A_175  : i32 {
      %mul3A_178 = arith.constant 16 : i32
      %mul3A_179 = arith.muli %scan3A_177, %mul3A_178 : i32
      %get3A = arith.index_cast %mul3A_179 : i32 to index
      %get3A_180 = tpu.vector_load %arg11[%get3A] {strides = array<i32>} : memref<528xf32, #tpu.memory_space<vmem>>, vector<16xf32>,
      %neg3A = arith.constant 0.000000e+00 : f32
      %neg3A_181 = vector.broadcast %neg3A : f32 to vector<16xf32>
      %neg3A_182 = arith.subf %neg3A_181, %get3A_180 : vector<16xf32>
      %exp3A = math.exp %neg3A_182 : vector<16xf32>
      %add3A_183 = arith.constant 1.000000e+00 : f32
      %add3A_184 = vector.broadcast %add3A_183 : f32 to vector<16xf32>
      %add3A_185 = arith.addf %add3A_184, %exp3A : vector<16xf32>
      %div3A = arith.constant 1.000000e+00 : f32
      %div3A_186 = vector.broadcast %div3A : f32 to vector<16xf32>
      %div3A_187 = arith.divf %div3A_186, %add3A_185 : vector<16xf32>
      %mul3A_188 = arith.constant 16 : i32
      %mul3A_189 = arith.muli %scan3A_177, %mul3A_188 : i32
      %swap3A = arith.index_cast %mul3A_189 : i32 to index
      %swap3A_190 = tpu.vector_load %arg11[%swap3A] {strides = array<i32>} : memref<528xf32, #tpu.memory_space<vmem>>, vector<16xf32>,
      tpu.vector_store %arg11[%swap3A], %div3A_187 {strides = array<i32>} : memref<528xf32, #tpu.memory_space<vmem>>, vector<16xf32>,
      %scan3A_191 = arith.constant 1 : i32
      %scan3A_192 = arith.addi %scan3A_177, %scan3A_191 : i32
      %mul3A_193 = arith.constant 16 : i32
      %mul3A_194 = arith.muli %scan3A_192, %mul3A_193 : i32
      %get3A_195 = arith.index_cast %mul3A_194 : i32 to index
      %get3A_196 = tpu.vector_load %arg11[%get3A_195] {strides = array<i32>} : memref<528xf32, #tpu.memory_space<vmem>>, vector<16xf32>,
      %neg3A_197 = arith.constant 0.000000e+00 : f32
      %neg3A_198 = vector.broadcast %neg3A_197 : f32 to vector<16xf32>
      %neg3A_199 = arith.subf %neg3A_198, %get3A_196 : vector<16xf32>
      %exp3A_200 = math.exp %neg3A_199 : vector<16xf32>
      %add3A_201 = arith.constant 1.000000e+00 : f32
      %add3A_202 = vector.broadcast %add3A_201 : f32 to vector<16xf32>
      %add3A_203 = arith.addf %add3A_202, %exp3A_200 : vector<16xf32>
      %div3A_204 = arith.constant 1.000000e+00 : f32
      %div3A_205 = vector.broadcast %div3A_204 : f32 to vector<16xf32>
      %div3A_206 = arith.divf %div3A_205, %add3A_203 : vector<16xf32>
      %mul3A_207 = arith.constant 16 : i32
      %mul3A_208 = arith.muli %scan3A_192, %mul3A_207 : i32
      %swap3A_209 = arith.index_cast %mul3A_208 : i32 to index
      %swap3A_210 = tpu.vector_load %arg11[%swap3A_209] {strides = array<i32>} : memref<528xf32, #tpu.memory_space<vmem>>, vector<16xf32>,
      tpu.vector_store %arg11[%swap3A_209], %div3A_206 {strides = array<i32>} : memref<528xf32, #tpu.memory_space<vmem>>, vector<16xf32>,
      %scan3A_211 = arith.constant 2 : i32
      %scan3A_212 = arith.addi %scan3A_177, %scan3A_211 : i32
      %mul3A_213 = arith.constant 16 : i32
      %mul3A_214 = arith.muli %scan3A_212, %mul3A_213 : i32
      %get3A_215 = arith.index_cast %mul3A_214 : i32 to index
      %get3A_216 = tpu.vector_load %arg11[%get3A_215] {strides = array<i32>} : memref<528xf32, #tpu.memory_space<vmem>>, vector<16xf32>,
      %neg3A_217 = arith.constant 0.000000e+00 : f32
      %neg3A_218 = vector.broadcast %neg3A_217 : f32 to vector<16xf32>
      %neg3A_219 = arith.subf %neg3A_218, %get3A_216 : vector<16xf32>
      %exp3A_220 = math.exp %neg3A_219 : vector<16xf32>
      %add3A_221 = arith.constant 1.000000e+00 : f32
      %add3A_222 = vector.broadcast %add3A_221 : f32 to vector<16xf32>
      %add3A_223 = arith.addf %add3A_222, %exp3A_220 : vector<16xf32>
      %div3A_224 = arith.constant 1.000000e+00 : f32
      %div3A_225 = vector.broadcast %div3A_224 : f32 to vector<16xf32>
      %div3A_226 = arith.divf %div3A_225, %add3A_223 : vector<16xf32>
      %mul3A_227 = arith.constant 16 : i32
      %mul3A_228 = arith.muli %scan3A_212, %mul3A_227 : i32
      %swap3A_229 = arith.index_cast %mul3A_228 : i32 to index
      %swap3A_230 = tpu.vector_load %arg11[%swap3A_229] {strides = array<i32>} : memref<528xf32, #tpu.memory_space<vmem>>, vector<16xf32>,
      tpu.vector_store %arg11[%swap3A_229], %div3A_226 {strides = array<i32>} : memref<528xf32, #tpu.memory_space<vmem>>, vector<16xf32>,
      %scan3A_231 = arith.constant 3 : i32
      %scan3A_232 = arith.addi %scan3A_177, %scan3A_231 : i32
      %mul3A_233 = arith.constant 16 : i32
      %mul3A_234 = arith.muli %scan3A_232, %mul3A_233 : i32
      %get3A_235 = arith.index_cast %mul3A_234 : i32 to index
      %get3A_236 = tpu.vector_load %arg11[%get3A_235] {strides = array<i32>} : memref<528xf32, #tpu.memory_space<vmem>>, vector<16xf32>,
      %neg3A_237 = arith.constant 0.000000e+00 : f32
      %neg3A_238 = vector.broadcast %neg3A_237 : f32 to vector<16xf32>
      %neg3A_239 = arith.subf %neg3A_238, %get3A_236 : vector<16xf32>
      %exp3A_240 = math.exp %neg3A_239 : vector<16xf32>
      %add3A_241 = arith.constant 1.000000e+00 : f32
      %add3A_242 = vector.broadcast %add3A_241 : f32 to vector<16xf32>
      %add3A_243 = arith.addf %add3A_242, %exp3A_240 : vector<16xf32>
      %div3A_244 = arith.constant 1.000000e+00 : f32
      %div3A_245 = vector.broadcast %div3A_244 : f32 to vector<16xf32>
      %div3A_246 = arith.divf %div3A_245, %add3A_243 : vector<16xf32>
      %mul3A_247 = arith.constant 16 : i32
      %mul3A_248 = arith.muli %scan3A_232, %mul3A_247 : i32
      %swap3A_249 = arith.index_cast %mul3A_248 : i32 to index
      %swap3A_250 = tpu.vector_load %arg11[%swap3A_249] {strides = array<i32>} : memref<528xf32, #tpu.memory_space<vmem>>, vector<16xf32>,
      tpu.vector_store %arg11[%swap3A_249], %div3A_246 {strides = array<i32>} : memref<528xf32, #tpu.memory_space<vmem>>, vector<16xf32>,
    }
    %scan3A_176 = arith.constant 32 : i32
    "tpu.region"() ({
      %run_scoped3A = tpu.sem_alloc : memref<!tpu.dma_semaphore, #tpu.memory_space<semaphore_mem>>
      %dma_start3A = arith.constant 0 : i32
      %dma_start3A_177 = tpu.memref_slice %arg11[%dma_start3A] : memref<528xf32, #tpu.memory_space<vmem>> -> memref<512xf32, #tpu.memory_space<vmem>>
      %dma_start3A_178 = tpu.memref_slice %arg6[%mul3A_2] : memref<16384xf32, #tpu.memory_space<hbm>> -> memref<512xf32, #tpu.memory_space<hbm>>
      %dma_start3A_179 = tpu.memref_slice %arg6[%mul3A_2] : memref<16384xf32, #tpu.memory_space<hbm>> -> memref<512xf32, #tpu.memory_space<hbm>>
      %dma_start3A_180 = arith.constant 0 : i32
      %dma_start3A_181 = tpu.memref_slice %arg11[%dma_start3A_180] : memref<528xf32, #tpu.memory_space<vmem>> -> memref<512xf32, #tpu.memory_space<vmem>>
      tpu.enqueue_dma source(%dma_start3A_181 : memref<512xf32, #tpu.memory_space<vmem>>) target(%dma_start3A_179 : memref<512xf32, #tpu.memory_space<hbm>>) target_semaphore(%run_scoped3A : memref<!tpu.dma_semaphore, #tpu.memory_space<semaphore_mem>>)
      %dma_wait3A_182 = arith.constant 0 : i32
      %dma_wait3A_183 = tpu.memref_slice %arg11[%dma_wait3A_182] : memref<528xf32, #tpu.memory_space<vmem>> -> memref<512xf32, #tpu.memory_space<vmem>>
      %dma_wait3A_184 = tpu.memref_slice %arg6[%mul3A_2] : memref<16384xf32, #tpu.memory_space<hbm>> -> memref<512xf32, #tpu.memory_space<hbm>>
      %dma_wait3A_185 = tpu.memref_slice %arg6[%mul3A_2] : memref<16384xf32, #tpu.memory_space<hbm>> -> memref<512xf32, #tpu.memory_space<hbm>>
      %dma_wait3A_186 = arith.constant 0 : i32
      %dma_wait3A_187 = tpu.memref_slice %arg11[%dma_wait3A_186] : memref<528xf32, #tpu.memory_space<vmem>> -> memref<512xf32, #tpu.memory_space<vmem>>
      tpu.wait_dma2 semaphore(%run_scoped3A : memref<!tpu.dma_semaphore, #tpu.memory_space<semaphore_mem>>) src(%dma_wait3A_187 : memref<512xf32, #tpu.memory_space<vmem>>) dst(%dma_wait3A_185 : memref<512xf32, #tpu.memory_space<hbm>>)
      tpu.yield
    }) : () -> ()
    return
  }
}

</mosaic_0001>

<sc_bundles>
// kernel: kernel.3.cloned.1.call-start
scs
__scs_entry_jumppad:
0x0: {  	(pc) =	sbr.rel $0x88, $3  }
0x1: {  	(tag) =	ssettag $0x0;
	lr =	simm.s32 $0x1  }
0x2: {  	[smem:$0x3F9D] =	sst lr;
	_ =	strace $0xD0000000  }
0x3: {  	_ = 	snop  }
0x4: {  	_ = 	snop  }
0x5: {  	_ = 	snop  }
0x6: {  	_ = 	snop  }
0x7: {  	_ = 	snop  }
__scs_overlays_trampoline_lowered:
0x8: {  	[smem:$0x3FAC] =	sst s0  }
0x9: {  	[smem:$0x3FAD] =	sst s1  }
0xa: {  	[smem:$0x3FAE] =	sst s2  }
0xb: {  	[smem:$0x3FAF] =	sst s3  }
0xc: {  	[smem:$0x3FB0] =	sst s4  }
0xd: {  	[smem:$0x3FB1] =	sst s5  }
0xe: {  	[smem:$0x3FB2] =	sst s6  }
0xf: {  	[smem:$0x3FB3] =	sst s7  }
0x10: {  	[smem:$0x3FB4] =	sst s8  }
0x11: {  	[smem:$0x3FB5] =	sst s9;
	s0 =	simm.s32 @!p0 $0x0  }
0x12: {  	s1 =	sld [smem:$0x3F9B];
	s0 =	simm.s32 @p0 $0x1  }
0x13: {  	[smem:$0x3FB6] =	sst s0;
	s0 =	simm.s32 @!p1 $0x0  }
0x14: {  	s2 =	sld [smem:$0x3F9A];
	s0 =	simm.s32 @p1 $0x1  }
0x15: {  	[smem:$0x3FB7] =	sst s0;
	s0 =	simm.s32 @!p2 $0x0  }
0x16: {  	s3 =	sld [smem:$0x3FDB];
	s0 =	simm.s32 @p2 $0x1  }
0x17: {  	s4 =	simm.s32 $0x1BF5;
	[smem:$0x3FB9] =	sst s0  }
0x18: {  	s0 =	sld [smem:$0x3F9C];
	_ =	swait.ge [sflag:s4], $0x0  }
0x19: {  	s7 =	sld [smem:$0x3F9D]  }
0x1a: {  	s8 =	sadd.s32 $0xFFFFE003, lr  }
0x1b: {  	s9 =	sadd.s32 $0xFFFFFEF7, lr;
	s5 =	simm.s32 $0xFFFFFFFF;
	p2 =	slt.u32 s8, $0xFFFFF086  }
0x1c: {  	p1 =	slt.u32 s9, $0xF7A;
	s5 =	simm.s32 @!p2 $0x0  }
0x1d: {  	s5 =	simm.s32 @p1 $0x1;
	p0 =	seq.s32 s7, s2  }
0x1e: {  	s7 =	smul.u32 @!p0 $0xF7A, s2;
	p2 =	seq.s32 @!p0 s5, $0x0  }
0x1f: {  	s9 =	smul.u32 $0xF7A, s1;
	s8 =	simm.s32 @!p0 $0x1BF5;
	p2 =	por !p2, p0  }
0x20: {  	[sflag:s8] =	ssyncset.s32 @!p0 $0xFFFFF086;
	s6 =	sadd.s32 @!p0 s3, s7;
	s7 =	simm.s32 @!p0 $0x108  }
0x21: {  	s3 =	sadd.s32 s3, s9;
	s6 =	sadd.s32 @!p0 $0x88, s6;
	s7 =	simm.s32 @p2 $0x1082  }
0x22: {  	[simem:s7], [sflag:s8] =	dma.local @!p0 [hbm:s6], $0xF7A  }
0x23: {  	s9 =	sor.u32 $0xD0000000, s2;
	s6 =	simm.s32 $0x108;
	_ =	swait.ge @!p0 [sflag:s8], $0x0  }
0x24: {  	s3 =	sadd.s32 $0x88, s3;
	s6 =	simm.s32 @!p1 $0x1082;
	[sflag:s4] =	ssyncset.s32 $0xFFFFF086  }
0x25: {  	[simem:s6], [sflag:s4] =	dma.local [hbm:s3], $0xF7A  }
0x26: {  	[smem:$0x3F9D] =	sst s1;
	(tag) =	ssettag s2;
	_ =	strace s9  }
0x27: {  	s1 =	sld [smem:$0x3FAD]  }
0x28: {  	s2 =	sld [smem:$0x3FAE]  }
0x29: {  	s4 =	sld [smem:$0x3FB0]  }
0x2a: {  	p0 =	seq.s32 s5, $0x0;
	s5 =	sld [smem:$0x3FB1]  }
0x2b: {  	s6 =	sld [smem:$0x3FB2]  }
0x2c: {  	s7 =	sld [smem:$0x3FB3]  }
0x2d: {  	s3 =	simm.s32 $0x108;
	s8 =	sld [smem:$0x3FB4]  }
0x2e: {  	s3 =	simm.s32 @!p0 $0x1082;
	s9 =	sld [smem:$0x3FB5]  }
0x2f: {  	lr =	sadd.s32 s0, s3;
	s0 =	sld [smem:$0x3FAC]  }
0x30: {  	s3 =	sld [smem:$0x3FAF]  }
0x31: {  	[smem:$0x3FB8] =	sst s10  }
0x32: {  	s10 =	sld [smem:$0x3FB6];
	_ =	sdelay $0x3  }
0x33: {  	p0 =	seq.s32 s10, $0x1;
	s10 =	sld [smem:$0x3FB8];
	_ =	sdelay $0x3  }
0x34: {  	[smem:$0x3FB8] =	sst s10  }
0x35: {  	s10 =	sld [smem:$0x3FB7];
	_ =	sdelay $0x3  }
0x36: {  	p1 =	seq.s32 s10, $0x1;
	s10 =	sld [smem:$0x3FB8];
	_ =	sdelay $0x3  }
0x37: {  	[smem:$0x3FB8] =	sst s10  }
0x38: {  	s10 =	sld [smem:$0x3FB9]  }
0x39: {  	_ = 	snop;
	(pc) =	sbr.ind lr, $3  }
0x3a: {  	_ = 	snop  }
0x3b: {  	_ = 	snop  }
0x3c: {  	p2 =	seq.s32 s10, $0x1;
	s10 =	sld [smem:$0x3FB8]  }
0x3d: {  	_ =	shalt  }
0x3e: {  	_ =	shalt  }
0x3f: {  	_ =	shalt  }
0x40: {  	_ =	shalt  }
0x41: {  	_ =	shalt  }
0x42: {  	_ =	shalt  }
0x43: {  	_ =	shalt  }
0x44: {  	_ =	shalt  }
0x45: {  	_ =	shalt  }
0x46: {  	_ =	shalt  }
0x47: {  	_ =	shalt  }
0x48: {  	_ =	shalt  }
0x49: {  	_ =	shalt  }
0x4a: {  	_ =	shalt  }
0x4b: {  	_ =	shalt  }
0x4c: {  	_ =	shalt  }
0x4d: {  	_ =	shalt  }
0x4e: {  	_ =	shalt  }
0x4f: {  	_ =	shalt  }
0x50: {  	_ =	shalt  }
0x51: {  	_ =	shalt  }
0x52: {  	_ =	shalt  }
0x53: {  	_ =	shalt  }
0x54: {  	_ =	shalt  }
0x55: {  	_ =	shalt  }
0x56: {  	_ =	shalt  }
0x57: {  	_ =	shalt  }
0x58: {  	_ =	shalt  }
0x59: {  	_ =	shalt  }
0x5a: {  	_ =	shalt  }
0x5b: {  	_ =	shalt  }
0x5c: {  	_ =	shalt  }
0x5d: {  	_ =	shalt  }
0x5e: {  	_ =	shalt  }
0x5f: {  	_ =	shalt  }
0x60: {  	_ =	shalt  }
0x61: {  	_ =	shalt  }
0x62: {  	_ =	shalt  }
0x63: {  	_ =	shalt  }
0x64: {  	_ =	shalt  }
0x65: {  	_ =	shalt  }
0x66: {  	_ =	shalt  }
0x67: {  	_ =	shalt  }
0x68: {  	_ =	shalt  }
0x69: {  	_ =	shalt  }
0x6a: {  	_ =	shalt  }
0x6b: {  	_ =	shalt  }
0x6c: {  	_ =	shalt  }
0x6d: {  	_ =	shalt  }
0x6e: {  	_ =	shalt  }
0x6f: {  	_ =	shalt  }
0x70: {  	_ =	shalt  }
0x71: {  	_ =	shalt  }
0x72: {  	_ =	shalt  }
0x73: {  	_ =	shalt  }
0x74: {  	_ =	shalt  }
0x75: {  	_ =	shalt  }
0x76: {  	_ =	shalt  }
0x77: {  	_ =	shalt  }
0x78: {  	_ =	shalt  }
0x79: {  	_ =	shalt  }
0x7a: {  	_ =	shalt  }
0x7b: {  	_ =	shalt  }
0x7c: {  	_ =	shalt  }
0x7d: {  	_ =	shalt  }
0x7e: {  	_ =	shalt  }
0x7f: {  	_ =	shalt  }
0x80: {  	_ =	shalt  }
0x81: {  	_ =	shalt  }
0x82: {  	_ =	shalt  }
0x83: {  	_ =	shalt  }
0x84: {  	_ =	shalt  }
0x85: {  	_ =	shalt  }
0x86: {  	_ =	shalt  }
0x87: {  	_ =	shalt  }
.Lfunc_end0:
.L_simem_size_0:
called_computation_lowered:
.L_overlay_start_0:
0x88: {  	s2 =	sld [smem:$0x3FD9]  }
0x89: {  	s3 =	sld [smem:$0x3FFE];
	_ =	sdelay $0x1  }
0x8a: {  	s1 =	srdreg.scid  }
0x8b: {  	s0 =	sand.u32 $0x1, s1  }
0x8c: {  	s17 =	sshll.u32 s0, $0xA;
	s2 =	sadd.s32 s3, s2  }
0x8d: {  	s2 =	sadd.s32 s2, s17  }
0x8e: {  	[smem:$0x3FC4] =	sst s2  }
0x8f: {  	_ = 	snop  }
0x90: {  	s2 =	sld [smem:$0x3FC9]  }
0x91: {  	s18 =	sld [smem:$0x3FC8]  }
0x92: {  	s4 =	sld [smem:$0x3FD0];
	(tm) =	ssettm $0x1  }
0x93: {  	s5 =	sld [smem:$0x3FFB];
	_ =	sdelay $0x3  }
0x94: {  	_ =	strace s5  }
0x95: {  	s5 =	sld [smem:$0x3FFC];
	_ =	sdelay $0x3  }
0x96: {  	_ =	strace s5  }
0x97: {  	s5 =	sld [smem:$0x3FFD];
	_ =	sdelay $0x3  }
0x98: {  	_ =	strace s5  }
0x99: {  	_ =	strace $0x8FFFFFFF  }
0x9a: {  	s19 =	sld [smem:$0x3FDB];
	_ =	sdelay $0x1  }
0x9b: {  	s6 =	simm.s32 $_scs_section_size  }
0x9c: {  	s7 =	simm.s32 $_size__tile_overlayer_lowered;
	s8 =	simm.s32 $_tile_overlayer_lowered  }
0x9d: {  	s22 =	simm.s32 $0x1BFF;
	s21 =	sshll.u32 s8, $0x1;
	s5 =	sadd.s32 s6, s19  }
0x9e: {  	s9 =	simm.s32 $0x0;
	s20 =	sshll.u32 s7, $0x1;
	s7 =	sadd.s32 s21, s5  }
0x9f: {  	[timem:s9], [sflag:s22] =	dma.local [hbm:s7], s20  }
0xa0: {  	_ =	swait.ge [sflag:s22], s20  }
0xa1: {  	s6 =	ssub.s32 $0x0, s20;
	[sflag:s22] =	ssyncset.done $0x0  }
0xa2: {  	[sflag:s22] =	ssyncadd.s32 s6;
	_ =	sdelay $0x1  }
0xa3: {  	s23 =	simm.s32 $0x1B8B  }
0xa4: {  	_ =	swait.ge [sflag:s23], $0x1  }
0xa5: {  	[sflag:s23] =	ssyncset.done $0x0  }
0xa6: {  	s25 =	simm.s32 $0x1B8E;
	s24 =	sld [smem:$0x3FFE];
	[sflag:s23] =	ssyncadd.s32 $0xFFFFFFFF  }
0xa7: {  	s26 =	simm.s32 $execute0_lowered;
	[smem:$0x3FD2] =	sst s25  }
0xa8: {  	s7 =	sshll.u32 s26, $0x1;
	_ =	strace $0x80000046;
	[dreg:$0x1] =	wrdreg $0xFFFFFFFF  }
0xa9: {  	s28 =	simm.s32 $_size_execute0_lowered;
	s5 =	sadd.s32 s5, s7;
	[dreg:$0x0] =	wrdreg $0x0  }
0xaa: {  	s7 =	sshll.u32 s28, $0x1;
	[dreg:$0x2] =	wrdreg s5  }
0xab: {  	[dreg:$0x3] =	wrdreg s7  }
0xac: {  	[dreg:$0x4] =	wrdreg $0xC0  }
0xad: {  	_ =	task [dreg:s9], $0x5FFFF  }
0xae: {  	[dreg:$0x1] =	wrdreg $0xFFFFFFFF  }
0xaf: {  	[dreg:$0x0] =	wrdreg $0x60  }
0xb0: {  	[dreg:$0x2] =	wrdreg s2  }
0xb1: {  	[dreg:$0x3] =	wrdreg s18  }
0xb2: {  	[dreg:$0x4] =	wrdreg s24  }
0xb3: {  	[dreg:$0x5] =	wrdreg s4  }
0xb4: {  	[dreg:$0x6] =	wrdreg $0x9  }
0xb5: {  	_ =	task.clear_ibuf [dreg:s9], $0x7FFFF;
	_ =	strace $0x90000046  }
0xb6: {  	s29 =	simm.s32 $0x9;
	_ =	strace $0x80000048  }
0xb7: {  	_ =	swait.ge [sflag:s29], $0x1  }
0xb8: {  	[sflag:s29] =	ssyncadd.s32 $0xFFFFFFFF  }
0xb9: {  	_ =	strace $0x90000048  }
0xba: {  	_ =	sfence  }
0xbb: {  	s30 =	sld [smem:$0x0];
	_ =	sdelay $0x2  }
0xbc: {  	s31 =	sshll.u32 s1, $0xD;
	s1 =	sshrl.u32 s1, $0x2  }
0xbd: {  	s3 =	sand.u32 $0x4000, s31;
	s1 =	sadd.s32 s1, s30  }
0xbe: {  	s0 =	sor.u32 s3, s0;
	s1 =	sshll.u32 s1, $0x11  }
0xbf: {  	s0 =	sor.u32 s1, s0  }
0xc0: {  	s0 =	sadd.s32 $0x8F2B, s0  }
0xc1: {  	[sflag:s0] =	ssyncadd.remote.s32 $0x1  }
0xc2: {  	_ =	sfence.sel $0xFFFF  }
0xc3: {  	[dreg:$0x0] =	wrdreg $0xFFFFFFFF;
	(pc) =	sbr.abs _section_cstart, $3  }
0xc4: {  	[dreg:$0x1] =	wrdreg $0xFFFFFFFF  }
0xc5: {  	_ =	task.clear_ibuf [dreg:s9], $0x2FFFF;
	_ =	strace $0x9FFFFFFF  }
0xc6: {  	(tm) =	ssettm $0x7FFFFFFF  }
0xc7: {  	_ =	shalt  }
tec
execute0_lowered:
.L_overlay_start_1:
0x0: {  	(tag) =	ssettag $0x1  }
0x1: {  	s0 =	rddreg [dreg:$0x0]  }
0x2: {  	s2 =	rddreg [dreg:$0x1]  }
0x3: {  	s4 =	rddreg [dreg:$0x2]  }
0x4: {  	s5 =	rddreg [dreg:$0x3];
	s3 =	srdreg.scid  }
0x5: {  	s1 =	simm.s32 $0x0;
	s9 =	stileid.u32;
	s6 =	sand.u32 $0x1, s3  }
0x6: {  	s9 =	sshll.u32 s9, $0x7;
	s7 =	ssub.s32 $0x2, s6;
	s6 =	sshll.u32 s6, $0x6  }
0x7: {  	[smem:$0x7FF] =	sst s1;
	s6 =	sor.u32 s6, s9  }
0x8: {  	s3 =	sadd.s32 $0x400, s4;
	_ =	strace $0x80000047;
	s0 =	sadd.s32 s0, s6  }
0x9: {  	s8 =	sshrl.u32 s7, $0x1;
	s29 =	sadd.s32 s2, s6;
	[smem:$0x7FA] =	sst s0  }
0xa: {  	s7 =	ssub.s32 s7, s8;
	s30 =	sadd.s32 s5, s6;
	[smem:$0x7FB] =	sst s29  }
0xb: {  	s4 =	sadd.s32 $0xF42800, s4;
	[smem:$0x7FC] =	sst s30;
	s31 =	smax.u32 s7, $0x1  }
0xc: {  	vm0 =	vcmask $0x3F3C;
	s5 =	simm.s32 $0x3;
	s2 =	simm.s32 $0x0;
	[smem:$0x7FD] =	sst s31  }
.LBB2_1:
0xd: {  	s0 =	sld [smem:$0x7FA];
	_ =	sdelay $0x1  }
0xe: {  	[smem:$0x7F9] =	sst s2  }
0xf: {  	[tilespmem:s1], [sflag:$0x3] =	stream.linear.gather [hbm4b:s0+s1], $0x200, $0x38;
	[tilespmem:$0x10680] =	vst v63  }
0x10: {  	_ =	swait.ge [sflag:s5], $0x200  }
0x11: {  	s22 =	sld [smem:$0x7FB]  }
0x12: {  	[sflag:s5] =	ssyncset.done $0x0  }
0x13: {  	s21 =	simm.s32 $0x200;
	[sflag:s5] =	ssyncadd.s32 $0xFFFFFE00  }
0x14: {  	[tilespmem:s21], [sflag:$0x3] =	stream.linear.gather [hbm4b:s22+s1], $0x200, $0x38;
	[tilespmem:$0x10680] =	vst v63  }
0x15: {  	_ =	swait.ge [sflag:s5], $0x200  }
0x16: {  	[sflag:s5] =	ssyncset.done $0x0  }
0x17: {  	[sflag:s5] =	ssyncadd.s32 $0xFFFFFE00  }
0x18: {  	v0 =	vld [tilespmem:s1+$0x0]  }
0x19: {  	v2 =	vld [tilespmem:s21+$0x0];
	_ =	sdelay $0x3  }
0x1a: {  	v1 =	vshll.u32 v0, $0x4  }
0x1b: {  	v63 =	vshll.u32 v2, $0x4;
	(v2sf) =	vpush v1, $0x0  }
0x1c: {  	(v2sf) =	vpush v63, $0x0  }
0x1d: {  	(v2sf) =	vpush v1, $0x1;
	_ =	sdelay $0x2  }
0x1e: {  	(v2sf) =	vpush v63, $0x1;
	_ =	sdelay $0x1  }
0x1f: {  	(v2sf) =	vpush v1, $0x2;
	_ =	sdelay $0x1  }
0x20: {  	(v2sf) =	vpush v63, $0x2;
	_ =	sdelay $0x1  }
0x21: {  	s15 =	simm.s32 $0x2000;
	(v2sf) =	vpush v1, $0x3  }
0x22: {  	s14 =	simm.s32 $0x0;
	s6 =	simm.s32 $0x8400;
	s2 =	simm.s32 $0x880  }
0x23: {  	s7 =	simm.s32 $0x400;
	s9 =	simm.s32 $0x600;
	s10 =	simm.s32 $0x580  }
0x24: {  	s25 =	simm.s32 $0x480;
	s29 =	simm.s32 $0x8480;
	s17 =	simm.s32 $0x8500  }
0x25: {  	s31 =	simm.s32 $0xA80;
	s0 =	simm.s32 $0x8900;
	s8 =	spop (v2sf);
	(v2sf) =	vpush v63, $0x3  }
0x26: {  	s22 =	simm.s32 $0x8600;
	s8 =	sand.u32 $0x1FFFFFF0, s8;
	s11 =	spop (v2sf)  }
0x27: {  	s5 =	simm.s32 $0x680;
	(v2sf) =	vpush v1, $0x4;
	s8 =	sadd.s32 s3, s8;
	s24 =	spop (v2sf)  }
0x28: {  	(v2sf) =	vpush v63, $0x4;
	[tilespmem:s7], [sflag:$0x1] =	stream.linear.gather [hbm4b:s8+s1], $0x80, $0x38;
	[tilespmem:$0x10680] =	vst v63  }
0x29: {  	s23 =	sand.u32 $0x1FFFFFF0, s11;
	s7 =	simm.s32 $0x8580;
	s11 =	sand.u32 $0x1FFFFFF0, s24  }
0x2a: {  	s8 =	sadd.s32 s4, s23;
	s12 =	spop (v2sf);
	(v2sf) =	vpush v1, $0x5;
	s26 =	sadd.s32 s3, s11  }
0x2b: {  	(v2sf) =	vpush v63, $0x5;
	[tilespmem:s6], [sflag:$0x2] =	stream.linear.gather [hbm4b:s8+s1], $0x80, $0x38;
	[tilespmem:$0x10680] =	vst v63  }
0x2c: {  	s28 =	sand.u32 $0x1FFFFFF0, s12;
	s30 =	spop (v2sf);
	s12 =	simm.s32 $0x500  }
0x2d: {  	(v2sf) =	vpush v1, $0x6;
	[tilespmem:s25], [sflag:$0x1] =	stream.linear.gather [hbm4b:s26+s1], $0x80, $0x38;
	[tilespmem:$0x10680] =	vst v63  }
0x2e: {  	s11 =	sadd.s32 s4, s28;
	s8 =	sand.u32 $0x1FFFFFF0, s30;
	s13 =	spop (v2sf)  }
0x2f: {  	[tilespmem:s29], [sflag:$0x2] =	stream.linear.gather [hbm4b:s11+s1], $0x80, $0x38;
	[tilespmem:$0x10680] =	vst v63  }
0x30: {  	s8 =	sadd.s32 s3, s8;
	s16 =	spop (v2sf);
	s11 =	sand.u32 $0x1FFFFFF0, s13  }
0x31: {  	(v2sf) =	vpush v63, $0x6;
	[tilespmem:s12], [sflag:$0x1] =	stream.linear.gather [hbm4b:s8+s1], $0x80, $0x38;
	[tilespmem:$0x10680] =	vst v63  }
0x32: {  	s28 =	simm.s32 $0x8680;
	s19 =	sand.u32 $0x1FFFFFF0, s16;
	s18 =	sadd.s32 s4, s11  }
0x33: {  	[tilespmem:s17], [sflag:$0x2] =	stream.linear.gather [hbm4b:s18+s1], $0x80, $0x38;
	[tilespmem:$0x10680] =	vst v63  }
0x34: {  	s30 =	simm.s32 $0x700;
	s21 =	sadd.s32 s3, s19;
	s20 =	spop (v2sf)  }
0x35: {  	(v2sf) =	vpush v1, $0x7;
	[tilespmem:s10], [sflag:$0x1] =	stream.linear.gather [hbm4b:s21+s1], $0x80, $0x38;
	[tilespmem:$0x10680] =	vst v63  }
0x36: {  	s19 =	simm.s32 $0x8700;
	s6 =	sand.u32 $0x1FFFFFF0, s20;
	s23 =	spop (v2sf)  }
0x37: {  	s12 =	simm.s32 $0x8A00;
	(v2sf) =	vpush v63, $0x7;
	s6 =	sadd.s32 s4, s6;
	s24 =	spop (v2sf)  }
0x38: {  	(v2sf) =	vpush v1, $0x8;
	[tilespmem:s7], [sflag:$0x2] =	stream.linear.gather [hbm4b:s6+s1], $0x80, $0x38;
	[tilespmem:$0x10680] =	vst v63  }
0x39: {  	s10 =	sand.u32 $0x1FFFFFF0, s23;
	s26 =	sand.u32 $0x1FFFFFF0, s24;
	s29 =	spop (v2sf)  }
0x3a: {  	s25 =	sadd.s32 s3, s10;
	(v2sf) =	vpush v63, $0x8;
	s7 =	sadd.s32 s4, s26;
	s10 =	spop (v2sf)  }
0x3b: {  	(v2sf) =	vpush v1, $0x9;
	[tilespmem:s9], [sflag:$0x1] =	stream.linear.gather [hbm4b:s25+s1], $0x80, $0x38;
	[tilespmem:$0x10680] =	vst v63  }
0x3c: {  	s9 =	sand.u32 $0x1FFFFFF0, s29;
	s11 =	spop (v2sf);
	s25 =	simm.s32 $0x8780  }
0x3d: {  	(v2sf) =	vpush v63, $0x9;
	[tilespmem:s22], [sflag:$0x2] =	stream.linear.gather [hbm4b:s7+s1], $0x80, $0x38;
	[tilespmem:$0x10680] =	vst v63  }
0x3e: {  	s8 =	sadd.s32 s3, s9;
	s9 =	sand.u32 $0x1FFFFFF0, s10;
	s16 =	sand.u32 $0x1FFFFFF0, s11;
	(v2sf) =	vpush v1, $0xA  }
0x3f: {  	[tilespmem:s5], [sflag:$0x1] =	stream.linear.gather [hbm4b:s8+s1], $0x80, $0x38;
	[tilespmem:$0x10680] =	vst v63  }
0x40: {  	s10 =	simm.s32 $0x8A80;
	s17 =	spop (v2sf);
	s13 =	sadd.s32 s4, s9;
	(v2sf) =	vpush v63, $0xA  }
0x41: {  	[tilespmem:s28], [sflag:$0x2] =	stream.linear.gather [hbm4b:s13+s1], $0x80, $0x38;
	[tilespmem:$0x10680] =	vst v63  }
0x42: {  	s11 =	simm.s32 $0x8880;
	s18 =	sadd.s32 s3, s16;
	s6 =	sand.u32 $0x1FFFFFF0, s17  }
0x43: {  	[tilespmem:s30], [sflag:$0x1] =	stream.linear.gather [hbm4b:s18+s1], $0x80, $0x38;
	[tilespmem:$0x10680] =	vst v63  }
0x44: {  	s22 =	simm.s32 $0x780;
	s6 =	sadd.s32 s4, s6;
	s20 =	spop (v2sf)  }
0x45: {  	[tilespmem:s19], [sflag:$0x2] =	stream.linear.gather [hbm4b:s6+s1], $0x80, $0x38;
	[tilespmem:$0x10680] =	vst v63  }
0x46: {  	s16 =	simm.s32 $0x900;
	(v2sf) =	vpush v1, $0xB;
	s8 =	sand.u32 $0x1FFFFFF0, s20;
	s21 =	spop (v2sf)  }
0x47: {  	s5 =	simm.s32 $0x8980;
	s23 =	sadd.s32 s3, s8;
	s26 =	spop (v2sf)  }
0x48: {  	(v2sf) =	vpush v63, $0xB;
	[tilespmem:s22], [sflag:$0x1] =	stream.linear.gather [hbm4b:s23+s1], $0x80, $0x38;
	[tilespmem:$0x10680] =	vst v63  }
0x49: {  	s28 =	simm.s32 $0x800;
	s24 =	sand.u32 $0x1FFFFFF0, s21;
	s29 =	spop (v2sf)  }
0x4a: {  	s8 =	sadd.s32 s4, s24;
	s7 =	sand.u32 $0x1FFFFFF0, s26;
	s30 =	spop (v2sf)  }
0x4b: {  	(v2sf) =	vpush v1, $0xC;
	[tilespmem:s25], [sflag:$0x2] =	stream.linear.gather [hbm4b:s8+s1], $0x80, $0x38;
	[tilespmem:$0x10680] =	vst v63  }
0x4c: {  	s7 =	sadd.s32 s3, s7;
	s8 =	sand.u32 $0x1FFFFFF0, s29;
	s13 =	spop (v2sf)  }
0x4d: {  	(v2sf) =	vpush v63, $0xC;
	s9 =	sand.u32 $0x1FFFFFF0, s30;
	s25 =	simm.s32 $0x980;
	s17 =	spop (v2sf)  }
0x4e: {  	[tilespmem:s28], [sflag:$0x1] =	stream.linear.gather [hbm4b:s7+s1], $0x80, $0x38;
	[tilespmem:$0x10680] =	vst v63  }
0x4f: {  	s8 =	sadd.s32 s4, s8;
	s7 =	simm.s32 $0x8800;
	s18 =	spop (v2sf)  }
0x50: {  	[tilespmem:s7], [sflag:$0x2] =	stream.linear.gather [hbm4b:s8+s1], $0x80, $0x38;
	[tilespmem:$0x10680] =	vst v63  }
0x51: {  	s20 =	sand.u32 $0x1FFFFFF0, s18;
	s8 =	sadd.s32 s3, s9;
	s7 =	sand.u32 $0x1FFFFFF0, s13  }
0x52: {  	[tilespmem:s2], [sflag:$0x1] =	stream.linear.gather [hbm4b:s8+s1], $0x80, $0x38;
	[tilespmem:$0x10680] =	vst v63  }
0x53: {  	s22 =	sadd.s32 s4, s20;
	s7 =	sadd.s32 s4, s7;
	s8 =	sand.u32 $0x1FFFFFF0, s17  }
0x54: {  	[tilespmem:s11], [sflag:$0x2] =	stream.linear.gather [hbm4b:s7+s1], $0x80, $0x38;
	[tilespmem:$0x10680] =	vst v63  }
0x55: {  	s20 =	simm.s32 $0x210;
	s19 =	sadd.s32 s3, s8;
	s21 =	spop (v2sf)  }
0x56: {  	[tilespmem:s16], [sflag:$0x1] =	stream.linear.gather [hbm4b:s19+s1], $0x80, $0x38;
	[tilespmem:$0x10680] =	vst v63  }
0x57: {  	s19 =	simm.s32 $0x10;
	s23 =	sand.u32 $0x1FFFFFF0, s21;
	s24 =	spop (v2sf)  }
0x58: {  	(v2sf) =	vpush v1, $0xD;
	[tilespmem:s0], [sflag:$0x2] =	stream.linear.gather [hbm4b:s22+s1], $0x80, $0x38;
	[tilespmem:$0x10680] =	vst v63  }
0x59: {  	(v2sf) =	vpush v63, $0xD;
	s21 =	simm.s32 $0x8B00;
	s26 =	sadd.s32 s3, s23;
	s28 =	sand.u32 $0x1FFFFFF0, s24  }
0x5a: {  	s23 =	simm.s32 $0xA00;
	(v2sf) =	vpush v1, $0xE;
	s22 =	simm.s32 $0xB00;
	s30 =	spop (v2sf)  }
0x5b: {  	(v2sf) =	vpush v63, $0xE;
	[tilespmem:s25], [sflag:$0x1] =	stream.linear.gather [hbm4b:s26+s1], $0x80, $0x38;
	[tilespmem:$0x10680] =	vst v63  }
0x5c: {  	s29 =	sadd.s32 s4, s28;
	(v2sf) =	vpush v1, $0xF;
	s0 =	sand.u32 $0x1FFFFFF0, s30;
	s2 =	spop (v2sf)  }
0x5d: {  	(v2sf) =	vpush v63, $0xF;
	[tilespmem:s5], [sflag:$0x2] =	stream.linear.gather [hbm4b:s29+s1], $0x80, $0x38;
	[tilespmem:$0x10680] =	vst v63  }
.LBB2_2:
0x5e: {  	_ =	sdelay $0x4  }
0x5f: {  	s0 =	sadd.s32 s3, s0;
	s2 =	sand.u32 $0x1FFFFFF0, s2  }
0x60: {  	[tilespmem:s23], [sflag:$0x1] =	stream.linear.gather [hbm4b:s0+s1], $0x80, $0x38;
	[tilespmem:$0x10680] =	vst v63  }
0x61: {  	s28 =	sadd.s32 s4, s2  }
0x62: {  	[tilespmem:s12], [sflag:$0x2] =	stream.linear.gather [hbm4b:s28+s1], $0x80, $0x38;
	[tilespmem:$0x10680] =	vst v63  }
0x63: {  	s5 =	spop (v2sf)  }
0x64: {  	s29 =	sand.u32 $0x1FFFFFF0, s5;
	s30 =	spop (v2sf)  }
0x65: {  	s2 =	sadd.s32 s3, s29;
	s5 =	sand.u32 $0x1FFFFFF0, s30;
	s6 =	spop (v2sf)  }
0x66: {  	[tilespmem:s31], [sflag:$0x1] =	stream.linear.gather [hbm4b:s2+s1], $0x80, $0x38;
	[tilespmem:$0x10680] =	vst v63  }
0x67: {  	s7 =	sadd.s32 s4, s5;
	s8 =	sand.u32 $0x1FFFFFF0, s6;
	s9 =	spop (v2sf)  }
0x68: {  	[tilespmem:s10], [sflag:$0x2] =	stream.linear.gather [hbm4b:s7+s1], $0x80, $0x38;
	[tilespmem:$0x10680] =	vst v63  }
0x69: {  	s11 =	sand.u32 $0x1FFFFFF0, s9;
	s12 =	spop (v2sf);
	s10 =	sadd.s32 s3, s8  }
0x6a: {  	[tilespmem:s22], [sflag:$0x1] =	stream.linear.gather [hbm4b:s10+s1], $0x80, $0x38;
	[tilespmem:$0x10680] =	vst v63  }
0x6b: {  	s13 =	sadd.s32 s4, s11;
	s16 =	sand.u32 $0x1FFFFFF0, s12;
	s17 =	spop (v2sf)  }
0x6c: {  	[tilespmem:s21], [sflag:$0x2] =	stream.linear.gather [hbm4b:s13+s1], $0x80, $0x38;
	[tilespmem:$0x10680] =	vst v63  }
0x6d: {  	s18 =	sadd.s32 $0xB80, s14;
	s2 =	sadd.s32 s3, s16;
	s5 =	sand.u32 $0x1FFFFFF0, s17  }
0x6e: {  	[tilespmem:s18], [sflag:$0x1] =	stream.linear.gather [hbm4b:s2+s1], $0x80, $0x38;
	[tilespmem:$0x10680] =	vst v63  }
0x6f: {  	s22 =	sadd.s32 s4, s5;
	s21 =	sadd.s32 $0x8B80, s14  }
0x70: {  	[tilespmem:s21], [sflag:$0x2] =	stream.linear.gather [hbm4b:s22+s1], $0x80, $0x38;
	[tilespmem:$0x10680] =	vst v63  }
0x71: {  	v0 =	vld [tilespmem:s19+$0x0]  }
0x72: {  	v2 =	vld [tilespmem:s20+$0x0];
	_ =	sdelay $0x3  }
0x73: {  	v1 =	vshll.u32 v0, $0x4  }
0x74: {  	s23 =	smov.u32 s15;
	v63 =	vshll.u32 v2, $0x4;
	(v2sf) =	vpush v1, $0x0  }
0x75: {  	s14 =	sshra.s32 s23, $0x2;
	(v2sf) =	vpush v63, $0x0  }
0x76: {  	p0 =	sne.s32 s15, $0xE000;
	s15 =	sadd.s32 $0x2000, s15;
	s25 =	sadd.s32 $0x8400, s14;
	(v2sf) =	vpush v1, $0x1  }
0x77: {  	s0 =	sadd.s32 $0x880, s14;
	s28 =	sadd.s32 $0x400, s14;
	s9 =	sadd.s32 $0x600, s14  }
0x78: {  	s24 =	sadd.s32 $0x8900, s14;
	s13 =	sadd.s32 $0x580, s14;
	s11 =	sadd.s32 $0x8580, s14;
	(v2sf) =	vpush v63, $0x1  }
0x79: {  	s26 =	sadd.s32 $0x8A00, s14;
	s10 =	sadd.s32 $0x8600, s14;
	s31 =	sadd.s32 $0xA80, s14  }
0x7a: {  	s16 =	sadd.s32 $0x8500, s14;
	s8 =	sadd.s32 $0x8680, s14;
	[dreg:$0xd] =	wrdreg s0;
	(v2sf) =	vpush v1, $0x2  }
0x7b: {  	s7 =	sadd.s32 $0x700, s14;
	s29 =	sadd.s32 $0x8980, s14;
	[dreg:$0x5] =	wrdreg s24  }
0x7c: {  	s6 =	sadd.s32 $0x8700, s14;
	s30 =	sadd.s32 $0x8880, s14;
	[dreg:$0x1d] =	wrdreg s26;
	(v2sf) =	vpush v63, $0x2  }
0x7d: {  	s12 =	sadd.s32 $0x900, s14;
	s5 =	sadd.s32 $0x780, s14;
	[dreg:$0x9] =	wrdreg s29  }
0x7e: {  	s17 =	sadd.s32 $0x8800, s14;
	s23 =	sadd.s32 $0xA00, s14;
	[dreg:$0x15] =	wrdreg s30;
	(v2sf) =	vpush v1, $0x3  }
0x7f: {  	s2 =	sadd.s32 $0x680, s14;
	s24 =	sadd.s32 $0x500, s14;
	[dreg:$0x11] =	wrdreg s12  }
0x80: {  	s26 =	sadd.s32 $0x8480, s14;
	[dreg:$0x1f] =	wrdreg s17;
	s17 =	sadd.s32 $0x800, s14;
	(v2sf) =	vpush v63, $0x3  }
0x81: {  	s0 =	sadd.s32 $0x8A80, s14;
	s18 =	sadd.s32 $0x980, s14;
	[smem:$0x7F8] =	sst s17  }
0x82: {  	s29 =	sadd.s32 $0x480, s14;
	s12 =	sadd.s32 $0x8780, s14;
	[dreg:$0x19] =	wrdreg s18;
	(v2sf) =	vpush v1, $0x4  }
0x83: {  	s22 =	sadd.s32 $0xB00, s14;
	s21 =	sadd.s32 $0x8B00, s14;
	s30 =	spop (v2sf)  }
0x84: {  	s19 =	sadd.s32 $0x10, s19;
	s30 =	sand.u32 $0x1FFFFFF0, s30;
	s18 =	spop (v2sf);
	(v2sf) =	vpush v63, $0x4  }
0x85: {  	s30 =	sadd.s32 s3, s30;
	s17 =	sand.u32 $0x1FFFFFF0, s18;
	s18 =	spop (v2sf)  }
0x86: {  	(v2sf) =	vpush v1, $0x5;
	[tilespmem:s28], [sflag:$0x1] =	stream.linear.gather [hbm4b:s30+s1], $0x80, $0x38;
	[tilespmem:$0x10680] =	vst v63  }
0x87: {  	s17 =	sadd.s32 s4, s17;
	s18 =	sand.u32 $0x1FFFFFF0, s18;
	s30 =	spop (v2sf);
	(v2sf) =	vpush v63, $0x5  }
0x88: {  	[tilespmem:s25], [sflag:$0x2] =	stream.linear.gather [hbm4b:s17+s1], $0x80, $0x38;
	[tilespmem:$0x10680] =	vst v63  }
0x89: {  	s28 =	sand.u32 $0x1FFFFFF0, s30;
	s30 =	spop (v2sf);
	(v2sf) =	vpush v1, $0x6;
	s25 =	sadd.s32 s3, s18  }
0x8a: {  	[tilespmem:s29], [sflag:$0x1] =	stream.linear.gather [hbm4b:s25+s1], $0x80, $0x38;
	[tilespmem:$0x10680] =	vst v63  }
0x8b: {  	s28 =	sadd.s32 s4, s28;
	s29 =	sand.u32 $0x1FFFFFF0, s30;
	s30 =	spop (v2sf);
	(v2sf) =	vpush v63, $0x6  }
0x8c: {  	[tilespmem:s26], [sflag:$0x2] =	stream.linear.gather [hbm4b:s28+s1], $0x80, $0x38;
	[tilespmem:$0x10680] =	vst v63  }
0x8d: {  	s28 =	sadd.s32 s3, s29;
	s29 =	sand.u32 $0x1FFFFFF0, s30;
	s30 =	spop (v2sf)  }
0x8e: {  	(v2sf) =	vpush v1, $0x7;
	[tilespmem:s24], [sflag:$0x1] =	stream.linear.gather [hbm4b:s28+s1], $0x80, $0x38;
	[tilespmem:$0x10680] =	vst v63  }
0x8f: {  	s25 =	sand.u32 $0x1FFFFFF0, s30;
	s26 =	spop (v2sf);
	s24 =	sadd.s32 s4, s29  }
0x90: {  	(v2sf) =	vpush v63, $0x7;
	[tilespmem:s16], [sflag:$0x2] =	stream.linear.gather [hbm4b:s24+s1], $0x80, $0x38;
	[tilespmem:$0x10680] =	vst v63  }
0x91: {  	s28 =	sadd.s32 s3, s25;
	s29 =	sand.u32 $0x1FFFFFF0, s26;
	s30 =	spop (v2sf)  }
0x92: {  	(v2sf) =	vpush v1, $0x8;
	[tilespmem:s13], [sflag:$0x1] =	stream.linear.gather [hbm4b:s28+s1], $0x80, $0x38;
	[tilespmem:$0x10680] =	vst v63  }
0x93: {  	s25 =	sand.u32 $0x1FFFFFF0, s30;
	s24 =	sadd.s32 s4, s29;
	s26 =	spop (v2sf)  }
0x94: {  	[tilespmem:s11], [sflag:$0x2] =	stream.linear.gather [hbm4b:s24+s1], $0x80, $0x38;
	[tilespmem:$0x10680] =	vst v63  }
0x95: {  	s20 =	sadd.s32 $0x10, s20;
	s28 =	sadd.s32 s3, s25;
	s30 =	spop (v2sf)  }
0x96: {  	(v2sf) =	vpush v63, $0x8;
	s29 =	sand.u32 $0x1FFFFFF0, s26;
	s17 =	sand.u32 $0x1FFFFFF0, s30;
	s18 =	spop (v2sf)  }
0x97: {  	(v2sf) =	vpush v1, $0x9;
	[tilespmem:s9], [sflag:$0x1] =	stream.linear.gather [hbm4b:s28+s1], $0x80, $0x38;
	[tilespmem:$0x10680] =	vst v63  }
0x98: {  	s13 =	sadd.s32 s4, s29;
	s24 =	sadd.s32 s3, s17;
	s26 =	spop (v2sf)  }
0x99: {  	(v2sf) =	vpush v63, $0x9;
	[tilespmem:s10], [sflag:$0x2] =	stream.linear.gather [hbm4b:s13+s1], $0x80, $0x38;
	[tilespmem:$0x10680] =	vst v63  }
0x9a: {  	s25 =	sand.u32 $0x1FFFFFF0, s18;
	s29 =	sand.u32 $0x1FFFFFF0, s26;
	s30 =	spop (v2sf)  }
0x9b: {  	[tilespmem:s2], [sflag:$0x1] =	stream.linear.gather [hbm4b:s24+s1], $0x80, $0x38;
	[tilespmem:$0x10680] =	vst v63  }
0x9c: {  	s28 =	sadd.s32 s4, s25;
	s11 =	sadd.s32 s3, s29;
	s13 =	sand.u32 $0x1FFFFFF0, s30  }
0x9d: {  	(v2sf) =	vpush v1, $0xA;
	s10 =	smov.u32 s0;
	s16 =	spop (v2sf);
	s17 =	sadd.s32 s4, s13  }
0x9e: {  	[tilespmem:s8], [sflag:$0x2] =	stream.linear.gather [hbm4b:s28+s1], $0x80, $0x38;
	[tilespmem:$0x10680] =	vst v63  }
0x9f: {  	(v2sf) =	vpush v63, $0xA;
	s18 =	sand.u32 $0x1FFFFFF0, s16;
	s24 =	spop (v2sf);
	s8 =	sld [smem:$0x7F8]  }
0xa0: {  	[tilespmem:s7], [sflag:$0x1] =	stream.linear.gather [hbm4b:s11+s1], $0x80, $0x38;
	[tilespmem:$0x10680] =	vst v63  }
0xa1: {  	(v2sf) =	vpush v1, $0xB;
	s16 =	rddreg [dreg:$0x1f];
	s26 =	sand.u32 $0x1FFFFFF0, s24;
	s28 =	spop (v2sf)  }
0xa2: {  	[tilespmem:s6], [sflag:$0x2] =	stream.linear.gather [hbm4b:s17+s1], $0x80, $0x38;
	[tilespmem:$0x10680] =	vst v63  }
0xa3: {  	s25 =	sadd.s32 s3, s18;
	s29 =	sadd.s32 s4, s26;
	s30 =	sand.u32 $0x1FFFFFF0, s28  }
0xa4: {  	[tilespmem:s5], [sflag:$0x1] =	stream.linear.gather [hbm4b:s25+s1], $0x80, $0x38;
	[tilespmem:$0x10680] =	vst v63  }
0xa5: {  	(v2sf) =	vpush v63, $0xB;
	s0 =	spop (v2sf);
	s5 =	sadd.s32 s3, s30;
	s25 =	rddreg [dreg:$0xd]  }
0xa6: {  	(v2sf) =	vpush v1, $0xC;
	s30 =	rddreg [dreg:$0x15];
	s6 =	sand.u32 $0x1FFFFFF0, s0;
	s7 =	spop (v2sf)  }
0xa7: {  	[tilespmem:s12], [sflag:$0x2] =	stream.linear.gather [hbm4b:s29+s1], $0x80, $0x38;
	[tilespmem:$0x10680] =	vst v63  }
0xa8: {  	(v2sf) =	vpush v63, $0xC;
	s12 =	rddreg [dreg:$0x1d];
	s11 =	sand.u32 $0x1FFFFFF0, s7;
	s13 =	spop (v2sf)  }
0xa9: {  	[tilespmem:s8], [sflag:$0x1] =	stream.linear.gather [hbm4b:s5+s1], $0x80, $0x38;
	[tilespmem:$0x10680] =	vst v63  }
0xaa: {  	s9 =	sadd.s32 s4, s6;
	s17 =	sadd.s32 s3, s11;
	s18 =	sand.u32 $0x1FFFFFF0, s13  }
0xab: {  	[tilespmem:s16], [sflag:$0x2] =	stream.linear.gather [hbm4b:s9+s1], $0x80, $0x38;
	[tilespmem:$0x10680] =	vst v63  }
0xac: {  	s24 =	spop (v2sf);
	s11 =	rddreg [dreg:$0x11];
	s26 =	sadd.s32 s4, s18  }
0xad: {  	[tilespmem:s25], [sflag:$0x1] =	stream.linear.gather [hbm4b:s17+s1], $0x80, $0x38;
	[tilespmem:$0x10680] =	vst v63  }
0xae: {  	s28 =	sand.u32 $0x1FFFFFF0, s24;
	s18 =	rddreg [dreg:$0x5];
	s29 =	spop (v2sf)  }
0xaf: {  	[tilespmem:s30], [sflag:$0x2] =	stream.linear.gather [hbm4b:s26+s1], $0x80, $0x38;
	[tilespmem:$0x10680] =	vst v63  }
0xb0: {  	s7 =	sadd.s32 s3, s28;
	s8 =	sand.u32 $0x1FFFFFF0, s29;
	s9 =	spop (v2sf)  }
0xb1: {  	[tilespmem:s11], [sflag:$0x1] =	stream.linear.gather [hbm4b:s7+s1], $0x80, $0x38;
	[tilespmem:$0x10680] =	vst v63  }
0xb2: {  	s28 =	rddreg [dreg:$0x19];
	s13 =	sadd.s32 s4, s8;
	s16 =	sand.u32 $0x1FFFFFF0, s9  }
0xb3: {  	(v2sf) =	vpush v1, $0xD;
	[tilespmem:s18], [sflag:$0x2] =	stream.linear.gather [hbm4b:s13+s1], $0x80, $0x38;
	[tilespmem:$0x10680] =	vst v63  }
.Ltmp0:
0xb4: {  	(v2sf) =	vpush v63, $0xD;
	s17 =	spop (v2sf);
	s24 =	sadd.s32 s3, s16;
	(pc) =	sbr.rel @p0 .LBB2_2-.Ltmp0, $4  }
0xb5: {  	(v2sf) =	vpush v1, $0xE;
	s25 =	sand.u32 $0x1FFFFFF0, s17;
	s26 =	spop (v2sf);
	s30 =	rddreg [dreg:$0x9]  }
0xb6: {  	(v2sf) =	vpush v63, $0xE;
	[tilespmem:s28], [sflag:$0x1] =	stream.linear.gather [hbm4b:s24+s1], $0x80, $0x38;
	[tilespmem:$0x10680] =	vst v63  }
0xb7: {  	(v2sf) =	vpush v1, $0xF;
	s29 =	sadd.s32 s4, s25;
	s0 =	sand.u32 $0x1FFFFFF0, s26;
	s2 =	spop (v2sf)  }
0xb8: {  	(v2sf) =	vpush v63, $0xF;
	[tilespmem:s30], [sflag:$0x2] =	stream.linear.gather [hbm4b:s29+s1], $0x80, $0x38;
	[tilespmem:$0x10680] =	vst v63  }
0xb9: {  	_ =	sdelay $0x4  }
0xba: {  	s0 =	sadd.s32 s3, s0;
	s2 =	sand.u32 $0x1FFFFFF0, s2  }
0xbb: {  	[tilespmem:s23], [sflag:$0x1] =	stream.linear.gather [hbm4b:s0+s1], $0x80, $0x38;
	[tilespmem:$0x10680] =	vst v63  }
0xbc: {  	s24 =	sadd.s32 s4, s2  }
0xbd: {  	[tilespmem:s12], [sflag:$0x2] =	stream.linear.gather [hbm4b:s24+s1], $0x80, $0x38;
	[tilespmem:$0x10680] =	vst v63  }
0xbe: {  	s5 =	spop (v2sf)  }
0xbf: {  	s25 =	sand.u32 $0x1FFFFFF0, s5;
	s26 =	spop (v2sf)  }
0xc0: {  	s28 =	sadd.s32 s3, s25;
	s29 =	sand.u32 $0x1FFFFFF0, s26;
	s30 =	spop (v2sf)  }
0xc1: {  	[tilespmem:s31], [sflag:$0x1] =	stream.linear.gather [hbm4b:s28+s1], $0x80, $0x38;
	[tilespmem:$0x10680] =	vst v63  }
0xc2: {  	s2 =	sadd.s32 s4, s29;
	s6 =	sand.u32 $0x1FFFFFF0, s30;
	s7 =	spop (v2sf)  }
0xc3: {  	[tilespmem:s10], [sflag:$0x2] =	stream.linear.gather [hbm4b:s2+s1], $0x80, $0x38;
	[tilespmem:$0x10680] =	vst v63  }
0xc4: {  	s8 =	sadd.s32 s3, s6;
	s9 =	sand.u32 $0x1FFFFFF0, s7;
	s10 =	spop (v2sf)  }
0xc5: {  	[tilespmem:s22], [sflag:$0x1] =	stream.linear.gather [hbm4b:s8+s1], $0x80, $0x38;
	[tilespmem:$0x10680] =	vst v63  }
0xc6: {  	s11 =	sadd.s32 s4, s9;
	s12 =	sand.u32 $0x1FFFFFF0, s10;
	s13 =	spop (v2sf)  }
0xc7: {  	[tilespmem:s21], [sflag:$0x2] =	stream.linear.gather [hbm4b:s11+s1], $0x80, $0x38;
	[tilespmem:$0x10680] =	vst v63  }
0xc8: {  	s15 =	sadd.s32 $0xB80, s14;
	s2 =	sadd.s32 s3, s12;
	s5 =	sand.u32 $0x1FFFFFF0, s13  }
0xc9: {  	[tilespmem:s15], [sflag:$0x1] =	stream.linear.gather [hbm4b:s2+s1], $0x80, $0x38;
	[tilespmem:$0x10680] =	vst v63  }
0xca: {  	s16 =	sadd.s32 $0x8B80, s14;
	s18 =	simm.s32 $0x1;
	s17 =	sadd.s32 s4, s5  }
0xcb: {  	[tilespmem:s16], [sflag:$0x2] =	stream.linear.gather [hbm4b:s17+s1], $0x80, $0x38;
	[tilespmem:$0x10680] =	vst v63  }
0xcc: {  	_ =	swait.ge [sflag:s18], $0x4000  }
0xcd: {  	[sflag:s18] =	ssyncset.done $0x0  }
0xce: {  	s19 =	simm.s32 $0x2;
	[sflag:s18] =	ssyncadd.s32 $0xFFFFC000  }
0xcf: {  	_ =	swait.ge [sflag:s19], $0x4000  }
0xd0: {  	[sflag:s19] =	ssyncset.done $0x0  }
0xd1: {  	s20 =	simm.s32 $0x80;
	[sflag:s19] =	ssyncadd.s32 $0xFFFFC000  }
0xd2: {  	s21 =	simm.s32 $0x280;
	v0 =	vld [tilespmem:s20+$0x0]  }
0xd3: {  	v2 =	vld [tilespmem:s21+$0x0];
	_ =	sdelay $0x3  }
0xd4: {  	v1 =	vshll.u32 v0, $0x4  }
0xd5: {  	v63 =	vshll.u32 v2, $0x4;
	(v2sf) =	vpush v1, $0x0  }
0xd6: {  	(v2sf) =	vpush v63, $0x0;
	_ =	sdelay $0x2  }
0xd7: {  	(v2sf) =	vpush v1, $0x1  }
0xd8: {  	(v2sf) =	vpush v63, $0x1;
	_ =	sdelay $0x1  }
0xd9: {  	(v2sf) =	vpush v1, $0x2;
	_ =	sdelay $0x1  }
0xda: {  	(v2sf) =	vpush v63, $0x2;
	_ =	sdelay $0x1  }
0xdb: {  	s14 =	simm.s32 $0x0;
	(v2sf) =	vpush v1, $0x3  }
0xdc: {  	s0 =	simm.s32 $0xC900;
	s25 =	simm.s32 $0x4480;
	s29 =	simm.s32 $0xC480  }
0xdd: {  	s31 =	simm.s32 $0x4A80;
	s6 =	simm.s32 $0xC400;
	s7 =	simm.s32 $0x4400  }
0xde: {  	s9 =	simm.s32 $0x4600;
	s10 =	simm.s32 $0x4580;
	s12 =	simm.s32 $0x4500  }
0xdf: {  	s5 =	simm.s32 $0x4680;
	s15 =	simm.s32 $0x2000;
	(v2sf) =	vpush v63, $0x3;
	s8 =	spop (v2sf)  }
0xe0: {  	s2 =	simm.s32 $0x4880;
	s8 =	sand.u32 $0x1FFFFFF0, s8;
	s11 =	spop (v2sf)  }
0xe1: {  	s17 =	simm.s32 $0xC500;
	(v2sf) =	vpush v1, $0x4;
	s8 =	sadd.s32 s3, s8;
	s22 =	sand.u32 $0x1FFFFFF0, s11  }
0xe2: {  	(v2sf) =	vpush v63, $0x4;
	[tilespmem:s7], [sflag:$0x1] =	stream.linear.gather [hbm4b:s8+s1], $0x80, $0x38;
	[tilespmem:$0x10680] =	vst v63  }
0xe3: {  	s23 =	spop (v2sf);
	s7 =	simm.s32 $0xC580;
	s8 =	sadd.s32 s4, s22  }
0xe4: {  	s11 =	sand.u32 $0x1FFFFFF0, s23;
	s24 =	spop (v2sf);
	(v2sf) =	vpush v1, $0x5;
	s22 =	simm.s32 $0xC600  }
0xe5: {  	[tilespmem:s6], [sflag:$0x2] =	stream.linear.gather [hbm4b:s8+s1], $0x80, $0x38;
	[tilespmem:$0x10680] =	vst v63  }
0xe6: {  	s26 =	sadd.s32 s3, s11;
	s28 =	sand.u32 $0x1FFFFFF0, s24;
	s30 =	spop (v2sf)  }
0xe7: {  	(v2sf) =	vpush v63, $0x5;
	[tilespmem:s25], [sflag:$0x1] =	stream.linear.gather [hbm4b:s26+s1], $0x80, $0x38;
	[tilespmem:$0x10680] =	vst v63  }
0xe8: {  	s11 =	sadd.s32 s4, s28;
	(v2sf) =	vpush v1, $0x6;
	s8 =	sand.u32 $0x1FFFFFF0, s30;
	s13 =	spop (v2sf)  }
0xe9: {  	[tilespmem:s29], [sflag:$0x2] =	stream.linear.gather [hbm4b:s11+s1], $0x80, $0x38;
	[tilespmem:$0x10680] =	vst v63  }
0xea: {  	s8 =	sadd.s32 s3, s8;
	s16 =	spop (v2sf);
	(v2sf) =	vpush v63, $0x6;
	s11 =	sand.u32 $0x1FFFFFF0, s13  }
0xeb: {  	[tilespmem:s12], [sflag:$0x1] =	stream.linear.gather [hbm4b:s8+s1], $0x80, $0x38;
	[tilespmem:$0x10680] =	vst v63  }
0xec: {  	s28 =	simm.s32 $0xC680;
	s19 =	sand.u32 $0x1FFFFFF0, s16;
	s18 =	sadd.s32 s4, s11  }
0xed: {  	[tilespmem:s17], [sflag:$0x2] =	stream.linear.gather [hbm4b:s18+s1], $0x80, $0x38;
	[tilespmem:$0x10680] =	vst v63  }
0xee: {  	s30 =	simm.s32 $0x4700;
	s20 =	spop (v2sf);
	(v2sf) =	vpush v1, $0x7;
	s21 =	sadd.s32 s3, s19  }
0xef: {  	[tilespmem:s10], [sflag:$0x1] =	stream.linear.gather [hbm4b:s21+s1], $0x80, $0x38;
	[tilespmem:$0x10680] =	vst v63  }
0xf0: {  	(v2sf) =	vpush v63, $0x7;
	s6 =	sand.u32 $0x1FFFFFF0, s20;
	s19 =	simm.s32 $0xC700;
	s23 =	spop (v2sf)  }
0xf1: {  	s6 =	sadd.s32 s4, s6;
	s10 =	sand.u32 $0x1FFFFFF0, s23;
	s24 =	spop (v2sf)  }
0xf2: {  	(v2sf) =	vpush v1, $0x8;
	[tilespmem:s7], [sflag:$0x2] =	stream.linear.gather [hbm4b:s6+s1], $0x80, $0x38;
	[tilespmem:$0x10680] =	vst v63  }
0xf3: {  	s25 =	sadd.s32 s3, s10;
	s26 =	sand.u32 $0x1FFFFFF0, s24;
	s29 =	spop (v2sf)  }
0xf4: {  	(v2sf) =	vpush v63, $0x8;
	[tilespmem:s9], [sflag:$0x1] =	stream.linear.gather [hbm4b:s25+s1], $0x80, $0x38;
	[tilespmem:$0x10680] =	vst v63  }
0xf5: {  	s12 =	simm.s32 $0xCA00;
	s7 =	sadd.s32 s4, s26;
	s9 =	sand.u32 $0x1FFFFFF0, s29  }
0xf6: {  	(v2sf) =	vpush v1, $0x9;
	s10 =	spop (v2sf);
	s25 =	simm.s32 $0xC780;
	s8 =	sadd.s32 s3, s9  }
0xf7: {  	(v2sf) =	vpush v63, $0x9;
	s9 =	sand.u32 $0x1FFFFFF0, s10;
	s11 =	spop (v2sf);
	s10 =	simm.s32 $0xCA80  }
0xf8: {  	[tilespmem:s22], [sflag:$0x2] =	stream.linear.gather [hbm4b:s7+s1], $0x80, $0x38;
	[tilespmem:$0x10680] =	vst v63  }
0xf9: {  	(v2sf) =	vpush v1, $0xA;
	s13 =	sadd.s32 s4, s9;
	s16 =	sand.u32 $0x1FFFFFF0, s11;
	s17 =	spop (v2sf)  }
0xfa: {  	(v2sf) =	vpush v63, $0xA;
	[tilespmem:s5], [sflag:$0x1] =	stream.linear.gather [hbm4b:s8+s1], $0x80, $0x38;
	[tilespmem:$0x10680] =	vst v63  }
0xfb: {  	s22 =	simm.s32 $0x4780;
	s11 =	simm.s32 $0xC880;
	s18 =	sadd.s32 s3, s16  }
0xfc: {  	[tilespmem:s28], [sflag:$0x2] =	stream.linear.gather [hbm4b:s13+s1], $0x80, $0x38;
	[tilespmem:$0x10680] =	vst v63  }
0xfd: {  	s6 =	sand.u32 $0x1FFFFFF0, s17;
	s20 =	spop (v2sf);
	(v2sf) =	vpush v1, $0xB;
	s16 =	simm.s32 $0x4900  }
0xfe: {  	[tilespmem:s30], [sflag:$0x1] =	stream.linear.gather [hbm4b:s18+s1], $0x80, $0x38;
	[tilespmem:$0x10680] =	vst v63  }
0xff: {  	s6 =	sadd.s32 s4, s6;
	s8 =	sand.u32 $0x1FFFFFF0, s20;
	s21 =	spop (v2sf);
	(v2sf) =	vpush v63, $0xB  }
0x100: {  	[tilespmem:s19], [sflag:$0x2] =	stream.linear.gather [hbm4b:s6+s1], $0x80, $0x38;
	[tilespmem:$0x10680] =	vst v63  }
0x101: {  	s23 =	sadd.s32 s3, s8;
	s24 =	sand.u32 $0x1FFFFFF0, s21;
	s26 =	spop (v2sf)  }
0x102: {  	[tilespmem:s22], [sflag:$0x1] =	stream.linear.gather [hbm4b:s23+s1], $0x80, $0x38;
	[tilespmem:$0x10680] =	vst v63  }
0x103: {  	s5 =	simm.s32 $0xC980;
	s8 =	sadd.s32 s4, s24;
	s29 =	spop (v2sf)  }
0x104: {  	[tilespmem:s25], [sflag:$0x2] =	stream.linear.gather [hbm4b:s8+s1], $0x80, $0x38;
	[tilespmem:$0x10680] =	vst v63  }
0x105: {  	s28 =	simm.s32 $0x4800;
	s7 =	sand.u32 $0x1FFFFFF0, s26;
	(v2sf) =	vpush v1, $0xC;
	s30 =	spop (v2sf)  }
0x106: {  	s7 =	sadd.s32 s3, s7;
	s8 =	sand.u32 $0x1FFFFFF0, s29;
	s13 =	spop (v2sf)  }
0x107: {  	(v2sf) =	vpush v63, $0xC;
	[tilespmem:s28], [sflag:$0x1] =	stream.linear.gather [hbm4b:s7+s1], $0x80, $0x38;
	[tilespmem:$0x10680] =	vst v63  }
0x108: {  	s25 =	simm.s32 $0x4980;
	s8 =	sadd.s32 s4, s8;
	s17 =	spop (v2sf)  }
0x109: {  	s9 =	sand.u32 $0x1FFFFFF0, s30;
	s7 =	simm.s32 $0xC800;
	s18 =	spop (v2sf)  }
0x10a: {  	[tilespmem:s7], [sflag:$0x2] =	stream.linear.gather [hbm4b:s8+s1], $0x80, $0x38;
	[tilespmem:$0x10680] =	vst v63  }
0x10b: {  	s8 =	sadd.s32 s3, s9;
	s7 =	sand.u32 $0x1FFFFFF0, s13;
	s20 =	sand.u32 $0x1FFFFFF0, s18  }
0x10c: {  	s21 =	spop (v2sf);
	s7 =	sadd.s32 s4, s7;
	s22 =	sadd.s32 s4, s20  }
0x10d: {  	[tilespmem:s2], [sflag:$0x1] =	stream.linear.gather [hbm4b:s8+s1], $0x80, $0x38;
	[tilespmem:$0x10680] =	vst v63  }
0x10e: {  	s23 =	sand.u32 $0x1FFFFFF0, s21;
	s24 =	spop (v2sf);
	s8 =	sand.u32 $0x1FFFFFF0, s17  }
0x10f: {  	[tilespmem:s11], [sflag:$0x2] =	stream.linear.gather [hbm4b:s7+s1], $0x80, $0x38;
	[tilespmem:$0x10680] =	vst v63  }
0x110: {  	s20 =	simm.s32 $0x90;
	s21 =	simm.s32 $0xCB00;
	s19 =	sadd.s32 s3, s8  }
0x111: {  	[tilespmem:s16], [sflag:$0x1] =	stream.linear.gather [hbm4b:s19+s1], $0x80, $0x38;
	[tilespmem:$0x10680] =	vst v63  }
0x112: {  	(v2sf) =	vpush v1, $0xD;
	s26 =	sadd.s32 s3, s23;
	s28 =	sand.u32 $0x1FFFFFF0, s24;
	s23 =	simm.s32 $0x4A00  }
0x113: {  	(v2sf) =	vpush v63, $0xD;
	[tilespmem:s0], [sflag:$0x2] =	stream.linear.gather [hbm4b:s22+s1], $0x80, $0x38;
	[tilespmem:$0x10680] =	vst v63  }
0x114: {  	(v2sf) =	vpush v1, $0xE;
	s29 =	sadd.s32 s4, s28;
	s19 =	simm.s32 $0x290;
	s30 =	spop (v2sf)  }
0x115: {  	(v2sf) =	vpush v63, $0xE;
	[tilespmem:s25], [sflag:$0x1] =	stream.linear.gather [hbm4b:s26+s1], $0x80, $0x38;
	[tilespmem:$0x10680] =	vst v63  }
0x116: {  	(v2sf) =	vpush v1, $0xF;
	s22 =	simm.s32 $0x4B00;
	s0 =	sand.u32 $0x1FFFFFF0, s30;
	s2 =	spop (v2sf)  }
0x117: {  	(v2sf) =	vpush v63, $0xF;
	[tilespmem:s5], [sflag:$0x2] =	stream.linear.gather [hbm4b:s29+s1], $0x80, $0x38;
	[tilespmem:$0x10680] =	vst v63  }
.LBB2_4:
0x118: {  	_ =	sdelay $0x4  }
0x119: {  	s0 =	sadd.s32 s3, s0;
	s2 =	sand.u32 $0x1FFFFFF0, s2  }
0x11a: {  	[tilespmem:s23], [sflag:$0x1] =	stream.linear.gather [hbm4b:s0+s1], $0x80, $0x38;
	[tilespmem:$0x10680] =	vst v63  }
0x11b: {  	s28 =	sadd.s32 s4, s2  }
0x11c: {  	[tilespmem:s12], [sflag:$0x2] =	stream.linear.gather [hbm4b:s28+s1], $0x80, $0x38;
	[tilespmem:$0x10680] =	vst v63  }
0x11d: {  	s5 =	spop (v2sf)  }
0x11e: {  	s29 =	sand.u32 $0x1FFFFFF0, s5;
	s30 =	spop (v2sf)  }
0x11f: {  	s2 =	sadd.s32 s3, s29;
	s5 =	sand.u32 $0x1FFFFFF0, s30;
	s6 =	spop (v2sf)  }
0x120: {  	[tilespmem:s31], [sflag:$0x1] =	stream.linear.gather [hbm4b:s2+s1], $0x80, $0x38;
	[tilespmem:$0x10680] =	vst v63  }
0x121: {  	s7 =	sadd.s32 s4, s5;
	s8 =	sand.u32 $0x1FFFFFF0, s6;
	s9 =	spop (v2sf)  }
0x122: {  	[tilespmem:s10], [sflag:$0x2] =	stream.linear.gather [hbm4b:s7+s1], $0x80, $0x38;
	[tilespmem:$0x10680] =	vst v63  }
0x123: {  	s11 =	sand.u32 $0x1FFFFFF0, s9;
	s12 =	spop (v2sf);
	s10 =	sadd.s32 s3, s8  }
0x124: {  	[tilespmem:s22], [sflag:$0x1] =	stream.linear.gather [hbm4b:s10+s1], $0x80, $0x38;
	[tilespmem:$0x10680] =	vst v63  }
0x125: {  	s13 =	sadd.s32 s4, s11;
	s16 =	sand.u32 $0x1FFFFFF0, s12;
	s17 =	spop (v2sf)  }
0x126: {  	[tilespmem:s21], [sflag:$0x2] =	stream.linear.gather [hbm4b:s13+s1], $0x80, $0x38;
	[tilespmem:$0x10680] =	vst v63  }
0x127: {  	s18 =	sadd.s32 $0x4B80, s14;
	s2 =	sadd.s32 s3, s16;
	s5 =	sand.u32 $0x1FFFFFF0, s17  }
0x128: {  	[tilespmem:s18], [sflag:$0x1] =	stream.linear.gather [hbm4b:s2+s1], $0x80, $0x38;
	[tilespmem:$0x10680] =	vst v63  }
0x129: {  	s22 =	sadd.s32 s4, s5;
	s21 =	sadd.s32 $0xCB80, s14  }
0x12a: {  	[tilespmem:s21], [sflag:$0x2] =	stream.linear.gather [hbm4b:s22+s1], $0x80, $0x38;
	[tilespmem:$0x10680] =	vst v63  }
0x12b: {  	v0 =	vld [tilespmem:s20+$0x0]  }
0x12c: {  	v2 =	vld [tilespmem:s19+$0x0];
	_ =	sdelay $0x3  }
0x12d: {  	v1 =	vshll.u32 v0, $0x4  }
0x12e: {  	s23 =	smov.u32 s15;
	v63 =	vshll.u32 v2, $0x4;
	(v2sf) =	vpush v1, $0x0  }
0x12f: {  	s14 =	sshra.s32 s23, $0x2;
	(v2sf) =	vpush v63, $0x0  }
0x130: {  	p0 =	sne.s32 s15, $0xE000;
	s15 =	sadd.s32 $0x2000, s15;
	s25 =	sadd.s32 $0xC400, s14;
	(v2sf) =	vpush v1, $0x1  }
0x131: {  	s0 =	sadd.s32 $0x4880, s14;
	s28 =	sadd.s32 $0x4400, s14;
	s9 =	sadd.s32 $0x4600, s14  }
0x132: {  	s24 =	sadd.s32 $0xC900, s14;
	s13 =	sadd.s32 $0x4580, s14;
	s11 =	sadd.s32 $0xC580, s14;
	(v2sf) =	vpush v63, $0x1  }
0x133: {  	s26 =	sadd.s32 $0xCA00, s14;
	s10 =	sadd.s32 $0xC600, s14;
	s31 =	sadd.s32 $0x4A80, s14  }
0x134: {  	s16 =	sadd.s32 $0xC500, s14;
	s8 =	sadd.s32 $0xC680, s14;
	[dreg:$0xe] =	wrdreg s0;
	(v2sf) =	vpush v1, $0x2  }
0x135: {  	s7 =	sadd.s32 $0x4700, s14;
	s29 =	sadd.s32 $0xC980, s14;
	[dreg:$0x6] =	wrdreg s24  }
0x136: {  	s6 =	sadd.s32 $0xC700, s14;
	s30 =	sadd.s32 $0xC880, s14;
	[dreg:$0x1e] =	wrdreg s26;
	(v2sf) =	vpush v63, $0x2  }
0x137: {  	s12 =	sadd.s32 $0x4900, s14;
	s5 =	sadd.s32 $0x4780, s14;
	[dreg:$0xa] =	wrdreg s29  }
0x138: {  	s17 =	sadd.s32 $0xC800, s14;
	s23 =	sadd.s32 $0x4A00, s14;
	[dreg:$0x16] =	wrdreg s30;
	(v2sf) =	vpush v1, $0x3  }
0x139: {  	s2 =	sadd.s32 $0x4680, s14;
	s24 =	sadd.s32 $0x4500, s14;
	[dreg:$0x12] =	wrdreg s12  }
0x13a: {  	s26 =	sadd.s32 $0xC480, s14;
	[smem:$0x7F7] =	sst s17;
	s17 =	sadd.s32 $0x4800, s14;
	(v2sf) =	vpush v63, $0x3  }
0x13b: {  	s0 =	sadd.s32 $0xCA80, s14;
	s18 =	sadd.s32 $0x4980, s14;
	[smem:$0x7F6] =	sst s17  }
0x13c: {  	s29 =	sadd.s32 $0x4480, s14;
	s12 =	sadd.s32 $0xC780, s14;
	[dreg:$0x1a] =	wrdreg s18;
	(v2sf) =	vpush v1, $0x4  }
0x13d: {  	s22 =	sadd.s32 $0x4B00, s14;
	s21 =	sadd.s32 $0xCB00, s14;
	s30 =	spop (v2sf)  }
0x13e: {  	s19 =	sadd.s32 $0x10, s19;
	s30 =	sand.u32 $0x1FFFFFF0, s30;
	s18 =	spop (v2sf);
	(v2sf) =	vpush v63, $0x4  }
0x13f: {  	s30 =	sadd.s32 s3, s30;
	s17 =	sand.u32 $0x1FFFFFF0, s18;
	s18 =	spop (v2sf)  }
0x140: {  	(v2sf) =	vpush v1, $0x5;
	[tilespmem:s28], [sflag:$0x1] =	stream.linear.gather [hbm4b:s30+s1], $0x80, $0x38;
	[tilespmem:$0x10680] =	vst v63  }
0x141: {  	s17 =	sadd.s32 s4, s17;
	s18 =	sand.u32 $0x1FFFFFF0, s18;
	s30 =	spop (v2sf);
	(v2sf) =	vpush v63, $0x5  }
0x142: {  	[tilespmem:s25], [sflag:$0x2] =	stream.linear.gather [hbm4b:s17+s1], $0x80, $0x38;
	[tilespmem:$0x10680] =	vst v63  }
0x143: {  	s28 =	sand.u32 $0x1FFFFFF0, s30;
	s30 =	spop (v2sf);
	(v2sf) =	vpush v1, $0x6;
	s25 =	sadd.s32 s3, s18  }
0x144: {  	[tilespmem:s29], [sflag:$0x1] =	stream.linear.gather [hbm4b:s25+s1], $0x80, $0x38;
	[tilespmem:$0x10680] =	vst v63  }
0x145: {  	s28 =	sadd.s32 s4, s28;
	s29 =	sand.u32 $0x1FFFFFF0, s30;
	s30 =	spop (v2sf);
	(v2sf) =	vpush v63, $0x6  }
0x146: {  	[tilespmem:s26], [sflag:$0x2] =	stream.linear.gather [hbm4b:s28+s1], $0x80, $0x38;
	[tilespmem:$0x10680] =	vst v63  }
0x147: {  	s28 =	sadd.s32 s3, s29;
	s29 =	sand.u32 $0x1FFFFFF0, s30;
	s30 =	spop (v2sf)  }
0x148: {  	(v2sf) =	vpush v1, $0x7;
	[tilespmem:s24], [sflag:$0x1] =	stream.linear.gather [hbm4b:s28+s1], $0x80, $0x38;
	[tilespmem:$0x10680] =	vst v63  }
0x149: {  	s25 =	sand.u32 $0x1FFFFFF0, s30;
	s26 =	spop (v2sf);
	s24 =	sadd.s32 s4, s29  }
0x14a: {  	(v2sf) =	vpush v63, $0x7;
	[tilespmem:s16], [sflag:$0x2] =	stream.linear.gather [hbm4b:s24+s1], $0x80, $0x38;
	[tilespmem:$0x10680] =	vst v63  }
0x14b: {  	s28 =	sadd.s32 s3, s25;
	s29 =	sand.u32 $0x1FFFFFF0, s26;
	s30 =	spop (v2sf)  }
0x14c: {  	(v2sf) =	vpush v1, $0x8;
	[tilespmem:s13], [sflag:$0x1] =	stream.linear.gather [hbm4b:s28+s1], $0x80, $0x38;
	[tilespmem:$0x10680] =	vst v63  }
0x14d: {  	s25 =	sand.u32 $0x1FFFFFF0, s30;
	s24 =	sadd.s32 s4, s29;
	s26 =	spop (v2sf)  }
0x14e: {  	[tilespmem:s11], [sflag:$0x2] =	stream.linear.gather [hbm4b:s24+s1], $0x80, $0x38;
	[tilespmem:$0x10680] =	vst v63  }
0x14f: {  	s20 =	sadd.s32 $0x10, s20;
	s28 =	sadd.s32 s3, s25;
	s30 =	spop (v2sf)  }
0x150: {  	(v2sf) =	vpush v63, $0x8;
	s29 =	sand.u32 $0x1FFFFFF0, s26;
	s17 =	sand.u32 $0x1FFFFFF0, s30;
	s18 =	spop (v2sf)  }
0x151: {  	(v2sf) =	vpush v1, $0x9;
	[tilespmem:s9], [sflag:$0x1] =	stream.linear.gather [hbm4b:s28+s1], $0x80, $0x38;
	[tilespmem:$0x10680] =	vst v63  }
0x152: {  	s13 =	sadd.s32 s4, s29;
	s24 =	sadd.s32 s3, s17;
	s26 =	spop (v2sf)  }
0x153: {  	(v2sf) =	vpush v63, $0x9;
	[tilespmem:s10], [sflag:$0x2] =	stream.linear.gather [hbm4b:s13+s1], $0x80, $0x38;
	[tilespmem:$0x10680] =	vst v63  }
0x154: {  	s25 =	sand.u32 $0x1FFFFFF0, s18;
	s29 =	sand.u32 $0x1FFFFFF0, s26;
	s30 =	spop (v2sf)  }
0x155: {  	[tilespmem:s2], [sflag:$0x1] =	stream.linear.gather [hbm4b:s24+s1], $0x80, $0x38;
	[tilespmem:$0x10680] =	vst v63  }
0x156: {  	s28 =	sadd.s32 s4, s25;
	s11 =	sadd.s32 s3, s29;
	s13 =	sand.u32 $0x1FFFFFF0, s30  }
0x157: {  	(v2sf) =	vpush v1, $0xA;
	s10 =	smov.u32 s0;
	s16 =	spop (v2sf);
	s17 =	sadd.s32 s4, s13  }
0x158: {  	[tilespmem:s8], [sflag:$0x2] =	stream.linear.gather [hbm4b:s28+s1], $0x80, $0x38;
	[tilespmem:$0x10680] =	vst v63  }
0x159: {  	(v2sf) =	vpush v63, $0xA;
	s18 =	sand.u32 $0x1FFFFFF0, s16;
	s24 =	spop (v2sf);
	s8 =	sld [smem:$0x7F6]  }
0x15a: {  	[tilespmem:s7], [sflag:$0x1] =	stream.linear.gather [hbm4b:s11+s1], $0x80, $0x38;
	[tilespmem:$0x10680] =	vst v63  }
0x15b: {  	(v2sf) =	vpush v1, $0xB;
	s16 =	sld [smem:$0x7F7];
	s26 =	sand.u32 $0x1FFFFFF0, s24;
	s28 =	spop (v2sf)  }
0x15c: {  	[tilespmem:s6], [sflag:$0x2] =	stream.linear.gather [hbm4b:s17+s1], $0x80, $0x38;
	[tilespmem:$0x10680] =	vst v63  }
0x15d: {  	s25 =	sadd.s32 s3, s18;
	s29 =	sadd.s32 s4, s26;
	s30 =	sand.u32 $0x1FFFFFF0, s28  }
0x15e: {  	[tilespmem:s5], [sflag:$0x1] =	stream.linear.gather [hbm4b:s25+s1], $0x80, $0x38;
	[tilespmem:$0x10680] =	vst v63  }
0x15f: {  	(v2sf) =	vpush v63, $0xB;
	s0 =	spop (v2sf);
	s5 =	sadd.s32 s3, s30;
	s25 =	rddreg [dreg:$0xe]  }
0x160: {  	(v2sf) =	vpush v1, $0xC;
	s30 =	rddreg [dreg:$0x16];
	s6 =	sand.u32 $0x1FFFFFF0, s0;
	s7 =	spop (v2sf)  }
0x161: {  	[tilespmem:s12], [sflag:$0x2] =	stream.linear.gather [hbm4b:s29+s1], $0x80, $0x38;
	[tilespmem:$0x10680] =	vst v63  }
0x162: {  	(v2sf) =	vpush v63, $0xC;
	s12 =	rddreg [dreg:$0x1e];
	s11 =	sand.u32 $0x1FFFFFF0, s7;
	s13 =	spop (v2sf)  }
0x163: {  	[tilespmem:s8], [sflag:$0x1] =	stream.linear.gather [hbm4b:s5+s1], $0x80, $0x38;
	[tilespmem:$0x10680] =	vst v63  }
0x164: {  	s9 =	sadd.s32 s4, s6;
	s17 =	sadd.s32 s3, s11;
	s18 =	sand.u32 $0x1FFFFFF0, s13  }
0x165: {  	[tilespmem:s16], [sflag:$0x2] =	stream.linear.gather [hbm4b:s9+s1], $0x80, $0x38;
	[tilespmem:$0x10680] =	vst v63  }
0x166: {  	s24 =	spop (v2sf);
	s11 =	rddreg [dreg:$0x12];
	s26 =	sadd.s32 s4, s18  }
0x167: {  	[tilespmem:s25], [sflag:$0x1] =	stream.linear.gather [hbm4b:s17+s1], $0x80, $0x38;
	[tilespmem:$0x10680] =	vst v63  }
0x168: {  	s28 =	sand.u32 $0x1FFFFFF0, s24;
	s18 =	rddreg [dreg:$0x6];
	s29 =	spop (v2sf)  }
0x169: {  	[tilespmem:s30], [sflag:$0x2] =	stream.linear.gather [hbm4b:s26+s1], $0x80, $0x38;
	[tilespmem:$0x10680] =	vst v63  }
0x16a: {  	s7 =	sadd.s32 s3, s28;
	s8 =	sand.u32 $0x1FFFFFF0, s29;
	s9 =	spop (v2sf)  }
0x16b: {  	[tilespmem:s11], [sflag:$0x1] =	stream.linear.gather [hbm4b:s7+s1], $0x80, $0x38;
	[tilespmem:$0x10680] =	vst v63  }
0x16c: {  	s28 =	rddreg [dreg:$0x1a];
	s13 =	sadd.s32 s4, s8;
	s16 =	sand.u32 $0x1FFFFFF0, s9  }
0x16d: {  	(v2sf) =	vpush v1, $0xD;
	[tilespmem:s18], [sflag:$0x2] =	stream.linear.gather [hbm4b:s13+s1], $0x80, $0x38;
	[tilespmem:$0x10680] =	vst v63  }
.Ltmp1:
0x16e: {  	(v2sf) =	vpush v63, $0xD;
	s17 =	spop (v2sf);
	s24 =	sadd.s32 s3, s16;
	(pc) =	sbr.rel @p0 .LBB2_4-.Ltmp1, $4  }
0x16f: {  	(v2sf) =	vpush v1, $0xE;
	s25 =	sand.u32 $0x1FFFFFF0, s17;
	s26 =	spop (v2sf);
	s30 =	rddreg [dreg:$0xa]  }
0x170: {  	(v2sf) =	vpush v63, $0xE;
	[tilespmem:s28], [sflag:$0x1] =	stream.linear.gather [hbm4b:s24+s1], $0x80, $0x38;
	[tilespmem:$0x10680] =	vst v63  }
0x171: {  	(v2sf) =	vpush v1, $0xF;
	s29 =	sadd.s32 s4, s25;
	s0 =	sand.u32 $0x1FFFFFF0, s26;
	s2 =	spop (v2sf)  }
0x172: {  	(v2sf) =	vpush v63, $0xF;
	[tilespmem:s30], [sflag:$0x2] =	stream.linear.gather [hbm4b:s29+s1], $0x80, $0x38;
	[tilespmem:$0x10680] =	vst v63  }
0x173: {  	_ =	sdelay $0x4  }
0x174: {  	s0 =	sadd.s32 s3, s0;
	s2 =	sand.u32 $0x1FFFFFF0, s2  }
0x175: {  	[tilespmem:s23], [sflag:$0x1] =	stream.linear.gather [hbm4b:s0+s1], $0x80, $0x38;
	[tilespmem:$0x10680] =	vst v63  }
0x176: {  	s8 =	sadd.s32 s4, s2  }
0x177: {  	[tilespmem:s12], [sflag:$0x2] =	stream.linear.gather [hbm4b:s8+s1], $0x80, $0x38;
	[tilespmem:$0x10680] =	vst v63  }
0x178: {  	s5 =	spop (v2sf)  }
0x179: {  	s9 =	sand.u32 $0x1FFFFFF0, s5;
	s11 =	spop (v2sf)  }
0x17a: {  	s12 =	sadd.s32 s3, s9;
	s13 =	sand.u32 $0x1FFFFFF0, s11;
	s15 =	spop (v2sf)  }
0x17b: {  	[tilespmem:s31], [sflag:$0x1] =	stream.linear.gather [hbm4b:s12+s1], $0x80, $0x38;
	[tilespmem:$0x10680] =	vst v63  }
0x17c: {  	s16 =	sadd.s32 s4, s13;
	s17 =	sand.u32 $0x1FFFFFF0, s15;
	s18 =	spop (v2sf)  }
0x17d: {  	[tilespmem:s10], [sflag:$0x2] =	stream.linear.gather [hbm4b:s16+s1], $0x80, $0x38;
	[tilespmem:$0x10680] =	vst v63  }
0x17e: {  	s19 =	sadd.s32 s3, s17;
	s20 =	sand.u32 $0x1FFFFFF0, s18;
	s23 =	spop (v2sf)  }
0x17f: {  	[tilespmem:s22], [sflag:$0x1] =	stream.linear.gather [hbm4b:s19+s1], $0x80, $0x38;
	[tilespmem:$0x10680] =	vst v63  }
0x180: {  	s24 =	sadd.s32 s4, s20;
	s25 =	sand.u32 $0x1FFFFFF0, s23;
	s26 =	spop (v2sf)  }
0x181: {  	[tilespmem:s21], [sflag:$0x2] =	stream.linear.gather [hbm4b:s24+s1], $0x80, $0x38;
	[tilespmem:$0x10680] =	vst v63  }
0x182: {  	s28 =	sadd.s32 $0x4B80, s14;
	s2 =	sadd.s32 s3, s25;
	s5 =	sand.u32 $0x1FFFFFF0, s26  }
0x183: {  	[tilespmem:s28], [sflag:$0x1] =	stream.linear.gather [hbm4b:s2+s1], $0x80, $0x38;
	[tilespmem:$0x10680] =	vst v63  }
0x184: {  	s29 =	sadd.s32 $0xCB80, s14;
	s14 =	simm.s32 $0x500;
	s30 =	sadd.s32 s4, s5  }
0x185: {  	[tilespmem:s29], [sflag:$0x2] =	stream.linear.gather [hbm4b:s30+s1], $0x80, $0x38;
	[tilespmem:$0x10680] =	vst v63  }
0x186: {  	s31 =	simm.s32 $0x8500;
	v0 =	vld [tilespmem:s14+$0xFFFFFF00]  }
0x187: {  	v1 =	vld [tilespmem:s31+$0xFFFFFF10]  }
0x188: {  	v2 =	vld [tilespmem:s31+$0xFFFFFF00]  }
0x189: {  	v3 =	vld [tilespmem:s14+$0xFFFFFF10];
	_ =	sdelay $0x4  }
0x18a: {  	v0 =	vmul.f32 v2, v0;
	v1 =	vmul.f32 v1, v3;
	_ =	sdelay $0x1  }
0x18b: {  	v0 =	vadd.f32 v1, v0;
	_ =	sdelay $0x1  }
0x18c: {  	(xrf2) =	vadd.scan.msk.f32 $0xffff, v0;
	_ =	sdelay $0x9  }
0x18d: {  	s15 =	simm.s32 $0x10402;
	v0, _, _ =	vpop (xrf2)  }
0x18e: {  	[tilespmem:s15+$0xFFFFFFFE] =	vst.msk vm0, v0  }
0x18f: {  	v0 =	vld [tilespmem:s31+$0xFFFFFF80]  }
0x190: {  	v55 =	vld [tilespmem:s14+$0xFFFFFF90]  }
0x191: {  	v56 =	vld [tilespmem:s31+$0xFFFFFF90]  }
0x192: {  	v57 =	vld [tilespmem:s14+$0xFFFFFF80];
	_ =	sdelay $0x4  }
0x193: {  	v1 =	vmul.f32 v56, v55;
	v0 =	vmul.f32 v0, v57;
	_ =	sdelay $0x1  }
0x194: {  	v0 =	vadd.f32 v1, v0;
	_ =	sdelay $0x1  }
0x195: {  	(xrf2) =	vadd.scan.msk.f32 $0xffff, v0;
	_ =	sdelay $0x9  }
0x196: {  	v0, _, _ =	vpop (xrf2)  }
0x197: {  	[tilespmem:s15+$0xFFFFFFFF] =	vst.msk vm0, v0  }
0x198: {  	v0 =	vld [tilespmem:s31+$0x0]  }
0x199: {  	v58 =	vld [tilespmem:s14+$0x10]  }
0x19a: {  	v59 =	vld [tilespmem:s31+$0x10]  }
0x19b: {  	v60 =	vld [tilespmem:s14+$0x0];
	_ =	sdelay $0x4  }
0x19c: {  	v1 =	vmul.f32 v59, v58;
	v0 =	vmul.f32 v0, v60;
	_ =	sdelay $0x1  }
0x19d: {  	v0 =	vadd.f32 v1, v0;
	_ =	sdelay $0x1  }
0x19e: {  	(xrf2) =	vadd.scan.msk.f32 $0xffff, v0;
	_ =	sdelay $0x9  }
0x19f: {  	v0, _, _ =	vpop (xrf2)  }
0x1a0: {  	[tilespmem:s15+$0x0] =	vst.msk vm0, v0  }
0x1a1: {  	v0 =	vld [tilespmem:s14+$0x80]  }
0x1a2: {  	v61 =	vld [tilespmem:s31+$0x90]  }
0x1a3: {  	v62 =	vld [tilespmem:s14+$0x90]  }
0x1a4: {  	v63 =	vld [tilespmem:s31+$0x80];
	_ =	sdelay $0x4  }
0x1a5: {  	v1 =	vmul.f32 v61, v62;
	v0 =	vmul.f32 v63, v0;
	_ =	sdelay $0x1  }
0x1a6: {  	v0 =	vadd.f32 v1, v0;
	_ =	sdelay $0x1  }
0x1a7: {  	(xrf2) =	vadd.scan.msk.f32 $0xffff, v0  }
0x1a8: {  	s0 =	simm.s32 $0x10402;
	s17 =	simm.s32 $0x8700;
	s16 =	simm.s32 $0x0  }
.LBB2_6:
0x1a9: {  	s16 =	sadd.s32 $0x4, s16;
	s15 =	sadd.s32 $0x4, s15;
	s14 =	sadd.s32 $0x200, s14  }
0x1aa: {  	p0 =	slt.u32 s16, $0x7C;
	_ =	sdelay $0x6  }
0x1ab: {  	v0, _, _ =	vpop (xrf2)  }
0x1ac: {  	[tilespmem:s0+$0x1] =	vst.msk vm0, v0;
	s0 =	smov.u32 s15  }
0x1ad: {  	v0 =	vld [tilespmem:s14+$0xFFFFFF00]  }
0x1ae: {  	v1 =	vld [tilespmem:s17+$0xFFFFFF10]  }
0x1af: {  	v2 =	vld [tilespmem:s17+$0xFFFFFF00]  }
0x1b0: {  	v3 =	vld [tilespmem:s14+$0xFFFFFF10];
	_ =	sdelay $0x3  }
0x1b1: {  	v0 =	vmul.f32 v2, v0  }
0x1b2: {  	v1 =	vmul.f32 v1, v3;
	_ =	sdelay $0x1  }
0x1b3: {  	v0 =	vadd.f32 v1, v0;
	_ =	sdelay $0x1  }
0x1b4: {  	(xrf2) =	vadd.scan.msk.f32 $0xffff, v0;
	_ =	sdelay $0x9  }
0x1b5: {  	v0, _, _ =	vpop (xrf2)  }
0x1b6: {  	[tilespmem:s15+$0xFFFFFFFE] =	vst.msk vm0, v0  }
0x1b7: {  	v0 =	vld [tilespmem:s17+$0xFFFFFF80]  }
0x1b8: {  	v1 =	vld [tilespmem:s14+$0xFFFFFF90]  }
0x1b9: {  	v2 =	vld [tilespmem:s17+$0xFFFFFF90]  }
0x1ba: {  	v3 =	vld [tilespmem:s14+$0xFFFFFF80];
	_ =	sdelay $0x3  }
0x1bb: {  	v1 =	vmul.f32 v2, v1  }
0x1bc: {  	v0 =	vmul.f32 v0, v3;
	_ =	sdelay $0x1  }
0x1bd: {  	v0 =	vadd.f32 v1, v0;
	_ =	sdelay $0x1  }
0x1be: {  	(xrf2) =	vadd.scan.msk.f32 $0xffff, v0;
	_ =	sdelay $0x9  }
0x1bf: {  	v0, _, _ =	vpop (xrf2)  }
0x1c0: {  	[tilespmem:s15+$0xFFFFFFFF] =	vst.msk vm0, v0  }
0x1c1: {  	v0 =	vld [tilespmem:s17+$0x0]  }
0x1c2: {  	v1 =	vld [tilespmem:s14+$0x10]  }
0x1c3: {  	v2 =	vld [tilespmem:s17+$0x10]  }
0x1c4: {  	v3 =	vld [tilespmem:s14+$0x0];
	_ =	sdelay $0x3  }
0x1c5: {  	v1 =	vmul.f32 v2, v1  }
0x1c6: {  	v0 =	vmul.f32 v0, v3;
	_ =	sdelay $0x1  }
0x1c7: {  	v0 =	vadd.f32 v1, v0;
	_ =	sdelay $0x1  }
0x1c8: {  	(xrf2) =	vadd.scan.msk.f32 $0xffff, v0;
	_ =	sdelay $0x9  }
0x1c9: {  	v0, _, _ =	vpop (xrf2)  }
0x1ca: {  	[tilespmem:s15+$0x0] =	vst.msk vm0, v0  }
0x1cb: {  	v0 =	vld [tilespmem:s14+$0x80]  }
0x1cc: {  	v1 =	vld [tilespmem:s17+$0x90]  }
0x1cd: {  	v2 =	vld [tilespmem:s14+$0x90]  }
0x1ce: {  	v3 =	vld [tilespmem:s17+$0x80];
	_ =	sdelay $0x3  }
0x1cf: {  	v1 =	vmul.f32 v1, v2  }
0x1d0: {  	v0 =	vmul.f32 v3, v0  }
.Ltmp2:
0x1d1: {  	(pc) =	sbr.rel @p0 .LBB2_6-.Ltmp2, $3  }
0x1d2: {  	v0 =	vadd.f32 v1, v0;
	_ =	sdelay $0x1  }
0x1d3: {  	(xrf2) =	vadd.scan.msk.f32 $0xffff, v0  }
0x1d4: {  	s17 =	sadd.s32 $0x200, s17  }
0x1d5: {  	_ =	sdelay $0x7  }
0x1d6: {  	v0, _, _ =	vpop (xrf2)  }
0x1d7: {  	s13 =	simm.s32 $0x1;
	[tilespmem:s0+$0x1] =	vst.msk vm0, v0  }
0x1d8: {  	_ =	swait.ge [sflag:s13], $0x4000  }
0x1d9: {  	[sflag:s13] =	ssyncset.done $0x0  }
0x1da: {  	s14 =	simm.s32 $0x2;
	[sflag:s13] =	ssyncadd.s32 $0xFFFFC000  }
0x1db: {  	_ =	swait.ge [sflag:s14], $0x4000  }
0x1dc: {  	[sflag:s14] =	ssyncset.done $0x0  }
0x1dd: {  	s15 =	simm.s32 $0x100;
	[sflag:s14] =	ssyncadd.s32 $0xFFFFC000  }
0x1de: {  	s16 =	simm.s32 $0x300;
	v62 =	vld [tilespmem:s15+$0x0]  }
0x1df: {  	v2 =	vld [tilespmem:s16+$0x0];
	_ =	sdelay $0x3  }
0x1e0: {  	v1 =	vshll.u32 v62, $0x4  }
0x1e1: {  	v63 =	vshll.u32 v2, $0x4;
	(v2sf) =	vpush v1, $0x0  }
0x1e2: {  	(v2sf) =	vpush v63, $0x0  }
0x1e3: {  	(v2sf) =	vpush v1, $0x1;
	_ =	sdelay $0x1  }
0x1e4: {  	(v2sf) =	vpush v63, $0x1  }
0x1e5: {  	(v2sf) =	vpush v1, $0x2;
	_ =	sdelay $0x1  }
0x1e6: {  	(v2sf) =	vpush v63, $0x2;
	_ =	sdelay $0x1  }
0x1e7: {  	(v2sf) =	vpush v1, $0x3;
	_ =	sdelay $0x1  }
0x1e8: {  	s6 =	simm.s32 $0x8400;
	s5 =	simm.s32 $0x680  }
0x1e9: {  	s2 =	simm.s32 $0x880;
	s7 =	simm.s32 $0x400;
	s9 =	simm.s32 $0x600  }
0x1ea: {  	s10 =	simm.s32 $0x580;
	s19 =	simm.s32 $0x480;
	s22 =	simm.s32 $0x8480  }
0x1eb: {  	s24 =	simm.s32 $0x500;
	s28 =	simm.s32 $0x8500;
	s0 =	simm.s32 $0x8900  }
0x1ec: {  	s14 =	simm.s32 $0x0;
	s16 =	simm.s32 $0x2000;
	s8 =	spop (v2sf);
	(v2sf) =	vpush v63, $0x3  }
0x1ed: {  	s15 =	simm.s32 $0x0;
	s8 =	sand.u32 $0x1FFFFFF0, s8;
	s11 =	spop (v2sf)  }
0x1ee: {  	(v2sf) =	vpush v1, $0x4;
	s8 =	sadd.s32 s3, s8;
	s17 =	sand.u32 $0x1FFFFFF0, s11;
	s18 =	spop (v2sf)  }
0x1ef: {  	(v2sf) =	vpush v63, $0x4;
	[tilespmem:s7], [sflag:$0x1] =	stream.linear.gather [hbm4b:s8+s14], $0x80, $0x38;
	[tilespmem:$0x10680] =	vst v63  }
0x1f0: {  	s7 =	simm.s32 $0x8580;
	s8 =	sadd.s32 s4, s17;
	s12 =	spop (v2sf)  }
0x1f1: {  	s11 =	sand.u32 $0x1FFFFFF0, s18;
	(v2sf) =	vpush v1, $0x5;
	s17 =	simm.s32 $0x8600;
	s23 =	spop (v2sf)  }
0x1f2: {  	[tilespmem:s6], [sflag:$0x2] =	stream.linear.gather [hbm4b:s8+s14], $0x80, $0x38;
	[tilespmem:$0x10680] =	vst v63  }
0x1f3: {  	s20 =	sadd.s32 s3, s11;
	s21 =	sand.u32 $0x1FFFFFF0, s12;
	s25 =	spop (v2sf)  }
0x1f4: {  	(v2sf) =	vpush v63, $0x5;
	[tilespmem:s19], [sflag:$0x1] =	stream.linear.gather [hbm4b:s20+s14], $0x80, $0x38;
	[tilespmem:$0x10680] =	vst v63  }
0x1f5: {  	s11 =	sadd.s32 s4, s21;
	s8 =	sand.u32 $0x1FFFFFF0, s23;
	s26 =	spop (v2sf)  }
0x1f6: {  	(v2sf) =	vpush v1, $0x6;
	[tilespmem:s22], [sflag:$0x2] =	stream.linear.gather [hbm4b:s11+s14], $0x80, $0x38;
	[tilespmem:$0x10680] =	vst v63  }
0x1f7: {  	s8 =	sadd.s32 s3, s8;
	s30 =	sand.u32 $0x1FFFFFF0, s26;
	s11 =	sand.u32 $0x1FFFFFF0, s25  }
0x1f8: {  	(v2sf) =	vpush v63, $0x6;
	[tilespmem:s24], [sflag:$0x1] =	stream.linear.gather [hbm4b:s8+s14], $0x80, $0x38;
	[tilespmem:$0x10680] =	vst v63  }
0x1f9: {  	s12 =	simm.s32 $0x8A00;
	s13 =	sadd.s32 s3, s30;
	s29 =	sadd.s32 s4, s11  }
0x1fa: {  	[tilespmem:s28], [sflag:$0x2] =	stream.linear.gather [hbm4b:s29+s14], $0x80, $0x38;
	[tilespmem:$0x10680] =	vst v63  }
0x1fb: {  	s22 =	simm.s32 $0x8680;
	s24 =	simm.s32 $0x700;
	s31 =	spop (v2sf)  }
0x1fc: {  	(v2sf) =	vpush v1, $0x7;
	[tilespmem:s10], [sflag:$0x1] =	stream.linear.gather [hbm4b:s13+s14], $0x80, $0x38;
	[tilespmem:$0x10680] =	vst v63  }
0x1fd: {  	s13 =	simm.s32 $0xA80;
	s6 =	sand.u32 $0x1FFFFFF0, s31;
	s18 =	spop (v2sf)  }
0x1fe: {  	(v2sf) =	vpush v63, $0x7;
	s6 =	sadd.s32 s4, s6;
	s10 =	sand.u32 $0x1FFFFFF0, s18;
	s19 =	spop (v2sf)  }
0x1ff: {  	(v2sf) =	vpush v1, $0x8;
	[tilespmem:s7], [sflag:$0x2] =	stream.linear.gather [hbm4b:s6+s14], $0x80, $0x38;
	[tilespmem:$0x10680] =	vst v63  }
0x200: {  	s20 =	sadd.s32 s3, s10;
	s21 =	sand.u32 $0x1FFFFFF0, s19;
	s23 =	spop (v2sf)  }
0x201: {  	(v2sf) =	vpush v63, $0x8;
	s10 =	simm.s32 $0x8A80;
	s7 =	sadd.s32 s4, s21;
	s25 =	sand.u32 $0x1FFFFFF0, s23  }
0x202: {  	(v2sf) =	vpush v1, $0x9;
	[tilespmem:s9], [sflag:$0x1] =	stream.linear.gather [hbm4b:s20+s14], $0x80, $0x38;
	[tilespmem:$0x10680] =	vst v63  }
0x203: {  	s26 =	spop (v2sf);
	s23 =	simm.s32 $0x8780;
	s8 =	sadd.s32 s3, s25  }
0x204: {  	(v2sf) =	vpush v63, $0x9;
	[tilespmem:s17], [sflag:$0x2] =	stream.linear.gather [hbm4b:s7+s14], $0x80, $0x38;
	[tilespmem:$0x10680] =	vst v63  }
0x205: {  	s9 =	sand.u32 $0x1FFFFFF0, s26;
	s28 =	spop (v2sf);
	s20 =	simm.s32 $0x780;
	(v2sf) =	vpush v1, $0xA  }
0x206: {  	[tilespmem:s5], [sflag:$0x1] =	stream.linear.gather [hbm4b:s8+s14], $0x80, $0x38;
	[tilespmem:$0x10680] =	vst v63  }
0x207: {  	s29 =	sadd.s32 s4, s9;
	s30 =	sand.u32 $0x1FFFFFF0, s28;
	s31 =	spop (v2sf);
	(v2sf) =	vpush v63, $0xA  }
0x208: {  	[tilespmem:s22], [sflag:$0x2] =	stream.linear.gather [hbm4b:s29+s14], $0x80, $0x38;
	[tilespmem:$0x10680] =	vst v63  }
0x209: {  	s25 =	simm.s32 $0x800;
	s11 =	sadd.s32 s3, s30;
	s6 =	sand.u32 $0x1FFFFFF0, s31  }
0x20a: {  	[tilespmem:s24], [sflag:$0x1] =	stream.linear.gather [hbm4b:s11+s14], $0x80, $0x38;
	[tilespmem:$0x10680] =	vst v63  }
0x20b: {  	s17 =	simm.s32 $0x8700;
	s6 =	sadd.s32 s4, s6;
	s18 =	spop (v2sf)  }
0x20c: {  	[tilespmem:s17], [sflag:$0x2] =	stream.linear.gather [hbm4b:s6+s14], $0x80, $0x38;
	[tilespmem:$0x10680] =	vst v63  }
0x20d: {  	s9 =	simm.s32 $0x8880;
	(v2sf) =	vpush v1, $0xB;
	s8 =	sand.u32 $0x1FFFFFF0, s18;
	s19 =	spop (v2sf)  }
0x20e: {  	s5 =	simm.s32 $0x8980;
	s21 =	sadd.s32 s3, s8;
	s24 =	spop (v2sf)  }
0x20f: {  	(v2sf) =	vpush v63, $0xB;
	[tilespmem:s20], [sflag:$0x1] =	stream.linear.gather [hbm4b:s21+s14], $0x80, $0x38;
	[tilespmem:$0x10680] =	vst v63  }
0x210: {  	s29 =	simm.s32 $0x8800;
	s22 =	sand.u32 $0x1FFFFFF0, s19;
	s26 =	spop (v2sf)  }
0x211: {  	s8 =	sadd.s32 s4, s22;
	s7 =	sand.u32 $0x1FFFFFF0, s24;
	s28 =	spop (v2sf)  }
0x212: {  	(v2sf) =	vpush v1, $0xC;
	[tilespmem:s23], [sflag:$0x2] =	stream.linear.gather [hbm4b:s8+s14], $0x80, $0x38;
	[tilespmem:$0x10680] =	vst v63  }
0x213: {  	s17 =	simm.s32 $0x900;
	s7 =	sadd.s32 s3, s7;
	s11 =	spop (v2sf)  }
0x214: {  	(v2sf) =	vpush v63, $0xC;
	s8 =	sand.u32 $0x1FFFFFF0, s26;
	s31 =	sand.u32 $0x1FFFFFF0, s28;
	s18 =	spop (v2sf)  }
0x215: {  	[tilespmem:s25], [sflag:$0x1] =	stream.linear.gather [hbm4b:s7+s14], $0x80, $0x38;
	[tilespmem:$0x10680] =	vst v63  }
0x216: {  	s26 =	simm.s32 $0x980;
	s30 =	sadd.s32 s4, s8;
	s19 =	spop (v2sf)  }
0x217: {  	[tilespmem:s29], [sflag:$0x2] =	stream.linear.gather [hbm4b:s30+s14], $0x80, $0x38;
	[tilespmem:$0x10680] =	vst v63  }
0x218: {  	s8 =	sadd.s32 s3, s31;
	s7 =	sand.u32 $0x1FFFFFF0, s11;
	s21 =	sand.u32 $0x1FFFFFF0, s19  }
0x219: {  	[tilespmem:s2], [sflag:$0x1] =	stream.linear.gather [hbm4b:s8+s14], $0x80, $0x38;
	[tilespmem:$0x10680] =	vst v63  }
0x21a: {  	s7 =	sadd.s32 s4, s7;
	s23 =	sadd.s32 s4, s21;
	s8 =	sand.u32 $0x1FFFFFF0, s18  }
0x21b: {  	[tilespmem:s9], [sflag:$0x2] =	stream.linear.gather [hbm4b:s7+s14], $0x80, $0x38;
	[tilespmem:$0x10680] =	vst v63  }
0x21c: {  	s21 =	simm.s32 $0x110;
	s20 =	sadd.s32 s3, s8;
	s22 =	spop (v2sf)  }
0x21d: {  	[tilespmem:s17], [sflag:$0x1] =	stream.linear.gather [hbm4b:s20+s14], $0x80, $0x38;
	[tilespmem:$0x10680] =	vst v63  }
0x21e: {  	s20 =	simm.s32 $0x310;
	s24 =	sand.u32 $0x1FFFFFF0, s22;
	s25 =	spop (v2sf)  }
0x21f: {  	(v2sf) =	vpush v1, $0xD;
	[tilespmem:s0], [sflag:$0x2] =	stream.linear.gather [hbm4b:s23+s14], $0x80, $0x38;
	[tilespmem:$0x10680] =	vst v63  }
0x220: {  	(v2sf) =	vpush v63, $0xD;
	s22 =	simm.s32 $0x8B00;
	s28 =	sadd.s32 s3, s24;
	s29 =	sand.u32 $0x1FFFFFF0, s25  }
0x221: {  	s24 =	simm.s32 $0xA00;
	(v2sf) =	vpush v1, $0xE;
	s23 =	simm.s32 $0xB00;
	s31 =	spop (v2sf)  }
0x222: {  	(v2sf) =	vpush v63, $0xE;
	[tilespmem:s26], [sflag:$0x1] =	stream.linear.gather [hbm4b:s28+s14], $0x80, $0x38;
	[tilespmem:$0x10680] =	vst v63  }
0x223: {  	s30 =	sadd.s32 s4, s29;
	(v2sf) =	vpush v1, $0xF;
	s0 =	sand.u32 $0x1FFFFFF0, s31;
	s2 =	spop (v2sf)  }
0x224: {  	(v2sf) =	vpush v63, $0xF;
	[tilespmem:s5], [sflag:$0x2] =	stream.linear.gather [hbm4b:s30+s14], $0x80, $0x38;
	[tilespmem:$0x10680] =	vst v63  }
.LBB2_8:
0x225: {  	_ =	sdelay $0x4  }
0x226: {  	s0 =	sadd.s32 s3, s0;
	s2 =	sand.u32 $0x1FFFFFF0, s2  }
0x227: {  	[tilespmem:s24], [sflag:$0x1] =	stream.linear.gather [hbm4b:s0+s14], $0x80, $0x38;
	[tilespmem:$0x10680] =	vst v63  }
0x228: {  	s2 =	sadd.s32 s4, s2  }
0x229: {  	[tilespmem:s12], [sflag:$0x2] =	stream.linear.gather [hbm4b:s2+s14], $0x80, $0x38;
	[tilespmem:$0x10680] =	vst v63  }
0x22a: {  	s5 =	spop (v2sf)  }
0x22b: {  	s6 =	sand.u32 $0x1FFFFFF0, s5;
	s7 =	spop (v2sf)  }
0x22c: {  	s8 =	sadd.s32 s3, s6;
	s9 =	sand.u32 $0x1FFFFFF0, s7;
	s11 =	spop (v2sf)  }
0x22d: {  	[tilespmem:s13], [sflag:$0x1] =	stream.linear.gather [hbm4b:s8+s14], $0x80, $0x38;
	[tilespmem:$0x10680] =	vst v63  }
0x22e: {  	s12 =	sadd.s32 s4, s9;
	s13 =	sand.u32 $0x1FFFFFF0, s11;
	s17 =	spop (v2sf)  }
0x22f: {  	[tilespmem:s10], [sflag:$0x2] =	stream.linear.gather [hbm4b:s12+s14], $0x80, $0x38;
	[tilespmem:$0x10680] =	vst v63  }
0x230: {  	s18 =	sadd.s32 s3, s13;
	s19 =	sand.u32 $0x1FFFFFF0, s17;
	s24 =	spop (v2sf)  }
0x231: {  	[tilespmem:s23], [sflag:$0x1] =	stream.linear.gather [hbm4b:s18+s14], $0x80, $0x38;
	[tilespmem:$0x10680] =	vst v63  }
0x232: {  	s25 =	sadd.s32 s4, s19;
	s26 =	sand.u32 $0x1FFFFFF0, s24;
	s28 =	spop (v2sf)  }
0x233: {  	[tilespmem:s22], [sflag:$0x2] =	stream.linear.gather [hbm4b:s25+s14], $0x80, $0x38;
	[tilespmem:$0x10680] =	vst v63  }
0x234: {  	s29 =	sadd.s32 $0xB80, s15;
	s2 =	sadd.s32 s3, s26;
	s5 =	sand.u32 $0x1FFFFFF0, s28  }
0x235: {  	[tilespmem:s29], [sflag:$0x1] =	stream.linear.gather [hbm4b:s2+s14], $0x80, $0x38;
	[tilespmem:$0x10680] =	vst v63  }
0x236: {  	s30 =	sadd.s32 $0x8B80, s15;
	s31 =	sadd.s32 s4, s5  }
0x237: {  	[tilespmem:s30], [sflag:$0x2] =	stream.linear.gather [hbm4b:s31+s14], $0x80, $0x38;
	[tilespmem:$0x10680] =	vst v63  }
0x238: {  	v0 =	vld [tilespmem:s21+$0x0]  }
0x239: {  	v2 =	vld [tilespmem:s20+$0x0];
	_ =	sdelay $0x3  }
0x23a: {  	v1 =	vshll.u32 v0, $0x4  }
0x23b: {  	s2 =	smov.u32 s16;
	v63 =	vshll.u32 v2, $0x4;
	(v2sf) =	vpush v1, $0x0  }
0x23c: {  	s15 =	sshra.s32 s2, $0x2;
	(v2sf) =	vpush v63, $0x0  }
0x23d: {  	p0 =	sne.s32 s16, $0xE000;
	s16 =	sadd.s32 $0x2000, s16;
	s28 =	sadd.s32 $0x8400, s15;
	(v2sf) =	vpush v1, $0x1  }
0x23e: {  	s0 =	sadd.s32 $0x680, s15;
	s5 =	sadd.s32 $0x880, s15;
	s30 =	sadd.s32 $0x400, s15  }
0x23f: {  	s10 =	sadd.s32 $0x600, s15;
	s6 =	sadd.s32 $0x8900, s15;
	s17 =	sadd.s32 $0x580, s15;
	(v2sf) =	vpush v63, $0x1  }
0x240: {  	s13 =	sadd.s32 $0x8580, s15;
	s12 =	sadd.s32 $0x8A00, s15;
	s26 =	sadd.s32 $0x500, s15  }
0x241: {  	s11 =	sadd.s32 $0x8600, s15;
	s2 =	sadd.s32 $0xA80, s15;
	[smem:$0x7F2] =	sst s0;
	(v2sf) =	vpush v1, $0x2  }
0x242: {  	s29 =	sadd.s32 $0x8480, s15;
	s25 =	sadd.s32 $0x8500, s15;
	[dreg:$0xf] =	wrdreg s5  }
0x243: {  	s9 =	sadd.s32 $0x8680, s15;
	s7 =	sadd.s32 $0x8980, s15;
	[dreg:$0x7] =	wrdreg s6;
	(v2sf) =	vpush v63, $0x2  }
0x244: {  	s8 =	sadd.s32 $0x700, s15;
	s18 =	sadd.s32 $0x8880, s15;
	[dreg:$0xb] =	wrdreg s7;
	(v2sf) =	vpush v1, $0x3  }
0x245: {  	s19 =	sadd.s32 $0x900, s15;
	s22 =	sadd.s32 $0x8800, s15;
	[dreg:$0x17] =	wrdreg s18  }
0x246: {  	s24 =	sadd.s32 $0xA00, s15;
	s31 =	sadd.s32 $0x480, s15;
	[dreg:$0x13] =	wrdreg s19;
	(v2sf) =	vpush v63, $0x3  }
0x247: {  	s23 =	sadd.s32 $0x8780, s15;
	s5 =	sadd.s32 $0x8A80, s15;
	[smem:$0x7F5] =	sst s22  }
0x248: {  	s7 =	sadd.s32 $0x8700, s15;
	s6 =	sadd.s32 $0x780, s15;
	[smem:$0x7F3] =	sst s23;
	(v2sf) =	vpush v1, $0x4  }
0x249: {  	s18 =	sadd.s32 $0x800, s15;
	s20 =	sadd.s32 $0x10, s20;
	s21 =	sadd.s32 $0x10, s21  }
0x24a: {  	s19 =	sadd.s32 $0x980, s15;
	[smem:$0x7F4] =	sst s18;
	s18 =	spop (v2sf)  }
0x24b: {  	[dreg:$0x1b] =	wrdreg s19;
	s18 =	sand.u32 $0x1FFFFFF0, s18;
	s19 =	spop (v2sf)  }
0x24c: {  	(v2sf) =	vpush v63, $0x4;
	s18 =	sadd.s32 s3, s18;
	s0 =	sand.u32 $0x1FFFFFF0, s19;
	s19 =	spop (v2sf)  }
0x24d: {  	[tilespmem:s30], [sflag:$0x1] =	stream.linear.gather [hbm4b:s18+s14], $0x80, $0x38;
	[tilespmem:$0x10680] =	vst v63  }
0x24e: {  	(v2sf) =	vpush v1, $0x5;
	s0 =	sadd.s32 s4, s0;
	s19 =	sand.u32 $0x1FFFFFF0, s19;
	s30 =	spop (v2sf)  }
0x24f: {  	(v2sf) =	vpush v63, $0x5;
	[tilespmem:s28], [sflag:$0x2] =	stream.linear.gather [hbm4b:s0+s14], $0x80, $0x38;
	[tilespmem:$0x10680] =	vst v63  }
0x250: {  	s18 =	sadd.s32 s3, s19;
	s28 =	sand.u32 $0x1FFFFFF0, s30;
	s30 =	spop (v2sf)  }
0x251: {  	(v2sf) =	vpush v1, $0x6;
	[tilespmem:s31], [sflag:$0x1] =	stream.linear.gather [hbm4b:s18+s14], $0x80, $0x38;
	[tilespmem:$0x10680] =	vst v63  }
0x252: {  	s23 =	sadd.s32 $0xB00, s15;
	s18 =	sadd.s32 s4, s28;
	s28 =	spop (v2sf)  }
0x253: {  	s22 =	sadd.s32 $0x8B00, s15;
	s19 =	sand.u32 $0x1FFFFFF0, s30;
	(v2sf) =	vpush v63, $0x6;
	s31 =	spop (v2sf)  }
0x254: {  	[tilespmem:s29], [sflag:$0x2] =	stream.linear.gather [hbm4b:s18+s14], $0x80, $0x38;
	[tilespmem:$0x10680] =	vst v63  }
0x255: {  	s30 =	sand.u32 $0x1FFFFFF0, s28;
	(v2sf) =	vpush v1, $0x7;
	s29 =	sadd.s32 s3, s19;
	s28 =	spop (v2sf)  }
0x256: {  	(v2sf) =	vpush v63, $0x7;
	[tilespmem:s26], [sflag:$0x1] =	stream.linear.gather [hbm4b:s29+s14], $0x80, $0x38;
	[tilespmem:$0x10680] =	vst v63  }
0x257: {  	s18 =	sadd.s32 s4, s30;
	s26 =	sand.u32 $0x1FFFFFF0, s31;
	s31 =	spop (v2sf)  }
0x258: {  	[tilespmem:s25], [sflag:$0x2] =	stream.linear.gather [hbm4b:s18+s14], $0x80, $0x38;
	[tilespmem:$0x10680] =	vst v63  }
0x259: {  	s30 =	sand.u32 $0x1FFFFFF0, s28;
	s29 =	sadd.s32 s3, s26;
	s18 =	sand.u32 $0x1FFFFFF0, s31  }
0x25a: {  	(v2sf) =	vpush v1, $0x8;
	[tilespmem:s17], [sflag:$0x1] =	stream.linear.gather [hbm4b:s29+s14], $0x80, $0x38;
	[tilespmem:$0x10680] =	vst v63  }
0x25b: {  	s25 =	sadd.s32 s3, s18;
	s17 =	sadd.s32 s4, s30;
	s19 =	spop (v2sf)  }
0x25c: {  	[tilespmem:s13], [sflag:$0x2] =	stream.linear.gather [hbm4b:s17+s14], $0x80, $0x38;
	[tilespmem:$0x10680] =	vst v63  }
0x25d: {  	s18 =	sld [smem:$0x7F2];
	s26 =	sand.u32 $0x1FFFFFF0, s19;
	s28 =	spop (v2sf)  }
0x25e: {  	(v2sf) =	vpush v63, $0x8;
	s13 =	smov.u32 s2;
	s30 =	sand.u32 $0x1FFFFFF0, s28;
	s31 =	spop (v2sf)  }
0x25f: {  	(v2sf) =	vpush v1, $0x9;
	[tilespmem:s10], [sflag:$0x1] =	stream.linear.gather [hbm4b:s25+s14], $0x80, $0x38;
	[tilespmem:$0x10680] =	vst v63  }
0x260: {  	s29 =	sadd.s32 s4, s26;
	s10 =	sadd.s32 s3, s30;
	s17 =	spop (v2sf)  }
0x261: {  	(v2sf) =	vpush v63, $0x9;
	[tilespmem:s11], [sflag:$0x2] =	stream.linear.gather [hbm4b:s29+s14], $0x80, $0x38;
	[tilespmem:$0x10680] =	vst v63  }
0x262: {  	s11 =	sand.u32 $0x1FFFFFF0, s31;
	s25 =	sand.u32 $0x1FFFFFF0, s17;
	s26 =	spop (v2sf)  }
0x263: {  	[tilespmem:s18], [sflag:$0x1] =	stream.linear.gather [hbm4b:s10+s14], $0x80, $0x38;
	[tilespmem:$0x10680] =	vst v63  }
0x264: {  	s19 =	sadd.s32 s4, s11;
	s28 =	sadd.s32 s3, s25;
	s30 =	spop (v2sf)  }
0x265: {  	(v2sf) =	vpush v1, $0xA;
	s29 =	sand.u32 $0x1FFFFFF0, s26;
	s10 =	smov.u32 s5;
	s5 =	spop (v2sf)  }
0x266: {  	[tilespmem:s9], [sflag:$0x2] =	stream.linear.gather [hbm4b:s19+s14], $0x80, $0x38;
	[tilespmem:$0x10680] =	vst v63  }
0x267: {  	(v2sf) =	vpush v63, $0xA;
	s31 =	sadd.s32 s4, s29;
	s2 =	sand.u32 $0x1FFFFFF0, s30;
	s17 =	sand.u32 $0x1FFFFFF0, s5  }
0x268: {  	[tilespmem:s8], [sflag:$0x1] =	stream.linear.gather [hbm4b:s28+s14], $0x80, $0x38;
	[tilespmem:$0x10680] =	vst v63  }
0x269: {  	(v2sf) =	vpush v1, $0xB;
	s18 =	spop (v2sf);
	s19 =	sadd.s32 s4, s17;
	s17 =	sld [smem:$0x7F5]  }
0x26a: {  	[tilespmem:s7], [sflag:$0x2] =	stream.linear.gather [hbm4b:s31+s14], $0x80, $0x38;
	[tilespmem:$0x10680] =	vst v63  }
0x26b: {  	(v2sf) =	vpush v63, $0xB;
	s11 =	sadd.s32 s3, s2;
	s25 =	sand.u32 $0x1FFFFFF0, s18;
	s28 =	sld [smem:$0x7F3]  }
0x26c: {  	[tilespmem:s6], [sflag:$0x1] =	stream.linear.gather [hbm4b:s11+s14], $0x80, $0x38;
	[tilespmem:$0x10680] =	vst v63  }
0x26d: {  	s29 =	sadd.s32 s3, s25;
	s7 =	sld [smem:$0x7F4];
	s26 =	spop (v2sf)  }
0x26e: {  	(v2sf) =	vpush v1, $0xC;
	s30 =	sand.u32 $0x1FFFFFF0, s26;
	s31 =	spop (v2sf);
	s26 =	rddreg [dreg:$0xf]  }
0x26f: {  	[tilespmem:s28], [sflag:$0x2] =	stream.linear.gather [hbm4b:s19+s14], $0x80, $0x38;
	[tilespmem:$0x10680] =	vst v63  }
0x270: {  	(v2sf) =	vpush v63, $0xC;
	s8 =	sadd.s32 s4, s30;
	s9 =	sand.u32 $0x1FFFFFF0, s31;
	s11 =	spop (v2sf)  }
0x271: {  	[tilespmem:s7], [sflag:$0x1] =	stream.linear.gather [hbm4b:s29+s14], $0x80, $0x38;
	[tilespmem:$0x10680] =	vst v63  }
0x272: {  	s31 =	rddreg [dreg:$0x17];
	s18 =	sadd.s32 s3, s9;
	s19 =	sand.u32 $0x1FFFFFF0, s11  }
0x273: {  	[tilespmem:s17], [sflag:$0x2] =	stream.linear.gather [hbm4b:s8+s14], $0x80, $0x38;
	[tilespmem:$0x10680] =	vst v63  }
0x274: {  	s9 =	rddreg [dreg:$0x13];
	s25 =	spop (v2sf);
	s28 =	sadd.s32 s4, s19  }
0x275: {  	[tilespmem:s26], [sflag:$0x1] =	stream.linear.gather [hbm4b:s18+s14], $0x80, $0x38;
	[tilespmem:$0x10680] =	vst v63  }
0x276: {  	s19 =	rddreg [dreg:$0x7];
	s29 =	sand.u32 $0x1FFFFFF0, s25;
	s30 =	spop (v2sf)  }
0x277: {  	[tilespmem:s31], [sflag:$0x2] =	stream.linear.gather [hbm4b:s28+s14], $0x80, $0x38;
	[tilespmem:$0x10680] =	vst v63  }
0x278: {  	s6 =	sadd.s32 s3, s29;
	s7 =	sand.u32 $0x1FFFFFF0, s30;
	s8 =	spop (v2sf)  }
0x279: {  	[tilespmem:s9], [sflag:$0x1] =	stream.linear.gather [hbm4b:s6+s14], $0x80, $0x38;
	[tilespmem:$0x10680] =	vst v63  }
0x27a: {  	s29 =	rddreg [dreg:$0x1b];
	s11 =	sadd.s32 s4, s7;
	s18 =	spop (v2sf)  }
0x27b: {  	(v2sf) =	vpush v1, $0xD;
	[tilespmem:s19], [sflag:$0x2] =	stream.linear.gather [hbm4b:s11+s14], $0x80, $0x38;
	[tilespmem:$0x10680] =	vst v63  }
.Ltmp3:
0x27c: {  	(v2sf) =	vpush v63, $0xD;
	s17 =	sand.u32 $0x1FFFFFF0, s8;
	s26 =	sand.u32 $0x1FFFFFF0, s18;
	(pc) =	sbr.rel @p0 .LBB2_8-.Ltmp3, $4  }
0x27d: {  	(v2sf) =	vpush v1, $0xE;
	s25 =	sadd.s32 s3, s17;
	s28 =	spop (v2sf);
	s30 =	sadd.s32 s4, s26  }
0x27e: {  	(v2sf) =	vpush v63, $0xE;
	[tilespmem:s29], [sflag:$0x1] =	stream.linear.gather [hbm4b:s25+s14], $0x80, $0x38;
	[tilespmem:$0x10680] =	vst v63  }
0x27f: {  	(v2sf) =	vpush v1, $0xF;
	s31 =	rddreg [dreg:$0xb];
	s0 =	sand.u32 $0x1FFFFFF0, s28;
	s2 =	spop (v2sf)  }
0x280: {  	(v2sf) =	vpush v63, $0xF;
	[tilespmem:s31], [sflag:$0x2] =	stream.linear.gather [hbm4b:s30+s14], $0x80, $0x38;
	[tilespmem:$0x10680] =	vst v63  }
0x281: {  	_ =	sdelay $0x4  }
0x282: {  	s0 =	sadd.s32 s3, s0;
	s2 =	sand.u32 $0x1FFFFFF0, s2  }
0x283: {  	[tilespmem:s24], [sflag:$0x1] =	stream.linear.gather [hbm4b:s0+s14], $0x80, $0x38;
	[tilespmem:$0x10680] =	vst v63  }
0x284: {  	s6 =	sadd.s32 s4, s2  }
0x285: {  	[tilespmem:s12], [sflag:$0x2] =	stream.linear.gather [hbm4b:s6+s14], $0x80, $0x38;
	[tilespmem:$0x10680] =	vst v63  }
0x286: {  	s5 =	spop (v2sf)  }
0x287: {  	s7 =	sand.u32 $0x1FFFFFF0, s5;
	s8 =	spop (v2sf)  }
0x288: {  	s9 =	sadd.s32 s3, s7;
	s11 =	sand.u32 $0x1FFFFFF0, s8;
	s12 =	spop (v2sf)  }
0x289: {  	[tilespmem:s13], [sflag:$0x1] =	stream.linear.gather [hbm4b:s9+s14], $0x80, $0x38;
	[tilespmem:$0x10680] =	vst v63  }
0x28a: {  	s16 =	sadd.s32 s4, s11;
	s17 =	sand.u32 $0x1FFFFFF0, s12;
	s18 =	spop (v2sf)  }
0x28b: {  	[tilespmem:s10], [sflag:$0x2] =	stream.linear.gather [hbm4b:s16+s14], $0x80, $0x38;
	[tilespmem:$0x10680] =	vst v63  }
0x28c: {  	s19 =	sadd.s32 s3, s17;
	s20 =	sand.u32 $0x1FFFFFF0, s18;
	s21 =	spop (v2sf)  }
0x28d: {  	[tilespmem:s23], [sflag:$0x1] =	stream.linear.gather [hbm4b:s19+s14], $0x80, $0x38;
	[tilespmem:$0x10680] =	vst v63  }
0x28e: {  	s24 =	sadd.s32 s4, s20;
	s25 =	sand.u32 $0x1FFFFFF0, s21;
	s26 =	spop (v2sf)  }
0x28f: {  	[tilespmem:s22], [sflag:$0x2] =	stream.linear.gather [hbm4b:s24+s14], $0x80, $0x38;
	[tilespmem:$0x10680] =	vst v63  }
0x290: {  	s28 =	sadd.s32 $0xB80, s15;
	s2 =	sadd.s32 s3, s25;
	s5 =	sand.u32 $0x1FFFFFF0, s26  }
0x291: {  	[tilespmem:s28], [sflag:$0x1] =	stream.linear.gather [hbm4b:s2+s14], $0x80, $0x38;
	[tilespmem:$0x10680] =	vst v63  }
0x292: {  	s29 =	sadd.s32 $0x8B80, s15;
	s31 =	simm.s32 $0x0;
	s30 =	sadd.s32 s4, s5  }
0x293: {  	[tilespmem:s29], [sflag:$0x2] =	stream.linear.gather [hbm4b:s30+s14], $0x80, $0x38;
	[tilespmem:$0x10680] =	vst v63  }
0x294: {  	v0 =	vld [tilespmem:s31+$0xC410]  }
0x295: {  	v1 =	vld [tilespmem:s31+$0xC400]  }
0x296: {  	v2 =	vld [tilespmem:s31+$0x4400]  }
0x297: {  	v3 =	vld [tilespmem:s31+$0x4410];
	_ =	sdelay $0x4  }
0x298: {  	v1 =	vmul.f32 v1, v2;
	v0 =	vmul.f32 v0, v3;
	_ =	sdelay $0x1  }
0x299: {  	v0 =	vadd.f32 v0, v1;
	_ =	sdelay $0x1  }
0x29a: {  	(xrf2) =	vadd.scan.msk.f32 $0xffff, v0;
	_ =	sdelay $0x9  }
0x29b: {  	s15 =	simm.s32 $0x10483;
	v0, _, _ =	vpop (xrf2)  }
0x29c: {  	[tilespmem:s15+$0xFFFFFFFD] =	vst.msk vm0, v0  }
0x29d: {  	v0 =	vld [tilespmem:s31+$0x4480]  }
0x29e: {  	v1 =	vld [tilespmem:s31+$0x4490]  }
0x29f: {  	v2 =	vld [tilespmem:s31+$0xC480]  }
0x2a0: {  	v3 =	vld [tilespmem:s31+$0xC490];
	_ =	sdelay $0x4  }
0x2a1: {  	v0 =	vmul.f32 v2, v0;
	v1 =	vmul.f32 v3, v1;
	_ =	sdelay $0x1  }
0x2a2: {  	v0 =	vadd.f32 v1, v0;
	_ =	sdelay $0x1  }
0x2a3: {  	(xrf2) =	vadd.scan.msk.f32 $0xffff, v0;
	_ =	sdelay $0x9  }
0x2a4: {  	v0, _, _ =	vpop (xrf2)  }
0x2a5: {  	[tilespmem:s15+$0xFFFFFFFE] =	vst.msk vm0, v0  }
0x2a6: {  	v0 =	vld [tilespmem:s31+$0x4500]  }
0x2a7: {  	v1 =	vld [tilespmem:s31+$0x4510]  }
0x2a8: {  	v2 =	vld [tilespmem:s31+$0xC500]  }
0x2a9: {  	v3 =	vld [tilespmem:s31+$0xC510];
	_ =	sdelay $0x4  }
0x2aa: {  	v0 =	vmul.f32 v2, v0;
	v1 =	vmul.f32 v3, v1;
	_ =	sdelay $0x1  }
0x2ab: {  	v0 =	vadd.f32 v1, v0;
	_ =	sdelay $0x1  }
0x2ac: {  	(xrf2) =	vadd.scan.msk.f32 $0xffff, v0;
	_ =	sdelay $0x9  }
0x2ad: {  	v0, _, _ =	vpop (xrf2)  }
0x2ae: {  	[tilespmem:s15+$0xFFFFFFFF] =	vst.msk vm0, v0  }
0x2af: {  	v0 =	vld [tilespmem:s31+$0x4580]  }
0x2b0: {  	v1 =	vld [tilespmem:s31+$0xC590]  }
0x2b1: {  	v2 =	vld [tilespmem:s31+$0x4590]  }
0x2b2: {  	v3 =	vld [tilespmem:s31+$0xC580];
	_ =	sdelay $0x4  }
0x2b3: {  	v1 =	vmul.f32 v1, v2;
	v0 =	vmul.f32 v3, v0;
	_ =	sdelay $0x1  }
0x2b4: {  	s0 =	simm.s32 $0x0;
	s16 =	simm.s32 $0x10483;
	v0 =	vadd.f32 v1, v0  }
.LBB2_10:
0x2b5: {  	s0 =	sadd.s32 $0x4, s0;
	s15 =	sadd.s32 $0x4, s15;
	s14 =	sadd.s32 $0x800, s14  }
0x2b6: {  	p0 =	slt.u32 s0, $0x7C;
	(xrf2) =	vadd.scan.msk.f32 $0xffff, v0;
	_ =	sdelay $0x9  }
0x2b7: {  	v0, _, _ =	vpop (xrf2)  }
0x2b8: {  	s2 =	sshra.s32 s14, $0x2;
	[tilespmem:s16+$0x0] =	vst.msk vm0, v0;
	s16 =	smov.u32 s15  }
0x2b9: {  	v0 =	vld [tilespmem:s2+$0xC410]  }
0x2ba: {  	v1 =	vld [tilespmem:s2+$0xC400]  }
0x2bb: {  	v2 =	vld [tilespmem:s2+$0x4400]  }
0x2bc: {  	v3 =	vld [tilespmem:s2+$0x4410];
	_ =	sdelay $0x3  }
0x2bd: {  	v1 =	vmul.f32 v1, v2  }
0x2be: {  	v0 =	vmul.f32 v0, v3;
	_ =	sdelay $0x1  }
0x2bf: {  	v0 =	vadd.f32 v0, v1;
	_ =	sdelay $0x1  }
0x2c0: {  	(xrf2) =	vadd.scan.msk.f32 $0xffff, v0;
	_ =	sdelay $0x9  }
0x2c1: {  	v0, _, _ =	vpop (xrf2)  }
0x2c2: {  	[tilespmem:s15+$0xFFFFFFFD] =	vst.msk vm0, v0  }
0x2c3: {  	v0 =	vld [tilespmem:s2+$0x4480]  }
0x2c4: {  	v1 =	vld [tilespmem:s2+$0x4490]  }
0x2c5: {  	v2 =	vld [tilespmem:s2+$0xC480]  }
0x2c6: {  	v3 =	vld [tilespmem:s2+$0xC490];
	_ =	sdelay $0x3  }
0x2c7: {  	v0 =	vmul.f32 v2, v0  }
0x2c8: {  	v1 =	vmul.f32 v3, v1;
	_ =	sdelay $0x1  }
0x2c9: {  	v0 =	vadd.f32 v1, v0;
	_ =	sdelay $0x1  }
0x2ca: {  	(xrf2) =	vadd.scan.msk.f32 $0xffff, v0;
	_ =	sdelay $0x9  }
0x2cb: {  	v0, _, _ =	vpop (xrf2)  }
0x2cc: {  	[tilespmem:s15+$0xFFFFFFFE] =	vst.msk vm0, v0  }
0x2cd: {  	v0 =	vld [tilespmem:s2+$0x4500]  }
0x2ce: {  	v1 =	vld [tilespmem:s2+$0x4510]  }
0x2cf: {  	v2 =	vld [tilespmem:s2+$0xC500]  }
0x2d0: {  	v3 =	vld [tilespmem:s2+$0xC510];
	_ =	sdelay $0x3  }
0x2d1: {  	v0 =	vmul.f32 v2, v0  }
0x2d2: {  	v1 =	vmul.f32 v3, v1;
	_ =	sdelay $0x1  }
0x2d3: {  	v0 =	vadd.f32 v1, v0;
	_ =	sdelay $0x1  }
0x2d4: {  	(xrf2) =	vadd.scan.msk.f32 $0xffff, v0;
	_ =	sdelay $0x9  }
0x2d5: {  	v0, _, _ =	vpop (xrf2)  }
0x2d6: {  	[tilespmem:s15+$0xFFFFFFFF] =	vst.msk vm0, v0  }
0x2d7: {  	v0 =	vld [tilespmem:s2+$0x4580]  }
0x2d8: {  	v1 =	vld [tilespmem:s2+$0xC590]  }
0x2d9: {  	v2 =	vld [tilespmem:s2+$0x4590]  }
0x2da: {  	v3 =	vld [tilespmem:s2+$0xC580];
	_ =	sdelay $0x2  }
.Ltmp4:
0x2db: {  	(pc) =	sbr.rel @p0 .LBB2_10-.Ltmp4, $3  }
0x2dc: {  	v1 =	vmul.f32 v1, v2  }
0x2dd: {  	v0 =	vmul.f32 v3, v0;
	_ =	sdelay $0x1  }
0x2de: {  	v0 =	vadd.f32 v1, v0  }
0x2df: {  	_ = 	snop  }
0x2e0: {  	(xrf2) =	vadd.scan.msk.f32 $0xffff, v0;
	_ =	sdelay $0x9  }
0x2e1: {  	v0, _, _ =	vpop (xrf2)  }
0x2e2: {  	s0 =	simm.s32 $0x1;
	[tilespmem:s16+$0x0] =	vst.msk vm0, v0  }
0x2e3: {  	_ =	swait.ge [sflag:s0], $0x4000  }
0x2e4: {  	[sflag:s0] =	ssyncset.done $0x0  }
0x2e5: {  	s23 =	simm.s32 $0x2;
	[sflag:s0] =	ssyncadd.s32 $0xFFFFC000  }
0x2e6: {  	_ =	swait.ge [sflag:s23], $0x4000  }
0x2e7: {  	[sflag:s23] =	ssyncset.done $0x0  }
0x2e8: {  	s24 =	simm.s32 $0x180;
	[sflag:s23] =	ssyncadd.s32 $0xFFFFC000  }
0x2e9: {  	s25 =	simm.s32 $0x380;
	v62 =	vld [tilespmem:s24+$0x0]  }
0x2ea: {  	v2 =	vld [tilespmem:s25+$0x0];
	_ =	sdelay $0x3  }
0x2eb: {  	v1 =	vshll.u32 v62, $0x4  }
0x2ec: {  	v63 =	vshll.u32 v2, $0x4;
	(v2sf) =	vpush v1, $0x0  }
0x2ed: {  	(v2sf) =	vpush v63, $0x0  }
0x2ee: {  	(v2sf) =	vpush v1, $0x1;
	_ =	sdelay $0x1  }
0x2ef: {  	(v2sf) =	vpush v63, $0x1;
	_ =	sdelay $0x3  }
0x2f0: {  	(v2sf) =	vpush v1, $0x2;
	_ =	sdelay $0x1  }
0x2f1: {  	(v2sf) =	vpush v63, $0x2  }
0x2f2: {  	s15 =	simm.s32 $0x2000;
	(v2sf) =	vpush v1, $0x3  }
0x2f3: {  	s14 =	simm.s32 $0x0;
	s6 =	simm.s32 $0xC400;
	s5 =	simm.s32 $0x4680  }
0x2f4: {  	s2 =	simm.s32 $0x4880;
	s7 =	simm.s32 $0x4400;
	s9 =	simm.s32 $0x4600  }
0x2f5: {  	s10 =	simm.s32 $0x4580;
	s29 =	simm.s32 $0x4480;
	s13 =	simm.s32 $0x4500  }
0x2f6: {  	s18 =	simm.s32 $0xC500;
	s0 =	simm.s32 $0xC900;
	s8 =	spop (v2sf);
	(v2sf) =	vpush v63, $0x3  }
0x2f7: {  	s23 =	simm.s32 $0xC600;
	s8 =	sand.u32 $0x1FFFFFF0, s8;
	s11 =	spop (v2sf)  }
0x2f8: {  	(v2sf) =	vpush v1, $0x4;
	s8 =	sadd.s32 s3, s8;
	s26 =	sand.u32 $0x1FFFFFF0, s11;
	s28 =	spop (v2sf)  }
0x2f9: {  	(v2sf) =	vpush v63, $0x4;
	[tilespmem:s7], [sflag:$0x1] =	stream.linear.gather [hbm4b:s8+s1], $0x80, $0x38;
	[tilespmem:$0x10680] =	vst v63  }
0x2fa: {  	s8 =	sadd.s32 s4, s26;
	s11 =	sand.u32 $0x1FFFFFF0, s28;
	s12 =	spop (v2sf)  }
0x2fb: {  	(v2sf) =	vpush v1, $0x5;
	[tilespmem:s6], [sflag:$0x2] =	stream.linear.gather [hbm4b:s8+s1], $0x80, $0x38;
	[tilespmem:$0x10680] =	vst v63  }
0x2fc: {  	s7 =	simm.s32 $0xC580;
	s30 =	sadd.s32 s3, s11;
	s31 =	sand.u32 $0x1FFFFFF0, s12;
	(v2sf) =	vpush v63, $0x5  }
0x2fd: {  	[tilespmem:s29], [sflag:$0x1] =	stream.linear.gather [hbm4b:s30+s1], $0x80, $0x38;
	[tilespmem:$0x10680] =	vst v63  }
0x2fe: {  	s12 =	spop (v2sf);
	s8 =	simm.s32 $0xC480;
	s11 =	sadd.s32 s4, s31;
	(v2sf) =	vpush v1, $0x6  }
0x2ff: {  	[tilespmem:s8], [sflag:$0x2] =	stream.linear.gather [hbm4b:s11+s1], $0x80, $0x38;
	[tilespmem:$0x10680] =	vst v63  }
0x300: {  	s16 =	spop (v2sf);
	s31 =	simm.s32 $0x4700;
	s8 =	sand.u32 $0x1FFFFFF0, s12  }
0x301: {  	s17 =	spop (v2sf);
	s11 =	sand.u32 $0x1FFFFFF0, s16;
	s8 =	sadd.s32 s3, s8  }
0x302: {  	(v2sf) =	vpush v63, $0x6;
	[tilespmem:s13], [sflag:$0x1] =	stream.linear.gather [hbm4b:s8+s1], $0x80, $0x38;
	[tilespmem:$0x10680] =	vst v63  }
0x303: {  	s20 =	sand.u32 $0x1FFFFFF0, s17;
	s29 =	simm.s32 $0xC680;
	s19 =	sadd.s32 s4, s11  }
0x304: {  	[tilespmem:s18], [sflag:$0x2] =	stream.linear.gather [hbm4b:s19+s1], $0x80, $0x38;
	[tilespmem:$0x10680] =	vst v63  }
0x305: {  	s22 =	sadd.s32 s3, s20;
	s20 =	simm.s32 $0xC700;
	s21 =	spop (v2sf)  }
0x306: {  	(v2sf) =	vpush v1, $0x7;
	[tilespmem:s10], [sflag:$0x1] =	stream.linear.gather [hbm4b:s22+s1], $0x80, $0x38;
	[tilespmem:$0x10680] =	vst v63  }
0x307: {  	s12 =	simm.s32 $0xCA00;
	s6 =	sand.u32 $0x1FFFFFF0, s21;
	s24 =	spop (v2sf)  }
0x308: {  	s13 =	simm.s32 $0x4A80;
	(v2sf) =	vpush v63, $0x7;
	s6 =	sadd.s32 s4, s6;
	s25 =	spop (v2sf)  }
0x309: {  	(v2sf) =	vpush v1, $0x8;
	[tilespmem:s7], [sflag:$0x2] =	stream.linear.gather [hbm4b:s6+s1], $0x80, $0x38;
	[tilespmem:$0x10680] =	vst v63  }
0x30a: {  	s10 =	sand.u32 $0x1FFFFFF0, s24;
	s28 =	sand.u32 $0x1FFFFFF0, s25;
	s30 =	spop (v2sf)  }
0x30b: {  	s26 =	sadd.s32 s3, s10;
	(v2sf) =	vpush v63, $0x8;
	s7 =	sadd.s32 s4, s28;
	s10 =	spop (v2sf)  }
0x30c: {  	(v2sf) =	vpush v1, $0x9;
	[tilespmem:s9], [sflag:$0x1] =	stream.linear.gather [hbm4b:s26+s1], $0x80, $0x38;
	[tilespmem:$0x10680] =	vst v63  }
0x30d: {  	s9 =	sand.u32 $0x1FFFFFF0, s30;
	s11 =	spop (v2sf);
	s26 =	simm.s32 $0xC780  }
0x30e: {  	(v2sf) =	vpush v63, $0x9;
	[tilespmem:s23], [sflag:$0x2] =	stream.linear.gather [hbm4b:s7+s1], $0x80, $0x38;
	[tilespmem:$0x10680] =	vst v63  }
0x30f: {  	s8 =	sadd.s32 s3, s9;
	s9 =	sand.u32 $0x1FFFFFF0, s10;
	s17 =	sand.u32 $0x1FFFFFF0, s11;
	(v2sf) =	vpush v1, $0xA  }
0x310: {  	[tilespmem:s5], [sflag:$0x1] =	stream.linear.gather [hbm4b:s8+s1], $0x80, $0x38;
	[tilespmem:$0x10680] =	vst v63  }
0x311: {  	s10 =	simm.s32 $0xCA80;
	s18 =	spop (v2sf);
	s16 =	sadd.s32 s4, s9;
	(v2sf) =	vpush v63, $0xA  }
0x312: {  	[tilespmem:s29], [sflag:$0x2] =	stream.linear.gather [hbm4b:s16+s1], $0x80, $0x38;
	[tilespmem:$0x10680] =	vst v63  }
0x313: {  	s11 =	simm.s32 $0xC880;
	s19 =	sadd.s32 s3, s17;
	s6 =	sand.u32 $0x1FFFFFF0, s18  }
0x314: {  	[tilespmem:s31], [sflag:$0x1] =	stream.linear.gather [hbm4b:s19+s1], $0x80, $0x38;
	[tilespmem:$0x10680] =	vst v63  }
0x315: {  	s23 =	simm.s32 $0x4780;
	s6 =	sadd.s32 s4, s6;
	s21 =	spop (v2sf)  }
0x316: {  	[tilespmem:s20], [sflag:$0x2] =	stream.linear.gather [hbm4b:s6+s1], $0x80, $0x38;
	[tilespmem:$0x10680] =	vst v63  }
0x317: {  	s17 =	simm.s32 $0x4900;
	(v2sf) =	vpush v1, $0xB;
	s8 =	sand.u32 $0x1FFFFFF0, s21;
	s22 =	spop (v2sf)  }
0x318: {  	s5 =	simm.s32 $0xC980;
	s24 =	sadd.s32 s3, s8;
	s28 =	spop (v2sf)  }
0x319: {  	[tilespmem:s23], [sflag:$0x1] =	stream.linear.gather [hbm4b:s24+s1], $0x80, $0x38;
	[tilespmem:$0x10680] =	vst v63  }
0x31a: {  	s29 =	simm.s32 $0x4800;
	s25 =	sand.u32 $0x1FFFFFF0, s22;
	s30 =	spop (v2sf)  }
0x31b: {  	(v2sf) =	vpush v63, $0xB;
	s8 =	sadd.s32 s4, s25;
	s7 =	sand.u32 $0x1FFFFFF0, s28;
	s31 =	spop (v2sf)  }
0x31c: {  	(v2sf) =	vpush v1, $0xC;
	[tilespmem:s26], [sflag:$0x2] =	stream.linear.gather [hbm4b:s8+s1], $0x80, $0x38;
	[tilespmem:$0x10680] =	vst v63  }
0x31d: {  	s7 =	sadd.s32 s3, s7;
	s8 =	sand.u32 $0x1FFFFFF0, s30;
	s16 =	spop (v2sf)  }
0x31e: {  	(v2sf) =	vpush v63, $0xC;
	s9 =	sand.u32 $0x1FFFFFF0, s31;
	s26 =	simm.s32 $0x4980;
	s18 =	spop (v2sf)  }
0x31f: {  	[tilespmem:s29], [sflag:$0x1] =	stream.linear.gather [hbm4b:s7+s1], $0x80, $0x38;
	[tilespmem:$0x10680] =	vst v63  }
0x320: {  	s8 =	sadd.s32 s4, s8;
	s7 =	simm.s32 $0xC800;
	s19 =	spop (v2sf)  }
0x321: {  	[tilespmem:s7], [sflag:$0x2] =	stream.linear.gather [hbm4b:s8+s1], $0x80, $0x38;
	[tilespmem:$0x10680] =	vst v63  }
0x322: {  	s21 =	sand.u32 $0x1FFFFFF0, s19;
	s8 =	sadd.s32 s3, s9;
	s7 =	sand.u32 $0x1FFFFFF0, s16  }
0x323: {  	[tilespmem:s2], [sflag:$0x1] =	stream.linear.gather [hbm4b:s8+s1], $0x80, $0x38;
	[tilespmem:$0x10680] =	vst v63  }
0x324: {  	s19 =	simm.s32 $0x390;
	s7 =	sadd.s32 s4, s7;
	s8 =	sand.u32 $0x1FFFFFF0, s18  }
0x325: {  	[tilespmem:s11], [sflag:$0x2] =	stream.linear.gather [hbm4b:s7+s1], $0x80, $0x38;
	[tilespmem:$0x10680] =	vst v63  }
0x326: {  	s23 =	sadd.s32 s4, s21;
	s20 =	sadd.s32 s3, s8;
	s22 =	spop (v2sf)  }
0x327: {  	[tilespmem:s17], [sflag:$0x1] =	stream.linear.gather [hbm4b:s20+s1], $0x80, $0x38;
	[tilespmem:$0x10680] =	vst v63  }
0x328: {  	s21 =	simm.s32 $0xCB00;
	s20 =	simm.s32 $0x190;
	s24 =	sand.u32 $0x1FFFFFF0, s22  }
0x329: {  	(v2sf) =	vpush v1, $0xD;
	[tilespmem:s0], [sflag:$0x2] =	stream.linear.gather [hbm4b:s23+s1], $0x80, $0x38;
	[tilespmem:$0x10680] =	vst v63  }
0x32a: {  	s25 =	spop (v2sf);
	(v2sf) =	vpush v63, $0xD;
	s22 =	simm.s32 $0x4B00;
	s28 =	sadd.s32 s3, s24  }
0x32b: {  	s29 =	sand.u32 $0x1FFFFFF0, s25;
	s23 =	simm.s32 $0x4A00;
	(v2sf) =	vpush v1, $0xE;
	s31 =	spop (v2sf)  }
0x32c: {  	(v2sf) =	vpush v63, $0xE;
	[tilespmem:s26], [sflag:$0x1] =	stream.linear.gather [hbm4b:s28+s1], $0x80, $0x38;
	[tilespmem:$0x10680] =	vst v63  }
0x32d: {  	s30 =	sadd.s32 s4, s29;
	(v2sf) =	vpush v1, $0xF;
	s0 =	sand.u32 $0x1FFFFFF0, s31;
	s2 =	spop (v2sf)  }
0x32e: {  	(v2sf) =	vpush v63, $0xF;
	[tilespmem:s5], [sflag:$0x2] =	stream.linear.gather [hbm4b:s30+s1], $0x80, $0x38;
	[tilespmem:$0x10680] =	vst v63  }
.LBB2_12:
0x32f: {  	_ =	sdelay $0x4  }
0x330: {  	s0 =	sadd.s32 s3, s0;
	s2 =	sand.u32 $0x1FFFFFF0, s2  }
0x331: {  	[tilespmem:s23], [sflag:$0x1] =	stream.linear.gather [hbm4b:s0+s1], $0x80, $0x38;
	[tilespmem:$0x10680] =	vst v63  }
0x332: {  	s18 =	sadd.s32 s4, s2  }
0x333: {  	[tilespmem:s12], [sflag:$0x2] =	stream.linear.gather [hbm4b:s18+s1], $0x80, $0x38;
	[tilespmem:$0x10680] =	vst v63  }
0x334: {  	s5 =	spop (v2sf)  }
0x335: {  	s23 =	sand.u32 $0x1FFFFFF0, s5;
	s24 =	spop (v2sf)  }
0x336: {  	s25 =	sadd.s32 s3, s23;
	s26 =	sand.u32 $0x1FFFFFF0, s24;
	s28 =	spop (v2sf)  }
0x337: {  	[tilespmem:s13], [sflag:$0x1] =	stream.linear.gather [hbm4b:s25+s1], $0x80, $0x38;
	[tilespmem:$0x10680] =	vst v63  }
0x338: {  	s29 =	sadd.s32 s4, s26;
	s30 =	sand.u32 $0x1FFFFFF0, s28;
	s31 =	spop (v2sf)  }
0x339: {  	[tilespmem:s10], [sflag:$0x2] =	stream.linear.gather [hbm4b:s29+s1], $0x80, $0x38;
	[tilespmem:$0x10680] =	vst v63  }
0x33a: {  	s6 =	sadd.s32 s3, s30;
	s7 =	sand.u32 $0x1FFFFFF0, s31;
	s8 =	spop (v2sf)  }
0x33b: {  	[tilespmem:s22], [sflag:$0x1] =	stream.linear.gather [hbm4b:s6+s1], $0x80, $0x38;
	[tilespmem:$0x10680] =	vst v63  }
0x33c: {  	s9 =	sadd.s32 s4, s7;
	s10 =	sand.u32 $0x1FFFFFF0, s8;
	s11 =	spop (v2sf)  }
0x33d: {  	[tilespmem:s21], [sflag:$0x2] =	stream.linear.gather [hbm4b:s9+s1], $0x80, $0x38;
	[tilespmem:$0x10680] =	vst v63  }
0x33e: {  	s12 =	sadd.s32 $0x4B80, s14;
	s2 =	sadd.s32 s3, s10;
	s5 =	sand.u32 $0x1FFFFFF0, s11  }
0x33f: {  	[tilespmem:s12], [sflag:$0x1] =	stream.linear.gather [hbm4b:s2+s1], $0x80, $0x38;
	[tilespmem:$0x10680] =	vst v63  }
0x340: {  	s13 =	sadd.s32 $0xCB80, s14;
	s14 =	sadd.s32 s4, s5  }
0x341: {  	[tilespmem:s13], [sflag:$0x2] =	stream.linear.gather [hbm4b:s14+s1], $0x80, $0x38;
	[tilespmem:$0x10680] =	vst v63  }
0x342: {  	v0 =	vld [tilespmem:s20+$0x0]  }
0x343: {  	v2 =	vld [tilespmem:s19+$0x0];
	_ =	sdelay $0x3  }
0x344: {  	v1 =	vshll.u32 v0, $0x4  }
0x345: {  	v63 =	vshll.u32 v2, $0x4;
	(v2sf) =	vpush v1, $0x0  }
0x346: {  	s16 =	smov.u32 s15;
	(v2sf) =	vpush v63, $0x0  }
0x347: {  	p0 =	sne.s32 s15, $0xE000;
	s14 =	sshra.s32 s16, $0x2;
	(v2sf) =	vpush v1, $0x1  }
0x348: {  	s15 =	sadd.s32 $0x2000, s15;
	s25 =	sadd.s32 $0xC400, s14;
	s0 =	sadd.s32 $0x4680, s14  }
0x349: {  	s17 =	sadd.s32 $0x4880, s14;
	s28 =	sadd.s32 $0x4400, s14;
	s10 =	sadd.s32 $0x4600, s14;
	(v2sf) =	vpush v63, $0x1  }
0x34a: {  	s18 =	sadd.s32 $0xC900, s14;
	s31 =	sadd.s32 $0x4580, s14;
	s13 =	sadd.s32 $0xC580, s14  }
0x34b: {  	s12 =	sadd.s32 $0xCA00, s14;
	s24 =	sadd.s32 $0x4500, s14;
	s11 =	sadd.s32 $0xC600, s14;
	(v2sf) =	vpush v1, $0x2  }
0x34c: {  	s2 =	sadd.s32 $0x4A80, s14;
	s26 =	sadd.s32 $0xC480, s14;
	s16 =	sadd.s32 $0xC500, s14  }
0x34d: {  	s9 =	sadd.s32 $0xC680, s14;
	s8 =	sadd.s32 $0x4700, s14;
	[smem:$0x7EF] =	sst s0;
	(v2sf) =	vpush v63, $0x2  }
0x34e: {  	s21 =	sadd.s32 $0xC980, s14;
	s5 =	sadd.s32 $0xCA80, s14;
	[dreg:$0x10] =	wrdreg s17  }
0x34f: {  	s7 =	sadd.s32 $0xC700, s14;
	s22 =	sadd.s32 $0xC880, s14;
	[dreg:$0x8] =	wrdreg s18;
	(v2sf) =	vpush v1, $0x3  }
0x350: {  	s23 =	sadd.s32 $0x4900, s14;
	s6 =	sadd.s32 $0x4780, s14;
	[dreg:$0xc] =	wrdreg s21;
	(v2sf) =	vpush v63, $0x3  }
0x351: {  	s29 =	sadd.s32 $0xC800, s14;
	s30 =	sadd.s32 $0x4800, s14;
	[dreg:$0x18] =	wrdreg s22  }
0x352: {  	s19 =	sadd.s32 $0x10, s19;
	s20 =	sadd.s32 $0x10, s20;
	[dreg:$0x14] =	wrdreg s23;
	(v2sf) =	vpush v1, $0x4  }
0x353: {  	[smem:$0x7F1] =	sst s29;
	s23 =	sadd.s32 $0x4A00, s14;
	s29 =	sadd.s32 $0x4480, s14  }
0x354: {  	[smem:$0x7F0] =	sst s30;
	s17 =	sadd.s32 $0x4980, s14;
	s30 =	spop (v2sf)  }
0x355: {  	[dreg:$0x1c] =	wrdreg s17;
	s30 =	sand.u32 $0x1FFFFFF0, s30;
	s17 =	spop (v2sf)  }
0x356: {  	(v2sf) =	vpush v63, $0x4;
	s30 =	sadd.s32 s3, s30;
	s17 =	sand.u32 $0x1FFFFFF0, s17;
	s0 =	spop (v2sf)  }
0x357: {  	[tilespmem:s28], [sflag:$0x1] =	stream.linear.gather [hbm4b:s30+s1], $0x80, $0x38;
	[tilespmem:$0x10680] =	vst v63  }
0x358: {  	(v2sf) =	vpush v1, $0x5;
	s17 =	sadd.s32 s4, s17;
	s0 =	sand.u32 $0x1FFFFFF0, s0;
	s30 =	spop (v2sf)  }
0x359: {  	(v2sf) =	vpush v63, $0x5;
	[tilespmem:s25], [sflag:$0x2] =	stream.linear.gather [hbm4b:s17+s1], $0x80, $0x38;
	[tilespmem:$0x10680] =	vst v63  }
0x35a: {  	s0 =	sadd.s32 s3, s0;
	s28 =	sand.u32 $0x1FFFFFF0, s30;
	s30 =	spop (v2sf)  }
0x35b: {  	(v2sf) =	vpush v1, $0x6;
	[tilespmem:s29], [sflag:$0x1] =	stream.linear.gather [hbm4b:s0+s1], $0x80, $0x38;
	[tilespmem:$0x10680] =	vst v63  }
0x35c: {  	s28 =	sadd.s32 s4, s28;
	s29 =	sand.u32 $0x1FFFFFF0, s30;
	s30 =	spop (v2sf)  }
0x35d: {  	(v2sf) =	vpush v63, $0x6;
	[tilespmem:s26], [sflag:$0x2] =	stream.linear.gather [hbm4b:s28+s1], $0x80, $0x38;
	[tilespmem:$0x10680] =	vst v63  }
0x35e: {  	s18 =	sadd.s32 $0xC780, s14;
	s22 =	sadd.s32 $0x4B00, s14;
	s26 =	spop (v2sf)  }
0x35f: {  	s17 =	sadd.s32 s3, s29;
	s25 =	sand.u32 $0x1FFFFFF0, s30;
	(v2sf) =	vpush v1, $0x7;
	s30 =	spop (v2sf)  }
0x360: {  	[tilespmem:s24], [sflag:$0x1] =	stream.linear.gather [hbm4b:s17+s1], $0x80, $0x38;
	[tilespmem:$0x10680] =	vst v63  }
0x361: {  	s28 =	sadd.s32 s4, s25;
	s29 =	sand.u32 $0x1FFFFFF0, s26;
	(v2sf) =	vpush v63, $0x7;
	s24 =	spop (v2sf)  }
0x362: {  	(v2sf) =	vpush v1, $0x8;
	[tilespmem:s16], [sflag:$0x2] =	stream.linear.gather [hbm4b:s28+s1], $0x80, $0x38;
	[tilespmem:$0x10680] =	vst v63  }
0x363: {  	s21 =	sadd.s32 $0xCB00, s14;
	s17 =	sand.u32 $0x1FFFFFF0, s30;
	s16 =	sadd.s32 s3, s29  }
0x364: {  	[tilespmem:s31], [sflag:$0x1] =	stream.linear.gather [hbm4b:s16+s1], $0x80, $0x38;
	[tilespmem:$0x10680] =	vst v63  }
0x365: {  	s25 =	sadd.s32 s4, s17;
	s26 =	sand.u32 $0x1FFFFFF0, s24;
	s28 =	spop (v2sf)  }
0x366: {  	[tilespmem:s13], [sflag:$0x2] =	stream.linear.gather [hbm4b:s25+s1], $0x80, $0x38;
	[tilespmem:$0x10680] =	vst v63  }
0x367: {  	s29 =	sadd.s32 s3, s26;
	s30 =	sand.u32 $0x1FFFFFF0, s28;
	s31 =	spop (v2sf)  }
0x368: {  	(v2sf) =	vpush v63, $0x8;
	s13 =	sadd.s32 s4, s30;
	s17 =	sand.u32 $0x1FFFFFF0, s31;
	s24 =	spop (v2sf)  }
0x369: {  	(v2sf) =	vpush v1, $0x9;
	[tilespmem:s10], [sflag:$0x1] =	stream.linear.gather [hbm4b:s29+s1], $0x80, $0x38;
	[tilespmem:$0x10680] =	vst v63  }
0x36a: {  	s25 =	sadd.s32 s3, s17;
	s28 =	spop (v2sf);
	s29 =	sld [smem:$0x7EF]  }
0x36b: {  	(v2sf) =	vpush v63, $0x9;
	[tilespmem:s11], [sflag:$0x2] =	stream.linear.gather [hbm4b:s13+s1], $0x80, $0x38;
	[tilespmem:$0x10680] =	vst v63  }
0x36c: {  	s26 =	sand.u32 $0x1FFFFFF0, s24;
	s13 =	smov.u32 s2;
	s2 =	spop (v2sf)  }
0x36d: {  	[tilespmem:s29], [sflag:$0x1] =	stream.linear.gather [hbm4b:s25+s1], $0x80, $0x38;
	[tilespmem:$0x10680] =	vst v63  }
0x36e: {  	s30 =	sadd.s32 s4, s26;
	s31 =	sand.u32 $0x1FFFFFF0, s28;
	s16 =	spop (v2sf)  }
0x36f: {  	(v2sf) =	vpush v1, $0xA;
	[tilespmem:s9], [sflag:$0x2] =	stream.linear.gather [hbm4b:s30+s1], $0x80, $0x38;
	[tilespmem:$0x10680] =	vst v63  }
0x370: {  	s10 =	sadd.s32 s3, s31;
	s11 =	sand.u32 $0x1FFFFFF0, s2;
	s25 =	spop (v2sf)  }
0x371: {  	(v2sf) =	vpush v63, $0xA;
	s17 =	sadd.s32 s4, s11;
	s24 =	sand.u32 $0x1FFFFFF0, s16;
	s29 =	spop (v2sf)  }
0x372: {  	[tilespmem:s8], [sflag:$0x1] =	stream.linear.gather [hbm4b:s10+s1], $0x80, $0x38;
	[tilespmem:$0x10680] =	vst v63  }
0x373: {  	(v2sf) =	vpush v1, $0xB;
	s26 =	sadd.s32 s3, s24;
	s31 =	sand.u32 $0x1FFFFFF0, s29;
	s8 =	sld [smem:$0x7F0]  }
0x374: {  	[tilespmem:s7], [sflag:$0x2] =	stream.linear.gather [hbm4b:s17+s1], $0x80, $0x38;
	[tilespmem:$0x10680] =	vst v63  }
0x375: {  	s10 =	smov.u32 s5;
	s5 =	sadd.s32 s3, s31;
	s31 =	rddreg [dreg:$0x18]  }
0x376: {  	[tilespmem:s6], [sflag:$0x1] =	stream.linear.gather [hbm4b:s26+s1], $0x80, $0x38;
	[tilespmem:$0x10680] =	vst v63  }
0x377: {  	(v2sf) =	vpush v63, $0xB;
	s28 =	sand.u32 $0x1FFFFFF0, s25;
	s17 =	sld [smem:$0x7F1];
	s2 =	spop (v2sf)  }
0x378: {  	(v2sf) =	vpush v1, $0xC;
	s30 =	sadd.s32 s4, s28;
	s26 =	rddreg [dreg:$0x10];
	s7 =	spop (v2sf)  }
0x379: {  	[tilespmem:s18], [sflag:$0x2] =	stream.linear.gather [hbm4b:s30+s1], $0x80, $0x38;
	[tilespmem:$0x10680] =	vst v63  }
0x37a: {  	(v2sf) =	vpush v63, $0xC;
	s6 =	sand.u32 $0x1FFFFFF0, s2;
	s11 =	sand.u32 $0x1FFFFFF0, s7;
	s16 =	spop (v2sf)  }
0x37b: {  	[tilespmem:s8], [sflag:$0x1] =	stream.linear.gather [hbm4b:s5+s1], $0x80, $0x38;
	[tilespmem:$0x10680] =	vst v63  }
0x37c: {  	s9 =	sadd.s32 s4, s6;
	s18 =	sadd.s32 s3, s11;
	s24 =	sand.u32 $0x1FFFFFF0, s16  }
0x37d: {  	[tilespmem:s17], [sflag:$0x2] =	stream.linear.gather [hbm4b:s9+s1], $0x80, $0x38;
	[tilespmem:$0x10680] =	vst v63  }
0x37e: {  	s25 =	spop (v2sf);
	s11 =	rddreg [dreg:$0x14];
	s28 =	sadd.s32 s4, s24  }
0x37f: {  	[tilespmem:s26], [sflag:$0x1] =	stream.linear.gather [hbm4b:s18+s1], $0x80, $0x38;
	[tilespmem:$0x10680] =	vst v63  }
0x380: {  	s29 =	sand.u32 $0x1FFFFFF0, s25;
	s24 =	rddreg [dreg:$0x8];
	s30 =	spop (v2sf)  }
0x381: {  	[tilespmem:s31], [sflag:$0x2] =	stream.linear.gather [hbm4b:s28+s1], $0x80, $0x38;
	[tilespmem:$0x10680] =	vst v63  }
0x382: {  	s7 =	sadd.s32 s3, s29;
	s8 =	sand.u32 $0x1FFFFFF0, s30;
	s9 =	spop (v2sf)  }
0x383: {  	[tilespmem:s11], [sflag:$0x1] =	stream.linear.gather [hbm4b:s7+s1], $0x80, $0x38;
	[tilespmem:$0x10680] =	vst v63  }
0x384: {  	s29 =	rddreg [dreg:$0x1c];
	s16 =	sadd.s32 s4, s8;
	s17 =	sand.u32 $0x1FFFFFF0, s9  }
0x385: {  	(v2sf) =	vpush v1, $0xD;
	[tilespmem:s24], [sflag:$0x2] =	stream.linear.gather [hbm4b:s16+s1], $0x80, $0x38;
	[tilespmem:$0x10680] =	vst v63  }
.Ltmp5:
0x386: {  	(v2sf) =	vpush v63, $0xD;
	s18 =	spop (v2sf);
	s25 =	sadd.s32 s3, s17;
	(pc) =	sbr.rel @p0 .LBB2_12-.Ltmp5, $4  }
0x387: {  	(v2sf) =	vpush v1, $0xE;
	s26 =	sand.u32 $0x1FFFFFF0, s18;
	s28 =	spop (v2sf);
	s31 =	rddreg [dreg:$0xc]  }
0x388: {  	(v2sf) =	vpush v63, $0xE;
	[tilespmem:s29], [sflag:$0x1] =	stream.linear.gather [hbm4b:s25+s1], $0x80, $0x38;
	[tilespmem:$0x10680] =	vst v63  }
0x389: {  	(v2sf) =	vpush v1, $0xF;
	s30 =	sadd.s32 s4, s26;
	s0 =	sand.u32 $0x1FFFFFF0, s28;
	s2 =	spop (v2sf)  }
0x38a: {  	(v2sf) =	vpush v63, $0xF;
	[tilespmem:s31], [sflag:$0x2] =	stream.linear.gather [hbm4b:s30+s1], $0x80, $0x38;
	[tilespmem:$0x10680] =	vst v63  }
0x38b: {  	_ =	sdelay $0x4  }
0x38c: {  	s0 =	sadd.s32 s3, s0;
	s2 =	sand.u32 $0x1FFFFFF0, s2  }
0x38d: {  	[tilespmem:s23], [sflag:$0x1] =	stream.linear.gather [hbm4b:s0+s1], $0x80, $0x38;
	[tilespmem:$0x10680] =	vst v63  }
0x38e: {  	s7 =	sadd.s32 s4, s2  }
0x38f: {  	[tilespmem:s12], [sflag:$0x2] =	stream.linear.gather [hbm4b:s7+s1], $0x80, $0x38;
	[tilespmem:$0x10680] =	vst v63  }
0x390: {  	s5 =	spop (v2sf)  }
0x391: {  	s8 =	sand.u32 $0x1FFFFFF0, s5;
	s9 =	spop (v2sf)  }
0x392: {  	s11 =	sadd.s32 s3, s8;
	s12 =	sand.u32 $0x1FFFFFF0, s9;
	s15 =	spop (v2sf)  }
0x393: {  	[tilespmem:s13], [sflag:$0x1] =	stream.linear.gather [hbm4b:s11+s1], $0x80, $0x38;
	[tilespmem:$0x10680] =	vst v63  }
0x394: {  	s16 =	sadd.s32 s4, s12;
	s17 =	sand.u32 $0x1FFFFFF0, s15;
	s18 =	spop (v2sf)  }
0x395: {  	[tilespmem:s10], [sflag:$0x2] =	stream.linear.gather [hbm4b:s16+s1], $0x80, $0x38;
	[tilespmem:$0x10680] =	vst v63  }
0x396: {  	s19 =	sadd.s32 s3, s17;
	s20 =	sand.u32 $0x1FFFFFF0, s18;
	s23 =	spop (v2sf)  }
0x397: {  	[tilespmem:s22], [sflag:$0x1] =	stream.linear.gather [hbm4b:s19+s1], $0x80, $0x38;
	[tilespmem:$0x10680] =	vst v63  }
0x398: {  	s24 =	sadd.s32 s4, s20;
	s25 =	sand.u32 $0x1FFFFFF0, s23;
	s26 =	spop (v2sf)  }
0x399: {  	[tilespmem:s21], [sflag:$0x2] =	stream.linear.gather [hbm4b:s24+s1], $0x80, $0x38;
	[tilespmem:$0x10680] =	vst v63  }
0x39a: {  	s28 =	sadd.s32 $0x4B80, s14;
	s2 =	sadd.s32 s3, s25;
	s5 =	sand.u32 $0x1FFFFFF0, s26  }
0x39b: {  	[tilespmem:s28], [sflag:$0x1] =	stream.linear.gather [hbm4b:s2+s1], $0x80, $0x38;
	[tilespmem:$0x10680] =	vst v63  }
0x39c: {  	s29 =	sadd.s32 $0xCB80, s14;
	s14 =	simm.s32 $0x500;
	s30 =	sadd.s32 s4, s5  }
0x39d: {  	[tilespmem:s29], [sflag:$0x2] =	stream.linear.gather [hbm4b:s30+s1], $0x80, $0x38;
	[tilespmem:$0x10680] =	vst v63  }
0x39e: {  	s31 =	simm.s32 $0x8500;
	v0 =	vld [tilespmem:s14+$0xFFFFFF00]  }
0x39f: {  	v1 =	vld [tilespmem:s31+$0xFFFFFF10]  }
0x3a0: {  	v2 =	vld [tilespmem:s31+$0xFFFFFF00]  }
0x3a1: {  	v3 =	vld [tilespmem:s14+$0xFFFFFF10];
	_ =	sdelay $0x4  }
0x3a2: {  	v0 =	vmul.f32 v2, v0;
	v1 =	vmul.f32 v1, v3;
	_ =	sdelay $0x1  }
0x3a3: {  	v0 =	vadd.f32 v1, v0;
	_ =	sdelay $0x1  }
0x3a4: {  	(xrf2) =	vadd.scan.msk.f32 $0xffff, v0;
	_ =	sdelay $0x9  }
0x3a5: {  	s15 =	simm.s32 $0x10503;
	v0, _, _ =	vpop (xrf2)  }
0x3a6: {  	[tilespmem:s15+$0xFFFFFFFD] =	vst.msk vm0, v0  }
0x3a7: {  	v0 =	vld [tilespmem:s31+$0xFFFFFF80]  }
0x3a8: {  	v55 =	vld [tilespmem:s14+$0xFFFFFF90]  }
0x3a9: {  	v56 =	vld [tilespmem:s31+$0xFFFFFF90]  }
0x3aa: {  	v57 =	vld [tilespmem:s14+$0xFFFFFF80];
	_ =	sdelay $0x4  }
0x3ab: {  	v1 =	vmul.f32 v56, v55;
	v0 =	vmul.f32 v0, v57;
	_ =	sdelay $0x1  }
0x3ac: {  	v0 =	vadd.f32 v1, v0;
	_ =	sdelay $0x1  }
0x3ad: {  	(xrf2) =	vadd.scan.msk.f32 $0xffff, v0;
	_ =	sdelay $0x9  }
0x3ae: {  	v0, _, _ =	vpop (xrf2)  }
0x3af: {  	[tilespmem:s15+$0xFFFFFFFE] =	vst.msk vm0, v0  }
0x3b0: {  	v0 =	vld [tilespmem:s31+$0x0]  }
0x3b1: {  	v58 =	vld [tilespmem:s14+$0x10]  }
0x3b2: {  	v59 =	vld [tilespmem:s31+$0x10]  }
0x3b3: {  	v60 =	vld [tilespmem:s14+$0x0];
	_ =	sdelay $0x4  }
0x3b4: {  	v1 =	vmul.f32 v59, v58;
	v0 =	vmul.f32 v0, v60;
	_ =	sdelay $0x1  }
0x3b5: {  	v0 =	vadd.f32 v1, v0;
	_ =	sdelay $0x1  }
0x3b6: {  	(xrf2) =	vadd.scan.msk.f32 $0xffff, v0;
	_ =	sdelay $0x9  }
0x3b7: {  	v0, _, _ =	vpop (xrf2)  }
0x3b8: {  	[tilespmem:s15+$0xFFFFFFFF] =	vst.msk vm0, v0  }
0x3b9: {  	v0 =	vld [tilespmem:s14+$0x80]  }
0x3ba: {  	v61 =	vld [tilespmem:s31+$0x90]  }
0x3bb: {  	v62 =	vld [tilespmem:s14+$0x90]  }
0x3bc: {  	v63 =	vld [tilespmem:s31+$0x80];
	_ =	sdelay $0x4  }
0x3bd: {  	v1 =	vmul.f32 v61, v62;
	v0 =	vmul.f32 v63, v0;
	_ =	sdelay $0x1  }
0x3be: {  	v0 =	vadd.f32 v1, v0;
	_ =	sdelay $0x1  }
0x3bf: {  	(xrf2) =	vadd.scan.msk.f32 $0xffff, v0  }
0x3c0: {  	s0 =	simm.s32 $0x10503;
	s17 =	simm.s32 $0x8700;
	s16 =	simm.s32 $0x0  }
.LBB2_14:
0x3c1: {  	s16 =	sadd.s32 $0x4, s16;
	s15 =	sadd.s32 $0x4, s15;
	s14 =	sadd.s32 $0x200, s14  }
0x3c2: {  	p0 =	slt.u32 s16, $0x7C;
	_ =	sdelay $0x6  }
0x3c3: {  	v0, _, _ =	vpop (xrf2)  }
0x3c4: {  	[tilespmem:s0+$0x0] =	vst.msk vm0, v0;
	s0 =	smov.u32 s15  }
0x3c5: {  	v0 =	vld [tilespmem:s14+$0xFFFFFF00]  }
0x3c6: {  	v1 =	vld [tilespmem:s17+$0xFFFFFF10]  }
0x3c7: {  	v2 =	vld [tilespmem:s17+$0xFFFFFF00]  }
0x3c8: {  	v3 =	vld [tilespmem:s14+$0xFFFFFF10];
	_ =	sdelay $0x3  }
0x3c9: {  	v0 =	vmul.f32 v2, v0  }
0x3ca: {  	v1 =	vmul.f32 v1, v3;
	_ =	sdelay $0x1  }
0x3cb: {  	v0 =	vadd.f32 v1, v0;
	_ =	sdelay $0x1  }
0x3cc: {  	(xrf2) =	vadd.scan.msk.f32 $0xffff, v0;
	_ =	sdelay $0x9  }
0x3cd: {  	v0, _, _ =	vpop (xrf2)  }
0x3ce: {  	[tilespmem:s15+$0xFFFFFFFD] =	vst.msk vm0, v0  }
0x3cf: {  	v0 =	vld [tilespmem:s17+$0xFFFFFF80]  }
0x3d0: {  	v1 =	vld [tilespmem:s14+$0xFFFFFF90]  }
0x3d1: {  	v2 =	vld [tilespmem:s17+$0xFFFFFF90]  }
0x3d2: {  	v3 =	vld [tilespmem:s14+$0xFFFFFF80];
	_ =	sdelay $0x3  }
0x3d3: {  	v1 =	vmul.f32 v2, v1  }
0x3d4: {  	v0 =	vmul.f32 v0, v3;
	_ =	sdelay $0x1  }
0x3d5: {  	v0 =	vadd.f32 v1, v0;
	_ =	sdelay $0x1  }
0x3d6: {  	(xrf2) =	vadd.scan.msk.f32 $0xffff, v0;
	_ =	sdelay $0x9  }
0x3d7: {  	v0, _, _ =	vpop (xrf2)  }
0x3d8: {  	[tilespmem:s15+$0xFFFFFFFE] =	vst.msk vm0, v0  }
0x3d9: {  	v0 =	vld [tilespmem:s17+$0x0]  }
0x3da: {  	v1 =	vld [tilespmem:s14+$0x10]  }
0x3db: {  	v2 =	vld [tilespmem:s17+$0x10]  }
0x3dc: {  	v3 =	vld [tilespmem:s14+$0x0];
	_ =	sdelay $0x3  }
0x3dd: {  	v1 =	vmul.f32 v2, v1  }
0x3de: {  	v0 =	vmul.f32 v0, v3;
	_ =	sdelay $0x1  }
0x3df: {  	v0 =	vadd.f32 v1, v0;
	_ =	sdelay $0x1  }
0x3e0: {  	(xrf2) =	vadd.scan.msk.f32 $0xffff, v0;
	_ =	sdelay $0x9  }
0x3e1: {  	v0, _, _ =	vpop (xrf2)  }
0x3e2: {  	[tilespmem:s15+$0xFFFFFFFF] =	vst.msk vm0, v0  }
0x3e3: {  	v0 =	vld [tilespmem:s14+$0x80]  }
0x3e4: {  	v1 =	vld [tilespmem:s17+$0x90]  }
0x3e5: {  	v2 =	vld [tilespmem:s14+$0x90]  }
0x3e6: {  	v3 =	vld [tilespmem:s17+$0x80];
	_ =	sdelay $0x3  }
0x3e7: {  	v1 =	vmul.f32 v1, v2  }
0x3e8: {  	v0 =	vmul.f32 v3, v0  }
.Ltmp6:
0x3e9: {  	(pc) =	sbr.rel @p0 .LBB2_14-.Ltmp6, $3  }
0x3ea: {  	v0 =	vadd.f32 v1, v0;
	_ =	sdelay $0x1  }
0x3eb: {  	(xrf2) =	vadd.scan.msk.f32 $0xffff, v0  }
0x3ec: {  	s17 =	sadd.s32 $0x200, s17  }
0x3ed: {  	_ =	sdelay $0x7  }
0x3ee: {  	v0, _, _ =	vpop (xrf2)  }
0x3ef: {  	s29 =	simm.s32 $0x1;
	[tilespmem:s0+$0x0] =	vst.msk vm0, v0  }
0x3f0: {  	_ =	swait.ge [sflag:s29], $0x4000  }
0x3f1: {  	[sflag:s29] =	ssyncset.done $0x0  }
0x3f2: {  	s30 =	simm.s32 $0x2;
	[sflag:s29] =	ssyncadd.s32 $0xFFFFC000  }
0x3f3: {  	_ =	swait.ge [sflag:s30], $0x4000  }
0x3f4: {  	[sflag:s30] =	ssyncset.done $0x0  }
0x3f5: {  	s31 =	simm.s32 $0x0;
	[sflag:s30] =	ssyncadd.s32 $0xFFFFC000  }
0x3f6: {  	v0 =	vld [tilespmem:s31+$0xC410]  }
0x3f7: {  	v1 =	vld [tilespmem:s31+$0xC400]  }
0x3f8: {  	v2 =	vld [tilespmem:s31+$0x4400]  }
0x3f9: {  	v3 =	vld [tilespmem:s31+$0x4410];
	_ =	sdelay $0x4  }
0x3fa: {  	v1 =	vmul.f32 v1, v2;
	v0 =	vmul.f32 v0, v3;
	_ =	sdelay $0x1  }
0x3fb: {  	v0 =	vadd.f32 v0, v1;
	_ =	sdelay $0x1  }
0x3fc: {  	(xrf2) =	vadd.scan.msk.f32 $0xffff, v0;
	_ =	sdelay $0x9  }
0x3fd: {  	s15 =	simm.s32 $0x10583;
	v0, _, _ =	vpop (xrf2)  }
0x3fe: {  	[tilespmem:s15+$0xFFFFFFFD] =	vst.msk vm0, v0  }
0x3ff: {  	v0 =	vld [tilespmem:s31+$0x4480]  }
0x400: {  	v1 =	vld [tilespmem:s31+$0x4490]  }
0x401: {  	v2 =	vld [tilespmem:s31+$0xC480]  }
0x402: {  	v3 =	vld [tilespmem:s31+$0xC490];
	_ =	sdelay $0x4  }
0x403: {  	v0 =	vmul.f32 v2, v0;
	v1 =	vmul.f32 v3, v1;
	_ =	sdelay $0x1  }
0x404: {  	v0 =	vadd.f32 v1, v0;
	_ =	sdelay $0x1  }
0x405: {  	(xrf2) =	vadd.scan.msk.f32 $0xffff, v0;
	_ =	sdelay $0x9  }
0x406: {  	v0, _, _ =	vpop (xrf2)  }
0x407: {  	[tilespmem:s15+$0xFFFFFFFE] =	vst.msk vm0, v0  }
0x408: {  	v0 =	vld [tilespmem:s31+$0x4500]  }
0x409: {  	v1 =	vld [tilespmem:s31+$0x4510]  }
0x40a: {  	v2 =	vld [tilespmem:s31+$0xC500]  }
0x40b: {  	v3 =	vld [tilespmem:s31+$0xC510];
	_ =	sdelay $0x4  }
0x40c: {  	v0 =	vmul.f32 v2, v0;
	v1 =	vmul.f32 v3, v1;
	_ =	sdelay $0x1  }
0x40d: {  	v0 =	vadd.f32 v1, v0;
	_ =	sdelay $0x1  }
0x40e: {  	(xrf2) =	vadd.scan.msk.f32 $0xffff, v0;
	_ =	sdelay $0x9  }
0x40f: {  	v0, _, _ =	vpop (xrf2)  }
0x410: {  	[tilespmem:s15+$0xFFFFFFFF] =	vst.msk vm0, v0  }
0x411: {  	v0 =	vld [tilespmem:s31+$0x4580]  }
0x412: {  	v1 =	vld [tilespmem:s31+$0xC590]  }
0x413: {  	v2 =	vld [tilespmem:s31+$0x4590]  }
0x414: {  	v3 =	vld [tilespmem:s31+$0xC580];
	_ =	sdelay $0x4  }
0x415: {  	v1 =	vmul.f32 v1, v2;
	v0 =	vmul.f32 v3, v0  }
0x416: {  	s16 =	simm.s32 $0x0;
	s17 =	simm.s32 $0x0  }
0x417: {  	s14 =	simm.s32 $0x10420;
	s18 =	simm.s32 $0x10583;
	s5 =	simm.s32 $0x3;
	v0 =	vadd.f32 v1, v0  }
.LBB2_16:
0x418: {  	s17 =	sadd.s32 $0x4, s17;
	s15 =	sadd.s32 $0x4, s15;
	s16 =	sadd.s32 $0x800, s16  }
0x419: {  	p0 =	slt.u32 s17, $0x7C;
	(xrf2) =	vadd.scan.msk.f32 $0xffff, v0;
	_ =	sdelay $0x9  }
0x41a: {  	v0, _, _ =	vpop (xrf2)  }
0x41b: {  	s0 =	sshra.s32 s16, $0x2;
	[tilespmem:s18+$0x0] =	vst.msk vm0, v0;
	s18 =	smov.u32 s15  }
0x41c: {  	v0 =	vld [tilespmem:s0+$0xC410]  }
0x41d: {  	v1 =	vld [tilespmem:s0+$0xC400]  }
0x41e: {  	v2 =	vld [tilespmem:s0+$0x4400]  }
0x41f: {  	v3 =	vld [tilespmem:s0+$0x4410];
	_ =	sdelay $0x3  }
0x420: {  	v1 =	vmul.f32 v1, v2  }
0x421: {  	v0 =	vmul.f32 v0, v3;
	_ =	sdelay $0x1  }
0x422: {  	v0 =	vadd.f32 v0, v1;
	_ =	sdelay $0x1  }
0x423: {  	(xrf2) =	vadd.scan.msk.f32 $0xffff, v0;
	_ =	sdelay $0x9  }
0x424: {  	v0, _, _ =	vpop (xrf2)  }
0x425: {  	[tilespmem:s15+$0xFFFFFFFD] =	vst.msk vm0, v0  }
0x426: {  	v0 =	vld [tilespmem:s0+$0x4480]  }
0x427: {  	v1 =	vld [tilespmem:s0+$0x4490]  }
0x428: {  	v2 =	vld [tilespmem:s0+$0xC480]  }
0x429: {  	v3 =	vld [tilespmem:s0+$0xC490];
	_ =	sdelay $0x3  }
0x42a: {  	v0 =	vmul.f32 v2, v0  }
0x42b: {  	v1 =	vmul.f32 v3, v1;
	_ =	sdelay $0x1  }
0x42c: {  	v0 =	vadd.f32 v1, v0;
	_ =	sdelay $0x1  }
0x42d: {  	(xrf2) =	vadd.scan.msk.f32 $0xffff, v0;
	_ =	sdelay $0x9  }
0x42e: {  	v0, _, _ =	vpop (xrf2)  }
0x42f: {  	[tilespmem:s15+$0xFFFFFFFE] =	vst.msk vm0, v0  }
0x430: {  	v0 =	vld [tilespmem:s0+$0x4500]  }
0x431: {  	v1 =	vld [tilespmem:s0+$0x4510]  }
0x432: {  	v2 =	vld [tilespmem:s0+$0xC500]  }
0x433: {  	v3 =	vld [tilespmem:s0+$0xC510];
	_ =	sdelay $0x3  }
0x434: {  	v0 =	vmul.f32 v2, v0  }
0x435: {  	v1 =	vmul.f32 v3, v1;
	_ =	sdelay $0x1  }
0x436: {  	v0 =	vadd.f32 v1, v0;
	_ =	sdelay $0x1  }
0x437: {  	(xrf2) =	vadd.scan.msk.f32 $0xffff, v0;
	_ =	sdelay $0x9  }
0x438: {  	v0, _, _ =	vpop (xrf2)  }
0x439: {  	[tilespmem:s15+$0xFFFFFFFF] =	vst.msk vm0, v0  }
0x43a: {  	v0 =	vld [tilespmem:s0+$0x4580]  }
0x43b: {  	v1 =	vld [tilespmem:s0+$0xC590]  }
0x43c: {  	v2 =	vld [tilespmem:s0+$0x4590]  }
0x43d: {  	v3 =	vld [tilespmem:s0+$0xC580];
	_ =	sdelay $0x2  }
.Ltmp7:
0x43e: {  	(pc) =	sbr.rel @p0 .LBB2_16-.Ltmp7, $3  }
0x43f: {  	v1 =	vmul.f32 v1, v2  }
0x440: {  	v0 =	vmul.f32 v3, v0;
	_ =	sdelay $0x1  }
0x441: {  	v0 =	vadd.f32 v1, v0  }
0x442: {  	_ = 	snop  }
0x443: {  	(xrf2) =	vadd.scan.msk.f32 $0xffff, v0;
	_ =	sdelay $0x9  }
0x444: {  	v0, _, _ =	vpop (xrf2)  }
0x445: {  	[tilespmem:s18+$0x0] =	vst.msk vm0, v0  }
0x446: {  	v0 =	vld [tilespmem:s14+$0xFFFFFFE0];
	_ =	sdelay $0x2  }
0x447: {  	v1 =	vld [tilespmem:s14+$0x0];
	_ =	sdelay $0x1  }
0x448: {  	v0 =	vsub.f32 $0.0e+00, v0;
	_ =	sdelay $0x1  }
0x449: {  	v2 =	vld [tilespmem:s14+$0x10];
	v0 =	vmul.f32 $1.442695020e+00, v0  }
0x44a: {  	v1 =	vsub.f32 $0.0e+00, v1  }
0x44b: {  	(erf) = vpow2.f32 v0;
	v0 =	vld [tilespmem:s14+$0xFFFFFFF0]  }
0x44c: {  	v1 =	vmul.f32 $1.442695020e+00, v1;
	_ =	sdelay $0x1  }
0x44d: {  	(erf) = vpow2.f32 v1;
	v1 =	vsub.f32 $0.0e+00, v2;
	_ =	sdelay $0x1  }
0x44e: {  	v1 =	vmul.f32 $1.442695020e+00, v1;
	v0 =	vsub.f32 $0.0e+00, v0;
	_ =	sdelay $0x1  }
0x44f: {  	v0 =	vmul.f32 $1.442695020e+00, v0  }
0x450: {  	(erf) = vpow2.f32 v1  }
0x451: {  	v1 =	vpop (erf);
	(erf) = vpow2.f32 v0;
	_ =	sdelay $0x3  }
0x452: {  	v0 =	vadd.f32 $1.000000000e+00, v1;
	v1 =	vpop (erf)  }
0x453: {  	v1 =	vadd.f32 $1.000000000e+00, v1;
	_ =	sdelay $0x2  }
0x454: {  	(erf) = vrcp.f32 v0;
	v0 =	vpop (erf)  }
0x455: {  	(erf) = vrcp.f32 v1;
	v0 =	vadd.f32 $1.000000000e+00, v0;
	v1 =	vpop (erf)  }
0x456: {  	v1 =	vadd.f32 $1.000000000e+00, v1  }
0x457: {  	(erf) = vrcp.f32 v0  }
0x458: {  	(erf) = vrcp.f32 v1;
	_ =	sdelay $0x5  }
0x459: {  	v0 =	vpop (erf)  }
0x45a: {  	s0 =	simm.s32 $0x0;
	s2 =	simm.s32 $0x10460;
	[tilespmem:s14+$0xFFFFFFE0] =	vst v0;
	v0 =	vpop (erf)  }
.LBB2_18:
0x45b: {  	v1 =	vld [tilespmem:s2+$0xFFFFFFE0];
	[tilespmem:s14+$0x0] =	vst v0;
	v0 =	vpop (erf)  }
0x45c: {  	v2 =	vld [tilespmem:s2+$0x0];
	[tilespmem:s14+$0x10] =	vst v0;
	v0 =	vpop (erf)  }
0x45d: {  	s0 =	sadd.s32 $0x4, s0;
	v3 =	vld [tilespmem:s2+$0x10];
	[tilespmem:s14+$0xFFFFFFF0] =	vst v0;
	s14 =	smov.u32 s2  }
0x45e: {  	p0 =	slt.u32 s0, $0x1C;
	v0 =	vld [tilespmem:s2+$0xFFFFFFF0];
	_ =	sdelay $0x1  }
0x45f: {  	v1 =	vsub.f32 $0.0e+00, v1  }
0x460: {  	v2 =	vsub.f32 $0.0e+00, v2  }
0x461: {  	v1 =	vmul.f32 $1.442695020e+00, v1;
	v3 =	vsub.f32 $0.0e+00, v3  }
0x462: {  	v0 =	vsub.f32 $0.0e+00, v0;
	v2 =	vmul.f32 $1.442695020e+00, v2  }
0x463: {  	v3 =	vmul.f32 $1.442695020e+00, v3;
	(erf) = vpow2.f32 v1  }
0x464: {  	v0 =	vmul.f32 $1.442695020e+00, v0;
	(erf) = vpow2.f32 v2  }
0x465: {  	(erf) = vpow2.f32 v3  }
0x466: {  	(erf) = vpow2.f32 v0;
	_ =	sdelay $0x5  }
0x467: {  	v0 =	vpop (erf)  }
0x468: {  	v3 =	vadd.f32 $1.000000000e+00, v0;
	v1 =	vpop (erf)  }
0x469: {  	v1 =	vadd.f32 $1.000000000e+00, v1;
	v2 =	vpop (erf)  }
0x46a: {  	v2 =	vadd.f32 $1.000000000e+00, v2;
	(erf) = vrcp.f32 v3;
	v0 =	vpop (erf)  }
0x46b: {  	v0 =	vadd.f32 $1.000000000e+00, v0;
	(erf) = vrcp.f32 v1  }
0x46c: {  	(erf) = vrcp.f32 v2  }
0x46d: {  	(erf) = vrcp.f32 v0;
	_ =	sdelay $0x2  }
.Ltmp8:
0x46e: {  	(pc) =	sbr.rel @p0 .LBB2_18-.Ltmp8, $3  }
0x46f: {  	_ =	sdelay $0x1  }
0x470: {  	v0 =	vpop (erf)  }
0x471: {  	s2 =	sadd.s32 $0x40, s2;
	[tilespmem:s14+$0xFFFFFFE0] =	vst v0;
	v0 =	vpop (erf)  }
0x472: {  	[tilespmem:s14+$0x0] =	vst v0;
	v62 =	vpop (erf);
	s0 =	sld [smem:$0x7FC]  }
0x473: {  	[tilespmem:s14+$0x10] =	vst v62;
	v63 =	vpop (erf)  }
0x474: {  	s2 =	simm.s32 $0x10400;
	[tilespmem:s14+$0xFFFFFFF0] =	vst v63  }
0x475: {  	[hbm4b:s0+s1] =	stream.linear.scatter [tilespmem:s2], [sflag:$0x3], $0x200, $0x38;
	[tilespmem:$0x10680] =	vst v63  }
0x476: {  	_ =	swait.ge [sflag:s5], $0x200  }
0x477: {  	s30 =	sld [smem:$0x7F9]  }
0x478: {  	s31 =	sld [smem:$0x7FD];
	_ =	sdelay $0x1  }
0x479: {  	s2 =	sadd.s32 $0x1, s30  }
0x47a: {  	p0 =	sne.s32 s2, s31  }
.Ltmp9:
0x47b: {  	_ = 	snop;
	(pc) =	sbr.rel @p0 .LBB2_1-.Ltmp9, $3  }
0x47c: {  	_ =	sdelay $0x1  }
0x47d: {  	[sflag:s5] =	ssyncset.done $0x0  }
0x47e: {  	[sflag:s5] =	ssyncadd.s32 $0xFFFFFE00  }
0x47f: {  	_ =	sfence.sel $0x180000  }
0x480: {  	[bflag:$0x0] =	sbarrier.arrive $0xFFFF  }
0x481: {  	_ =	strace $0x90000047  }
0x482: {  	s0 =	stileid.u32;
	[bflag:$0x2] =	sbarrier.arrive $0xFFFF  }
0x483: {  	p0 =	sne.s32 s0, $0x0;
	s0 =	rddreg [dreg:$0x4]  }
0x484: {  	s0 =	sadd.s32 @!p0 $0x100000, s0  }
0x485: {  	[sflag:s0] =	ssyncadd.tile.s32 @!p0 $0x1;
	_ =	shalt  }
.Lfunc_end2:
_tile_overlayer_lowered:
.L_overlay_start_2:
0x486: {  	(tag) =	ssettag $0x2  }
0x487: {  	s0 =	rddreg [dreg:$0x0];
	s2 =	stileid.u32  }
0x488: {  	s1 =	rddreg [dreg:$0x1];
	p0 =	sne.s32 s2, $0x0  }
0x489: {  	s3 =	rddreg [dreg:$0x2];
	[bflag:$0x3] =	sbarrier.arrive $0xFFFF;
	s2 =	simm.s32 @!p0 $0x1C03  }
0x48a: {  	[timem:s3], [sflag:s2] =	dma.local @!p0 [hbm:s0], s1  }
0x48b: {  	s0 =	simm.s32 @!p0 $0x3  }
0x48c: {  	_ =	swait.ge @!p0 [sflag:s0], s1  }
0x48d: {  	s1 =	ssub.s32 @!p0 $0x0, s1;
	[sflag:s0] =	ssyncset.done @!p0 $0x0  }
0x48e: {  	[sflag:s0] =	ssyncadd.s32 @!p0 s1  }
0x48f: {  	[bflag:$0x3] =	sbarrier.arrive $0xFFFF  }
0x490: {  	_ =	shalt  }

</sc_bundles>
